<compile_context>
chip_gen: v7x
topology: tpu7x:2x2x1
jax: 0.10.2.dev20260603
libtpu: 0.0.44.dev20260713+nightly
codegen_flags: <defaults>
</compile_context>

<pallas_src>
import functools

import jax
import jax.numpy as jnp
from jax import lax
from jax.experimental import pallas as pl
from jax.experimental.pallas import tpu as pltpu
from jax.experimental.pallas import tpu_sc as plsc

BATCH = 16384
EMBED_DIM = 32
NUM_WORKERS = 32
B_PER_W = BATCH // NUM_WORKERS
CHUNK = 128
NCHUNK = B_PER_W // CHUNK
GROUPS_PER_CHUNK = CHUNK // 16


def _fire_rows(tab_hbm, idx_v, buf, sem, idx_base):
  def fire(j, carry):
    r = idx_v[pl.ds(idx_base + j, 16)][0]
    pltpu.make_async_copy(tab_hbm.at[r], buf.at[j], sem).start()
    return carry
  lax.fori_loop(0, CHUNK, fire, 0)


def _drain_rows(tab_hbm, buf, sem):
  def drain(j, carry):
    pltpu.make_async_copy(tab_hbm.at[0], buf.at[0], sem).wait()
    return carry
  lax.fori_loop(0, CHUNK, drain, 0)


def _gmf_body(uidx_hbm, iidx_hbm, utab_hbm, itab_hbm, w_hbm, bvec_hbm,
              out_hbm, uidx_v, iidx_v, ubuf0, ubuf1, ibuf0, ibuf1,
              w_v, bv_v, out_v, usem0, usem1, isem0, isem1):
  wid = lax.axis_index("s") * 2 + lax.axis_index("c")
  base = wid * B_PER_W

  pltpu.sync_copy(uidx_hbm.at[pl.ds(base, B_PER_W)],
                  uidx_v.at[pl.ds(0, B_PER_W)])
  pltpu.sync_copy(iidx_hbm.at[pl.ds(base, B_PER_W)],
                  iidx_v.at[pl.ds(0, B_PER_W)])
  pltpu.sync_copy(w_hbm, w_v)
  pltpu.sync_copy(bvec_hbm, bv_v)

  bv = bv_v[...]
  w0 = w_v[pl.ds(0, 16)]
  w1 = w_v[pl.ds(16, 16)]
  lane = lax.iota(jnp.int32, 16)
  ubufs = (ubuf0, ubuf1)
  ibufs = (ibuf0, ibuf1)
  usems = (usem0, usem1)
  isems = (isem0, isem1)

  _fire_rows(utab_hbm, uidx_v, ubufs[0], usems[0], 0)
  _fire_rows(itab_hbm, iidx_v, ibufs[0], isems[0], 0)

  for c in range(NCHUNK):
    cb = c % 2
    nb = (c + 1) % 2
    if c + 1 < NCHUNK:
      _fire_rows(utab_hbm, uidx_v, ubufs[nb], usems[nb], (c + 1) * CHUNK)
      _fire_rows(itab_hbm, iidx_v, ibufs[nb], isems[nb], (c + 1) * CHUNK)
    _drain_rows(utab_hbm, ubufs[cb], usems[cb])
    _drain_rows(itab_hbm, ibufs[cb], isems[cb])

    ubuf = ubufs[cb]
    ibuf = ibufs[cb]

    def group(g, carry, ubuf=ubuf, ibuf=ibuf, c=c):
      rows = lane + g * 16
      acc = jnp.zeros((16,), jnp.float32)
      for d in range(EMBED_DIM):
        col = jnp.full((16,), d, jnp.int32)
        u = plsc.load_gather(ubuf, [rows, col])
        v = plsc.load_gather(ibuf, [rows, col])
        w_s = (w0 if d < 16 else w1)[d % 16]
        acc = acc + u * v * jnp.full((16,), w_s, jnp.float32)
      z = acc + bv
      res = 5.0 / (1.0 + jnp.exp(-z)) + 1.0
      out_v[pl.ds(c * CHUNK + g * 16, 16)] = res
      return carry

    lax.fori_loop(0, GROUPS_PER_CHUNK, group, 0)

  pltpu.sync_copy(out_v, out_hbm.at[pl.ds(base, B_PER_W)])


@jax.jit
def kernel(user_indices, item_indices, user_table, item_table, W, b):
  uidx = user_indices.astype(jnp.int32)
  iidx = item_indices.astype(jnp.int32)
  wvec = W.reshape(EMBED_DIM)
  bvec = jnp.broadcast_to(b, (16,))

  mesh = plsc.VectorSubcoreMesh(core_axis_name="c", subcore_axis_name="s")
  run = functools.partial(
      pl.kernel,
      mesh=mesh,
      compiler_params=pltpu.CompilerParams(needs_layout_passes=False),
      out_type=jax.ShapeDtypeStruct((BATCH,), jnp.float32),
      scratch_types=[
          pltpu.VMEM((B_PER_W + 16,), jnp.int32),
          pltpu.VMEM((B_PER_W + 16,), jnp.int32),
          pltpu.VMEM((CHUNK, EMBED_DIM), jnp.float32),
          pltpu.VMEM((CHUNK, EMBED_DIM), jnp.float32),
          pltpu.VMEM((CHUNK, EMBED_DIM), jnp.float32),
          pltpu.VMEM((CHUNK, EMBED_DIM), jnp.float32),
          pltpu.VMEM((EMBED_DIM,), jnp.float32),
          pltpu.VMEM((16,), jnp.float32),
          pltpu.VMEM((B_PER_W,), jnp.float32),
          pltpu.SemaphoreType.DMA,
          pltpu.SemaphoreType.DMA,
          pltpu.SemaphoreType.DMA,
          pltpu.SemaphoreType.DMA,
      ],
  )(_gmf_body)
  out = run(uidx, iidx, user_table, item_table, wvec, bvec)
  return out.reshape(BATCH, 1)

# --- scband reference (transcript-rebuilt; emitter-appended) ---
"""Pipeline reference for scband-gmf-2680059593412 (READ-ONLY COPY).

The authoritative reference and input builder live on the scoring server;
editing this copy changes nothing except your own understanding.
"""

import jax, jax.numpy as jnp
import numpy as np

NUM_USERS = 1000000
NUM_FILMS = 100000
EMBED_DIM = 32
BATCH = 16384
NORM_MIN = 1.0
NORM_RANGE = 5.0  # abs(5-1)+1


def setup_inputs(seed: int = 0) -> dict:
    key = jax.random.key(seed)
    k1, k2, k3, k4, k5, k6 = jax.random.split(key, 6)
    user_indices = jax.random.randint(k1, (BATCH,), 0, NUM_USERS, dtype=jnp.int64 if jax.config.read('jax_enable_x64') else jnp.int32)
    item_indices = jax.random.randint(k2, (BATCH,), 0, NUM_FILMS, dtype=jnp.int64 if jax.config.read('jax_enable_x64') else jnp.int32)
    user_table = jax.random.normal(k3, (NUM_USERS, EMBED_DIM), dtype=jnp.float32)
    item_table = jax.random.normal(k4, (NUM_FILMS, EMBED_DIM), dtype=jnp.float32)
    W = jax.random.normal(k5, (EMBED_DIM, 1), dtype=jnp.float32) * (1.0 / np.sqrt(EMBED_DIM))
    b = jax.random.normal(k6, (1,), dtype=jnp.float32) * 0.01
    return {
        'user_indices': user_indices,
        'item_indices': item_indices,
        'user_table': user_table,
        'item_table': item_table,
        'W': W,
        'b': b,
    }


def reference(user_indices, item_indices, user_table, item_table, W, b):
    user_embedding = jnp.take(user_table, user_indices, axis=0)
    item_embedding = jnp.take(item_table, item_indices, axis=0)
    x = user_embedding * item_embedding
    x = x @ W + b
    x = jax.nn.sigmoid(x)
    normalised_output = x * NORM_RANGE + NORM_MIN
    return normalised_output

if __name__ == "__main__":
    import jax
    _d = setup_inputs()
    print(jax.jit(kernel)(*tuple(_d.values())))

</pallas_src>

<mosaic_0001>
#map = affine_map<(d0, d1) -> (0)>
#map1 = affine_map<(d0, d1) -> (0, 0)>
module attributes {stable_mosaic.version = 14 : i64} {
  func.func @_gmf_body(%arg0: i32, %arg1: i32, %arg2: memref<16384xi32, #tpu.memory_space<hbm>>, %arg3: memref<16384xi32, #tpu.memory_space<hbm>>, %arg4: memref<1000000x32xf32, #tpu.memory_space<hbm>>, %arg5: memref<100000x32xf32, #tpu.memory_space<hbm>>, %arg6: memref<32xf32, #tpu.memory_space<hbm>>, %arg7: memref<16xf32, #tpu.memory_space<hbm>>, %arg8: memref<16384xf32, #tpu.memory_space<hbm>>, %arg9: memref<528xi32, #tpu.memory_space<vmem>>, %arg10: memref<528xi32, #tpu.memory_space<vmem>>, %arg11: memref<128x32xf32, #tpu.memory_space<vmem>>, %arg12: memref<128x32xf32, #tpu.memory_space<vmem>>, %arg13: memref<128x32xf32, #tpu.memory_space<vmem>>, %arg14: memref<128x32xf32, #tpu.memory_space<vmem>>, %arg15: memref<32xf32, #tpu.memory_space<vmem>>, %arg16: memref<16xf32, #tpu.memory_space<vmem>>, %arg17: memref<512xf32, #tpu.memory_space<vmem>>, %arg18: memref<!tpu.dma_semaphore, #tpu.memory_space<semaphore_mem>>, %arg19: memref<!tpu.dma_semaphore, #tpu.memory_space<semaphore_mem>>, %arg20: memref<!tpu.dma_semaphore, #tpu.memory_space<semaphore_mem>>, %arg21: memref<!tpu.dma_semaphore, #tpu.memory_space<semaphore_mem>>) attributes {dimension_semantics = [#tpu.dimension_semantics<core_parallel>, #tpu.dimension_semantics<subcore_parallel>], iteration_bounds = array<i64: 2, 16>, scalar_prefetch = 0 : i64, scratch_operands = 13 : i64, tpu.core_type = #tpu.core_type<sc_vector_subcore>, window_params = [{transform_indices = #map}, {transform_indices = #map}, {transform_indices = #map1}, {transform_indices = #map1}, {transform_indices = #map}, {transform_indices = #map}, {transform_indices = #map}]} {
    %mul3A = arith.constant 2 : i32
    %mul3A_0 = arith.muli %arg1, %mul3A : i32
    %add3A = arith.addi %mul3A_0, %arg0 : i32
    %mul3A_1 = arith.constant 512 : i32
    %mul3A_2 = arith.muli %add3A, %mul3A_1 : i32
    "tpu.region"() ({
      %run_scoped3A = tpu.sem_alloc : memref<!tpu.dma_semaphore, #tpu.memory_space<semaphore_mem>>
      %dma_start3A = arith.constant 0 : i32
      %dma_start3A_127 = tpu.memref_slice %arg9[%dma_start3A] : memref<528xi32, #tpu.memory_space<vmem>> -> memref<512xi32, #tpu.memory_space<vmem>>
      %dma_start3A_128 = tpu.memref_slice %arg2[%mul3A_2] : memref<16384xi32, #tpu.memory_space<hbm>> -> memref<512xi32, #tpu.memory_space<hbm>>
      %dma_start3A_129 = arith.constant 0 : i32
      %dma_start3A_130 = tpu.memref_slice %arg9[%dma_start3A_129] : memref<528xi32, #tpu.memory_space<vmem>> -> memref<512xi32, #tpu.memory_space<vmem>>
      %dma_start3A_131 = tpu.memref_slice %arg2[%mul3A_2] : memref<16384xi32, #tpu.memory_space<hbm>> -> memref<512xi32, #tpu.memory_space<hbm>>
      tpu.enqueue_dma source(%dma_start3A_131 : memref<512xi32, #tpu.memory_space<hbm>>) target(%dma_start3A_130 : memref<512xi32, #tpu.memory_space<vmem>>) target_semaphore(%run_scoped3A : memref<!tpu.dma_semaphore, #tpu.memory_space<semaphore_mem>>)
      %dma_wait3A = arith.constant 0 : i32
      %dma_wait3A_132 = tpu.memref_slice %arg9[%dma_wait3A] : memref<528xi32, #tpu.memory_space<vmem>> -> memref<512xi32, #tpu.memory_space<vmem>>
      %dma_wait3A_133 = tpu.memref_slice %arg2[%mul3A_2] : memref<16384xi32, #tpu.memory_space<hbm>> -> memref<512xi32, #tpu.memory_space<hbm>>
      %dma_wait3A_134 = arith.constant 0 : i32
      %dma_wait3A_135 = tpu.memref_slice %arg9[%dma_wait3A_134] : memref<528xi32, #tpu.memory_space<vmem>> -> memref<512xi32, #tpu.memory_space<vmem>>
      %dma_wait3A_136 = tpu.memref_slice %arg2[%mul3A_2] : memref<16384xi32, #tpu.memory_space<hbm>> -> memref<512xi32, #tpu.memory_space<hbm>>
      tpu.wait_dma2 semaphore(%run_scoped3A : memref<!tpu.dma_semaphore, #tpu.memory_space<semaphore_mem>>) src(%dma_wait3A_136 : memref<512xi32, #tpu.memory_space<hbm>>) dst(%dma_wait3A_135 : memref<512xi32, #tpu.memory_space<vmem>>)
      tpu.yield
    }) : () -> ()
    "tpu.region"() ({
      %run_scoped3A = tpu.sem_alloc : memref<!tpu.dma_semaphore, #tpu.memory_space<semaphore_mem>>
      %dma_start3A = arith.constant 0 : i32
      %dma_start3A_127 = tpu.memref_slice %arg10[%dma_start3A] : memref<528xi32, #tpu.memory_space<vmem>> -> memref<512xi32, #tpu.memory_space<vmem>>
      %dma_start3A_128 = tpu.memref_slice %arg3[%mul3A_2] : memref<16384xi32, #tpu.memory_space<hbm>> -> memref<512xi32, #tpu.memory_space<hbm>>
      %dma_start3A_129 = arith.constant 0 : i32
      %dma_start3A_130 = tpu.memref_slice %arg10[%dma_start3A_129] : memref<528xi32, #tpu.memory_space<vmem>> -> memref<512xi32, #tpu.memory_space<vmem>>
      %dma_start3A_131 = tpu.memref_slice %arg3[%mul3A_2] : memref<16384xi32, #tpu.memory_space<hbm>> -> memref<512xi32, #tpu.memory_space<hbm>>
      tpu.enqueue_dma source(%dma_start3A_131 : memref<512xi32, #tpu.memory_space<hbm>>) target(%dma_start3A_130 : memref<512xi32, #tpu.memory_space<vmem>>) target_semaphore(%run_scoped3A : memref<!tpu.dma_semaphore, #tpu.memory_space<semaphore_mem>>)
      %dma_wait3A = arith.constant 0 : i32
      %dma_wait3A_132 = tpu.memref_slice %arg10[%dma_wait3A] : memref<528xi32, #tpu.memory_space<vmem>> -> memref<512xi32, #tpu.memory_space<vmem>>
      %dma_wait3A_133 = tpu.memref_slice %arg3[%mul3A_2] : memref<16384xi32, #tpu.memory_space<hbm>> -> memref<512xi32, #tpu.memory_space<hbm>>
      %dma_wait3A_134 = arith.constant 0 : i32
      %dma_wait3A_135 = tpu.memref_slice %arg10[%dma_wait3A_134] : memref<528xi32, #tpu.memory_space<vmem>> -> memref<512xi32, #tpu.memory_space<vmem>>
      %dma_wait3A_136 = tpu.memref_slice %arg3[%mul3A_2] : memref<16384xi32, #tpu.memory_space<hbm>> -> memref<512xi32, #tpu.memory_space<hbm>>
      tpu.wait_dma2 semaphore(%run_scoped3A : memref<!tpu.dma_semaphore, #tpu.memory_space<semaphore_mem>>) src(%dma_wait3A_136 : memref<512xi32, #tpu.memory_space<hbm>>) dst(%dma_wait3A_135 : memref<512xi32, #tpu.memory_space<vmem>>)
      tpu.yield
    }) : () -> ()
    "tpu.region"() ({
      %run_scoped3A = tpu.sem_alloc : memref<!tpu.dma_semaphore, #tpu.memory_space<semaphore_mem>>
      tpu.enqueue_dma source(%arg6 : memref<32xf32, #tpu.memory_space<hbm>>) target(%arg15 : memref<32xf32, #tpu.memory_space<vmem>>) target_semaphore(%run_scoped3A : memref<!tpu.dma_semaphore, #tpu.memory_space<semaphore_mem>>)
      tpu.wait_dma2 semaphore(%run_scoped3A : memref<!tpu.dma_semaphore, #tpu.memory_space<semaphore_mem>>) src(%arg6 : memref<32xf32, #tpu.memory_space<hbm>>) dst(%arg15 : memref<32xf32, #tpu.memory_space<vmem>>)
      tpu.yield
    }) : () -> ()
    "tpu.region"() ({
      %run_scoped3A = tpu.sem_alloc : memref<!tpu.dma_semaphore, #tpu.memory_space<semaphore_mem>>
      tpu.enqueue_dma source(%arg7 : memref<16xf32, #tpu.memory_space<hbm>>) target(%arg16 : memref<16xf32, #tpu.memory_space<vmem>>) target_semaphore(%run_scoped3A : memref<!tpu.dma_semaphore, #tpu.memory_space<semaphore_mem>>)
      tpu.wait_dma2 semaphore(%run_scoped3A : memref<!tpu.dma_semaphore, #tpu.memory_space<semaphore_mem>>) src(%arg7 : memref<16xf32, #tpu.memory_space<hbm>>) dst(%arg16 : memref<16xf32, #tpu.memory_space<vmem>>)
      tpu.yield
    }) : () -> ()
    %get3A = arith.constant 0 : index
    %get3A_3 = tpu.vector_load %arg16[%get3A] {strides = array<i32>} : memref<16xf32, #tpu.memory_space<vmem>>, vector<16xf32>,
    %get3A_4 = arith.constant 0 : index
    %get3A_5 = tpu.vector_load %arg15[%get3A_4] {strides = array<i32>} : memref<32xf32, #tpu.memory_space<vmem>>, vector<16xf32>,
    %get3A_6 = arith.constant 16 : index
    %get3A_7 = tpu.vector_load %arg15[%get3A_6] {strides = array<i32>} : memref<32xf32, #tpu.memory_space<vmem>>, vector<16xf32>,
    %iota3A = tpu.iota {dimensions = array<i32: 0>} : vector<16xi32>
    %scan3A = arith.constant 0 : i32
    %scan3A_8 = arith.constant 0 : i32
    %scan3A_9 = arith.constant 128 : i32
    %scan3A_10 = arith.addi %scan3A_8, %scan3A_9 : i32
    %scan3A_11 = arith.constant 1 : i32
    scf.for %scan3A_127 = %scan3A_8 to %scan3A_10 step %scan3A_11  : i32 {
      %add3A_128 = arith.constant 0 : i32
      %add3A_129 = arith.addi %add3A_128, %scan3A_127 : i32
      %get3A_130 = arith.index_cast %add3A_129 : i32 to index
      %get3A_131 = tpu.vector_load %arg9[%get3A_130] {strides = array<i32>} : memref<528xi32, #tpu.memory_space<vmem>>, vector<16xi32>,
      %slice3A = vector.extract_strided_slice %get3A_131 {offsets = [0], sizes = [1], strides = [1]} : vector<16xi32> to vector<1xi32>
      %squeeze3A = vector.extract %slice3A[0] : i32 from vector<1xi32>
      %dma_start3A = arith.constant 0 : i32
      %dma_start3A_132 = tpu.memref_slice %arg11[%scan3A_127, %dma_start3A] : memref<128x32xf32, #tpu.memory_space<vmem>> -> memref<1x32xf32, #tpu.memory_space<vmem>>
      %dma_start3A_133 = tpu.memref_squeeze %dma_start3A_132 : memref<1x32xf32, #tpu.memory_space<vmem>> -> memref<32xf32, #tpu.memory_space<vmem>>
      %dma_start3A_134 = arith.constant 0 : i32
      %dma_start3A_135 = tpu.memref_slice %arg4[%squeeze3A, %dma_start3A_134] : memref<1000000x32xf32, #tpu.memory_space<hbm>> -> memref<1x32xf32, #tpu.memory_space<hbm>>
      %dma_start3A_136 = tpu.memref_squeeze %dma_start3A_135 : memref<1x32xf32, #tpu.memory_space<hbm>> -> memref<32xf32, #tpu.memory_space<hbm>>
      %dma_start3A_137 = arith.constant 0 : i32
      %dma_start3A_138 = tpu.memref_slice %arg11[%scan3A_127, %dma_start3A_137] : memref<128x32xf32, #tpu.memory_space<vmem>> -> memref<1x32xf32, #tpu.memory_space<vmem>>
      %dma_start3A_139 = tpu.memref_squeeze %dma_start3A_138 : memref<1x32xf32, #tpu.memory_space<vmem>> -> memref<32xf32, #tpu.memory_space<vmem>>
      %dma_start3A_140 = arith.constant 0 : i32
      %dma_start3A_141 = tpu.memref_slice %arg4[%squeeze3A, %dma_start3A_140] : memref<1000000x32xf32, #tpu.memory_space<hbm>> -> memref<1x32xf32, #tpu.memory_space<hbm>>
      %dma_start3A_142 = tpu.memref_squeeze %dma_start3A_141 : memref<1x32xf32, #tpu.memory_space<hbm>> -> memref<32xf32, #tpu.memory_space<hbm>>
      tpu.enqueue_dma source(%dma_start3A_142 : memref<32xf32, #tpu.memory_space<hbm>>) target(%dma_start3A_139 : memref<32xf32, #tpu.memory_space<vmem>>) target_semaphore(%arg18 : memref<!tpu.dma_semaphore, #tpu.memory_space<semaphore_mem>>)
    }
    %scan3A_12 = arith.constant 128 : i32
    %scan3A_13 = arith.constant 0 : i32
    %scan3A_14 = arith.constant 0 : i32
    %scan3A_15 = arith.constant 128 : i32
    %scan3A_16 = arith.addi %scan3A_14, %scan3A_15 : i32
    %scan3A_17 = arith.constant 1 : i32
    scf.for %scan3A_127 = %scan3A_14 to %scan3A_16 step %scan3A_17  : i32 {
      %add3A_128 = arith.constant 0 : i32
      %add3A_129 = arith.addi %add3A_128, %scan3A_127 : i32
      %get3A_130 = arith.index_cast %add3A_129 : i32 to index
      %get3A_131 = tpu.vector_load %arg10[%get3A_130] {strides = array<i32>} : memref<528xi32, #tpu.memory_space<vmem>>, vector<16xi32>,
      %slice3A = vector.extract_strided_slice %get3A_131 {offsets = [0], sizes = [1], strides = [1]} : vector<16xi32> to vector<1xi32>
      %squeeze3A = vector.extract %slice3A[0] : i32 from vector<1xi32>
      %dma_start3A = arith.constant 0 : i32
      %dma_start3A_132 = tpu.memref_slice %arg13[%scan3A_127, %dma_start3A] : memref<128x32xf32, #tpu.memory_space<vmem>> -> memref<1x32xf32, #tpu.memory_space<vmem>>
      %dma_start3A_133 = tpu.memref_squeeze %dma_start3A_132 : memref<1x32xf32, #tpu.memory_space<vmem>> -> memref<32xf32, #tpu.memory_space<vmem>>
      %dma_start3A_134 = arith.constant 0 : i32
      %dma_start3A_135 = tpu.memref_slice %arg5[%squeeze3A, %dma_start3A_134] : memref<100000x32xf32, #tpu.memory_space<hbm>> -> memref<1x32xf32, #tpu.memory_space<hbm>>
      %dma_start3A_136 = tpu.memref_squeeze %dma_start3A_135 : memref<1x32xf32, #tpu.memory_space<hbm>> -> memref<32xf32, #tpu.memory_space<hbm>>
      %dma_start3A_137 = arith.constant 0 : i32
      %dma_start3A_138 = tpu.memref_slice %arg13[%scan3A_127, %dma_start3A_137] : memref<128x32xf32, #tpu.memory_space<vmem>> -> memref<1x32xf32, #tpu.memory_space<vmem>>
      %dma_start3A_139 = tpu.memref_squeeze %dma_start3A_138 : memref<1x32xf32, #tpu.memory_space<vmem>> -> memref<32xf32, #tpu.memory_space<vmem>>
      %dma_start3A_140 = arith.constant 0 : i32
      %dma_start3A_141 = tpu.memref_slice %arg5[%squeeze3A, %dma_start3A_140] : memref<100000x32xf32, #tpu.memory_space<hbm>> -> memref<1x32xf32, #tpu.memory_space<hbm>>
      %dma_start3A_142 = tpu.memref_squeeze %dma_start3A_141 : memref<1x32xf32, #tpu.memory_space<hbm>> -> memref<32xf32, #tpu.memory_space<hbm>>
      tpu.enqueue_dma source(%dma_start3A_142 : memref<32xf32, #tpu.memory_space<hbm>>) target(%dma_start3A_139 : memref<32xf32, #tpu.memory_space<vmem>>) target_semaphore(%arg20 : memref<!tpu.dma_semaphore, #tpu.memory_space<semaphore_mem>>)
    }
    %scan3A_18 = arith.constant 128 : i32
    %scan3A_19 = arith.constant 0 : i32
    %scan3A_20 = arith.constant 0 : i32
    %scan3A_21 = arith.constant 128 : i32
    %scan3A_22 = arith.addi %scan3A_20, %scan3A_21 : i32
    %scan3A_23 = arith.constant 1 : i32
    scf.for %scan3A_127 = %scan3A_20 to %scan3A_22 step %scan3A_23  : i32 {
      %add3A_128 = arith.constant 128 : i32
      %add3A_129 = arith.addi %add3A_128, %scan3A_127 : i32
      %get3A_130 = arith.index_cast %add3A_129 : i32 to index
      %get3A_131 = tpu.vector_load %arg9[%get3A_130] {strides = array<i32>} : memref<528xi32, #tpu.memory_space<vmem>>, vector<16xi32>,
      %slice3A = vector.extract_strided_slice %get3A_131 {offsets = [0], sizes = [1], strides = [1]} : vector<16xi32> to vector<1xi32>
      %squeeze3A = vector.extract %slice3A[0] : i32 from vector<1xi32>
      %dma_start3A = arith.constant 0 : i32
      %dma_start3A_132 = tpu.memref_slice %arg12[%scan3A_127, %dma_start3A] : memref<128x32xf32, #tpu.memory_space<vmem>> -> memref<1x32xf32, #tpu.memory_space<vmem>>
      %dma_start3A_133 = tpu.memref_squeeze %dma_start3A_132 : memref<1x32xf32, #tpu.memory_space<vmem>> -> memref<32xf32, #tpu.memory_space<vmem>>
      %dma_start3A_134 = arith.constant 0 : i32
      %dma_start3A_135 = tpu.memref_slice %arg4[%squeeze3A, %dma_start3A_134] : memref<1000000x32xf32, #tpu.memory_space<hbm>> -> memref<1x32xf32, #tpu.memory_space<hbm>>
      %dma_start3A_136 = tpu.memref_squeeze %dma_start3A_135 : memref<1x32xf32, #tpu.memory_space<hbm>> -> memref<32xf32, #tpu.memory_space<hbm>>
      %dma_start3A_137 = arith.constant 0 : i32
      %dma_start3A_138 = tpu.memref_slice %arg12[%scan3A_127, %dma_start3A_137] : memref<128x32xf32, #tpu.memory_space<vmem>> -> memref<1x32xf32, #tpu.memory_space<vmem>>
      %dma_start3A_139 = tpu.memref_squeeze %dma_start3A_138 : memref<1x32xf32, #tpu.memory_space<vmem>> -> memref<32xf32, #tpu.memory_space<vmem>>
      %dma_start3A_140 = arith.constant 0 : i32
      %dma_start3A_141 = tpu.memref_slice %arg4[%squeeze3A, %dma_start3A_140] : memref<1000000x32xf32, #tpu.memory_space<hbm>> -> memref<1x32xf32, #tpu.memory_space<hbm>>
      %dma_start3A_142 = tpu.memref_squeeze %dma_start3A_141 : memref<1x32xf32, #tpu.memory_space<hbm>> -> memref<32xf32, #tpu.memory_space<hbm>>
      tpu.enqueue_dma source(%dma_start3A_142 : memref<32xf32, #tpu.memory_space<hbm>>) target(%dma_start3A_139 : memref<32xf32, #tpu.memory_space<vmem>>) target_semaphore(%arg19 : memref<!tpu.dma_semaphore, #tpu.memory_space<semaphore_mem>>)
    }
    %scan3A_24 = arith.constant 128 : i32
    %scan3A_25 = arith.constant 0 : i32
    %scan3A_26 = arith.constant 0 : i32
    %scan3A_27 = arith.constant 128 : i32
    %scan3A_28 = arith.addi %scan3A_26, %scan3A_27 : i32
    %scan3A_29 = arith.constant 1 : i32
    scf.for %scan3A_127 = %scan3A_26 to %scan3A_28 step %scan3A_29  : i32 {
      %add3A_128 = arith.constant 128 : i32
      %add3A_129 = arith.addi %add3A_128, %scan3A_127 : i32
      %get3A_130 = arith.index_cast %add3A_129 : i32 to index
      %get3A_131 = tpu.vector_load %arg10[%get3A_130] {strides = array<i32>} : memref<528xi32, #tpu.memory_space<vmem>>, vector<16xi32>,
      %slice3A = vector.extract_strided_slice %get3A_131 {offsets = [0], sizes = [1], strides = [1]} : vector<16xi32> to vector<1xi32>
      %squeeze3A = vector.extract %slice3A[0] : i32 from vector<1xi32>
      %dma_start3A = arith.constant 0 : i32
      %dma_start3A_132 = tpu.memref_slice %arg14[%scan3A_127, %dma_start3A] : memref<128x32xf32, #tpu.memory_space<vmem>> -> memref<1x32xf32, #tpu.memory_space<vmem>>
      %dma_start3A_133 = tpu.memref_squeeze %dma_start3A_132 : memref<1x32xf32, #tpu.memory_space<vmem>> -> memref<32xf32, #tpu.memory_space<vmem>>
      %dma_start3A_134 = arith.constant 0 : i32
      %dma_start3A_135 = tpu.memref_slice %arg5[%squeeze3A, %dma_start3A_134] : memref<100000x32xf32, #tpu.memory_space<hbm>> -> memref<1x32xf32, #tpu.memory_space<hbm>>
      %dma_start3A_136 = tpu.memref_squeeze %dma_start3A_135 : memref<1x32xf32, #tpu.memory_space<hbm>> -> memref<32xf32, #tpu.memory_space<hbm>>
      %dma_start3A_137 = arith.constant 0 : i32
      %dma_start3A_138 = tpu.memref_slice %arg14[%scan3A_127, %dma_start3A_137] : memref<128x32xf32, #tpu.memory_space<vmem>> -> memref<1x32xf32, #tpu.memory_space<vmem>>
      %dma_start3A_139 = tpu.memref_squeeze %dma_start3A_138 : memref<1x32xf32, #tpu.memory_space<vmem>> -> memref<32xf32, #tpu.memory_space<vmem>>
      %dma_start3A_140 = arith.constant 0 : i32
      %dma_start3A_141 = tpu.memref_slice %arg5[%squeeze3A, %dma_start3A_140] : memref<100000x32xf32, #tpu.memory_space<hbm>> -> memref<1x32xf32, #tpu.memory_space<hbm>>
      %dma_start3A_142 = tpu.memref_squeeze %dma_start3A_141 : memref<1x32xf32, #tpu.memory_space<hbm>> -> memref<32xf32, #tpu.memory_space<hbm>>
      tpu.enqueue_dma source(%dma_start3A_142 : memref<32xf32, #tpu.memory_space<hbm>>) target(%dma_start3A_139 : memref<32xf32, #tpu.memory_space<vmem>>) target_semaphore(%arg21 : memref<!tpu.dma_semaphore, #tpu.memory_space<semaphore_mem>>)
    }
    %scan3A_30 = arith.constant 128 : i32
    %scan3A_31 = arith.constant 0 : i32
    %scan3A_32 = arith.constant 0 : i32
    %scan3A_33 = arith.constant 128 : i32
    %scan3A_34 = arith.addi %scan3A_32, %scan3A_33 : i32
    %scan3A_35 = arith.constant 1 : i32
    scf.for %scan3A_127 = %scan3A_32 to %scan3A_34 step %scan3A_35  : i32 {
      %dma_wait3A = arith.constant 0 : i32
      %dma_wait3A_128 = arith.constant 0 : i32
      %dma_wait3A_129 = arith.constant 0 : i32
      %dma_wait3A_130 = tpu.memref_slice %arg11[%dma_wait3A_128, %dma_wait3A_129] : memref<128x32xf32, #tpu.memory_space<vmem>> -> memref<1x32xf32, #tpu.memory_space<vmem>>
      %dma_wait3A_131 = tpu.memref_squeeze %dma_wait3A_130 : memref<1x32xf32, #tpu.memory_space<vmem>> -> memref<32xf32, #tpu.memory_space<vmem>>
      %dma_wait3A_132 = arith.constant 0 : i32
      %dma_wait3A_133 = tpu.memref_slice %arg4[%dma_wait3A, %dma_wait3A_132] : memref<1000000x32xf32, #tpu.memory_space<hbm>> -> memref<1x32xf32, #tpu.memory_space<hbm>>
      %dma_wait3A_134 = tpu.memref_squeeze %dma_wait3A_133 : memref<1x32xf32, #tpu.memory_space<hbm>> -> memref<32xf32, #tpu.memory_space<hbm>>
      %dma_wait3A_135 = arith.constant 0 : i32
      %dma_wait3A_136 = tpu.memref_slice %arg11[%dma_wait3A_128, %dma_wait3A_135] : memref<128x32xf32, #tpu.memory_space<vmem>> -> memref<1x32xf32, #tpu.memory_space<vmem>>
      %dma_wait3A_137 = tpu.memref_squeeze %dma_wait3A_136 : memref<1x32xf32, #tpu.memory_space<vmem>> -> memref<32xf32, #tpu.memory_space<vmem>>
      %dma_wait3A_138 = arith.constant 0 : i32
      %dma_wait3A_139 = tpu.memref_slice %arg4[%dma_wait3A, %dma_wait3A_138] : memref<1000000x32xf32, #tpu.memory_space<hbm>> -> memref<1x32xf32, #tpu.memory_space<hbm>>
      %dma_wait3A_140 = tpu.memref_squeeze %dma_wait3A_139 : memref<1x32xf32, #tpu.memory_space<hbm>> -> memref<32xf32, #tpu.memory_space<hbm>>
      tpu.wait_dma2 semaphore(%arg18 : memref<!tpu.dma_semaphore, #tpu.memory_space<semaphore_mem>>) src(%dma_wait3A_140 : memref<32xf32, #tpu.memory_space<hbm>>) dst(%dma_wait3A_137 : memref<32xf32, #tpu.memory_space<vmem>>)
    }
    %scan3A_36 = arith.constant 128 : i32
    %scan3A_37 = arith.constant 0 : i32
    %scan3A_38 = arith.constant 0 : i32
    %scan3A_39 = arith.constant 128 : i32
    %scan3A_40 = arith.addi %scan3A_38, %scan3A_39 : i32
    %scan3A_41 = arith.constant 1 : i32
    scf.for %scan3A_127 = %scan3A_38 to %scan3A_40 step %scan3A_41  : i32 {
      %dma_wait3A = arith.constant 0 : i32
      %dma_wait3A_128 = arith.constant 0 : i32
      %dma_wait3A_129 = arith.constant 0 : i32
      %dma_wait3A_130 = tpu.memref_slice %arg13[%dma_wait3A_128, %dma_wait3A_129] : memref<128x32xf32, #tpu.memory_space<vmem>> -> memref<1x32xf32, #tpu.memory_space<vmem>>
      %dma_wait3A_131 = tpu.memref_squeeze %dma_wait3A_130 : memref<1x32xf32, #tpu.memory_space<vmem>> -> memref<32xf32, #tpu.memory_space<vmem>>
      %dma_wait3A_132 = arith.constant 0 : i32
      %dma_wait3A_133 = tpu.memref_slice %arg5[%dma_wait3A, %dma_wait3A_132] : memref<100000x32xf32, #tpu.memory_space<hbm>> -> memref<1x32xf32, #tpu.memory_space<hbm>>
      %dma_wait3A_134 = tpu.memref_squeeze %dma_wait3A_133 : memref<1x32xf32, #tpu.memory_space<hbm>> -> memref<32xf32, #tpu.memory_space<hbm>>
      %dma_wait3A_135 = arith.constant 0 : i32
      %dma_wait3A_136 = tpu.memref_slice %arg13[%dma_wait3A_128, %dma_wait3A_135] : memref<128x32xf32, #tpu.memory_space<vmem>> -> memref<1x32xf32, #tpu.memory_space<vmem>>
      %dma_wait3A_137 = tpu.memref_squeeze %dma_wait3A_136 : memref<1x32xf32, #tpu.memory_space<vmem>> -> memref<32xf32, #tpu.memory_space<vmem>>
      %dma_wait3A_138 = arith.constant 0 : i32
      %dma_wait3A_139 = tpu.memref_slice %arg5[%dma_wait3A, %dma_wait3A_138] : memref<100000x32xf32, #tpu.memory_space<hbm>> -> memref<1x32xf32, #tpu.memory_space<hbm>>
      %dma_wait3A_140 = tpu.memref_squeeze %dma_wait3A_139 : memref<1x32xf32, #tpu.memory_space<hbm>> -> memref<32xf32, #tpu.memory_space<hbm>>
      tpu.wait_dma2 semaphore(%arg20 : memref<!tpu.dma_semaphore, #tpu.memory_space<semaphore_mem>>) src(%dma_wait3A_140 : memref<32xf32, #tpu.memory_space<hbm>>) dst(%dma_wait3A_137 : memref<32xf32, #tpu.memory_space<vmem>>)
    }
    %scan3A_42 = arith.constant 128 : i32
    %scan3A_43 = arith.constant 0 : i32
    %scan3A_44 = arith.constant 0 : i32
    %scan3A_45 = arith.constant 8 : i32
    %scan3A_46 = arith.addi %scan3A_44, %scan3A_45 : i32
    %scan3A_47 = arith.constant 1 : i32
    scf.for %scan3A_127 = %scan3A_44 to %scan3A_46 step %scan3A_47  : i32 {
      %mul3A_128 = arith.constant 16 : i32
      %mul3A_129 = arith.muli %scan3A_127, %mul3A_128 : i32
      %add3A_130 = vector.broadcast %mul3A_129 : i32 to vector<16xi32>
      %add3A_131 = arith.addi %iota3A, %add3A_130 : vector<16xi32>
      %broadcast_in_dim3A = arith.constant 0.000000e+00 : f32
      %broadcast_in_dim3A_132 = vector.broadcast %broadcast_in_dim3A : f32 to vector<16xf32>
      %broadcast_in_dim3A_133 = arith.constant 0 : i32
      %broadcast_in_dim3A_134 = vector.broadcast %broadcast_in_dim3A_133 : i32 to vector<16xi32>
      %gather3A = tpu.vector_load_idx %arg11[%add3A_131, %broadcast_in_dim3A_134] : memref<128x32xf32, #tpu.memory_space<vmem>>[vector<16xi32>, vector<16xi32>], vector<16xf32>,
      %gather3A_135 = tpu.vector_load_idx %arg13[%add3A_131, %broadcast_in_dim3A_134] : memref<128x32xf32, #tpu.memory_space<vmem>>[vector<16xi32>, vector<16xi32>], vector<16xf32>,
      %slice3A = vector.extract_strided_slice %get3A_5 {offsets = [0], sizes = [1], strides = [1]} : vector<16xf32> to vector<1xf32>
      %squeeze3A = vector.extract %slice3A[0] : f32 from vector<1xf32>
      %mul3A_136 = arith.mulf %gather3A, %gather3A_135 : vector<16xf32>
      %broadcast_in_dim3A_137 = vector.broadcast %squeeze3A : f32 to vector<16xf32>
      %mul3A_138 = arith.mulf %mul3A_136, %broadcast_in_dim3A_137 : vector<16xf32>
      %add3A_139 = arith.addf %broadcast_in_dim3A_132, %mul3A_138 : vector<16xf32>
      %broadcast_in_dim3A_140 = arith.constant 1 : i32
      %broadcast_in_dim3A_141 = vector.broadcast %broadcast_in_dim3A_140 : i32 to vector<16xi32>
      %gather3A_142 = tpu.vector_load_idx %arg11[%add3A_131, %broadcast_in_dim3A_141] : memref<128x32xf32, #tpu.memory_space<vmem>>[vector<16xi32>, vector<16xi32>], vector<16xf32>,
      %gather3A_143 = tpu.vector_load_idx %arg13[%add3A_131, %broadcast_in_dim3A_141] : memref<128x32xf32, #tpu.memory_space<vmem>>[vector<16xi32>, vector<16xi32>], vector<16xf32>,
      %slice3A_144 = vector.extract_strided_slice %get3A_5 {offsets = [1], sizes = [1], strides = [1]} : vector<16xf32> to vector<1xf32>
      %squeeze3A_145 = vector.extract %slice3A_144[0] : f32 from vector<1xf32>
      %mul3A_146 = arith.mulf %gather3A_142, %gather3A_143 : vector<16xf32>
      %broadcast_in_dim3A_147 = vector.broadcast %squeeze3A_145 : f32 to vector<16xf32>
      %mul3A_148 = arith.mulf %mul3A_146, %broadcast_in_dim3A_147 : vector<16xf32>
      %add3A_149 = arith.addf %add3A_139, %mul3A_148 : vector<16xf32>
      %broadcast_in_dim3A_150 = arith.constant 2 : i32
      %broadcast_in_dim3A_151 = vector.broadcast %broadcast_in_dim3A_150 : i32 to vector<16xi32>
      %gather3A_152 = tpu.vector_load_idx %arg11[%add3A_131, %broadcast_in_dim3A_151] : memref<128x32xf32, #tpu.memory_space<vmem>>[vector<16xi32>, vector<16xi32>], vector<16xf32>,
      %gather3A_153 = tpu.vector_load_idx %arg13[%add3A_131, %broadcast_in_dim3A_151] : memref<128x32xf32, #tpu.memory_space<vmem>>[vector<16xi32>, vector<16xi32>], vector<16xf32>,
      %slice3A_154 = vector.extract_strided_slice %get3A_5 {offsets = [2], sizes = [1], strides = [1]} : vector<16xf32> to vector<1xf32>
      %squeeze3A_155 = vector.extract %slice3A_154[0] : f32 from vector<1xf32>
      %mul3A_156 = arith.mulf %gather3A_152, %gather3A_153 : vector<16xf32>
      %broadcast_in_dim3A_157 = vector.broadcast %squeeze3A_155 : f32 to vector<16xf32>
      %mul3A_158 = arith.mulf %mul3A_156, %broadcast_in_dim3A_157 : vector<16xf32>
      %add3A_159 = arith.addf %add3A_149, %mul3A_158 : vector<16xf32>
      %broadcast_in_dim3A_160 = arith.constant 3 : i32
      %broadcast_in_dim3A_161 = vector.broadcast %broadcast_in_dim3A_160 : i32 to vector<16xi32>
      %gather3A_162 = tpu.vector_load_idx %arg11[%add3A_131, %broadcast_in_dim3A_161] : memref<128x32xf32, #tpu.memory_space<vmem>>[vector<16xi32>, vector<16xi32>], vector<16xf32>,
      %gather3A_163 = tpu.vector_load_idx %arg13[%add3A_131, %broadcast_in_dim3A_161] : memref<128x32xf32, #tpu.memory_space<vmem>>[vector<16xi32>, vector<16xi32>], vector<16xf32>,
      %slice3A_164 = vector.extract_strided_slice %get3A_5 {offsets = [3], sizes = [1], strides = [1]} : vector<16xf32> to vector<1xf32>
      %squeeze3A_165 = vector.extract %slice3A_164[0] : f32 from vector<1xf32>
      %mul3A_166 = arith.mulf %gather3A_162, %gather3A_163 : vector<16xf32>
      %broadcast_in_dim3A_167 = vector.broadcast %squeeze3A_165 : f32 to vector<16xf32>
      %mul3A_168 = arith.mulf %mul3A_166, %broadcast_in_dim3A_167 : vector<16xf32>
      %add3A_169 = arith.addf %add3A_159, %mul3A_168 : vector<16xf32>
      %broadcast_in_dim3A_170 = arith.constant 4 : i32
      %broadcast_in_dim3A_171 = vector.broadcast %broadcast_in_dim3A_170 : i32 to vector<16xi32>
      %gather3A_172 = tpu.vector_load_idx %arg11[%add3A_131, %broadcast_in_dim3A_171] : memref<128x32xf32, #tpu.memory_space<vmem>>[vector<16xi32>, vector<16xi32>], vector<16xf32>,
      %gather3A_173 = tpu.vector_load_idx %arg13[%add3A_131, %broadcast_in_dim3A_171] : memref<128x32xf32, #tpu.memory_space<vmem>>[vector<16xi32>, vector<16xi32>], vector<16xf32>,
      %slice3A_174 = vector.extract_strided_slice %get3A_5 {offsets = [4], sizes = [1], strides = [1]} : vector<16xf32> to vector<1xf32>
      %squeeze3A_175 = vector.extract %slice3A_174[0] : f32 from vector<1xf32>
      %mul3A_176 = arith.mulf %gather3A_172, %gather3A_173 : vector<16xf32>
      %broadcast_in_dim3A_177 = vector.broadcast %squeeze3A_175 : f32 to vector<16xf32>
      %mul3A_178 = arith.mulf %mul3A_176, %broadcast_in_dim3A_177 : vector<16xf32>
      %add3A_179 = arith.addf %add3A_169, %mul3A_178 : vector<16xf32>
      %broadcast_in_dim3A_180 = arith.constant 5 : i32
      %broadcast_in_dim3A_181 = vector.broadcast %broadcast_in_dim3A_180 : i32 to vector<16xi32>
      %gather3A_182 = tpu.vector_load_idx %arg11[%add3A_131, %broadcast_in_dim3A_181] : memref<128x32xf32, #tpu.memory_space<vmem>>[vector<16xi32>, vector<16xi32>], vector<16xf32>,
      %gather3A_183 = tpu.vector_load_idx %arg13[%add3A_131, %broadcast_in_dim3A_181] : memref<128x32xf32, #tpu.memory_space<vmem>>[vector<16xi32>, vector<16xi32>], vector<16xf32>,
      %slice3A_184 = vector.extract_strided_slice %get3A_5 {offsets = [5], sizes = [1], strides = [1]} : vector<16xf32> to vector<1xf32>
      %squeeze3A_185 = vector.extract %slice3A_184[0] : f32 from vector<1xf32>
      %mul3A_186 = arith.mulf %gather3A_182, %gather3A_183 : vector<16xf32>
      %broadcast_in_dim3A_187 = vector.broadcast %squeeze3A_185 : f32 to vector<16xf32>
      %mul3A_188 = arith.mulf %mul3A_186, %broadcast_in_dim3A_187 : vector<16xf32>
      %add3A_189 = arith.addf %add3A_179, %mul3A_188 : vector<16xf32>
      %broadcast_in_dim3A_190 = arith.constant 6 : i32
      %broadcast_in_dim3A_191 = vector.broadcast %broadcast_in_dim3A_190 : i32 to vector<16xi32>
      %gather3A_192 = tpu.vector_load_idx %arg11[%add3A_131, %broadcast_in_dim3A_191] : memref<128x32xf32, #tpu.memory_space<vmem>>[vector<16xi32>, vector<16xi32>], vector<16xf32>,
      %gather3A_193 = tpu.vector_load_idx %arg13[%add3A_131, %broadcast_in_dim3A_191] : memref<128x32xf32, #tpu.memory_space<vmem>>[vector<16xi32>, vector<16xi32>], vector<16xf32>,
      %slice3A_194 = vector.extract_strided_slice %get3A_5 {offsets = [6], sizes = [1], strides = [1]} : vector<16xf32> to vector<1xf32>
      %squeeze3A_195 = vector.extract %slice3A_194[0] : f32 from vector<1xf32>
      %mul3A_196 = arith.mulf %gather3A_192, %gather3A_193 : vector<16xf32>
      %broadcast_in_dim3A_197 = vector.broadcast %squeeze3A_195 : f32 to vector<16xf32>
      %mul3A_198 = arith.mulf %mul3A_196, %broadcast_in_dim3A_197 : vector<16xf32>
      %add3A_199 = arith.addf %add3A_189, %mul3A_198 : vector<16xf32>
      %broadcast_in_dim3A_200 = arith.constant 7 : i32
      %broadcast_in_dim3A_201 = vector.broadcast %broadcast_in_dim3A_200 : i32 to vector<16xi32>
      %gather3A_202 = tpu.vector_load_idx %arg11[%add3A_131, %broadcast_in_dim3A_201] : memref<128x32xf32, #tpu.memory_space<vmem>>[vector<16xi32>, vector<16xi32>], vector<16xf32>,
      %gather3A_203 = tpu.vector_load_idx %arg13[%add3A_131, %broadcast_in_dim3A_201] : memref<128x32xf32, #tpu.memory_space<vmem>>[vector<16xi32>, vector<16xi32>], vector<16xf32>,
      %slice3A_204 = vector.extract_strided_slice %get3A_5 {offsets = [7], sizes = [1], strides = [1]} : vector<16xf32> to vector<1xf32>
      %squeeze3A_205 = vector.extract %slice3A_204[0] : f32 from vector<1xf32>
      %mul3A_206 = arith.mulf %gather3A_202, %gather3A_203 : vector<16xf32>
      %broadcast_in_dim3A_207 = vector.broadcast %squeeze3A_205 : f32 to vector<16xf32>
      %mul3A_208 = arith.mulf %mul3A_206, %broadcast_in_dim3A_207 : vector<16xf32>
      %add3A_209 = arith.addf %add3A_199, %mul3A_208 : vector<16xf32>
      %broadcast_in_dim3A_210 = arith.constant 8 : i32
      %broadcast_in_dim3A_211 = vector.broadcast %broadcast_in_dim3A_210 : i32 to vector<16xi32>
      %gather3A_212 = tpu.vector_load_idx %arg11[%add3A_131, %broadcast_in_dim3A_211] : memref<128x32xf32, #tpu.memory_space<vmem>>[vector<16xi32>, vector<16xi32>], vector<16xf32>,
      %gather3A_213 = tpu.vector_load_idx %arg13[%add3A_131, %broadcast_in_dim3A_211] : memref<128x32xf32, #tpu.memory_space<vmem>>[vector<16xi32>, vector<16xi32>], vector<16xf32>,
      %slice3A_214 = vector.extract_strided_slice %get3A_5 {offsets = [8], sizes = [1], strides = [1]} : vector<16xf32> to vector<1xf32>
      %squeeze3A_215 = vector.extract %slice3A_214[0] : f32 from vector<1xf32>
      %mul3A_216 = arith.mulf %gather3A_212, %gather3A_213 : vector<16xf32>
      %broadcast_in_dim3A_217 = vector.broadcast %squeeze3A_215 : f32 to vector<16xf32>
      %mul3A_218 = arith.mulf %mul3A_216, %broadcast_in_dim3A_217 : vector<16xf32>
      %add3A_219 = arith.addf %add3A_209, %mul3A_218 : vector<16xf32>
      %broadcast_in_dim3A_220 = arith.constant 9 : i32
      %broadcast_in_dim3A_221 = vector.broadcast %broadcast_in_dim3A_220 : i32 to vector<16xi32>
      %gather3A_222 = tpu.vector_load_idx %arg11[%add3A_131, %broadcast_in_dim3A_221] : memref<128x32xf32, #tpu.memory_space<vmem>>[vector<16xi32>, vector<16xi32>], vector<16xf32>,
      %gather3A_223 = tpu.vector_load_idx %arg13[%add3A_131, %broadcast_in_dim3A_221] : memref<128x32xf32, #tpu.memory_space<vmem>>[vector<16xi32>, vector<16xi32>], vector<16xf32>,
      %slice3A_224 = vector.extract_strided_slice %get3A_5 {offsets = [9], sizes = [1], strides = [1]} : vector<16xf32> to vector<1xf32>
      %squeeze3A_225 = vector.extract %slice3A_224[0] : f32 from vector<1xf32>
      %mul3A_226 = arith.mulf %gather3A_222, %gather3A_223 : vector<16xf32>
      %broadcast_in_dim3A_227 = vector.broadcast %squeeze3A_225 : f32 to vector<16xf32>
      %mul3A_228 = arith.mulf %mul3A_226, %broadcast_in_dim3A_227 : vector<16xf32>
      %add3A_229 = arith.addf %add3A_219, %mul3A_228 : vector<16xf32>
      %broadcast_in_dim3A_230 = arith.constant 10 : i32
      %broadcast_in_dim3A_231 = vector.broadcast %broadcast_in_dim3A_230 : i32 to vector<16xi32>
      %gather3A_232 = tpu.vector_load_idx %arg11[%add3A_131, %broadcast_in_dim3A_231] : memref<128x32xf32, #tpu.memory_space<vmem>>[vector<16xi32>, vector<16xi32>], vector<16xf32>,
      %gather3A_233 = tpu.vector_load_idx %arg13[%add3A_131, %broadcast_in_dim3A_231] : memref<128x32xf32, #tpu.memory_space<vmem>>[vector<16xi32>, vector<16xi32>], vector<16xf32>,
      %slice3A_234 = vector.extract_strided_slice %get3A_5 {offsets = [10], sizes = [1], strides = [1]} : vector<16xf32> to vector<1xf32>
      %squeeze3A_235 = vector.extract %slice3A_234[0] : f32 from vector<1xf32>
      %mul3A_236 = arith.mulf %gather3A_232, %gather3A_233 : vector<16xf32>
      %broadcast_in_dim3A_237 = vector.broadcast %squeeze3A_235 : f32 to vector<16xf32>
      %mul3A_238 = arith.mulf %mul3A_236, %broadcast_in_dim3A_237 : vector<16xf32>
      %add3A_239 = arith.addf %add3A_229, %mul3A_238 : vector<16xf32>
      %broadcast_in_dim3A_240 = arith.constant 11 : i32
      %broadcast_in_dim3A_241 = vector.broadcast %broadcast_in_dim3A_240 : i32 to vector<16xi32>
      %gather3A_242 = tpu.vector_load_idx %arg11[%add3A_131, %broadcast_in_dim3A_241] : memref<128x32xf32, #tpu.memory_space<vmem>>[vector<16xi32>, vector<16xi32>], vector<16xf32>,
      %gather3A_243 = tpu.vector_load_idx %arg13[%add3A_131, %broadcast_in_dim3A_241] : memref<128x32xf32, #tpu.memory_space<vmem>>[vector<16xi32>, vector<16xi32>], vector<16xf32>,
      %slice3A_244 = vector.extract_strided_slice %get3A_5 {offsets = [11], sizes = [1], strides = [1]} : vector<16xf32> to vector<1xf32>
      %squeeze3A_245 = vector.extract %slice3A_244[0] : f32 from vector<1xf32>
      %mul3A_246 = arith.mulf %gather3A_242, %gather3A_243 : vector<16xf32>
      %broadcast_in_dim3A_247 = vector.broadcast %squeeze3A_245 : f32 to vector<16xf32>
      %mul3A_248 = arith.mulf %mul3A_246, %broadcast_in_dim3A_247 : vector<16xf32>
      %add3A_249 = arith.addf %add3A_239, %mul3A_248 : vector<16xf32>
      %broadcast_in_dim3A_250 = arith.constant 12 : i32
      %broadcast_in_dim3A_251 = vector.broadcast %broadcast_in_dim3A_250 : i32 to vector<16xi32>
      %gather3A_252 = tpu.vector_load_idx %arg11[%add3A_131, %broadcast_in_dim3A_251] : memref<128x32xf32, #tpu.memory_space<vmem>>[vector<16xi32>, vector<16xi32>], vector<16xf32>,
      %gather3A_253 = tpu.vector_load_idx %arg13[%add3A_131, %broadcast_in_dim3A_251] : memref<128x32xf32, #tpu.memory_space<vmem>>[vector<16xi32>, vector<16xi32>], vector<16xf32>,
      %slice3A_254 = vector.extract_strided_slice %get3A_5 {offsets = [12], sizes = [1], strides = [1]} : vector<16xf32> to vector<1xf32>
      %squeeze3A_255 = vector.extract %slice3A_254[0] : f32 from vector<1xf32>
      %mul3A_256 = arith.mulf %gather3A_252, %gather3A_253 : vector<16xf32>
      %broadcast_in_dim3A_257 = vector.broadcast %squeeze3A_255 : f32 to vector<16xf32>
      %mul3A_258 = arith.mulf %mul3A_256, %broadcast_in_dim3A_257 : vector<16xf32>
      %add3A_259 = arith.addf %add3A_249, %mul3A_258 : vector<16xf32>
      %broadcast_in_dim3A_260 = arith.constant 13 : i32
      %broadcast_in_dim3A_261 = vector.broadcast %broadcast_in_dim3A_260 : i32 to vector<16xi32>
      %gather3A_262 = tpu.vector_load_idx %arg11[%add3A_131, %broadcast_in_dim3A_261] : memref<128x32xf32, #tpu.memory_space<vmem>>[vector<16xi32>, vector<16xi32>], vector<16xf32>,
      %gather3A_263 = tpu.vector_load_idx %arg13[%add3A_131, %broadcast_in_dim3A_261] : memref<128x32xf32, #tpu.memory_space<vmem>>[vector<16xi32>, vector<16xi32>], vector<16xf32>,
      %slice3A_264 = vector.extract_strided_slice %get3A_5 {offsets = [13], sizes = [1], strides = [1]} : vector<16xf32> to vector<1xf32>
      %squeeze3A_265 = vector.extract %slice3A_264[0] : f32 from vector<1xf32>
      %mul3A_266 = arith.mulf %gather3A_262, %gather3A_263 : vector<16xf32>
      %broadcast_in_dim3A_267 = vector.broadcast %squeeze3A_265 : f32 to vector<16xf32>
      %mul3A_268 = arith.mulf %mul3A_266, %broadcast_in_dim3A_267 : vector<16xf32>
      %add3A_269 = arith.addf %add3A_259, %mul3A_268 : vector<16xf32>
      %broadcast_in_dim3A_270 = arith.constant 14 : i32
      %broadcast_in_dim3A_271 = vector.broadcast %broadcast_in_dim3A_270 : i32 to vector<16xi32>
      %gather3A_272 = tpu.vector_load_idx %arg11[%add3A_131, %broadcast_in_dim3A_271] : memref<128x32xf32, #tpu.memory_space<vmem>>[vector<16xi32>, vector<16xi32>], vector<16xf32>,
      %gather3A_273 = tpu.vector_load_idx %arg13[%add3A_131, %broadcast_in_dim3A_271] : memref<128x32xf32, #tpu.memory_space<vmem>>[vector<16xi32>, vector<16xi32>], vector<16xf32>,
      %slice3A_274 = vector.extract_strided_slice %get3A_5 {offsets = [14], sizes = [1], strides = [1]} : vector<16xf32> to vector<1xf32>
      %squeeze3A_275 = vector.extract %slice3A_274[0] : f32 from vector<1xf32>
      %mul3A_276 = arith.mulf %gather3A_272, %gather3A_273 : vector<16xf32>
      %broadcast_in_dim3A_277 = vector.broadcast %squeeze3A_275 : f32 to vector<16xf32>
      %mul3A_278 = arith.mulf %mul3A_276, %broadcast_in_dim3A_277 : vector<16xf32>
      %add3A_279 = arith.addf %add3A_269, %mul3A_278 : vector<16xf32>
      %broadcast_in_dim3A_280 = arith.constant 15 : i32
      %broadcast_in_dim3A_281 = vector.broadcast %broadcast_in_dim3A_280 : i32 to vector<16xi32>
      %gather3A_282 = tpu.vector_load_idx %arg11[%add3A_131, %broadcast_in_dim3A_281] : memref<128x32xf32, #tpu.memory_space<vmem>>[vector<16xi32>, vector<16xi32>], vector<16xf32>,
      %gather3A_283 = tpu.vector_load_idx %arg13[%add3A_131, %broadcast_in_dim3A_281] : memref<128x32xf32, #tpu.memory_space<vmem>>[vector<16xi32>, vector<16xi32>], vector<16xf32>,
      %slice3A_284 = vector.extract_strided_slice %get3A_5 {offsets = [15], sizes = [1], strides = [1]} : vector<16xf32> to vector<1xf32>
      %squeeze3A_285 = vector.extract %slice3A_284[0] : f32 from vector<1xf32>
      %mul3A_286 = arith.mulf %gather3A_282, %gather3A_283 : vector<16xf32>
      %broadcast_in_dim3A_287 = vector.broadcast %squeeze3A_285 : f32 to vector<16xf32>
      %mul3A_288 = arith.mulf %mul3A_286, %broadcast_in_dim3A_287 : vector<16xf32>
      %add3A_289 = arith.addf %add3A_279, %mul3A_288 : vector<16xf32>
      %broadcast_in_dim3A_290 = arith.constant 16 : i32
      %broadcast_in_dim3A_291 = vector.broadcast %broadcast_in_dim3A_290 : i32 to vector<16xi32>
      %gather3A_292 = tpu.vector_load_idx %arg11[%add3A_131, %broadcast_in_dim3A_291] : memref<128x32xf32, #tpu.memory_space<vmem>>[vector<16xi32>, vector<16xi32>], vector<16xf32>,
      %gather3A_293 = tpu.vector_load_idx %arg13[%add3A_131, %broadcast_in_dim3A_291] : memref<128x32xf32, #tpu.memory_space<vmem>>[vector<16xi32>, vector<16xi32>], vector<16xf32>,
      %slice3A_294 = vector.extract_strided_slice %get3A_7 {offsets = [0], sizes = [1], strides = [1]} : vector<16xf32> to vector<1xf32>
      %squeeze3A_295 = vector.extract %slice3A_294[0] : f32 from vector<1xf32>
      %mul3A_296 = arith.mulf %gather3A_292, %gather3A_293 : vector<16xf32>
      %broadcast_in_dim3A_297 = vector.broadcast %squeeze3A_295 : f32 to vector<16xf32>
      %mul3A_298 = arith.mulf %mul3A_296, %broadcast_in_dim3A_297 : vector<16xf32>
      %add3A_299 = arith.addf %add3A_289, %mul3A_298 : vector<16xf32>
      %broadcast_in_dim3A_300 = arith.constant 17 : i32
      %broadcast_in_dim3A_301 = vector.broadcast %broadcast_in_dim3A_300 : i32 to vector<16xi32>
      %gather3A_302 = tpu.vector_load_idx %arg11[%add3A_131, %broadcast_in_dim3A_301] : memref<128x32xf32, #tpu.memory_space<vmem>>[vector<16xi32>, vector<16xi32>], vector<16xf32>,
      %gather3A_303 = tpu.vector_load_idx %arg13[%add3A_131, %broadcast_in_dim3A_301] : memref<128x32xf32, #tpu.memory_space<vmem>>[vector<16xi32>, vector<16xi32>], vector<16xf32>,
      %slice3A_304 = vector.extract_strided_slice %get3A_7 {offsets = [1], sizes = [1], strides = [1]} : vector<16xf32> to vector<1xf32>
      %squeeze3A_305 = vector.extract %slice3A_304[0] : f32 from vector<1xf32>
      %mul3A_306 = arith.mulf %gather3A_302, %gather3A_303 : vector<16xf32>
      %broadcast_in_dim3A_307 = vector.broadcast %squeeze3A_305 : f32 to vector<16xf32>
      %mul3A_308 = arith.mulf %mul3A_306, %broadcast_in_dim3A_307 : vector<16xf32>
      %add3A_309 = arith.addf %add3A_299, %mul3A_308 : vector<16xf32>
      %broadcast_in_dim3A_310 = arith.constant 18 : i32
      %broadcast_in_dim3A_311 = vector.broadcast %broadcast_in_dim3A_310 : i32 to vector<16xi32>
      %gather3A_312 = tpu.vector_load_idx %arg11[%add3A_131, %broadcast_in_dim3A_311] : memref<128x32xf32, #tpu.memory_space<vmem>>[vector<16xi32>, vector<16xi32>], vector<16xf32>,
      %gather3A_313 = tpu.vector_load_idx %arg13[%add3A_131, %broadcast_in_dim3A_311] : memref<128x32xf32, #tpu.memory_space<vmem>>[vector<16xi32>, vector<16xi32>], vector<16xf32>,
      %slice3A_314 = vector.extract_strided_slice %get3A_7 {offsets = [2], sizes = [1], strides = [1]} : vector<16xf32> to vector<1xf32>
      %squeeze3A_315 = vector.extract %slice3A_314[0] : f32 from vector<1xf32>
      %mul3A_316 = arith.mulf %gather3A_312, %gather3A_313 : vector<16xf32>
      %broadcast_in_dim3A_317 = vector.broadcast %squeeze3A_315 : f32 to vector<16xf32>
      %mul3A_318 = arith.mulf %mul3A_316, %broadcast_in_dim3A_317 : vector<16xf32>
      %add3A_319 = arith.addf %add3A_309, %mul3A_318 : vector<16xf32>
      %broadcast_in_dim3A_320 = arith.constant 19 : i32
      %broadcast_in_dim3A_321 = vector.broadcast %broadcast_in_dim3A_320 : i32 to vector<16xi32>
      %gather3A_322 = tpu.vector_load_idx %arg11[%add3A_131, %broadcast_in_dim3A_321] : memref<128x32xf32, #tpu.memory_space<vmem>>[vector<16xi32>, vector<16xi32>], vector<16xf32>,
      %gather3A_323 = tpu.vector_load_idx %arg13[%add3A_131, %broadcast_in_dim3A_321] : memref<128x32xf32, #tpu.memory_space<vmem>>[vector<16xi32>, vector<16xi32>], vector<16xf32>,
      %slice3A_324 = vector.extract_strided_slice %get3A_7 {offsets = [3], sizes = [1], strides = [1]} : vector<16xf32> to vector<1xf32>
      %squeeze3A_325 = vector.extract %slice3A_324[0] : f32 from vector<1xf32>
      %mul3A_326 = arith.mulf %gather3A_322, %gather3A_323 : vector<16xf32>
      %broadcast_in_dim3A_327 = vector.broadcast %squeeze3A_325 : f32 to vector<16xf32>
      %mul3A_328 = arith.mulf %mul3A_326, %broadcast_in_dim3A_327 : vector<16xf32>
      %add3A_329 = arith.addf %add3A_319, %mul3A_328 : vector<16xf32>
      %broadcast_in_dim3A_330 = arith.constant 20 : i32
      %broadcast_in_dim3A_331 = vector.broadcast %broadcast_in_dim3A_330 : i32 to vector<16xi32>
      %gather3A_332 = tpu.vector_load_idx %arg11[%add3A_131, %broadcast_in_dim3A_331] : memref<128x32xf32, #tpu.memory_space<vmem>>[vector<16xi32>, vector<16xi32>], vector<16xf32>,
      %gather3A_333 = tpu.vector_load_idx %arg13[%add3A_131, %broadcast_in_dim3A_331] : memref<128x32xf32, #tpu.memory_space<vmem>>[vector<16xi32>, vector<16xi32>], vector<16xf32>,
      %slice3A_334 = vector.extract_strided_slice %get3A_7 {offsets = [4], sizes = [1], strides = [1]} : vector<16xf32> to vector<1xf32>
      %squeeze3A_335 = vector.extract %slice3A_334[0] : f32 from vector<1xf32>
      %mul3A_336 = arith.mulf %gather3A_332, %gather3A_333 : vector<16xf32>
      %broadcast_in_dim3A_337 = vector.broadcast %squeeze3A_335 : f32 to vector<16xf32>
      %mul3A_338 = arith.mulf %mul3A_336, %broadcast_in_dim3A_337 : vector<16xf32>
      %add3A_339 = arith.addf %add3A_329, %mul3A_338 : vector<16xf32>
      %broadcast_in_dim3A_340 = arith.constant 21 : i32
      %broadcast_in_dim3A_341 = vector.broadcast %broadcast_in_dim3A_340 : i32 to vector<16xi32>
      %gather3A_342 = tpu.vector_load_idx %arg11[%add3A_131, %broadcast_in_dim3A_341] : memref<128x32xf32, #tpu.memory_space<vmem>>[vector<16xi32>, vector<16xi32>], vector<16xf32>,
      %gather3A_343 = tpu.vector_load_idx %arg13[%add3A_131, %broadcast_in_dim3A_341] : memref<128x32xf32, #tpu.memory_space<vmem>>[vector<16xi32>, vector<16xi32>], vector<16xf32>,
      %slice3A_344 = vector.extract_strided_slice %get3A_7 {offsets = [5], sizes = [1], strides = [1]} : vector<16xf32> to vector<1xf32>
      %squeeze3A_345 = vector.extract %slice3A_344[0] : f32 from vector<1xf32>
      %mul3A_346 = arith.mulf %gather3A_342, %gather3A_343 : vector<16xf32>
      %broadcast_in_dim3A_347 = vector.broadcast %squeeze3A_345 : f32 to vector<16xf32>
      %mul3A_348 = arith.mulf %mul3A_346, %broadcast_in_dim3A_347 : vector<16xf32>
      %add3A_349 = arith.addf %add3A_339, %mul3A_348 : vector<16xf32>
      %broadcast_in_dim3A_350 = arith.constant 22 : i32
      %broadcast_in_dim3A_351 = vector.broadcast %broadcast_in_dim3A_350 : i32 to vector<16xi32>
      %gather3A_352 = tpu.vector_load_idx %arg11[%add3A_131, %broadcast_in_dim3A_351] : memref<128x32xf32, #tpu.memory_space<vmem>>[vector<16xi32>, vector<16xi32>], vector<16xf32>,
      %gather3A_353 = tpu.vector_load_idx %arg13[%add3A_131, %broadcast_in_dim3A_351] : memref<128x32xf32, #tpu.memory_space<vmem>>[vector<16xi32>, vector<16xi32>], vector<16xf32>,
      %slice3A_354 = vector.extract_strided_slice %get3A_7 {offsets = [6], sizes = [1], strides = [1]} : vector<16xf32> to vector<1xf32>
      %squeeze3A_355 = vector.extract %slice3A_354[0] : f32 from vector<1xf32>
      %mul3A_356 = arith.mulf %gather3A_352, %gather3A_353 : vector<16xf32>
      %broadcast_in_dim3A_357 = vector.broadcast %squeeze3A_355 : f32 to vector<16xf32>
      %mul3A_358 = arith.mulf %mul3A_356, %broadcast_in_dim3A_357 : vector<16xf32>
      %add3A_359 = arith.addf %add3A_349, %mul3A_358 : vector<16xf32>
      %broadcast_in_dim3A_360 = arith.constant 23 : i32
      %broadcast_in_dim3A_361 = vector.broadcast %broadcast_in_dim3A_360 : i32 to vector<16xi32>
      %gather3A_362 = tpu.vector_load_idx %arg11[%add3A_131, %broadcast_in_dim3A_361] : memref<128x32xf32, #tpu.memory_space<vmem>>[vector<16xi32>, vector<16xi32>], vector<16xf32>,
      %gather3A_363 = tpu.vector_load_idx %arg13[%add3A_131, %broadcast_in_dim3A_361] : memref<128x32xf32, #tpu.memory_space<vmem>>[vector<16xi32>, vector<16xi32>], vector<16xf32>,
      %slice3A_364 = vector.extract_strided_slice %get3A_7 {offsets = [7], sizes = [1], strides = [1]} : vector<16xf32> to vector<1xf32>
      %squeeze3A_365 = vector.extract %slice3A_364[0] : f32 from vector<1xf32>
      %mul3A_366 = arith.mulf %gather3A_362, %gather3A_363 : vector<16xf32>
      %broadcast_in_dim3A_367 = vector.broadcast %squeeze3A_365 : f32 to vector<16xf32>
      %mul3A_368 = arith.mulf %mul3A_366, %broadcast_in_dim3A_367 : vector<16xf32>
      %add3A_369 = arith.addf %add3A_359, %mul3A_368 : vector<16xf32>
      %broadcast_in_dim3A_370 = arith.constant 24 : i32
      %broadcast_in_dim3A_371 = vector.broadcast %broadcast_in_dim3A_370 : i32 to vector<16xi32>
      %gather3A_372 = tpu.vector_load_idx %arg11[%add3A_131, %broadcast_in_dim3A_371] : memref<128x32xf32, #tpu.memory_space<vmem>>[vector<16xi32>, vector<16xi32>], vector<16xf32>,
      %gather3A_373 = tpu.vector_load_idx %arg13[%add3A_131, %broadcast_in_dim3A_371] : memref<128x32xf32, #tpu.memory_space<vmem>>[vector<16xi32>, vector<16xi32>], vector<16xf32>,
      %slice3A_374 = vector.extract_strided_slice %get3A_7 {offsets = [8], sizes = [1], strides = [1]} : vector<16xf32> to vector<1xf32>
      %squeeze3A_375 = vector.extract %slice3A_374[0] : f32 from vector<1xf32>
      %mul3A_376 = arith.mulf %gather3A_372, %gather3A_373 : vector<16xf32>
      %broadcast_in_dim3A_377 = vector.broadcast %squeeze3A_375 : f32 to vector<16xf32>
      %mul3A_378 = arith.mulf %mul3A_376, %broadcast_in_dim3A_377 : vector<16xf32>
      %add3A_379 = arith.addf %add3A_369, %mul3A_378 : vector<16xf32>
      %broadcast_in_dim3A_380 = arith.constant 25 : i32
      %broadcast_in_dim3A_381 = vector.broadcast %broadcast_in_dim3A_380 : i32 to vector<16xi32>
      %gather3A_382 = tpu.vector_load_idx %arg11[%add3A_131, %broadcast_in_dim3A_381] : memref<128x32xf32, #tpu.memory_space<vmem>>[vector<16xi32>, vector<16xi32>], vector<16xf32>,
      %gather3A_383 = tpu.vector_load_idx %arg13[%add3A_131, %broadcast_in_dim3A_381] : memref<128x32xf32, #tpu.memory_space<vmem>>[vector<16xi32>, vector<16xi32>], vector<16xf32>,
      %slice3A_384 = vector.extract_strided_slice %get3A_7 {offsets = [9], sizes = [1], strides = [1]} : vector<16xf32> to vector<1xf32>
      %squeeze3A_385 = vector.extract %slice3A_384[0] : f32 from vector<1xf32>
      %mul3A_386 = arith.mulf %gather3A_382, %gather3A_383 : vector<16xf32>
      %broadcast_in_dim3A_387 = vector.broadcast %squeeze3A_385 : f32 to vector<16xf32>
      %mul3A_388 = arith.mulf %mul3A_386, %broadcast_in_dim3A_387 : vector<16xf32>
      %add3A_389 = arith.addf %add3A_379, %mul3A_388 : vector<16xf32>
      %broadcast_in_dim3A_390 = arith.constant 26 : i32
      %broadcast_in_dim3A_391 = vector.broadcast %broadcast_in_dim3A_390 : i32 to vector<16xi32>
      %gather3A_392 = tpu.vector_load_idx %arg11[%add3A_131, %broadcast_in_dim3A_391] : memref<128x32xf32, #tpu.memory_space<vmem>>[vector<16xi32>, vector<16xi32>], vector<16xf32>,
      %gather3A_393 = tpu.vector_load_idx %arg13[%add3A_131, %broadcast_in_dim3A_391] : memref<128x32xf32, #tpu.memory_space<vmem>>[vector<16xi32>, vector<16xi32>], vector<16xf32>,
      %slice3A_394 = vector.extract_strided_slice %get3A_7 {offsets = [10], sizes = [1], strides = [1]} : vector<16xf32> to vector<1xf32>
      %squeeze3A_395 = vector.extract %slice3A_394[0] : f32 from vector<1xf32>
      %mul3A_396 = arith.mulf %gather3A_392, %gather3A_393 : vector<16xf32>
      %broadcast_in_dim3A_397 = vector.broadcast %squeeze3A_395 : f32 to vector<16xf32>
      %mul3A_398 = arith.mulf %mul3A_396, %broadcast_in_dim3A_397 : vector<16xf32>
      %add3A_399 = arith.addf %add3A_389, %mul3A_398 : vector<16xf32>
      %broadcast_in_dim3A_400 = arith.constant 27 : i32
      %broadcast_in_dim3A_401 = vector.broadcast %broadcast_in_dim3A_400 : i32 to vector<16xi32>
      %gather3A_402 = tpu.vector_load_idx %arg11[%add3A_131, %broadcast_in_dim3A_401] : memref<128x32xf32, #tpu.memory_space<vmem>>[vector<16xi32>, vector<16xi32>], vector<16xf32>,
      %gather3A_403 = tpu.vector_load_idx %arg13[%add3A_131, %broadcast_in_dim3A_401] : memref<128x32xf32, #tpu.memory_space<vmem>>[vector<16xi32>, vector<16xi32>], vector<16xf32>,
      %slice3A_404 = vector.extract_strided_slice %get3A_7 {offsets = [11], sizes = [1], strides = [1]} : vector<16xf32> to vector<1xf32>
      %squeeze3A_405 = vector.extract %slice3A_404[0] : f32 from vector<1xf32>
      %mul3A_406 = arith.mulf %gather3A_402, %gather3A_403 : vector<16xf32>
      %broadcast_in_dim3A_407 = vector.broadcast %squeeze3A_405 : f32 to vector<16xf32>
      %mul3A_408 = arith.mulf %mul3A_406, %broadcast_in_dim3A_407 : vector<16xf32>
      %add3A_409 = arith.addf %add3A_399, %mul3A_408 : vector<16xf32>
      %broadcast_in_dim3A_410 = arith.constant 28 : i32
      %broadcast_in_dim3A_411 = vector.broadcast %broadcast_in_dim3A_410 : i32 to vector<16xi32>
      %gather3A_412 = tpu.vector_load_idx %arg11[%add3A_131, %broadcast_in_dim3A_411] : memref<128x32xf32, #tpu.memory_space<vmem>>[vector<16xi32>, vector<16xi32>], vector<16xf32>,
      %gather3A_413 = tpu.vector_load_idx %arg13[%add3A_131, %broadcast_in_dim3A_411] : memref<128x32xf32, #tpu.memory_space<vmem>>[vector<16xi32>, vector<16xi32>], vector<16xf32>,
      %slice3A_414 = vector.extract_strided_slice %get3A_7 {offsets = [12], sizes = [1], strides = [1]} : vector<16xf32> to vector<1xf32>
      %squeeze3A_415 = vector.extract %slice3A_414[0] : f32 from vector<1xf32>
      %mul3A_416 = arith.mulf %gather3A_412, %gather3A_413 : vector<16xf32>
      %broadcast_in_dim3A_417 = vector.broadcast %squeeze3A_415 : f32 to vector<16xf32>
      %mul3A_418 = arith.mulf %mul3A_416, %broadcast_in_dim3A_417 : vector<16xf32>
      %add3A_419 = arith.addf %add3A_409, %mul3A_418 : vector<16xf32>
      %broadcast_in_dim3A_420 = arith.constant 29 : i32
      %broadcast_in_dim3A_421 = vector.broadcast %broadcast_in_dim3A_420 : i32 to vector<16xi32>
      %gather3A_422 = tpu.vector_load_idx %arg11[%add3A_131, %broadcast_in_dim3A_421] : memref<128x32xf32, #tpu.memory_space<vmem>>[vector<16xi32>, vector<16xi32>], vector<16xf32>,
      %gather3A_423 = tpu.vector_load_idx %arg13[%add3A_131, %broadcast_in_dim3A_421] : memref<128x32xf32, #tpu.memory_space<vmem>>[vector<16xi32>, vector<16xi32>], vector<16xf32>,
      %slice3A_424 = vector.extract_strided_slice %get3A_7 {offsets = [13], sizes = [1], strides = [1]} : vector<16xf32> to vector<1xf32>
      %squeeze3A_425 = vector.extract %slice3A_424[0] : f32 from vector<1xf32>
      %mul3A_426 = arith.mulf %gather3A_422, %gather3A_423 : vector<16xf32>
      %broadcast_in_dim3A_427 = vector.broadcast %squeeze3A_425 : f32 to vector<16xf32>
      %mul3A_428 = arith.mulf %mul3A_426, %broadcast_in_dim3A_427 : vector<16xf32>
      %add3A_429 = arith.addf %add3A_419, %mul3A_428 : vector<16xf32>
      %broadcast_in_dim3A_430 = arith.constant 30 : i32
      %broadcast_in_dim3A_431 = vector.broadcast %broadcast_in_dim3A_430 : i32 to vector<16xi32>
      %gather3A_432 = tpu.vector_load_idx %arg11[%add3A_131, %broadcast_in_dim3A_431] : memref<128x32xf32, #tpu.memory_space<vmem>>[vector<16xi32>, vector<16xi32>], vector<16xf32>,
      %gather3A_433 = tpu.vector_load_idx %arg13[%add3A_131, %broadcast_in_dim3A_431] : memref<128x32xf32, #tpu.memory_space<vmem>>[vector<16xi32>, vector<16xi32>], vector<16xf32>,
      %slice3A_434 = vector.extract_strided_slice %get3A_7 {offsets = [14], sizes = [1], strides = [1]} : vector<16xf32> to vector<1xf32>
      %squeeze3A_435 = vector.extract %slice3A_434[0] : f32 from vector<1xf32>
      %mul3A_436 = arith.mulf %gather3A_432, %gather3A_433 : vector<16xf32>
      %broadcast_in_dim3A_437 = vector.broadcast %squeeze3A_435 : f32 to vector<16xf32>
      %mul3A_438 = arith.mulf %mul3A_436, %broadcast_in_dim3A_437 : vector<16xf32>
      %add3A_439 = arith.addf %add3A_429, %mul3A_438 : vector<16xf32>
      %broadcast_in_dim3A_440 = arith.constant 31 : i32
      %broadcast_in_dim3A_441 = vector.broadcast %broadcast_in_dim3A_440 : i32 to vector<16xi32>
      %gather3A_442 = tpu.vector_load_idx %arg11[%add3A_131, %broadcast_in_dim3A_441] : memref<128x32xf32, #tpu.memory_space<vmem>>[vector<16xi32>, vector<16xi32>], vector<16xf32>,
      %gather3A_443 = tpu.vector_load_idx %arg13[%add3A_131, %broadcast_in_dim3A_441] : memref<128x32xf32, #tpu.memory_space<vmem>>[vector<16xi32>, vector<16xi32>], vector<16xf32>,
      %slice3A_444 = vector.extract_strided_slice %get3A_7 {offsets = [15], sizes = [1], strides = [1]} : vector<16xf32> to vector<1xf32>
      %squeeze3A_445 = vector.extract %slice3A_444[0] : f32 from vector<1xf32>
      %mul3A_446 = arith.mulf %gather3A_442, %gather3A_443 : vector<16xf32>
      %broadcast_in_dim3A_447 = vector.broadcast %squeeze3A_445 : f32 to vector<16xf32>
      %mul3A_448 = arith.mulf %mul3A_446, %broadcast_in_dim3A_447 : vector<16xf32>
      %add3A_449 = arith.addf %add3A_439, %mul3A_448 : vector<16xf32>
      %add3A_450 = arith.addf %add3A_449, %get3A_3 : vector<16xf32>
      %neg3A = arith.constant 0.000000e+00 : f32
      %neg3A_451 = vector.broadcast %neg3A : f32 to vector<16xf32>
      %neg3A_452 = arith.subf %neg3A_451, %add3A_450 : vector<16xf32>
      %exp3A = math.exp %neg3A_452 : vector<16xf32>
      %add3A_453 = arith.constant 1.000000e+00 : f32
      %add3A_454 = vector.broadcast %add3A_453 : f32 to vector<16xf32>
      %add3A_455 = arith.addf %add3A_454, %exp3A : vector<16xf32>
      %div3A = arith.constant 5.000000e+00 : f32
      %div3A_456 = vector.broadcast %div3A : f32 to vector<16xf32>
      %div3A_457 = arith.divf %div3A_456, %add3A_455 : vector<16xf32>
      %add3A_458 = arith.constant 1.000000e+00 : f32
      %add3A_459 = vector.broadcast %add3A_458 : f32 to vector<16xf32>
      %add3A_460 = arith.addf %div3A_457, %add3A_459 : vector<16xf32>
      %mul3A_461 = arith.constant 16 : i32
      %mul3A_462 = arith.muli %scan3A_127, %mul3A_461 : i32
      %add3A_463 = arith.constant 0 : i32
      %add3A_464 = arith.addi %add3A_463, %mul3A_462 : i32
      %swap3A = arith.index_cast %add3A_464 : i32 to index
      %swap3A_465 = tpu.vector_load %arg17[%swap3A] {strides = array<i32>} : memref<512xf32, #tpu.memory_space<vmem>>, vector<16xf32>,
      tpu.vector_store %arg17[%swap3A], %add3A_460 {strides = array<i32>} : memref<512xf32, #tpu.memory_space<vmem>>, vector<16xf32>,
    }
    %scan3A_48 = arith.constant 8 : i32
    %scan3A_49 = arith.constant 0 : i32
    %scan3A_50 = arith.constant 0 : i32
    %scan3A_51 = arith.constant 128 : i32
    %scan3A_52 = arith.addi %scan3A_50, %scan3A_51 : i32
    %scan3A_53 = arith.constant 1 : i32
    scf.for %scan3A_127 = %scan3A_50 to %scan3A_52 step %scan3A_53  : i32 {
      %add3A_128 = arith.constant 256 : i32
      %add3A_129 = arith.addi %add3A_128, %scan3A_127 : i32
      %get3A_130 = arith.index_cast %add3A_129 : i32 to index
      %get3A_131 = tpu.vector_load %arg9[%get3A_130] {strides = array<i32>} : memref<528xi32, #tpu.memory_space<vmem>>, vector<16xi32>,
      %slice3A = vector.extract_strided_slice %get3A_131 {offsets = [0], sizes = [1], strides = [1]} : vector<16xi32> to vector<1xi32>
      %squeeze3A = vector.extract %slice3A[0] : i32 from vector<1xi32>
      %dma_start3A = arith.constant 0 : i32
      %dma_start3A_132 = tpu.memref_slice %arg11[%scan3A_127, %dma_start3A] : memref<128x32xf32, #tpu.memory_space<vmem>> -> memref<1x32xf32, #tpu.memory_space<vmem>>
      %dma_start3A_133 = tpu.memref_squeeze %dma_start3A_132 : memref<1x32xf32, #tpu.memory_space<vmem>> -> memref<32xf32, #tpu.memory_space<vmem>>
      %dma_start3A_134 = arith.constant 0 : i32
      %dma_start3A_135 = tpu.memref_slice %arg4[%squeeze3A, %dma_start3A_134] : memref<1000000x32xf32, #tpu.memory_space<hbm>> -> memref<1x32xf32, #tpu.memory_space<hbm>>
      %dma_start3A_136 = tpu.memref_squeeze %dma_start3A_135 : memref<1x32xf32, #tpu.memory_space<hbm>> -> memref<32xf32, #tpu.memory_space<hbm>>
      %dma_start3A_137 = arith.constant 0 : i32
      %dma_start3A_138 = tpu.memref_slice %arg11[%scan3A_127, %dma_start3A_137] : memref<128x32xf32, #tpu.memory_space<vmem>> -> memref<1x32xf32, #tpu.memory_space<vmem>>
      %dma_start3A_139 = tpu.memref_squeeze %dma_start3A_138 : memref<1x32xf32, #tpu.memory_space<vmem>> -> memref<32xf32, #tpu.memory_space<vmem>>
      %dma_start3A_140 = arith.constant 0 : i32
      %dma_start3A_141 = tpu.memref_slice %arg4[%squeeze3A, %dma_start3A_140] : memref<1000000x32xf32, #tpu.memory_space<hbm>> -> memref<1x32xf32, #tpu.memory_space<hbm>>
      %dma_start3A_142 = tpu.memref_squeeze %dma_start3A_141 : memref<1x32xf32, #tpu.memory_space<hbm>> -> memref<32xf32, #tpu.memory_space<hbm>>
      tpu.enqueue_dma source(%dma_start3A_142 : memref<32xf32, #tpu.memory_space<hbm>>) target(%dma_start3A_139 : memref<32xf32, #tpu.memory_space<vmem>>) target_semaphore(%arg18 : memref<!tpu.dma_semaphore, #tpu.memory_space<semaphore_mem>>)
    }
    %scan3A_54 = arith.constant 128 : i32
    %scan3A_55 = arith.constant 0 : i32
    %scan3A_56 = arith.constant 0 : i32
    %scan3A_57 = arith.constant 128 : i32
    %scan3A_58 = arith.addi %scan3A_56, %scan3A_57 : i32
    %scan3A_59 = arith.constant 1 : i32
    scf.for %scan3A_127 = %scan3A_56 to %scan3A_58 step %scan3A_59  : i32 {
      %add3A_128 = arith.constant 256 : i32
      %add3A_129 = arith.addi %add3A_128, %scan3A_127 : i32
      %get3A_130 = arith.index_cast %add3A_129 : i32 to index
      %get3A_131 = tpu.vector_load %arg10[%get3A_130] {strides = array<i32>} : memref<528xi32, #tpu.memory_space<vmem>>, vector<16xi32>,
      %slice3A = vector.extract_strided_slice %get3A_131 {offsets = [0], sizes = [1], strides = [1]} : vector<16xi32> to vector<1xi32>
      %squeeze3A = vector.extract %slice3A[0] : i32 from vector<1xi32>
      %dma_start3A = arith.constant 0 : i32
      %dma_start3A_132 = tpu.memref_slice %arg13[%scan3A_127, %dma_start3A] : memref<128x32xf32, #tpu.memory_space<vmem>> -> memref<1x32xf32, #tpu.memory_space<vmem>>
      %dma_start3A_133 = tpu.memref_squeeze %dma_start3A_132 : memref<1x32xf32, #tpu.memory_space<vmem>> -> memref<32xf32, #tpu.memory_space<vmem>>
      %dma_start3A_134 = arith.constant 0 : i32
      %dma_start3A_135 = tpu.memref_slice %arg5[%squeeze3A, %dma_start3A_134] : memref<100000x32xf32, #tpu.memory_space<hbm>> -> memref<1x32xf32, #tpu.memory_space<hbm>>
      %dma_start3A_136 = tpu.memref_squeeze %dma_start3A_135 : memref<1x32xf32, #tpu.memory_space<hbm>> -> memref<32xf32, #tpu.memory_space<hbm>>
      %dma_start3A_137 = arith.constant 0 : i32
      %dma_start3A_138 = tpu.memref_slice %arg13[%scan3A_127, %dma_start3A_137] : memref<128x32xf32, #tpu.memory_space<vmem>> -> memref<1x32xf32, #tpu.memory_space<vmem>>
      %dma_start3A_139 = tpu.memref_squeeze %dma_start3A_138 : memref<1x32xf32, #tpu.memory_space<vmem>> -> memref<32xf32, #tpu.memory_space<vmem>>
      %dma_start3A_140 = arith.constant 0 : i32
      %dma_start3A_141 = tpu.memref_slice %arg5[%squeeze3A, %dma_start3A_140] : memref<100000x32xf32, #tpu.memory_space<hbm>> -> memref<1x32xf32, #tpu.memory_space<hbm>>
      %dma_start3A_142 = tpu.memref_squeeze %dma_start3A_141 : memref<1x32xf32, #tpu.memory_space<hbm>> -> memref<32xf32, #tpu.memory_space<hbm>>
      tpu.enqueue_dma source(%dma_start3A_142 : memref<32xf32, #tpu.memory_space<hbm>>) target(%dma_start3A_139 : memref<32xf32, #tpu.memory_space<vmem>>) target_semaphore(%arg20 : memref<!tpu.dma_semaphore, #tpu.memory_space<semaphore_mem>>)
    }
    %scan3A_60 = arith.constant 128 : i32
    %scan3A_61 = arith.constant 0 : i32
    %scan3A_62 = arith.constant 0 : i32
    %scan3A_63 = arith.constant 128 : i32
    %scan3A_64 = arith.addi %scan3A_62, %scan3A_63 : i32
    %scan3A_65 = arith.constant 1 : i32
    scf.for %scan3A_127 = %scan3A_62 to %scan3A_64 step %scan3A_65  : i32 {
      %dma_wait3A = arith.constant 0 : i32
      %dma_wait3A_128 = arith.constant 0 : i32
      %dma_wait3A_129 = arith.constant 0 : i32
      %dma_wait3A_130 = tpu.memref_slice %arg12[%dma_wait3A_128, %dma_wait3A_129] : memref<128x32xf32, #tpu.memory_space<vmem>> -> memref<1x32xf32, #tpu.memory_space<vmem>>
      %dma_wait3A_131 = tpu.memref_squeeze %dma_wait3A_130 : memref<1x32xf32, #tpu.memory_space<vmem>> -> memref<32xf32, #tpu.memory_space<vmem>>
      %dma_wait3A_132 = arith.constant 0 : i32
      %dma_wait3A_133 = tpu.memref_slice %arg4[%dma_wait3A, %dma_wait3A_132] : memref<1000000x32xf32, #tpu.memory_space<hbm>> -> memref<1x32xf32, #tpu.memory_space<hbm>>
      %dma_wait3A_134 = tpu.memref_squeeze %dma_wait3A_133 : memref<1x32xf32, #tpu.memory_space<hbm>> -> memref<32xf32, #tpu.memory_space<hbm>>
      %dma_wait3A_135 = arith.constant 0 : i32
      %dma_wait3A_136 = tpu.memref_slice %arg12[%dma_wait3A_128, %dma_wait3A_135] : memref<128x32xf32, #tpu.memory_space<vmem>> -> memref<1x32xf32, #tpu.memory_space<vmem>>
      %dma_wait3A_137 = tpu.memref_squeeze %dma_wait3A_136 : memref<1x32xf32, #tpu.memory_space<vmem>> -> memref<32xf32, #tpu.memory_space<vmem>>
      %dma_wait3A_138 = arith.constant 0 : i32
      %dma_wait3A_139 = tpu.memref_slice %arg4[%dma_wait3A, %dma_wait3A_138] : memref<1000000x32xf32, #tpu.memory_space<hbm>> -> memref<1x32xf32, #tpu.memory_space<hbm>>
      %dma_wait3A_140 = tpu.memref_squeeze %dma_wait3A_139 : memref<1x32xf32, #tpu.memory_space<hbm>> -> memref<32xf32, #tpu.memory_space<hbm>>
      tpu.wait_dma2 semaphore(%arg19 : memref<!tpu.dma_semaphore, #tpu.memory_space<semaphore_mem>>) src(%dma_wait3A_140 : memref<32xf32, #tpu.memory_space<hbm>>) dst(%dma_wait3A_137 : memref<32xf32, #tpu.memory_space<vmem>>)
    }
    %scan3A_66 = arith.constant 128 : i32
    %scan3A_67 = arith.constant 0 : i32
    %scan3A_68 = arith.constant 0 : i32
    %scan3A_69 = arith.constant 128 : i32
    %scan3A_70 = arith.addi %scan3A_68, %scan3A_69 : i32
    %scan3A_71 = arith.constant 1 : i32
    scf.for %scan3A_127 = %scan3A_68 to %scan3A_70 step %scan3A_71  : i32 {
      %dma_wait3A = arith.constant 0 : i32
      %dma_wait3A_128 = arith.constant 0 : i32
      %dma_wait3A_129 = arith.constant 0 : i32
      %dma_wait3A_130 = tpu.memref_slice %arg14[%dma_wait3A_128, %dma_wait3A_129] : memref<128x32xf32, #tpu.memory_space<vmem>> -> memref<1x32xf32, #tpu.memory_space<vmem>>
      %dma_wait3A_131 = tpu.memref_squeeze %dma_wait3A_130 : memref<1x32xf32, #tpu.memory_space<vmem>> -> memref<32xf32, #tpu.memory_space<vmem>>
      %dma_wait3A_132 = arith.constant 0 : i32
      %dma_wait3A_133 = tpu.memref_slice %arg5[%dma_wait3A, %dma_wait3A_132] : memref<100000x32xf32, #tpu.memory_space<hbm>> -> memref<1x32xf32, #tpu.memory_space<hbm>>
      %dma_wait3A_134 = tpu.memref_squeeze %dma_wait3A_133 : memref<1x32xf32, #tpu.memory_space<hbm>> -> memref<32xf32, #tpu.memory_space<hbm>>
      %dma_wait3A_135 = arith.constant 0 : i32
      %dma_wait3A_136 = tpu.memref_slice %arg14[%dma_wait3A_128, %dma_wait3A_135] : memref<128x32xf32, #tpu.memory_space<vmem>> -> memref<1x32xf32, #tpu.memory_space<vmem>>
      %dma_wait3A_137 = tpu.memref_squeeze %dma_wait3A_136 : memref<1x32xf32, #tpu.memory_space<vmem>> -> memref<32xf32, #tpu.memory_space<vmem>>
      %dma_wait3A_138 = arith.constant 0 : i32
      %dma_wait3A_139 = tpu.memref_slice %arg5[%dma_wait3A, %dma_wait3A_138] : memref<100000x32xf32, #tpu.memory_space<hbm>> -> memref<1x32xf32, #tpu.memory_space<hbm>>
      %dma_wait3A_140 = tpu.memref_squeeze %dma_wait3A_139 : memref<1x32xf32, #tpu.memory_space<hbm>> -> memref<32xf32, #tpu.memory_space<hbm>>
      tpu.wait_dma2 semaphore(%arg21 : memref<!tpu.dma_semaphore, #tpu.memory_space<semaphore_mem>>) src(%dma_wait3A_140 : memref<32xf32, #tpu.memory_space<hbm>>) dst(%dma_wait3A_137 : memref<32xf32, #tpu.memory_space<vmem>>)
    }
    %scan3A_72 = arith.constant 128 : i32
    %scan3A_73 = arith.constant 0 : i32
    %scan3A_74 = arith.constant 0 : i32
    %scan3A_75 = arith.constant 8 : i32
    %scan3A_76 = arith.addi %scan3A_74, %scan3A_75 : i32
    %scan3A_77 = arith.constant 1 : i32
    scf.for %scan3A_127 = %scan3A_74 to %scan3A_76 step %scan3A_77  : i32 {
      %mul3A_128 = arith.constant 16 : i32
      %mul3A_129 = arith.muli %scan3A_127, %mul3A_128 : i32
      %add3A_130 = vector.broadcast %mul3A_129 : i32 to vector<16xi32>
      %add3A_131 = arith.addi %iota3A, %add3A_130 : vector<16xi32>
      %broadcast_in_dim3A = arith.constant 0.000000e+00 : f32
      %broadcast_in_dim3A_132 = vector.broadcast %broadcast_in_dim3A : f32 to vector<16xf32>
      %broadcast_in_dim3A_133 = arith.constant 0 : i32
      %broadcast_in_dim3A_134 = vector.broadcast %broadcast_in_dim3A_133 : i32 to vector<16xi32>
      %gather3A = tpu.vector_load_idx %arg12[%add3A_131, %broadcast_in_dim3A_134] : memref<128x32xf32, #tpu.memory_space<vmem>>[vector<16xi32>, vector<16xi32>], vector<16xf32>,
      %gather3A_135 = tpu.vector_load_idx %arg14[%add3A_131, %broadcast_in_dim3A_134] : memref<128x32xf32, #tpu.memory_space<vmem>>[vector<16xi32>, vector<16xi32>], vector<16xf32>,
      %slice3A = vector.extract_strided_slice %get3A_5 {offsets = [0], sizes = [1], strides = [1]} : vector<16xf32> to vector<1xf32>
      %squeeze3A = vector.extract %slice3A[0] : f32 from vector<1xf32>
      %mul3A_136 = arith.mulf %gather3A, %gather3A_135 : vector<16xf32>
      %broadcast_in_dim3A_137 = vector.broadcast %squeeze3A : f32 to vector<16xf32>
      %mul3A_138 = arith.mulf %mul3A_136, %broadcast_in_dim3A_137 : vector<16xf32>
      %add3A_139 = arith.addf %broadcast_in_dim3A_132, %mul3A_138 : vector<16xf32>
      %broadcast_in_dim3A_140 = arith.constant 1 : i32
      %broadcast_in_dim3A_141 = vector.broadcast %broadcast_in_dim3A_140 : i32 to vector<16xi32>
      %gather3A_142 = tpu.vector_load_idx %arg12[%add3A_131, %broadcast_in_dim3A_141] : memref<128x32xf32, #tpu.memory_space<vmem>>[vector<16xi32>, vector<16xi32>], vector<16xf32>,
      %gather3A_143 = tpu.vector_load_idx %arg14[%add3A_131, %broadcast_in_dim3A_141] : memref<128x32xf32, #tpu.memory_space<vmem>>[vector<16xi32>, vector<16xi32>], vector<16xf32>,
      %slice3A_144 = vector.extract_strided_slice %get3A_5 {offsets = [1], sizes = [1], strides = [1]} : vector<16xf32> to vector<1xf32>
      %squeeze3A_145 = vector.extract %slice3A_144[0] : f32 from vector<1xf32>
      %mul3A_146 = arith.mulf %gather3A_142, %gather3A_143 : vector<16xf32>
      %broadcast_in_dim3A_147 = vector.broadcast %squeeze3A_145 : f32 to vector<16xf32>
      %mul3A_148 = arith.mulf %mul3A_146, %broadcast_in_dim3A_147 : vector<16xf32>
      %add3A_149 = arith.addf %add3A_139, %mul3A_148 : vector<16xf32>
      %broadcast_in_dim3A_150 = arith.constant 2 : i32
      %broadcast_in_dim3A_151 = vector.broadcast %broadcast_in_dim3A_150 : i32 to vector<16xi32>
      %gather3A_152 = tpu.vector_load_idx %arg12[%add3A_131, %broadcast_in_dim3A_151] : memref<128x32xf32, #tpu.memory_space<vmem>>[vector<16xi32>, vector<16xi32>], vector<16xf32>,
      %gather3A_153 = tpu.vector_load_idx %arg14[%add3A_131, %broadcast_in_dim3A_151] : memref<128x32xf32, #tpu.memory_space<vmem>>[vector<16xi32>, vector<16xi32>], vector<16xf32>,
      %slice3A_154 = vector.extract_strided_slice %get3A_5 {offsets = [2], sizes = [1], strides = [1]} : vector<16xf32> to vector<1xf32>
      %squeeze3A_155 = vector.extract %slice3A_154[0] : f32 from vector<1xf32>
      %mul3A_156 = arith.mulf %gather3A_152, %gather3A_153 : vector<16xf32>
      %broadcast_in_dim3A_157 = vector.broadcast %squeeze3A_155 : f32 to vector<16xf32>
      %mul3A_158 = arith.mulf %mul3A_156, %broadcast_in_dim3A_157 : vector<16xf32>
      %add3A_159 = arith.addf %add3A_149, %mul3A_158 : vector<16xf32>
      %broadcast_in_dim3A_160 = arith.constant 3 : i32
      %broadcast_in_dim3A_161 = vector.broadcast %broadcast_in_dim3A_160 : i32 to vector<16xi32>
      %gather3A_162 = tpu.vector_load_idx %arg12[%add3A_131, %broadcast_in_dim3A_161] : memref<128x32xf32, #tpu.memory_space<vmem>>[vector<16xi32>, vector<16xi32>], vector<16xf32>,
      %gather3A_163 = tpu.vector_load_idx %arg14[%add3A_131, %broadcast_in_dim3A_161] : memref<128x32xf32, #tpu.memory_space<vmem>>[vector<16xi32>, vector<16xi32>], vector<16xf32>,
      %slice3A_164 = vector.extract_strided_slice %get3A_5 {offsets = [3], sizes = [1], strides = [1]} : vector<16xf32> to vector<1xf32>
      %squeeze3A_165 = vector.extract %slice3A_164[0] : f32 from vector<1xf32>
      %mul3A_166 = arith.mulf %gather3A_162, %gather3A_163 : vector<16xf32>
      %broadcast_in_dim3A_167 = vector.broadcast %squeeze3A_165 : f32 to vector<16xf32>
      %mul3A_168 = arith.mulf %mul3A_166, %broadcast_in_dim3A_167 : vector<16xf32>
      %add3A_169 = arith.addf %add3A_159, %mul3A_168 : vector<16xf32>
      %broadcast_in_dim3A_170 = arith.constant 4 : i32
      %broadcast_in_dim3A_171 = vector.broadcast %broadcast_in_dim3A_170 : i32 to vector<16xi32>
      %gather3A_172 = tpu.vector_load_idx %arg12[%add3A_131, %broadcast_in_dim3A_171] : memref<128x32xf32, #tpu.memory_space<vmem>>[vector<16xi32>, vector<16xi32>], vector<16xf32>,
      %gather3A_173 = tpu.vector_load_idx %arg14[%add3A_131, %broadcast_in_dim3A_171] : memref<128x32xf32, #tpu.memory_space<vmem>>[vector<16xi32>, vector<16xi32>], vector<16xf32>,
      %slice3A_174 = vector.extract_strided_slice %get3A_5 {offsets = [4], sizes = [1], strides = [1]} : vector<16xf32> to vector<1xf32>
      %squeeze3A_175 = vector.extract %slice3A_174[0] : f32 from vector<1xf32>
      %mul3A_176 = arith.mulf %gather3A_172, %gather3A_173 : vector<16xf32>
      %broadcast_in_dim3A_177 = vector.broadcast %squeeze3A_175 : f32 to vector<16xf32>
      %mul3A_178 = arith.mulf %mul3A_176, %broadcast_in_dim3A_177 : vector<16xf32>
      %add3A_179 = arith.addf %add3A_169, %mul3A_178 : vector<16xf32>
      %broadcast_in_dim3A_180 = arith.constant 5 : i32
      %broadcast_in_dim3A_181 = vector.broadcast %broadcast_in_dim3A_180 : i32 to vector<16xi32>
      %gather3A_182 = tpu.vector_load_idx %arg12[%add3A_131, %broadcast_in_dim3A_181] : memref<128x32xf32, #tpu.memory_space<vmem>>[vector<16xi32>, vector<16xi32>], vector<16xf32>,
      %gather3A_183 = tpu.vector_load_idx %arg14[%add3A_131, %broadcast_in_dim3A_181] : memref<128x32xf32, #tpu.memory_space<vmem>>[vector<16xi32>, vector<16xi32>], vector<16xf32>,
      %slice3A_184 = vector.extract_strided_slice %get3A_5 {offsets = [5], sizes = [1], strides = [1]} : vector<16xf32> to vector<1xf32>
      %squeeze3A_185 = vector.extract %slice3A_184[0] : f32 from vector<1xf32>
      %mul3A_186 = arith.mulf %gather3A_182, %gather3A_183 : vector<16xf32>
      %broadcast_in_dim3A_187 = vector.broadcast %squeeze3A_185 : f32 to vector<16xf32>
      %mul3A_188 = arith.mulf %mul3A_186, %broadcast_in_dim3A_187 : vector<16xf32>
      %add3A_189 = arith.addf %add3A_179, %mul3A_188 : vector<16xf32>
      %broadcast_in_dim3A_190 = arith.constant 6 : i32
      %broadcast_in_dim3A_191 = vector.broadcast %broadcast_in_dim3A_190 : i32 to vector<16xi32>
      %gather3A_192 = tpu.vector_load_idx %arg12[%add3A_131, %broadcast_in_dim3A_191] : memref<128x32xf32, #tpu.memory_space<vmem>>[vector<16xi32>, vector<16xi32>], vector<16xf32>,
      %gather3A_193 = tpu.vector_load_idx %arg14[%add3A_131, %broadcast_in_dim3A_191] : memref<128x32xf32, #tpu.memory_space<vmem>>[vector<16xi32>, vector<16xi32>], vector<16xf32>,
      %slice3A_194 = vector.extract_strided_slice %get3A_5 {offsets = [6], sizes = [1], strides = [1]} : vector<16xf32> to vector<1xf32>
      %squeeze3A_195 = vector.extract %slice3A_194[0] : f32 from vector<1xf32>
      %mul3A_196 = arith.mulf %gather3A_192, %gather3A_193 : vector<16xf32>
      %broadcast_in_dim3A_197 = vector.broadcast %squeeze3A_195 : f32 to vector<16xf32>
      %mul3A_198 = arith.mulf %mul3A_196, %broadcast_in_dim3A_197 : vector<16xf32>
      %add3A_199 = arith.addf %add3A_189, %mul3A_198 : vector<16xf32>
      %broadcast_in_dim3A_200 = arith.constant 7 : i32
      %broadcast_in_dim3A_201 = vector.broadcast %broadcast_in_dim3A_200 : i32 to vector<16xi32>
      %gather3A_202 = tpu.vector_load_idx %arg12[%add3A_131, %broadcast_in_dim3A_201] : memref<128x32xf32, #tpu.memory_space<vmem>>[vector<16xi32>, vector<16xi32>], vector<16xf32>,
      %gather3A_203 = tpu.vector_load_idx %arg14[%add3A_131, %broadcast_in_dim3A_201] : memref<128x32xf32, #tpu.memory_space<vmem>>[vector<16xi32>, vector<16xi32>], vector<16xf32>,
      %slice3A_204 = vector.extract_strided_slice %get3A_5 {offsets = [7], sizes = [1], strides = [1]} : vector<16xf32> to vector<1xf32>
      %squeeze3A_205 = vector.extract %slice3A_204[0] : f32 from vector<1xf32>
      %mul3A_206 = arith.mulf %gather3A_202, %gather3A_203 : vector<16xf32>
      %broadcast_in_dim3A_207 = vector.broadcast %squeeze3A_205 : f32 to vector<16xf32>
      %mul3A_208 = arith.mulf %mul3A_206, %broadcast_in_dim3A_207 : vector<16xf32>
      %add3A_209 = arith.addf %add3A_199, %mul3A_208 : vector<16xf32>
      %broadcast_in_dim3A_210 = arith.constant 8 : i32
      %broadcast_in_dim3A_211 = vector.broadcast %broadcast_in_dim3A_210 : i32 to vector<16xi32>
      %gather3A_212 = tpu.vector_load_idx %arg12[%add3A_131, %broadcast_in_dim3A_211] : memref<128x32xf32, #tpu.memory_space<vmem>>[vector<16xi32>, vector<16xi32>], vector<16xf32>,
      %gather3A_213 = tpu.vector_load_idx %arg14[%add3A_131, %broadcast_in_dim3A_211] : memref<128x32xf32, #tpu.memory_space<vmem>>[vector<16xi32>, vector<16xi32>], vector<16xf32>,
      %slice3A_214 = vector.extract_strided_slice %get3A_5 {offsets = [8], sizes = [1], strides = [1]} : vector<16xf32> to vector<1xf32>
      %squeeze3A_215 = vector.extract %slice3A_214[0] : f32 from vector<1xf32>
      %mul3A_216 = arith.mulf %gather3A_212, %gather3A_213 : vector<16xf32>
      %broadcast_in_dim3A_217 = vector.broadcast %squeeze3A_215 : f32 to vector<16xf32>
      %mul3A_218 = arith.mulf %mul3A_216, %broadcast_in_dim3A_217 : vector<16xf32>
      %add3A_219 = arith.addf %add3A_209, %mul3A_218 : vector<16xf32>
      %broadcast_in_dim3A_220 = arith.constant 9 : i32
      %broadcast_in_dim3A_221 = vector.broadcast %broadcast_in_dim3A_220 : i32 to vector<16xi32>
      %gather3A_222 = tpu.vector_load_idx %arg12[%add3A_131, %broadcast_in_dim3A_221] : memref<128x32xf32, #tpu.memory_space<vmem>>[vector<16xi32>, vector<16xi32>], vector<16xf32>,
      %gather3A_223 = tpu.vector_load_idx %arg14[%add3A_131, %broadcast_in_dim3A_221] : memref<128x32xf32, #tpu.memory_space<vmem>>[vector<16xi32>, vector<16xi32>], vector<16xf32>,
      %slice3A_224 = vector.extract_strided_slice %get3A_5 {offsets = [9], sizes = [1], strides = [1]} : vector<16xf32> to vector<1xf32>
      %squeeze3A_225 = vector.extract %slice3A_224[0] : f32 from vector<1xf32>
      %mul3A_226 = arith.mulf %gather3A_222, %gather3A_223 : vector<16xf32>
      %broadcast_in_dim3A_227 = vector.broadcast %squeeze3A_225 : f32 to vector<16xf32>
      %mul3A_228 = arith.mulf %mul3A_226, %broadcast_in_dim3A_227 : vector<16xf32>
      %add3A_229 = arith.addf %add3A_219, %mul3A_228 : vector<16xf32>
      %broadcast_in_dim3A_230 = arith.constant 10 : i32
      %broadcast_in_dim3A_231 = vector.broadcast %broadcast_in_dim3A_230 : i32 to vector<16xi32>
      %gather3A_232 = tpu.vector_load_idx %arg12[%add3A_131, %broadcast_in_dim3A_231] : memref<128x32xf32, #tpu.memory_space<vmem>>[vector<16xi32>, vector<16xi32>], vector<16xf32>,
      %gather3A_233 = tpu.vector_load_idx %arg14[%add3A_131, %broadcast_in_dim3A_231] : memref<128x32xf32, #tpu.memory_space<vmem>>[vector<16xi32>, vector<16xi32>], vector<16xf32>,
      %slice3A_234 = vector.extract_strided_slice %get3A_5 {offsets = [10], sizes = [1], strides = [1]} : vector<16xf32> to vector<1xf32>
      %squeeze3A_235 = vector.extract %slice3A_234[0] : f32 from vector<1xf32>
      %mul3A_236 = arith.mulf %gather3A_232, %gather3A_233 : vector<16xf32>
      %broadcast_in_dim3A_237 = vector.broadcast %squeeze3A_235 : f32 to vector<16xf32>
      %mul3A_238 = arith.mulf %mul3A_236, %broadcast_in_dim3A_237 : vector<16xf32>
      %add3A_239 = arith.addf %add3A_229, %mul3A_238 : vector<16xf32>
      %broadcast_in_dim3A_240 = arith.constant 11 : i32
      %broadcast_in_dim3A_241 = vector.broadcast %broadcast_in_dim3A_240 : i32 to vector<16xi32>
      %gather3A_242 = tpu.vector_load_idx %arg12[%add3A_131, %broadcast_in_dim3A_241] : memref<128x32xf32, #tpu.memory_space<vmem>>[vector<16xi32>, vector<16xi32>], vector<16xf32>,
      %gather3A_243 = tpu.vector_load_idx %arg14[%add3A_131, %broadcast_in_dim3A_241] : memref<128x32xf32, #tpu.memory_space<vmem>>[vector<16xi32>, vector<16xi32>], vector<16xf32>,
      %slice3A_244 = vector.extract_strided_slice %get3A_5 {offsets = [11], sizes = [1], strides = [1]} : vector<16xf32> to vector<1xf32>
      %squeeze3A_245 = vector.extract %slice3A_244[0] : f32 from vector<1xf32>
      %mul3A_246 = arith.mulf %gather3A_242, %gather3A_243 : vector<16xf32>
      %broadcast_in_dim3A_247 = vector.broadcast %squeeze3A_245 : f32 to vector<16xf32>
      %mul3A_248 = arith.mulf %mul3A_246, %broadcast_in_dim3A_247 : vector<16xf32>
      %add3A_249 = arith.addf %add3A_239, %mul3A_248 : vector<16xf32>
      %broadcast_in_dim3A_250 = arith.constant 12 : i32
      %broadcast_in_dim3A_251 = vector.broadcast %broadcast_in_dim3A_250 : i32 to vector<16xi32>
      %gather3A_252 = tpu.vector_load_idx %arg12[%add3A_131, %broadcast_in_dim3A_251] : memref<128x32xf32, #tpu.memory_space<vmem>>[vector<16xi32>, vector<16xi32>], vector<16xf32>,
      %gather3A_253 = tpu.vector_load_idx %arg14[%add3A_131, %broadcast_in_dim3A_251] : memref<128x32xf32, #tpu.memory_space<vmem>>[vector<16xi32>, vector<16xi32>], vector<16xf32>,
      %slice3A_254 = vector.extract_strided_slice %get3A_5 {offsets = [12], sizes = [1], strides = [1]} : vector<16xf32> to vector<1xf32>
      %squeeze3A_255 = vector.extract %slice3A_254[0] : f32 from vector<1xf32>
      %mul3A_256 = arith.mulf %gather3A_252, %gather3A_253 : vector<16xf32>
      %broadcast_in_dim3A_257 = vector.broadcast %squeeze3A_255 : f32 to vector<16xf32>
      %mul3A_258 = arith.mulf %mul3A_256, %broadcast_in_dim3A_257 : vector<16xf32>
      %add3A_259 = arith.addf %add3A_249, %mul3A_258 : vector<16xf32>
      %broadcast_in_dim3A_260 = arith.constant 13 : i32
      %broadcast_in_dim3A_261 = vector.broadcast %broadcast_in_dim3A_260 : i32 to vector<16xi32>
      %gather3A_262 = tpu.vector_load_idx %arg12[%add3A_131, %broadcast_in_dim3A_261] : memref<128x32xf32, #tpu.memory_space<vmem>>[vector<16xi32>, vector<16xi32>], vector<16xf32>,
      %gather3A_263 = tpu.vector_load_idx %arg14[%add3A_131, %broadcast_in_dim3A_261] : memref<128x32xf32, #tpu.memory_space<vmem>>[vector<16xi32>, vector<16xi32>], vector<16xf32>,
      %slice3A_264 = vector.extract_strided_slice %get3A_5 {offsets = [13], sizes = [1], strides = [1]} : vector<16xf32> to vector<1xf32>
      %squeeze3A_265 = vector.extract %slice3A_264[0] : f32 from vector<1xf32>
      %mul3A_266 = arith.mulf %gather3A_262, %gather3A_263 : vector<16xf32>
      %broadcast_in_dim3A_267 = vector.broadcast %squeeze3A_265 : f32 to vector<16xf32>
      %mul3A_268 = arith.mulf %mul3A_266, %broadcast_in_dim3A_267 : vector<16xf32>
      %add3A_269 = arith.addf %add3A_259, %mul3A_268 : vector<16xf32>
      %broadcast_in_dim3A_270 = arith.constant 14 : i32
      %broadcast_in_dim3A_271 = vector.broadcast %broadcast_in_dim3A_270 : i32 to vector<16xi32>
      %gather3A_272 = tpu.vector_load_idx %arg12[%add3A_131, %broadcast_in_dim3A_271] : memref<128x32xf32, #tpu.memory_space<vmem>>[vector<16xi32>, vector<16xi32>], vector<16xf32>,
      %gather3A_273 = tpu.vector_load_idx %arg14[%add3A_131, %broadcast_in_dim3A_271] : memref<128x32xf32, #tpu.memory_space<vmem>>[vector<16xi32>, vector<16xi32>], vector<16xf32>,
      %slice3A_274 = vector.extract_strided_slice %get3A_5 {offsets = [14], sizes = [1], strides = [1]} : vector<16xf32> to vector<1xf32>
      %squeeze3A_275 = vector.extract %slice3A_274[0] : f32 from vector<1xf32>
      %mul3A_276 = arith.mulf %gather3A_272, %gather3A_273 : vector<16xf32>
      %broadcast_in_dim3A_277 = vector.broadcast %squeeze3A_275 : f32 to vector<16xf32>
      %mul3A_278 = arith.mulf %mul3A_276, %broadcast_in_dim3A_277 : vector<16xf32>
      %add3A_279 = arith.addf %add3A_269, %mul3A_278 : vector<16xf32>
      %broadcast_in_dim3A_280 = arith.constant 15 : i32
      %broadcast_in_dim3A_281 = vector.broadcast %broadcast_in_dim3A_280 : i32 to vector<16xi32>
      %gather3A_282 = tpu.vector_load_idx %arg12[%add3A_131, %broadcast_in_dim3A_281] : memref<128x32xf32, #tpu.memory_space<vmem>>[vector<16xi32>, vector<16xi32>], vector<16xf32>,
      %gather3A_283 = tpu.vector_load_idx %arg14[%add3A_131, %broadcast_in_dim3A_281] : memref<128x32xf32, #tpu.memory_space<vmem>>[vector<16xi32>, vector<16xi32>], vector<16xf32>,
      %slice3A_284 = vector.extract_strided_slice %get3A_5 {offsets = [15], sizes = [1], strides = [1]} : vector<16xf32> to vector<1xf32>
      %squeeze3A_285 = vector.extract %slice3A_284[0] : f32 from vector<1xf32>
      %mul3A_286 = arith.mulf %gather3A_282, %gather3A_283 : vector<16xf32>
      %broadcast_in_dim3A_287 = vector.broadcast %squeeze3A_285 : f32 to vector<16xf32>
      %mul3A_288 = arith.mulf %mul3A_286, %broadcast_in_dim3A_287 : vector<16xf32>
      %add3A_289 = arith.addf %add3A_279, %mul3A_288 : vector<16xf32>
      %broadcast_in_dim3A_290 = arith.constant 16 : i32
      %broadcast_in_dim3A_291 = vector.broadcast %broadcast_in_dim3A_290 : i32 to vector<16xi32>
      %gather3A_292 = tpu.vector_load_idx %arg12[%add3A_131, %broadcast_in_dim3A_291] : memref<128x32xf32, #tpu.memory_space<vmem>>[vector<16xi32>, vector<16xi32>], vector<16xf32>,
      %gather3A_293 = tpu.vector_load_idx %arg14[%add3A_131, %broadcast_in_dim3A_291] : memref<128x32xf32, #tpu.memory_space<vmem>>[vector<16xi32>, vector<16xi32>], vector<16xf32>,
      %slice3A_294 = vector.extract_strided_slice %get3A_7 {offsets = [0], sizes = [1], strides = [1]} : vector<16xf32> to vector<1xf32>
      %squeeze3A_295 = vector.extract %slice3A_294[0] : f32 from vector<1xf32>
      %mul3A_296 = arith.mulf %gather3A_292, %gather3A_293 : vector<16xf32>
      %broadcast_in_dim3A_297 = vector.broadcast %squeeze3A_295 : f32 to vector<16xf32>
      %mul3A_298 = arith.mulf %mul3A_296, %broadcast_in_dim3A_297 : vector<16xf32>
      %add3A_299 = arith.addf %add3A_289, %mul3A_298 : vector<16xf32>
      %broadcast_in_dim3A_300 = arith.constant 17 : i32
      %broadcast_in_dim3A_301 = vector.broadcast %broadcast_in_dim3A_300 : i32 to vector<16xi32>
      %gather3A_302 = tpu.vector_load_idx %arg12[%add3A_131, %broadcast_in_dim3A_301] : memref<128x32xf32, #tpu.memory_space<vmem>>[vector<16xi32>, vector<16xi32>], vector<16xf32>,
      %gather3A_303 = tpu.vector_load_idx %arg14[%add3A_131, %broadcast_in_dim3A_301] : memref<128x32xf32, #tpu.memory_space<vmem>>[vector<16xi32>, vector<16xi32>], vector<16xf32>,
      %slice3A_304 = vector.extract_strided_slice %get3A_7 {offsets = [1], sizes = [1], strides = [1]} : vector<16xf32> to vector<1xf32>
      %squeeze3A_305 = vector.extract %slice3A_304[0] : f32 from vector<1xf32>
      %mul3A_306 = arith.mulf %gather3A_302, %gather3A_303 : vector<16xf32>
      %broadcast_in_dim3A_307 = vector.broadcast %squeeze3A_305 : f32 to vector<16xf32>
      %mul3A_308 = arith.mulf %mul3A_306, %broadcast_in_dim3A_307 : vector<16xf32>
      %add3A_309 = arith.addf %add3A_299, %mul3A_308 : vector<16xf32>
      %broadcast_in_dim3A_310 = arith.constant 18 : i32
      %broadcast_in_dim3A_311 = vector.broadcast %broadcast_in_dim3A_310 : i32 to vector<16xi32>
      %gather3A_312 = tpu.vector_load_idx %arg12[%add3A_131, %broadcast_in_dim3A_311] : memref<128x32xf32, #tpu.memory_space<vmem>>[vector<16xi32>, vector<16xi32>], vector<16xf32>,
      %gather3A_313 = tpu.vector_load_idx %arg14[%add3A_131, %broadcast_in_dim3A_311] : memref<128x32xf32, #tpu.memory_space<vmem>>[vector<16xi32>, vector<16xi32>], vector<16xf32>,
      %slice3A_314 = vector.extract_strided_slice %get3A_7 {offsets = [2], sizes = [1], strides = [1]} : vector<16xf32> to vector<1xf32>
      %squeeze3A_315 = vector.extract %slice3A_314[0] : f32 from vector<1xf32>
      %mul3A_316 = arith.mulf %gather3A_312, %gather3A_313 : vector<16xf32>
      %broadcast_in_dim3A_317 = vector.broadcast %squeeze3A_315 : f32 to vector<16xf32>
      %mul3A_318 = arith.mulf %mul3A_316, %broadcast_in_dim3A_317 : vector<16xf32>
      %add3A_319 = arith.addf %add3A_309, %mul3A_318 : vector<16xf32>
      %broadcast_in_dim3A_320 = arith.constant 19 : i32
      %broadcast_in_dim3A_321 = vector.broadcast %broadcast_in_dim3A_320 : i32 to vector<16xi32>
      %gather3A_322 = tpu.vector_load_idx %arg12[%add3A_131, %broadcast_in_dim3A_321] : memref<128x32xf32, #tpu.memory_space<vmem>>[vector<16xi32>, vector<16xi32>], vector<16xf32>,
      %gather3A_323 = tpu.vector_load_idx %arg14[%add3A_131, %broadcast_in_dim3A_321] : memref<128x32xf32, #tpu.memory_space<vmem>>[vector<16xi32>, vector<16xi32>], vector<16xf32>,
      %slice3A_324 = vector.extract_strided_slice %get3A_7 {offsets = [3], sizes = [1], strides = [1]} : vector<16xf32> to vector<1xf32>
      %squeeze3A_325 = vector.extract %slice3A_324[0] : f32 from vector<1xf32>
      %mul3A_326 = arith.mulf %gather3A_322, %gather3A_323 : vector<16xf32>
      %broadcast_in_dim3A_327 = vector.broadcast %squeeze3A_325 : f32 to vector<16xf32>
      %mul3A_328 = arith.mulf %mul3A_326, %broadcast_in_dim3A_327 : vector<16xf32>
      %add3A_329 = arith.addf %add3A_319, %mul3A_328 : vector<16xf32>
      %broadcast_in_dim3A_330 = arith.constant 20 : i32
      %broadcast_in_dim3A_331 = vector.broadcast %broadcast_in_dim3A_330 : i32 to vector<16xi32>
      %gather3A_332 = tpu.vector_load_idx %arg12[%add3A_131, %broadcast_in_dim3A_331] : memref<128x32xf32, #tpu.memory_space<vmem>>[vector<16xi32>, vector<16xi32>], vector<16xf32>,
      %gather3A_333 = tpu.vector_load_idx %arg14[%add3A_131, %broadcast_in_dim3A_331] : memref<128x32xf32, #tpu.memory_space<vmem>>[vector<16xi32>, vector<16xi32>], vector<16xf32>,
      %slice3A_334 = vector.extract_strided_slice %get3A_7 {offsets = [4], sizes = [1], strides = [1]} : vector<16xf32> to vector<1xf32>
      %squeeze3A_335 = vector.extract %slice3A_334[0] : f32 from vector<1xf32>
      %mul3A_336 = arith.mulf %gather3A_332, %gather3A_333 : vector<16xf32>
      %broadcast_in_dim3A_337 = vector.broadcast %squeeze3A_335 : f32 to vector<16xf32>
      %mul3A_338 = arith.mulf %mul3A_336, %broadcast_in_dim3A_337 : vector<16xf32>
      %add3A_339 = arith.addf %add3A_329, %mul3A_338 : vector<16xf32>
      %broadcast_in_dim3A_340 = arith.constant 21 : i32
      %broadcast_in_dim3A_341 = vector.broadcast %broadcast_in_dim3A_340 : i32 to vector<16xi32>
      %gather3A_342 = tpu.vector_load_idx %arg12[%add3A_131, %broadcast_in_dim3A_341] : memref<128x32xf32, #tpu.memory_space<vmem>>[vector<16xi32>, vector<16xi32>], vector<16xf32>,
      %gather3A_343 = tpu.vector_load_idx %arg14[%add3A_131, %broadcast_in_dim3A_341] : memref<128x32xf32, #tpu.memory_space<vmem>>[vector<16xi32>, vector<16xi32>], vector<16xf32>,
      %slice3A_344 = vector.extract_strided_slice %get3A_7 {offsets = [5], sizes = [1], strides = [1]} : vector<16xf32> to vector<1xf32>
      %squeeze3A_345 = vector.extract %slice3A_344[0] : f32 from vector<1xf32>
      %mul3A_346 = arith.mulf %gather3A_342, %gather3A_343 : vector<16xf32>
      %broadcast_in_dim3A_347 = vector.broadcast %squeeze3A_345 : f32 to vector<16xf32>
      %mul3A_348 = arith.mulf %mul3A_346, %broadcast_in_dim3A_347 : vector<16xf32>
      %add3A_349 = arith.addf %add3A_339, %mul3A_348 : vector<16xf32>
      %broadcast_in_dim3A_350 = arith.constant 22 : i32
      %broadcast_in_dim3A_351 = vector.broadcast %broadcast_in_dim3A_350 : i32 to vector<16xi32>
      %gather3A_352 = tpu.vector_load_idx %arg12[%add3A_131, %broadcast_in_dim3A_351] : memref<128x32xf32, #tpu.memory_space<vmem>>[vector<16xi32>, vector<16xi32>], vector<16xf32>,
      %gather3A_353 = tpu.vector_load_idx %arg14[%add3A_131, %broadcast_in_dim3A_351] : memref<128x32xf32, #tpu.memory_space<vmem>>[vector<16xi32>, vector<16xi32>], vector<16xf32>,
      %slice3A_354 = vector.extract_strided_slice %get3A_7 {offsets = [6], sizes = [1], strides = [1]} : vector<16xf32> to vector<1xf32>
      %squeeze3A_355 = vector.extract %slice3A_354[0] : f32 from vector<1xf32>
      %mul3A_356 = arith.mulf %gather3A_352, %gather3A_353 : vector<16xf32>
      %broadcast_in_dim3A_357 = vector.broadcast %squeeze3A_355 : f32 to vector<16xf32>
      %mul3A_358 = arith.mulf %mul3A_356, %broadcast_in_dim3A_357 : vector<16xf32>
      %add3A_359 = arith.addf %add3A_349, %mul3A_358 : vector<16xf32>
      %broadcast_in_dim3A_360 = arith.constant 23 : i32
      %broadcast_in_dim3A_361 = vector.broadcast %broadcast_in_dim3A_360 : i32 to vector<16xi32>
      %gather3A_362 = tpu.vector_load_idx %arg12[%add3A_131, %broadcast_in_dim3A_361] : memref<128x32xf32, #tpu.memory_space<vmem>>[vector<16xi32>, vector<16xi32>], vector<16xf32>,
      %gather3A_363 = tpu.vector_load_idx %arg14[%add3A_131, %broadcast_in_dim3A_361] : memref<128x32xf32, #tpu.memory_space<vmem>>[vector<16xi32>, vector<16xi32>], vector<16xf32>,
      %slice3A_364 = vector.extract_strided_slice %get3A_7 {offsets = [7], sizes = [1], strides = [1]} : vector<16xf32> to vector<1xf32>
      %squeeze3A_365 = vector.extract %slice3A_364[0] : f32 from vector<1xf32>
      %mul3A_366 = arith.mulf %gather3A_362, %gather3A_363 : vector<16xf32>
      %broadcast_in_dim3A_367 = vector.broadcast %squeeze3A_365 : f32 to vector<16xf32>
      %mul3A_368 = arith.mulf %mul3A_366, %broadcast_in_dim3A_367 : vector<16xf32>
      %add3A_369 = arith.addf %add3A_359, %mul3A_368 : vector<16xf32>
      %broadcast_in_dim3A_370 = arith.constant 24 : i32
      %broadcast_in_dim3A_371 = vector.broadcast %broadcast_in_dim3A_370 : i32 to vector<16xi32>
      %gather3A_372 = tpu.vector_load_idx %arg12[%add3A_131, %broadcast_in_dim3A_371] : memref<128x32xf32, #tpu.memory_space<vmem>>[vector<16xi32>, vector<16xi32>], vector<16xf32>,
      %gather3A_373 = tpu.vector_load_idx %arg14[%add3A_131, %broadcast_in_dim3A_371] : memref<128x32xf32, #tpu.memory_space<vmem>>[vector<16xi32>, vector<16xi32>], vector<16xf32>,
      %slice3A_374 = vector.extract_strided_slice %get3A_7 {offsets = [8], sizes = [1], strides = [1]} : vector<16xf32> to vector<1xf32>
      %squeeze3A_375 = vector.extract %slice3A_374[0] : f32 from vector<1xf32>
      %mul3A_376 = arith.mulf %gather3A_372, %gather3A_373 : vector<16xf32>
      %broadcast_in_dim3A_377 = vector.broadcast %squeeze3A_375 : f32 to vector<16xf32>
      %mul3A_378 = arith.mulf %mul3A_376, %broadcast_in_dim3A_377 : vector<16xf32>
      %add3A_379 = arith.addf %add3A_369, %mul3A_378 : vector<16xf32>
      %broadcast_in_dim3A_380 = arith.constant 25 : i32
      %broadcast_in_dim3A_381 = vector.broadcast %broadcast_in_dim3A_380 : i32 to vector<16xi32>
      %gather3A_382 = tpu.vector_load_idx %arg12[%add3A_131, %broadcast_in_dim3A_381] : memref<128x32xf32, #tpu.memory_space<vmem>>[vector<16xi32>, vector<16xi32>], vector<16xf32>,
      %gather3A_383 = tpu.vector_load_idx %arg14[%add3A_131, %broadcast_in_dim3A_381] : memref<128x32xf32, #tpu.memory_space<vmem>>[vector<16xi32>, vector<16xi32>], vector<16xf32>,
      %slice3A_384 = vector.extract_strided_slice %get3A_7 {offsets = [9], sizes = [1], strides = [1]} : vector<16xf32> to vector<1xf32>
      %squeeze3A_385 = vector.extract %slice3A_384[0] : f32 from vector<1xf32>
      %mul3A_386 = arith.mulf %gather3A_382, %gather3A_383 : vector<16xf32>
      %broadcast_in_dim3A_387 = vector.broadcast %squeeze3A_385 : f32 to vector<16xf32>
      %mul3A_388 = arith.mulf %mul3A_386, %broadcast_in_dim3A_387 : vector<16xf32>
      %add3A_389 = arith.addf %add3A_379, %mul3A_388 : vector<16xf32>
      %broadcast_in_dim3A_390 = arith.constant 26 : i32
      %broadcast_in_dim3A_391 = vector.broadcast %broadcast_in_dim3A_390 : i32 to vector<16xi32>
      %gather3A_392 = tpu.vector_load_idx %arg12[%add3A_131, %broadcast_in_dim3A_391] : memref<128x32xf32, #tpu.memory_space<vmem>>[vector<16xi32>, vector<16xi32>], vector<16xf32>,
      %gather3A_393 = tpu.vector_load_idx %arg14[%add3A_131, %broadcast_in_dim3A_391] : memref<128x32xf32, #tpu.memory_space<vmem>>[vector<16xi32>, vector<16xi32>], vector<16xf32>,
      %slice3A_394 = vector.extract_strided_slice %get3A_7 {offsets = [10], sizes = [1], strides = [1]} : vector<16xf32> to vector<1xf32>
      %squeeze3A_395 = vector.extract %slice3A_394[0] : f32 from vector<1xf32>
      %mul3A_396 = arith.mulf %gather3A_392, %gather3A_393 : vector<16xf32>
      %broadcast_in_dim3A_397 = vector.broadcast %squeeze3A_395 : f32 to vector<16xf32>
      %mul3A_398 = arith.mulf %mul3A_396, %broadcast_in_dim3A_397 : vector<16xf32>
      %add3A_399 = arith.addf %add3A_389, %mul3A_398 : vector<16xf32>
      %broadcast_in_dim3A_400 = arith.constant 27 : i32
      %broadcast_in_dim3A_401 = vector.broadcast %broadcast_in_dim3A_400 : i32 to vector<16xi32>
      %gather3A_402 = tpu.vector_load_idx %arg12[%add3A_131, %broadcast_in_dim3A_401] : memref<128x32xf32, #tpu.memory_space<vmem>>[vector<16xi32>, vector<16xi32>], vector<16xf32>,
      %gather3A_403 = tpu.vector_load_idx %arg14[%add3A_131, %broadcast_in_dim3A_401] : memref<128x32xf32, #tpu.memory_space<vmem>>[vector<16xi32>, vector<16xi32>], vector<16xf32>,
      %slice3A_404 = vector.extract_strided_slice %get3A_7 {offsets = [11], sizes = [1], strides = [1]} : vector<16xf32> to vector<1xf32>
      %squeeze3A_405 = vector.extract %slice3A_404[0] : f32 from vector<1xf32>
      %mul3A_406 = arith.mulf %gather3A_402, %gather3A_403 : vector<16xf32>
      %broadcast_in_dim3A_407 = vector.broadcast %squeeze3A_405 : f32 to vector<16xf32>
      %mul3A_408 = arith.mulf %mul3A_406, %broadcast_in_dim3A_407 : vector<16xf32>
      %add3A_409 = arith.addf %add3A_399, %mul3A_408 : vector<16xf32>
      %broadcast_in_dim3A_410 = arith.constant 28 : i32
      %broadcast_in_dim3A_411 = vector.broadcast %broadcast_in_dim3A_410 : i32 to vector<16xi32>
      %gather3A_412 = tpu.vector_load_idx %arg12[%add3A_131, %broadcast_in_dim3A_411] : memref<128x32xf32, #tpu.memory_space<vmem>>[vector<16xi32>, vector<16xi32>], vector<16xf32>,
      %gather3A_413 = tpu.vector_load_idx %arg14[%add3A_131, %broadcast_in_dim3A_411] : memref<128x32xf32, #tpu.memory_space<vmem>>[vector<16xi32>, vector<16xi32>], vector<16xf32>,
      %slice3A_414 = vector.extract_strided_slice %get3A_7 {offsets = [12], sizes = [1], strides = [1]} : vector<16xf32> to vector<1xf32>
      %squeeze3A_415 = vector.extract %slice3A_414[0] : f32 from vector<1xf32>
      %mul3A_416 = arith.mulf %gather3A_412, %gather3A_413 : vector<16xf32>
      %broadcast_in_dim3A_417 = vector.broadcast %squeeze3A_415 : f32 to vector<16xf32>
      %mul3A_418 = arith.mulf %mul3A_416, %broadcast_in_dim3A_417 : vector<16xf32>
      %add3A_419 = arith.addf %add3A_409, %mul3A_418 : vector<16xf32>
      %broadcast_in_dim3A_420 = arith.constant 29 : i32
      %broadcast_in_dim3A_421 = vector.broadcast %broadcast_in_dim3A_420 : i32 to vector<16xi32>
      %gather3A_422 = tpu.vector_load_idx %arg12[%add3A_131, %broadcast_in_dim3A_421] : memref<128x32xf32, #tpu.memory_space<vmem>>[vector<16xi32>, vector<16xi32>], vector<16xf32>,
      %gather3A_423 = tpu.vector_load_idx %arg14[%add3A_131, %broadcast_in_dim3A_421] : memref<128x32xf32, #tpu.memory_space<vmem>>[vector<16xi32>, vector<16xi32>], vector<16xf32>,
      %slice3A_424 = vector.extract_strided_slice %get3A_7 {offsets = [13], sizes = [1], strides = [1]} : vector<16xf32> to vector<1xf32>
      %squeeze3A_425 = vector.extract %slice3A_424[0] : f32 from vector<1xf32>
      %mul3A_426 = arith.mulf %gather3A_422, %gather3A_423 : vector<16xf32>
      %broadcast_in_dim3A_427 = vector.broadcast %squeeze3A_425 : f32 to vector<16xf32>
      %mul3A_428 = arith.mulf %mul3A_426, %broadcast_in_dim3A_427 : vector<16xf32>
      %add3A_429 = arith.addf %add3A_419, %mul3A_428 : vector<16xf32>
      %broadcast_in_dim3A_430 = arith.constant 30 : i32
      %broadcast_in_dim3A_431 = vector.broadcast %broadcast_in_dim3A_430 : i32 to vector<16xi32>
      %gather3A_432 = tpu.vector_load_idx %arg12[%add3A_131, %broadcast_in_dim3A_431] : memref<128x32xf32, #tpu.memory_space<vmem>>[vector<16xi32>, vector<16xi32>], vector<16xf32>,
      %gather3A_433 = tpu.vector_load_idx %arg14[%add3A_131, %broadcast_in_dim3A_431] : memref<128x32xf32, #tpu.memory_space<vmem>>[vector<16xi32>, vector<16xi32>], vector<16xf32>,
      %slice3A_434 = vector.extract_strided_slice %get3A_7 {offsets = [14], sizes = [1], strides = [1]} : vector<16xf32> to vector<1xf32>
      %squeeze3A_435 = vector.extract %slice3A_434[0] : f32 from vector<1xf32>
      %mul3A_436 = arith.mulf %gather3A_432, %gather3A_433 : vector<16xf32>
      %broadcast_in_dim3A_437 = vector.broadcast %squeeze3A_435 : f32 to vector<16xf32>
      %mul3A_438 = arith.mulf %mul3A_436, %broadcast_in_dim3A_437 : vector<16xf32>
      %add3A_439 = arith.addf %add3A_429, %mul3A_438 : vector<16xf32>
      %broadcast_in_dim3A_440 = arith.constant 31 : i32
      %broadcast_in_dim3A_441 = vector.broadcast %broadcast_in_dim3A_440 : i32 to vector<16xi32>
      %gather3A_442 = tpu.vector_load_idx %arg12[%add3A_131, %broadcast_in_dim3A_441] : memref<128x32xf32, #tpu.memory_space<vmem>>[vector<16xi32>, vector<16xi32>], vector<16xf32>,
      %gather3A_443 = tpu.vector_load_idx %arg14[%add3A_131, %broadcast_in_dim3A_441] : memref<128x32xf32, #tpu.memory_space<vmem>>[vector<16xi32>, vector<16xi32>], vector<16xf32>,
      %slice3A_444 = vector.extract_strided_slice %get3A_7 {offsets = [15], sizes = [1], strides = [1]} : vector<16xf32> to vector<1xf32>
      %squeeze3A_445 = vector.extract %slice3A_444[0] : f32 from vector<1xf32>
      %mul3A_446 = arith.mulf %gather3A_442, %gather3A_443 : vector<16xf32>
      %broadcast_in_dim3A_447 = vector.broadcast %squeeze3A_445 : f32 to vector<16xf32>
      %mul3A_448 = arith.mulf %mul3A_446, %broadcast_in_dim3A_447 : vector<16xf32>
      %add3A_449 = arith.addf %add3A_439, %mul3A_448 : vector<16xf32>
      %add3A_450 = arith.addf %add3A_449, %get3A_3 : vector<16xf32>
      %neg3A = arith.constant 0.000000e+00 : f32
      %neg3A_451 = vector.broadcast %neg3A : f32 to vector<16xf32>
      %neg3A_452 = arith.subf %neg3A_451, %add3A_450 : vector<16xf32>
      %exp3A = math.exp %neg3A_452 : vector<16xf32>
      %add3A_453 = arith.constant 1.000000e+00 : f32
      %add3A_454 = vector.broadcast %add3A_453 : f32 to vector<16xf32>
      %add3A_455 = arith.addf %add3A_454, %exp3A : vector<16xf32>
      %div3A = arith.constant 5.000000e+00 : f32
      %div3A_456 = vector.broadcast %div3A : f32 to vector<16xf32>
      %div3A_457 = arith.divf %div3A_456, %add3A_455 : vector<16xf32>
      %add3A_458 = arith.constant 1.000000e+00 : f32
      %add3A_459 = vector.broadcast %add3A_458 : f32 to vector<16xf32>
      %add3A_460 = arith.addf %div3A_457, %add3A_459 : vector<16xf32>
      %mul3A_461 = arith.constant 16 : i32
      %mul3A_462 = arith.muli %scan3A_127, %mul3A_461 : i32
      %add3A_463 = arith.constant 128 : i32
      %add3A_464 = arith.addi %add3A_463, %mul3A_462 : i32
      %swap3A = arith.index_cast %add3A_464 : i32 to index
      %swap3A_465 = tpu.vector_load %arg17[%swap3A] {strides = array<i32>} : memref<512xf32, #tpu.memory_space<vmem>>, vector<16xf32>,
      tpu.vector_store %arg17[%swap3A], %add3A_460 {strides = array<i32>} : memref<512xf32, #tpu.memory_space<vmem>>, vector<16xf32>,
    }
    %scan3A_78 = arith.constant 8 : i32
    %scan3A_79 = arith.constant 0 : i32
    %scan3A_80 = arith.constant 0 : i32
    %scan3A_81 = arith.constant 128 : i32
    %scan3A_82 = arith.addi %scan3A_80, %scan3A_81 : i32
    %scan3A_83 = arith.constant 1 : i32
    scf.for %scan3A_127 = %scan3A_80 to %scan3A_82 step %scan3A_83  : i32 {
      %add3A_128 = arith.constant 384 : i32
      %add3A_129 = arith.addi %add3A_128, %scan3A_127 : i32
      %get3A_130 = arith.index_cast %add3A_129 : i32 to index
      %get3A_131 = tpu.vector_load %arg9[%get3A_130] {strides = array<i32>} : memref<528xi32, #tpu.memory_space<vmem>>, vector<16xi32>,
      %slice3A = vector.extract_strided_slice %get3A_131 {offsets = [0], sizes = [1], strides = [1]} : vector<16xi32> to vector<1xi32>
      %squeeze3A = vector.extract %slice3A[0] : i32 from vector<1xi32>
      %dma_start3A = arith.constant 0 : i32
      %dma_start3A_132 = tpu.memref_slice %arg12[%scan3A_127, %dma_start3A] : memref<128x32xf32, #tpu.memory_space<vmem>> -> memref<1x32xf32, #tpu.memory_space<vmem>>
      %dma_start3A_133 = tpu.memref_squeeze %dma_start3A_132 : memref<1x32xf32, #tpu.memory_space<vmem>> -> memref<32xf32, #tpu.memory_space<vmem>>
      %dma_start3A_134 = arith.constant 0 : i32
      %dma_start3A_135 = tpu.memref_slice %arg4[%squeeze3A, %dma_start3A_134] : memref<1000000x32xf32, #tpu.memory_space<hbm>> -> memref<1x32xf32, #tpu.memory_space<hbm>>
      %dma_start3A_136 = tpu.memref_squeeze %dma_start3A_135 : memref<1x32xf32, #tpu.memory_space<hbm>> -> memref<32xf32, #tpu.memory_space<hbm>>
      %dma_start3A_137 = arith.constant 0 : i32
      %dma_start3A_138 = tpu.memref_slice %arg12[%scan3A_127, %dma_start3A_137] : memref<128x32xf32, #tpu.memory_space<vmem>> -> memref<1x32xf32, #tpu.memory_space<vmem>>
      %dma_start3A_139 = tpu.memref_squeeze %dma_start3A_138 : memref<1x32xf32, #tpu.memory_space<vmem>> -> memref<32xf32, #tpu.memory_space<vmem>>
      %dma_start3A_140 = arith.constant 0 : i32
      %dma_start3A_141 = tpu.memref_slice %arg4[%squeeze3A, %dma_start3A_140] : memref<1000000x32xf32, #tpu.memory_space<hbm>> -> memref<1x32xf32, #tpu.memory_space<hbm>>
      %dma_start3A_142 = tpu.memref_squeeze %dma_start3A_141 : memref<1x32xf32, #tpu.memory_space<hbm>> -> memref<32xf32, #tpu.memory_space<hbm>>
      tpu.enqueue_dma source(%dma_start3A_142 : memref<32xf32, #tpu.memory_space<hbm>>) target(%dma_start3A_139 : memref<32xf32, #tpu.memory_space<vmem>>) target_semaphore(%arg19 : memref<!tpu.dma_semaphore, #tpu.memory_space<semaphore_mem>>)
    }
    %scan3A_84 = arith.constant 128 : i32
    %scan3A_85 = arith.constant 0 : i32
    %scan3A_86 = arith.constant 0 : i32
    %scan3A_87 = arith.constant 128 : i32
    %scan3A_88 = arith.addi %scan3A_86, %scan3A_87 : i32
    %scan3A_89 = arith.constant 1 : i32
    scf.for %scan3A_127 = %scan3A_86 to %scan3A_88 step %scan3A_89  : i32 {
      %add3A_128 = arith.constant 384 : i32
      %add3A_129 = arith.addi %add3A_128, %scan3A_127 : i32
      %get3A_130 = arith.index_cast %add3A_129 : i32 to index
      %get3A_131 = tpu.vector_load %arg10[%get3A_130] {strides = array<i32>} : memref<528xi32, #tpu.memory_space<vmem>>, vector<16xi32>,
      %slice3A = vector.extract_strided_slice %get3A_131 {offsets = [0], sizes = [1], strides = [1]} : vector<16xi32> to vector<1xi32>
      %squeeze3A = vector.extract %slice3A[0] : i32 from vector<1xi32>
      %dma_start3A = arith.constant 0 : i32
      %dma_start3A_132 = tpu.memref_slice %arg14[%scan3A_127, %dma_start3A] : memref<128x32xf32, #tpu.memory_space<vmem>> -> memref<1x32xf32, #tpu.memory_space<vmem>>
      %dma_start3A_133 = tpu.memref_squeeze %dma_start3A_132 : memref<1x32xf32, #tpu.memory_space<vmem>> -> memref<32xf32, #tpu.memory_space<vmem>>
      %dma_start3A_134 = arith.constant 0 : i32
      %dma_start3A_135 = tpu.memref_slice %arg5[%squeeze3A, %dma_start3A_134] : memref<100000x32xf32, #tpu.memory_space<hbm>> -> memref<1x32xf32, #tpu.memory_space<hbm>>
      %dma_start3A_136 = tpu.memref_squeeze %dma_start3A_135 : memref<1x32xf32, #tpu.memory_space<hbm>> -> memref<32xf32, #tpu.memory_space<hbm>>
      %dma_start3A_137 = arith.constant 0 : i32
      %dma_start3A_138 = tpu.memref_slice %arg14[%scan3A_127, %dma_start3A_137] : memref<128x32xf32, #tpu.memory_space<vmem>> -> memref<1x32xf32, #tpu.memory_space<vmem>>
      %dma_start3A_139 = tpu.memref_squeeze %dma_start3A_138 : memref<1x32xf32, #tpu.memory_space<vmem>> -> memref<32xf32, #tpu.memory_space<vmem>>
      %dma_start3A_140 = arith.constant 0 : i32
      %dma_start3A_141 = tpu.memref_slice %arg5[%squeeze3A, %dma_start3A_140] : memref<100000x32xf32, #tpu.memory_space<hbm>> -> memref<1x32xf32, #tpu.memory_space<hbm>>
      %dma_start3A_142 = tpu.memref_squeeze %dma_start3A_141 : memref<1x32xf32, #tpu.memory_space<hbm>> -> memref<32xf32, #tpu.memory_space<hbm>>
      tpu.enqueue_dma source(%dma_start3A_142 : memref<32xf32, #tpu.memory_space<hbm>>) target(%dma_start3A_139 : memref<32xf32, #tpu.memory_space<vmem>>) target_semaphore(%arg21 : memref<!tpu.dma_semaphore, #tpu.memory_space<semaphore_mem>>)
    }
    %scan3A_90 = arith.constant 128 : i32
    %scan3A_91 = arith.constant 0 : i32
    %scan3A_92 = arith.constant 0 : i32
    %scan3A_93 = arith.constant 128 : i32
    %scan3A_94 = arith.addi %scan3A_92, %scan3A_93 : i32
    %scan3A_95 = arith.constant 1 : i32
    scf.for %scan3A_127 = %scan3A_92 to %scan3A_94 step %scan3A_95  : i32 {
      %dma_wait3A = arith.constant 0 : i32
      %dma_wait3A_128 = arith.constant 0 : i32
      %dma_wait3A_129 = arith.constant 0 : i32
      %dma_wait3A_130 = tpu.memref_slice %arg11[%dma_wait3A_128, %dma_wait3A_129] : memref<128x32xf32, #tpu.memory_space<vmem>> -> memref<1x32xf32, #tpu.memory_space<vmem>>
      %dma_wait3A_131 = tpu.memref_squeeze %dma_wait3A_130 : memref<1x32xf32, #tpu.memory_space<vmem>> -> memref<32xf32, #tpu.memory_space<vmem>>
      %dma_wait3A_132 = arith.constant 0 : i32
      %dma_wait3A_133 = tpu.memref_slice %arg4[%dma_wait3A, %dma_wait3A_132] : memref<1000000x32xf32, #tpu.memory_space<hbm>> -> memref<1x32xf32, #tpu.memory_space<hbm>>
      %dma_wait3A_134 = tpu.memref_squeeze %dma_wait3A_133 : memref<1x32xf32, #tpu.memory_space<hbm>> -> memref<32xf32, #tpu.memory_space<hbm>>
      %dma_wait3A_135 = arith.constant 0 : i32
      %dma_wait3A_136 = tpu.memref_slice %arg11[%dma_wait3A_128, %dma_wait3A_135] : memref<128x32xf32, #tpu.memory_space<vmem>> -> memref<1x32xf32, #tpu.memory_space<vmem>>
      %dma_wait3A_137 = tpu.memref_squeeze %dma_wait3A_136 : memref<1x32xf32, #tpu.memory_space<vmem>> -> memref<32xf32, #tpu.memory_space<vmem>>
      %dma_wait3A_138 = arith.constant 0 : i32
      %dma_wait3A_139 = tpu.memref_slice %arg4[%dma_wait3A, %dma_wait3A_138] : memref<1000000x32xf32, #tpu.memory_space<hbm>> -> memref<1x32xf32, #tpu.memory_space<hbm>>
      %dma_wait3A_140 = tpu.memref_squeeze %dma_wait3A_139 : memref<1x32xf32, #tpu.memory_space<hbm>> -> memref<32xf32, #tpu.memory_space<hbm>>
      tpu.wait_dma2 semaphore(%arg18 : memref<!tpu.dma_semaphore, #tpu.memory_space<semaphore_mem>>) src(%dma_wait3A_140 : memref<32xf32, #tpu.memory_space<hbm>>) dst(%dma_wait3A_137 : memref<32xf32, #tpu.memory_space<vmem>>)
    }
    %scan3A_96 = arith.constant 128 : i32
    %scan3A_97 = arith.constant 0 : i32
    %scan3A_98 = arith.constant 0 : i32
    %scan3A_99 = arith.constant 128 : i32
    %scan3A_100 = arith.addi %scan3A_98, %scan3A_99 : i32
    %scan3A_101 = arith.constant 1 : i32
    scf.for %scan3A_127 = %scan3A_98 to %scan3A_100 step %scan3A_101  : i32 {
      %dma_wait3A = arith.constant 0 : i32
      %dma_wait3A_128 = arith.constant 0 : i32
      %dma_wait3A_129 = arith.constant 0 : i32
      %dma_wait3A_130 = tpu.memref_slice %arg13[%dma_wait3A_128, %dma_wait3A_129] : memref<128x32xf32, #tpu.memory_space<vmem>> -> memref<1x32xf32, #tpu.memory_space<vmem>>
      %dma_wait3A_131 = tpu.memref_squeeze %dma_wait3A_130 : memref<1x32xf32, #tpu.memory_space<vmem>> -> memref<32xf32, #tpu.memory_space<vmem>>
      %dma_wait3A_132 = arith.constant 0 : i32
      %dma_wait3A_133 = tpu.memref_slice %arg5[%dma_wait3A, %dma_wait3A_132] : memref<100000x32xf32, #tpu.memory_space<hbm>> -> memref<1x32xf32, #tpu.memory_space<hbm>>
      %dma_wait3A_134 = tpu.memref_squeeze %dma_wait3A_133 : memref<1x32xf32, #tpu.memory_space<hbm>> -> memref<32xf32, #tpu.memory_space<hbm>>
      %dma_wait3A_135 = arith.constant 0 : i32
      %dma_wait3A_136 = tpu.memref_slice %arg13[%dma_wait3A_128, %dma_wait3A_135] : memref<128x32xf32, #tpu.memory_space<vmem>> -> memref<1x32xf32, #tpu.memory_space<vmem>>
      %dma_wait3A_137 = tpu.memref_squeeze %dma_wait3A_136 : memref<1x32xf32, #tpu.memory_space<vmem>> -> memref<32xf32, #tpu.memory_space<vmem>>
      %dma_wait3A_138 = arith.constant 0 : i32
      %dma_wait3A_139 = tpu.memref_slice %arg5[%dma_wait3A, %dma_wait3A_138] : memref<100000x32xf32, #tpu.memory_space<hbm>> -> memref<1x32xf32, #tpu.memory_space<hbm>>
      %dma_wait3A_140 = tpu.memref_squeeze %dma_wait3A_139 : memref<1x32xf32, #tpu.memory_space<hbm>> -> memref<32xf32, #tpu.memory_space<hbm>>
      tpu.wait_dma2 semaphore(%arg20 : memref<!tpu.dma_semaphore, #tpu.memory_space<semaphore_mem>>) src(%dma_wait3A_140 : memref<32xf32, #tpu.memory_space<hbm>>) dst(%dma_wait3A_137 : memref<32xf32, #tpu.memory_space<vmem>>)
    }
    %scan3A_102 = arith.constant 128 : i32
    %scan3A_103 = arith.constant 0 : i32
    %scan3A_104 = arith.constant 0 : i32
    %scan3A_105 = arith.constant 8 : i32
    %scan3A_106 = arith.addi %scan3A_104, %scan3A_105 : i32
    %scan3A_107 = arith.constant 1 : i32
    scf.for %scan3A_127 = %scan3A_104 to %scan3A_106 step %scan3A_107  : i32 {
      %mul3A_128 = arith.constant 16 : i32
      %mul3A_129 = arith.muli %scan3A_127, %mul3A_128 : i32
      %add3A_130 = vector.broadcast %mul3A_129 : i32 to vector<16xi32>
      %add3A_131 = arith.addi %iota3A, %add3A_130 : vector<16xi32>
      %broadcast_in_dim3A = arith.constant 0.000000e+00 : f32
      %broadcast_in_dim3A_132 = vector.broadcast %broadcast_in_dim3A : f32 to vector<16xf32>
      %broadcast_in_dim3A_133 = arith.constant 0 : i32
      %broadcast_in_dim3A_134 = vector.broadcast %broadcast_in_dim3A_133 : i32 to vector<16xi32>
      %gather3A = tpu.vector_load_idx %arg11[%add3A_131, %broadcast_in_dim3A_134] : memref<128x32xf32, #tpu.memory_space<vmem>>[vector<16xi32>, vector<16xi32>], vector<16xf32>,
      %gather3A_135 = tpu.vector_load_idx %arg13[%add3A_131, %broadcast_in_dim3A_134] : memref<128x32xf32, #tpu.memory_space<vmem>>[vector<16xi32>, vector<16xi32>], vector<16xf32>,
      %slice3A = vector.extract_strided_slice %get3A_5 {offsets = [0], sizes = [1], strides = [1]} : vector<16xf32> to vector<1xf32>
      %squeeze3A = vector.extract %slice3A[0] : f32 from vector<1xf32>
      %mul3A_136 = arith.mulf %gather3A, %gather3A_135 : vector<16xf32>
      %broadcast_in_dim3A_137 = vector.broadcast %squeeze3A : f32 to vector<16xf32>
      %mul3A_138 = arith.mulf %mul3A_136, %broadcast_in_dim3A_137 : vector<16xf32>
      %add3A_139 = arith.addf %broadcast_in_dim3A_132, %mul3A_138 : vector<16xf32>
      %broadcast_in_dim3A_140 = arith.constant 1 : i32
      %broadcast_in_dim3A_141 = vector.broadcast %broadcast_in_dim3A_140 : i32 to vector<16xi32>
      %gather3A_142 = tpu.vector_load_idx %arg11[%add3A_131, %broadcast_in_dim3A_141] : memref<128x32xf32, #tpu.memory_space<vmem>>[vector<16xi32>, vector<16xi32>], vector<16xf32>,
      %gather3A_143 = tpu.vector_load_idx %arg13[%add3A_131, %broadcast_in_dim3A_141] : memref<128x32xf32, #tpu.memory_space<vmem>>[vector<16xi32>, vector<16xi32>], vector<16xf32>,
      %slice3A_144 = vector.extract_strided_slice %get3A_5 {offsets = [1], sizes = [1], strides = [1]} : vector<16xf32> to vector<1xf32>
      %squeeze3A_145 = vector.extract %slice3A_144[0] : f32 from vector<1xf32>
      %mul3A_146 = arith.mulf %gather3A_142, %gather3A_143 : vector<16xf32>
      %broadcast_in_dim3A_147 = vector.broadcast %squeeze3A_145 : f32 to vector<16xf32>
      %mul3A_148 = arith.mulf %mul3A_146, %broadcast_in_dim3A_147 : vector<16xf32>
      %add3A_149 = arith.addf %add3A_139, %mul3A_148 : vector<16xf32>
      %broadcast_in_dim3A_150 = arith.constant 2 : i32
      %broadcast_in_dim3A_151 = vector.broadcast %broadcast_in_dim3A_150 : i32 to vector<16xi32>
      %gather3A_152 = tpu.vector_load_idx %arg11[%add3A_131, %broadcast_in_dim3A_151] : memref<128x32xf32, #tpu.memory_space<vmem>>[vector<16xi32>, vector<16xi32>], vector<16xf32>,
      %gather3A_153 = tpu.vector_load_idx %arg13[%add3A_131, %broadcast_in_dim3A_151] : memref<128x32xf32, #tpu.memory_space<vmem>>[vector<16xi32>, vector<16xi32>], vector<16xf32>,
      %slice3A_154 = vector.extract_strided_slice %get3A_5 {offsets = [2], sizes = [1], strides = [1]} : vector<16xf32> to vector<1xf32>
      %squeeze3A_155 = vector.extract %slice3A_154[0] : f32 from vector<1xf32>
      %mul3A_156 = arith.mulf %gather3A_152, %gather3A_153 : vector<16xf32>
      %broadcast_in_dim3A_157 = vector.broadcast %squeeze3A_155 : f32 to vector<16xf32>
      %mul3A_158 = arith.mulf %mul3A_156, %broadcast_in_dim3A_157 : vector<16xf32>
      %add3A_159 = arith.addf %add3A_149, %mul3A_158 : vector<16xf32>
      %broadcast_in_dim3A_160 = arith.constant 3 : i32
      %broadcast_in_dim3A_161 = vector.broadcast %broadcast_in_dim3A_160 : i32 to vector<16xi32>
      %gather3A_162 = tpu.vector_load_idx %arg11[%add3A_131, %broadcast_in_dim3A_161] : memref<128x32xf32, #tpu.memory_space<vmem>>[vector<16xi32>, vector<16xi32>], vector<16xf32>,
      %gather3A_163 = tpu.vector_load_idx %arg13[%add3A_131, %broadcast_in_dim3A_161] : memref<128x32xf32, #tpu.memory_space<vmem>>[vector<16xi32>, vector<16xi32>], vector<16xf32>,
      %slice3A_164 = vector.extract_strided_slice %get3A_5 {offsets = [3], sizes = [1], strides = [1]} : vector<16xf32> to vector<1xf32>
      %squeeze3A_165 = vector.extract %slice3A_164[0] : f32 from vector<1xf32>
      %mul3A_166 = arith.mulf %gather3A_162, %gather3A_163 : vector<16xf32>
      %broadcast_in_dim3A_167 = vector.broadcast %squeeze3A_165 : f32 to vector<16xf32>
      %mul3A_168 = arith.mulf %mul3A_166, %broadcast_in_dim3A_167 : vector<16xf32>
      %add3A_169 = arith.addf %add3A_159, %mul3A_168 : vector<16xf32>
      %broadcast_in_dim3A_170 = arith.constant 4 : i32
      %broadcast_in_dim3A_171 = vector.broadcast %broadcast_in_dim3A_170 : i32 to vector<16xi32>
      %gather3A_172 = tpu.vector_load_idx %arg11[%add3A_131, %broadcast_in_dim3A_171] : memref<128x32xf32, #tpu.memory_space<vmem>>[vector<16xi32>, vector<16xi32>], vector<16xf32>,
      %gather3A_173 = tpu.vector_load_idx %arg13[%add3A_131, %broadcast_in_dim3A_171] : memref<128x32xf32, #tpu.memory_space<vmem>>[vector<16xi32>, vector<16xi32>], vector<16xf32>,
      %slice3A_174 = vector.extract_strided_slice %get3A_5 {offsets = [4], sizes = [1], strides = [1]} : vector<16xf32> to vector<1xf32>
      %squeeze3A_175 = vector.extract %slice3A_174[0] : f32 from vector<1xf32>
      %mul3A_176 = arith.mulf %gather3A_172, %gather3A_173 : vector<16xf32>
      %broadcast_in_dim3A_177 = vector.broadcast %squeeze3A_175 : f32 to vector<16xf32>
      %mul3A_178 = arith.mulf %mul3A_176, %broadcast_in_dim3A_177 : vector<16xf32>
      %add3A_179 = arith.addf %add3A_169, %mul3A_178 : vector<16xf32>
      %broadcast_in_dim3A_180 = arith.constant 5 : i32
      %broadcast_in_dim3A_181 = vector.broadcast %broadcast_in_dim3A_180 : i32 to vector<16xi32>
      %gather3A_182 = tpu.vector_load_idx %arg11[%add3A_131, %broadcast_in_dim3A_181] : memref<128x32xf32, #tpu.memory_space<vmem>>[vector<16xi32>, vector<16xi32>], vector<16xf32>,
      %gather3A_183 = tpu.vector_load_idx %arg13[%add3A_131, %broadcast_in_dim3A_181] : memref<128x32xf32, #tpu.memory_space<vmem>>[vector<16xi32>, vector<16xi32>], vector<16xf32>,
      %slice3A_184 = vector.extract_strided_slice %get3A_5 {offsets = [5], sizes = [1], strides = [1]} : vector<16xf32> to vector<1xf32>
      %squeeze3A_185 = vector.extract %slice3A_184[0] : f32 from vector<1xf32>
      %mul3A_186 = arith.mulf %gather3A_182, %gather3A_183 : vector<16xf32>
      %broadcast_in_dim3A_187 = vector.broadcast %squeeze3A_185 : f32 to vector<16xf32>
      %mul3A_188 = arith.mulf %mul3A_186, %broadcast_in_dim3A_187 : vector<16xf32>
      %add3A_189 = arith.addf %add3A_179, %mul3A_188 : vector<16xf32>
      %broadcast_in_dim3A_190 = arith.constant 6 : i32
      %broadcast_in_dim3A_191 = vector.broadcast %broadcast_in_dim3A_190 : i32 to vector<16xi32>
      %gather3A_192 = tpu.vector_load_idx %arg11[%add3A_131, %broadcast_in_dim3A_191] : memref<128x32xf32, #tpu.memory_space<vmem>>[vector<16xi32>, vector<16xi32>], vector<16xf32>,
      %gather3A_193 = tpu.vector_load_idx %arg13[%add3A_131, %broadcast_in_dim3A_191] : memref<128x32xf32, #tpu.memory_space<vmem>>[vector<16xi32>, vector<16xi32>], vector<16xf32>,
      %slice3A_194 = vector.extract_strided_slice %get3A_5 {offsets = [6], sizes = [1], strides = [1]} : vector<16xf32> to vector<1xf32>
      %squeeze3A_195 = vector.extract %slice3A_194[0] : f32 from vector<1xf32>
      %mul3A_196 = arith.mulf %gather3A_192, %gather3A_193 : vector<16xf32>
      %broadcast_in_dim3A_197 = vector.broadcast %squeeze3A_195 : f32 to vector<16xf32>
      %mul3A_198 = arith.mulf %mul3A_196, %broadcast_in_dim3A_197 : vector<16xf32>
      %add3A_199 = arith.addf %add3A_189, %mul3A_198 : vector<16xf32>
      %broadcast_in_dim3A_200 = arith.constant 7 : i32
      %broadcast_in_dim3A_201 = vector.broadcast %broadcast_in_dim3A_200 : i32 to vector<16xi32>
      %gather3A_202 = tpu.vector_load_idx %arg11[%add3A_131, %broadcast_in_dim3A_201] : memref<128x32xf32, #tpu.memory_space<vmem>>[vector<16xi32>, vector<16xi32>], vector<16xf32>,
      %gather3A_203 = tpu.vector_load_idx %arg13[%add3A_131, %broadcast_in_dim3A_201] : memref<128x32xf32, #tpu.memory_space<vmem>>[vector<16xi32>, vector<16xi32>], vector<16xf32>,
      %slice3A_204 = vector.extract_strided_slice %get3A_5 {offsets = [7], sizes = [1], strides = [1]} : vector<16xf32> to vector<1xf32>
      %squeeze3A_205 = vector.extract %slice3A_204[0] : f32 from vector<1xf32>
      %mul3A_206 = arith.mulf %gather3A_202, %gather3A_203 : vector<16xf32>
      %broadcast_in_dim3A_207 = vector.broadcast %squeeze3A_205 : f32 to vector<16xf32>
      %mul3A_208 = arith.mulf %mul3A_206, %broadcast_in_dim3A_207 : vector<16xf32>
      %add3A_209 = arith.addf %add3A_199, %mul3A_208 : vector<16xf32>
      %broadcast_in_dim3A_210 = arith.constant 8 : i32
      %broadcast_in_dim3A_211 = vector.broadcast %broadcast_in_dim3A_210 : i32 to vector<16xi32>
      %gather3A_212 = tpu.vector_load_idx %arg11[%add3A_131, %broadcast_in_dim3A_211] : memref<128x32xf32, #tpu.memory_space<vmem>>[vector<16xi32>, vector<16xi32>], vector<16xf32>,
      %gather3A_213 = tpu.vector_load_idx %arg13[%add3A_131, %broadcast_in_dim3A_211] : memref<128x32xf32, #tpu.memory_space<vmem>>[vector<16xi32>, vector<16xi32>], vector<16xf32>,
      %slice3A_214 = vector.extract_strided_slice %get3A_5 {offsets = [8], sizes = [1], strides = [1]} : vector<16xf32> to vector<1xf32>
      %squeeze3A_215 = vector.extract %slice3A_214[0] : f32 from vector<1xf32>
      %mul3A_216 = arith.mulf %gather3A_212, %gather3A_213 : vector<16xf32>
      %broadcast_in_dim3A_217 = vector.broadcast %squeeze3A_215 : f32 to vector<16xf32>
      %mul3A_218 = arith.mulf %mul3A_216, %broadcast_in_dim3A_217 : vector<16xf32>
      %add3A_219 = arith.addf %add3A_209, %mul3A_218 : vector<16xf32>
      %broadcast_in_dim3A_220 = arith.constant 9 : i32
      %broadcast_in_dim3A_221 = vector.broadcast %broadcast_in_dim3A_220 : i32 to vector<16xi32>
      %gather3A_222 = tpu.vector_load_idx %arg11[%add3A_131, %broadcast_in_dim3A_221] : memref<128x32xf32, #tpu.memory_space<vmem>>[vector<16xi32>, vector<16xi32>], vector<16xf32>,
      %gather3A_223 = tpu.vector_load_idx %arg13[%add3A_131, %broadcast_in_dim3A_221] : memref<128x32xf32, #tpu.memory_space<vmem>>[vector<16xi32>, vector<16xi32>], vector<16xf32>,
      %slice3A_224 = vector.extract_strided_slice %get3A_5 {offsets = [9], sizes = [1], strides = [1]} : vector<16xf32> to vector<1xf32>
      %squeeze3A_225 = vector.extract %slice3A_224[0] : f32 from vector<1xf32>
      %mul3A_226 = arith.mulf %gather3A_222, %gather3A_223 : vector<16xf32>
      %broadcast_in_dim3A_227 = vector.broadcast %squeeze3A_225 : f32 to vector<16xf32>
      %mul3A_228 = arith.mulf %mul3A_226, %broadcast_in_dim3A_227 : vector<16xf32>
      %add3A_229 = arith.addf %add3A_219, %mul3A_228 : vector<16xf32>
      %broadcast_in_dim3A_230 = arith.constant 10 : i32
      %broadcast_in_dim3A_231 = vector.broadcast %broadcast_in_dim3A_230 : i32 to vector<16xi32>
      %gather3A_232 = tpu.vector_load_idx %arg11[%add3A_131, %broadcast_in_dim3A_231] : memref<128x32xf32, #tpu.memory_space<vmem>>[vector<16xi32>, vector<16xi32>], vector<16xf32>,
      %gather3A_233 = tpu.vector_load_idx %arg13[%add3A_131, %broadcast_in_dim3A_231] : memref<128x32xf32, #tpu.memory_space<vmem>>[vector<16xi32>, vector<16xi32>], vector<16xf32>,
      %slice3A_234 = vector.extract_strided_slice %get3A_5 {offsets = [10], sizes = [1], strides = [1]} : vector<16xf32> to vector<1xf32>
      %squeeze3A_235 = vector.extract %slice3A_234[0] : f32 from vector<1xf32>
      %mul3A_236 = arith.mulf %gather3A_232, %gather3A_233 : vector<16xf32>
      %broadcast_in_dim3A_237 = vector.broadcast %squeeze3A_235 : f32 to vector<16xf32>
      %mul3A_238 = arith.mulf %mul3A_236, %broadcast_in_dim3A_237 : vector<16xf32>
      %add3A_239 = arith.addf %add3A_229, %mul3A_238 : vector<16xf32>
      %broadcast_in_dim3A_240 = arith.constant 11 : i32
      %broadcast_in_dim3A_241 = vector.broadcast %broadcast_in_dim3A_240 : i32 to vector<16xi32>
      %gather3A_242 = tpu.vector_load_idx %arg11[%add3A_131, %broadcast_in_dim3A_241] : memref<128x32xf32, #tpu.memory_space<vmem>>[vector<16xi32>, vector<16xi32>], vector<16xf32>,
      %gather3A_243 = tpu.vector_load_idx %arg13[%add3A_131, %broadcast_in_dim3A_241] : memref<128x32xf32, #tpu.memory_space<vmem>>[vector<16xi32>, vector<16xi32>], vector<16xf32>,
      %slice3A_244 = vector.extract_strided_slice %get3A_5 {offsets = [11], sizes = [1], strides = [1]} : vector<16xf32> to vector<1xf32>
      %squeeze3A_245 = vector.extract %slice3A_244[0] : f32 from vector<1xf32>
      %mul3A_246 = arith.mulf %gather3A_242, %gather3A_243 : vector<16xf32>
      %broadcast_in_dim3A_247 = vector.broadcast %squeeze3A_245 : f32 to vector<16xf32>
      %mul3A_248 = arith.mulf %mul3A_246, %broadcast_in_dim3A_247 : vector<16xf32>
      %add3A_249 = arith.addf %add3A_239, %mul3A_248 : vector<16xf32>
      %broadcast_in_dim3A_250 = arith.constant 12 : i32
      %broadcast_in_dim3A_251 = vector.broadcast %broadcast_in_dim3A_250 : i32 to vector<16xi32>
      %gather3A_252 = tpu.vector_load_idx %arg11[%add3A_131, %broadcast_in_dim3A_251] : memref<128x32xf32, #tpu.memory_space<vmem>>[vector<16xi32>, vector<16xi32>], vector<16xf32>,
      %gather3A_253 = tpu.vector_load_idx %arg13[%add3A_131, %broadcast_in_dim3A_251] : memref<128x32xf32, #tpu.memory_space<vmem>>[vector<16xi32>, vector<16xi32>], vector<16xf32>,
      %slice3A_254 = vector.extract_strided_slice %get3A_5 {offsets = [12], sizes = [1], strides = [1]} : vector<16xf32> to vector<1xf32>
      %squeeze3A_255 = vector.extract %slice3A_254[0] : f32 from vector<1xf32>
      %mul3A_256 = arith.mulf %gather3A_252, %gather3A_253 : vector<16xf32>
      %broadcast_in_dim3A_257 = vector.broadcast %squeeze3A_255 : f32 to vector<16xf32>
      %mul3A_258 = arith.mulf %mul3A_256, %broadcast_in_dim3A_257 : vector<16xf32>
      %add3A_259 = arith.addf %add3A_249, %mul3A_258 : vector<16xf32>
      %broadcast_in_dim3A_260 = arith.constant 13 : i32
      %broadcast_in_dim3A_261 = vector.broadcast %broadcast_in_dim3A_260 : i32 to vector<16xi32>
      %gather3A_262 = tpu.vector_load_idx %arg11[%add3A_131, %broadcast_in_dim3A_261] : memref<128x32xf32, #tpu.memory_space<vmem>>[vector<16xi32>, vector<16xi32>], vector<16xf32>,
      %gather3A_263 = tpu.vector_load_idx %arg13[%add3A_131, %broadcast_in_dim3A_261] : memref<128x32xf32, #tpu.memory_space<vmem>>[vector<16xi32>, vector<16xi32>], vector<16xf32>,
      %slice3A_264 = vector.extract_strided_slice %get3A_5 {offsets = [13], sizes = [1], strides = [1]} : vector<16xf32> to vector<1xf32>
      %squeeze3A_265 = vector.extract %slice3A_264[0] : f32 from vector<1xf32>
      %mul3A_266 = arith.mulf %gather3A_262, %gather3A_263 : vector<16xf32>
      %broadcast_in_dim3A_267 = vector.broadcast %squeeze3A_265 : f32 to vector<16xf32>
      %mul3A_268 = arith.mulf %mul3A_266, %broadcast_in_dim3A_267 : vector<16xf32>
      %add3A_269 = arith.addf %add3A_259, %mul3A_268 : vector<16xf32>
      %broadcast_in_dim3A_270 = arith.constant 14 : i32
      %broadcast_in_dim3A_271 = vector.broadcast %broadcast_in_dim3A_270 : i32 to vector<16xi32>
      %gather3A_272 = tpu.vector_load_idx %arg11[%add3A_131, %broadcast_in_dim3A_271] : memref<128x32xf32, #tpu.memory_space<vmem>>[vector<16xi32>, vector<16xi32>], vector<16xf32>,
      %gather3A_273 = tpu.vector_load_idx %arg13[%add3A_131, %broadcast_in_dim3A_271] : memref<128x32xf32, #tpu.memory_space<vmem>>[vector<16xi32>, vector<16xi32>], vector<16xf32>,
      %slice3A_274 = vector.extract_strided_slice %get3A_5 {offsets = [14], sizes = [1], strides = [1]} : vector<16xf32> to vector<1xf32>
      %squeeze3A_275 = vector.extract %slice3A_274[0] : f32 from vector<1xf32>
      %mul3A_276 = arith.mulf %gather3A_272, %gather3A_273 : vector<16xf32>
      %broadcast_in_dim3A_277 = vector.broadcast %squeeze3A_275 : f32 to vector<16xf32>
      %mul3A_278 = arith.mulf %mul3A_276, %broadcast_in_dim3A_277 : vector<16xf32>
      %add3A_279 = arith.addf %add3A_269, %mul3A_278 : vector<16xf32>
      %broadcast_in_dim3A_280 = arith.constant 15 : i32
      %broadcast_in_dim3A_281 = vector.broadcast %broadcast_in_dim3A_280 : i32 to vector<16xi32>
      %gather3A_282 = tpu.vector_load_idx %arg11[%add3A_131, %broadcast_in_dim3A_281] : memref<128x32xf32, #tpu.memory_space<vmem>>[vector<16xi32>, vector<16xi32>], vector<16xf32>,
      %gather3A_283 = tpu.vector_load_idx %arg13[%add3A_131, %broadcast_in_dim3A_281] : memref<128x32xf32, #tpu.memory_space<vmem>>[vector<16xi32>, vector<16xi32>], vector<16xf32>,
      %slice3A_284 = vector.extract_strided_slice %get3A_5 {offsets = [15], sizes = [1], strides = [1]} : vector<16xf32> to vector<1xf32>
      %squeeze3A_285 = vector.extract %slice3A_284[0] : f32 from vector<1xf32>
      %mul3A_286 = arith.mulf %gather3A_282, %gather3A_283 : vector<16xf32>
      %broadcast_in_dim3A_287 = vector.broadcast %squeeze3A_285 : f32 to vector<16xf32>
      %mul3A_288 = arith.mulf %mul3A_286, %broadcast_in_dim3A_287 : vector<16xf32>
      %add3A_289 = arith.addf %add3A_279, %mul3A_288 : vector<16xf32>
      %broadcast_in_dim3A_290 = arith.constant 16 : i32
      %broadcast_in_dim3A_291 = vector.broadcast %broadcast_in_dim3A_290 : i32 to vector<16xi32>
      %gather3A_292 = tpu.vector_load_idx %arg11[%add3A_131, %broadcast_in_dim3A_291] : memref<128x32xf32, #tpu.memory_space<vmem>>[vector<16xi32>, vector<16xi32>], vector<16xf32>,
      %gather3A_293 = tpu.vector_load_idx %arg13[%add3A_131, %broadcast_in_dim3A_291] : memref<128x32xf32, #tpu.memory_space<vmem>>[vector<16xi32>, vector<16xi32>], vector<16xf32>,
      %slice3A_294 = vector.extract_strided_slice %get3A_7 {offsets = [0], sizes = [1], strides = [1]} : vector<16xf32> to vector<1xf32>
      %squeeze3A_295 = vector.extract %slice3A_294[0] : f32 from vector<1xf32>
      %mul3A_296 = arith.mulf %gather3A_292, %gather3A_293 : vector<16xf32>
      %broadcast_in_dim3A_297 = vector.broadcast %squeeze3A_295 : f32 to vector<16xf32>
      %mul3A_298 = arith.mulf %mul3A_296, %broadcast_in_dim3A_297 : vector<16xf32>
      %add3A_299 = arith.addf %add3A_289, %mul3A_298 : vector<16xf32>
      %broadcast_in_dim3A_300 = arith.constant 17 : i32
      %broadcast_in_dim3A_301 = vector.broadcast %broadcast_in_dim3A_300 : i32 to vector<16xi32>
      %gather3A_302 = tpu.vector_load_idx %arg11[%add3A_131, %broadcast_in_dim3A_301] : memref<128x32xf32, #tpu.memory_space<vmem>>[vector<16xi32>, vector<16xi32>], vector<16xf32>,
      %gather3A_303 = tpu.vector_load_idx %arg13[%add3A_131, %broadcast_in_dim3A_301] : memref<128x32xf32, #tpu.memory_space<vmem>>[vector<16xi32>, vector<16xi32>], vector<16xf32>,
      %slice3A_304 = vector.extract_strided_slice %get3A_7 {offsets = [1], sizes = [1], strides = [1]} : vector<16xf32> to vector<1xf32>
      %squeeze3A_305 = vector.extract %slice3A_304[0] : f32 from vector<1xf32>
      %mul3A_306 = arith.mulf %gather3A_302, %gather3A_303 : vector<16xf32>
      %broadcast_in_dim3A_307 = vector.broadcast %squeeze3A_305 : f32 to vector<16xf32>
      %mul3A_308 = arith.mulf %mul3A_306, %broadcast_in_dim3A_307 : vector<16xf32>
      %add3A_309 = arith.addf %add3A_299, %mul3A_308 : vector<16xf32>
      %broadcast_in_dim3A_310 = arith.constant 18 : i32
      %broadcast_in_dim3A_311 = vector.broadcast %broadcast_in_dim3A_310 : i32 to vector<16xi32>
      %gather3A_312 = tpu.vector_load_idx %arg11[%add3A_131, %broadcast_in_dim3A_311] : memref<128x32xf32, #tpu.memory_space<vmem>>[vector<16xi32>, vector<16xi32>], vector<16xf32>,
      %gather3A_313 = tpu.vector_load_idx %arg13[%add3A_131, %broadcast_in_dim3A_311] : memref<128x32xf32, #tpu.memory_space<vmem>>[vector<16xi32>, vector<16xi32>], vector<16xf32>,
      %slice3A_314 = vector.extract_strided_slice %get3A_7 {offsets = [2], sizes = [1], strides = [1]} : vector<16xf32> to vector<1xf32>
      %squeeze3A_315 = vector.extract %slice3A_314[0] : f32 from vector<1xf32>
      %mul3A_316 = arith.mulf %gather3A_312, %gather3A_313 : vector<16xf32>
      %broadcast_in_dim3A_317 = vector.broadcast %squeeze3A_315 : f32 to vector<16xf32>
      %mul3A_318 = arith.mulf %mul3A_316, %broadcast_in_dim3A_317 : vector<16xf32>
      %add3A_319 = arith.addf %add3A_309, %mul3A_318 : vector<16xf32>
      %broadcast_in_dim3A_320 = arith.constant 19 : i32
      %broadcast_in_dim3A_321 = vector.broadcast %broadcast_in_dim3A_320 : i32 to vector<16xi32>
      %gather3A_322 = tpu.vector_load_idx %arg11[%add3A_131, %broadcast_in_dim3A_321] : memref<128x32xf32, #tpu.memory_space<vmem>>[vector<16xi32>, vector<16xi32>], vector<16xf32>,
      %gather3A_323 = tpu.vector_load_idx %arg13[%add3A_131, %broadcast_in_dim3A_321] : memref<128x32xf32, #tpu.memory_space<vmem>>[vector<16xi32>, vector<16xi32>], vector<16xf32>,
      %slice3A_324 = vector.extract_strided_slice %get3A_7 {offsets = [3], sizes = [1], strides = [1]} : vector<16xf32> to vector<1xf32>
      %squeeze3A_325 = vector.extract %slice3A_324[0] : f32 from vector<1xf32>
      %mul3A_326 = arith.mulf %gather3A_322, %gather3A_323 : vector<16xf32>
      %broadcast_in_dim3A_327 = vector.broadcast %squeeze3A_325 : f32 to vector<16xf32>
      %mul3A_328 = arith.mulf %mul3A_326, %broadcast_in_dim3A_327 : vector<16xf32>
      %add3A_329 = arith.addf %add3A_319, %mul3A_328 : vector<16xf32>
      %broadcast_in_dim3A_330 = arith.constant 20 : i32
      %broadcast_in_dim3A_331 = vector.broadcast %broadcast_in_dim3A_330 : i32 to vector<16xi32>
      %gather3A_332 = tpu.vector_load_idx %arg11[%add3A_131, %broadcast_in_dim3A_331] : memref<128x32xf32, #tpu.memory_space<vmem>>[vector<16xi32>, vector<16xi32>], vector<16xf32>,
      %gather3A_333 = tpu.vector_load_idx %arg13[%add3A_131, %broadcast_in_dim3A_331] : memref<128x32xf32, #tpu.memory_space<vmem>>[vector<16xi32>, vector<16xi32>], vector<16xf32>,
      %slice3A_334 = vector.extract_strided_slice %get3A_7 {offsets = [4], sizes = [1], strides = [1]} : vector<16xf32> to vector<1xf32>
      %squeeze3A_335 = vector.extract %slice3A_334[0] : f32 from vector<1xf32>
      %mul3A_336 = arith.mulf %gather3A_332, %gather3A_333 : vector<16xf32>
      %broadcast_in_dim3A_337 = vector.broadcast %squeeze3A_335 : f32 to vector<16xf32>
      %mul3A_338 = arith.mulf %mul3A_336, %broadcast_in_dim3A_337 : vector<16xf32>
      %add3A_339 = arith.addf %add3A_329, %mul3A_338 : vector<16xf32>
      %broadcast_in_dim3A_340 = arith.constant 21 : i32
      %broadcast_in_dim3A_341 = vector.broadcast %broadcast_in_dim3A_340 : i32 to vector<16xi32>
      %gather3A_342 = tpu.vector_load_idx %arg11[%add3A_131, %broadcast_in_dim3A_341] : memref<128x32xf32, #tpu.memory_space<vmem>>[vector<16xi32>, vector<16xi32>], vector<16xf32>,
      %gather3A_343 = tpu.vector_load_idx %arg13[%add3A_131, %broadcast_in_dim3A_341] : memref<128x32xf32, #tpu.memory_space<vmem>>[vector<16xi32>, vector<16xi32>], vector<16xf32>,
      %slice3A_344 = vector.extract_strided_slice %get3A_7 {offsets = [5], sizes = [1], strides = [1]} : vector<16xf32> to vector<1xf32>
      %squeeze3A_345 = vector.extract %slice3A_344[0] : f32 from vector<1xf32>
      %mul3A_346 = arith.mulf %gather3A_342, %gather3A_343 : vector<16xf32>
      %broadcast_in_dim3A_347 = vector.broadcast %squeeze3A_345 : f32 to vector<16xf32>
      %mul3A_348 = arith.mulf %mul3A_346, %broadcast_in_dim3A_347 : vector<16xf32>
      %add3A_349 = arith.addf %add3A_339, %mul3A_348 : vector<16xf32>
      %broadcast_in_dim3A_350 = arith.constant 22 : i32
      %broadcast_in_dim3A_351 = vector.broadcast %broadcast_in_dim3A_350 : i32 to vector<16xi32>
      %gather3A_352 = tpu.vector_load_idx %arg11[%add3A_131, %broadcast_in_dim3A_351] : memref<128x32xf32, #tpu.memory_space<vmem>>[vector<16xi32>, vector<16xi32>], vector<16xf32>,
      %gather3A_353 = tpu.vector_load_idx %arg13[%add3A_131, %broadcast_in_dim3A_351] : memref<128x32xf32, #tpu.memory_space<vmem>>[vector<16xi32>, vector<16xi32>], vector<16xf32>,
      %slice3A_354 = vector.extract_strided_slice %get3A_7 {offsets = [6], sizes = [1], strides = [1]} : vector<16xf32> to vector<1xf32>
      %squeeze3A_355 = vector.extract %slice3A_354[0] : f32 from vector<1xf32>
      %mul3A_356 = arith.mulf %gather3A_352, %gather3A_353 : vector<16xf32>
      %broadcast_in_dim3A_357 = vector.broadcast %squeeze3A_355 : f32 to vector<16xf32>
      %mul3A_358 = arith.mulf %mul3A_356, %broadcast_in_dim3A_357 : vector<16xf32>
      %add3A_359 = arith.addf %add3A_349, %mul3A_358 : vector<16xf32>
      %broadcast_in_dim3A_360 = arith.constant 23 : i32
      %broadcast_in_dim3A_361 = vector.broadcast %broadcast_in_dim3A_360 : i32 to vector<16xi32>
      %gather3A_362 = tpu.vector_load_idx %arg11[%add3A_131, %broadcast_in_dim3A_361] : memref<128x32xf32, #tpu.memory_space<vmem>>[vector<16xi32>, vector<16xi32>], vector<16xf32>,
      %gather3A_363 = tpu.vector_load_idx %arg13[%add3A_131, %broadcast_in_dim3A_361] : memref<128x32xf32, #tpu.memory_space<vmem>>[vector<16xi32>, vector<16xi32>], vector<16xf32>,
      %slice3A_364 = vector.extract_strided_slice %get3A_7 {offsets = [7], sizes = [1], strides = [1]} : vector<16xf32> to vector<1xf32>
      %squeeze3A_365 = vector.extract %slice3A_364[0] : f32 from vector<1xf32>
      %mul3A_366 = arith.mulf %gather3A_362, %gather3A_363 : vector<16xf32>
      %broadcast_in_dim3A_367 = vector.broadcast %squeeze3A_365 : f32 to vector<16xf32>
      %mul3A_368 = arith.mulf %mul3A_366, %broadcast_in_dim3A_367 : vector<16xf32>
      %add3A_369 = arith.addf %add3A_359, %mul3A_368 : vector<16xf32>
      %broadcast_in_dim3A_370 = arith.constant 24 : i32
      %broadcast_in_dim3A_371 = vector.broadcast %broadcast_in_dim3A_370 : i32 to vector<16xi32>
      %gather3A_372 = tpu.vector_load_idx %arg11[%add3A_131, %broadcast_in_dim3A_371] : memref<128x32xf32, #tpu.memory_space<vmem>>[vector<16xi32>, vector<16xi32>], vector<16xf32>,
      %gather3A_373 = tpu.vector_load_idx %arg13[%add3A_131, %broadcast_in_dim3A_371] : memref<128x32xf32, #tpu.memory_space<vmem>>[vector<16xi32>, vector<16xi32>], vector<16xf32>,
      %slice3A_374 = vector.extract_strided_slice %get3A_7 {offsets = [8], sizes = [1], strides = [1]} : vector<16xf32> to vector<1xf32>
      %squeeze3A_375 = vector.extract %slice3A_374[0] : f32 from vector<1xf32>
      %mul3A_376 = arith.mulf %gather3A_372, %gather3A_373 : vector<16xf32>
      %broadcast_in_dim3A_377 = vector.broadcast %squeeze3A_375 : f32 to vector<16xf32>
      %mul3A_378 = arith.mulf %mul3A_376, %broadcast_in_dim3A_377 : vector<16xf32>
      %add3A_379 = arith.addf %add3A_369, %mul3A_378 : vector<16xf32>
      %broadcast_in_dim3A_380 = arith.constant 25 : i32
      %broadcast_in_dim3A_381 = vector.broadcast %broadcast_in_dim3A_380 : i32 to vector<16xi32>
      %gather3A_382 = tpu.vector_load_idx %arg11[%add3A_131, %broadcast_in_dim3A_381] : memref<128x32xf32, #tpu.memory_space<vmem>>[vector<16xi32>, vector<16xi32>], vector<16xf32>,
      %gather3A_383 = tpu.vector_load_idx %arg13[%add3A_131, %broadcast_in_dim3A_381] : memref<128x32xf32, #tpu.memory_space<vmem>>[vector<16xi32>, vector<16xi32>], vector<16xf32>,
      %slice3A_384 = vector.extract_strided_slice %get3A_7 {offsets = [9], sizes = [1], strides = [1]} : vector<16xf32> to vector<1xf32>
      %squeeze3A_385 = vector.extract %slice3A_384[0] : f32 from vector<1xf32>
      %mul3A_386 = arith.mulf %gather3A_382, %gather3A_383 : vector<16xf32>
      %broadcast_in_dim3A_387 = vector.broadcast %squeeze3A_385 : f32 to vector<16xf32>
      %mul3A_388 = arith.mulf %mul3A_386, %broadcast_in_dim3A_387 : vector<16xf32>
      %add3A_389 = arith.addf %add3A_379, %mul3A_388 : vector<16xf32>
      %broadcast_in_dim3A_390 = arith.constant 26 : i32
      %broadcast_in_dim3A_391 = vector.broadcast %broadcast_in_dim3A_390 : i32 to vector<16xi32>
      %gather3A_392 = tpu.vector_load_idx %arg11[%add3A_131, %broadcast_in_dim3A_391] : memref<128x32xf32, #tpu.memory_space<vmem>>[vector<16xi32>, vector<16xi32>], vector<16xf32>,
      %gather3A_393 = tpu.vector_load_idx %arg13[%add3A_131, %broadcast_in_dim3A_391] : memref<128x32xf32, #tpu.memory_space<vmem>>[vector<16xi32>, vector<16xi32>], vector<16xf32>,
      %slice3A_394 = vector.extract_strided_slice %get3A_7 {offsets = [10], sizes = [1], strides = [1]} : vector<16xf32> to vector<1xf32>
      %squeeze3A_395 = vector.extract %slice3A_394[0] : f32 from vector<1xf32>
      %mul3A_396 = arith.mulf %gather3A_392, %gather3A_393 : vector<16xf32>
      %broadcast_in_dim3A_397 = vector.broadcast %squeeze3A_395 : f32 to vector<16xf32>
      %mul3A_398 = arith.mulf %mul3A_396, %broadcast_in_dim3A_397 : vector<16xf32>
      %add3A_399 = arith.addf %add3A_389, %mul3A_398 : vector<16xf32>
      %broadcast_in_dim3A_400 = arith.constant 27 : i32
      %broadcast_in_dim3A_401 = vector.broadcast %broadcast_in_dim3A_400 : i32 to vector<16xi32>
      %gather3A_402 = tpu.vector_load_idx %arg11[%add3A_131, %broadcast_in_dim3A_401] : memref<128x32xf32, #tpu.memory_space<vmem>>[vector<16xi32>, vector<16xi32>], vector<16xf32>,
      %gather3A_403 = tpu.vector_load_idx %arg13[%add3A_131, %broadcast_in_dim3A_401] : memref<128x32xf32, #tpu.memory_space<vmem>>[vector<16xi32>, vector<16xi32>], vector<16xf32>,
      %slice3A_404 = vector.extract_strided_slice %get3A_7 {offsets = [11], sizes = [1], strides = [1]} : vector<16xf32> to vector<1xf32>
      %squeeze3A_405 = vector.extract %slice3A_404[0] : f32 from vector<1xf32>
      %mul3A_406 = arith.mulf %gather3A_402, %gather3A_403 : vector<16xf32>
      %broadcast_in_dim3A_407 = vector.broadcast %squeeze3A_405 : f32 to vector<16xf32>
      %mul3A_408 = arith.mulf %mul3A_406, %broadcast_in_dim3A_407 : vector<16xf32>
      %add3A_409 = arith.addf %add3A_399, %mul3A_408 : vector<16xf32>
      %broadcast_in_dim3A_410 = arith.constant 28 : i32
      %broadcast_in_dim3A_411 = vector.broadcast %broadcast_in_dim3A_410 : i32 to vector<16xi32>
      %gather3A_412 = tpu.vector_load_idx %arg11[%add3A_131, %broadcast_in_dim3A_411] : memref<128x32xf32, #tpu.memory_space<vmem>>[vector<16xi32>, vector<16xi32>], vector<16xf32>,
      %gather3A_413 = tpu.vector_load_idx %arg13[%add3A_131, %broadcast_in_dim3A_411] : memref<128x32xf32, #tpu.memory_space<vmem>>[vector<16xi32>, vector<16xi32>], vector<16xf32>,
      %slice3A_414 = vector.extract_strided_slice %get3A_7 {offsets = [12], sizes = [1], strides = [1]} : vector<16xf32> to vector<1xf32>
      %squeeze3A_415 = vector.extract %slice3A_414[0] : f32 from vector<1xf32>
      %mul3A_416 = arith.mulf %gather3A_412, %gather3A_413 : vector<16xf32>
      %broadcast_in_dim3A_417 = vector.broadcast %squeeze3A_415 : f32 to vector<16xf32>
      %mul3A_418 = arith.mulf %mul3A_416, %broadcast_in_dim3A_417 : vector<16xf32>
      %add3A_419 = arith.addf %add3A_409, %mul3A_418 : vector<16xf32>
      %broadcast_in_dim3A_420 = arith.constant 29 : i32
      %broadcast_in_dim3A_421 = vector.broadcast %broadcast_in_dim3A_420 : i32 to vector<16xi32>
      %gather3A_422 = tpu.vector_load_idx %arg11[%add3A_131, %broadcast_in_dim3A_421] : memref<128x32xf32, #tpu.memory_space<vmem>>[vector<16xi32>, vector<16xi32>], vector<16xf32>,
      %gather3A_423 = tpu.vector_load_idx %arg13[%add3A_131, %broadcast_in_dim3A_421] : memref<128x32xf32, #tpu.memory_space<vmem>>[vector<16xi32>, vector<16xi32>], vector<16xf32>,
      %slice3A_424 = vector.extract_strided_slice %get3A_7 {offsets = [13], sizes = [1], strides = [1]} : vector<16xf32> to vector<1xf32>
      %squeeze3A_425 = vector.extract %slice3A_424[0] : f32 from vector<1xf32>
      %mul3A_426 = arith.mulf %gather3A_422, %gather3A_423 : vector<16xf32>
      %broadcast_in_dim3A_427 = vector.broadcast %squeeze3A_425 : f32 to vector<16xf32>
      %mul3A_428 = arith.mulf %mul3A_426, %broadcast_in_dim3A_427 : vector<16xf32>
      %add3A_429 = arith.addf %add3A_419, %mul3A_428 : vector<16xf32>
      %broadcast_in_dim3A_430 = arith.constant 30 : i32
      %broadcast_in_dim3A_431 = vector.broadcast %broadcast_in_dim3A_430 : i32 to vector<16xi32>
      %gather3A_432 = tpu.vector_load_idx %arg11[%add3A_131, %broadcast_in_dim3A_431] : memref<128x32xf32, #tpu.memory_space<vmem>>[vector<16xi32>, vector<16xi32>], vector<16xf32>,
      %gather3A_433 = tpu.vector_load_idx %arg13[%add3A_131, %broadcast_in_dim3A_431] : memref<128x32xf32, #tpu.memory_space<vmem>>[vector<16xi32>, vector<16xi32>], vector<16xf32>,
      %slice3A_434 = vector.extract_strided_slice %get3A_7 {offsets = [14], sizes = [1], strides = [1]} : vector<16xf32> to vector<1xf32>
      %squeeze3A_435 = vector.extract %slice3A_434[0] : f32 from vector<1xf32>
      %mul3A_436 = arith.mulf %gather3A_432, %gather3A_433 : vector<16xf32>
      %broadcast_in_dim3A_437 = vector.broadcast %squeeze3A_435 : f32 to vector<16xf32>
      %mul3A_438 = arith.mulf %mul3A_436, %broadcast_in_dim3A_437 : vector<16xf32>
      %add3A_439 = arith.addf %add3A_429, %mul3A_438 : vector<16xf32>
      %broadcast_in_dim3A_440 = arith.constant 31 : i32
      %broadcast_in_dim3A_441 = vector.broadcast %broadcast_in_dim3A_440 : i32 to vector<16xi32>
      %gather3A_442 = tpu.vector_load_idx %arg11[%add3A_131, %broadcast_in_dim3A_441] : memref<128x32xf32, #tpu.memory_space<vmem>>[vector<16xi32>, vector<16xi32>], vector<16xf32>,
      %gather3A_443 = tpu.vector_load_idx %arg13[%add3A_131, %broadcast_in_dim3A_441] : memref<128x32xf32, #tpu.memory_space<vmem>>[vector<16xi32>, vector<16xi32>], vector<16xf32>,
      %slice3A_444 = vector.extract_strided_slice %get3A_7 {offsets = [15], sizes = [1], strides = [1]} : vector<16xf32> to vector<1xf32>
      %squeeze3A_445 = vector.extract %slice3A_444[0] : f32 from vector<1xf32>
      %mul3A_446 = arith.mulf %gather3A_442, %gather3A_443 : vector<16xf32>
      %broadcast_in_dim3A_447 = vector.broadcast %squeeze3A_445 : f32 to vector<16xf32>
      %mul3A_448 = arith.mulf %mul3A_446, %broadcast_in_dim3A_447 : vector<16xf32>
      %add3A_449 = arith.addf %add3A_439, %mul3A_448 : vector<16xf32>
      %add3A_450 = arith.addf %add3A_449, %get3A_3 : vector<16xf32>
      %neg3A = arith.constant 0.000000e+00 : f32
      %neg3A_451 = vector.broadcast %neg3A : f32 to vector<16xf32>
      %neg3A_452 = arith.subf %neg3A_451, %add3A_450 : vector<16xf32>
      %exp3A = math.exp %neg3A_452 : vector<16xf32>
      %add3A_453 = arith.constant 1.000000e+00 : f32
      %add3A_454 = vector.broadcast %add3A_453 : f32 to vector<16xf32>
      %add3A_455 = arith.addf %add3A_454, %exp3A : vector<16xf32>
      %div3A = arith.constant 5.000000e+00 : f32
      %div3A_456 = vector.broadcast %div3A : f32 to vector<16xf32>
      %div3A_457 = arith.divf %div3A_456, %add3A_455 : vector<16xf32>
      %add3A_458 = arith.constant 1.000000e+00 : f32
      %add3A_459 = vector.broadcast %add3A_458 : f32 to vector<16xf32>
      %add3A_460 = arith.addf %div3A_457, %add3A_459 : vector<16xf32>
      %mul3A_461 = arith.constant 16 : i32
      %mul3A_462 = arith.muli %scan3A_127, %mul3A_461 : i32
      %add3A_463 = arith.constant 256 : i32
      %add3A_464 = arith.addi %add3A_463, %mul3A_462 : i32
      %swap3A = arith.index_cast %add3A_464 : i32 to index
      %swap3A_465 = tpu.vector_load %arg17[%swap3A] {strides = array<i32>} : memref<512xf32, #tpu.memory_space<vmem>>, vector<16xf32>,
      tpu.vector_store %arg17[%swap3A], %add3A_460 {strides = array<i32>} : memref<512xf32, #tpu.memory_space<vmem>>, vector<16xf32>,
    }
    %scan3A_108 = arith.constant 8 : i32
    %scan3A_109 = arith.constant 0 : i32
    %scan3A_110 = arith.constant 0 : i32
    %scan3A_111 = arith.constant 128 : i32
    %scan3A_112 = arith.addi %scan3A_110, %scan3A_111 : i32
    %scan3A_113 = arith.constant 1 : i32
    scf.for %scan3A_127 = %scan3A_110 to %scan3A_112 step %scan3A_113  : i32 {
      %dma_wait3A = arith.constant 0 : i32
      %dma_wait3A_128 = arith.constant 0 : i32
      %dma_wait3A_129 = arith.constant 0 : i32
      %dma_wait3A_130 = tpu.memref_slice %arg12[%dma_wait3A_128, %dma_wait3A_129] : memref<128x32xf32, #tpu.memory_space<vmem>> -> memref<1x32xf32, #tpu.memory_space<vmem>>
      %dma_wait3A_131 = tpu.memref_squeeze %dma_wait3A_130 : memref<1x32xf32, #tpu.memory_space<vmem>> -> memref<32xf32, #tpu.memory_space<vmem>>
      %dma_wait3A_132 = arith.constant 0 : i32
      %dma_wait3A_133 = tpu.memref_slice %arg4[%dma_wait3A, %dma_wait3A_132] : memref<1000000x32xf32, #tpu.memory_space<hbm>> -> memref<1x32xf32, #tpu.memory_space<hbm>>
      %dma_wait3A_134 = tpu.memref_squeeze %dma_wait3A_133 : memref<1x32xf32, #tpu.memory_space<hbm>> -> memref<32xf32, #tpu.memory_space<hbm>>
      %dma_wait3A_135 = arith.constant 0 : i32
      %dma_wait3A_136 = tpu.memref_slice %arg12[%dma_wait3A_128, %dma_wait3A_135] : memref<128x32xf32, #tpu.memory_space<vmem>> -> memref<1x32xf32, #tpu.memory_space<vmem>>
      %dma_wait3A_137 = tpu.memref_squeeze %dma_wait3A_136 : memref<1x32xf32, #tpu.memory_space<vmem>> -> memref<32xf32, #tpu.memory_space<vmem>>
      %dma_wait3A_138 = arith.constant 0 : i32
      %dma_wait3A_139 = tpu.memref_slice %arg4[%dma_wait3A, %dma_wait3A_138] : memref<1000000x32xf32, #tpu.memory_space<hbm>> -> memref<1x32xf32, #tpu.memory_space<hbm>>
      %dma_wait3A_140 = tpu.memref_squeeze %dma_wait3A_139 : memref<1x32xf32, #tpu.memory_space<hbm>> -> memref<32xf32, #tpu.memory_space<hbm>>
      tpu.wait_dma2 semaphore(%arg19 : memref<!tpu.dma_semaphore, #tpu.memory_space<semaphore_mem>>) src(%dma_wait3A_140 : memref<32xf32, #tpu.memory_space<hbm>>) dst(%dma_wait3A_137 : memref<32xf32, #tpu.memory_space<vmem>>)
    }
    %scan3A_114 = arith.constant 128 : i32
    %scan3A_115 = arith.constant 0 : i32
    %scan3A_116 = arith.constant 0 : i32
    %scan3A_117 = arith.constant 128 : i32
    %scan3A_118 = arith.addi %scan3A_116, %scan3A_117 : i32
    %scan3A_119 = arith.constant 1 : i32
    scf.for %scan3A_127 = %scan3A_116 to %scan3A_118 step %scan3A_119  : i32 {
      %dma_wait3A = arith.constant 0 : i32
      %dma_wait3A_128 = arith.constant 0 : i32
      %dma_wait3A_129 = arith.constant 0 : i32
      %dma_wait3A_130 = tpu.memref_slice %arg14[%dma_wait3A_128, %dma_wait3A_129] : memref<128x32xf32, #tpu.memory_space<vmem>> -> memref<1x32xf32, #tpu.memory_space<vmem>>
      %dma_wait3A_131 = tpu.memref_squeeze %dma_wait3A_130 : memref<1x32xf32, #tpu.memory_space<vmem>> -> memref<32xf32, #tpu.memory_space<vmem>>
      %dma_wait3A_132 = arith.constant 0 : i32
      %dma_wait3A_133 = tpu.memref_slice %arg5[%dma_wait3A, %dma_wait3A_132] : memref<100000x32xf32, #tpu.memory_space<hbm>> -> memref<1x32xf32, #tpu.memory_space<hbm>>
      %dma_wait3A_134 = tpu.memref_squeeze %dma_wait3A_133 : memref<1x32xf32, #tpu.memory_space<hbm>> -> memref<32xf32, #tpu.memory_space<hbm>>
      %dma_wait3A_135 = arith.constant 0 : i32
      %dma_wait3A_136 = tpu.memref_slice %arg14[%dma_wait3A_128, %dma_wait3A_135] : memref<128x32xf32, #tpu.memory_space<vmem>> -> memref<1x32xf32, #tpu.memory_space<vmem>>
      %dma_wait3A_137 = tpu.memref_squeeze %dma_wait3A_136 : memref<1x32xf32, #tpu.memory_space<vmem>> -> memref<32xf32, #tpu.memory_space<vmem>>
      %dma_wait3A_138 = arith.constant 0 : i32
      %dma_wait3A_139 = tpu.memref_slice %arg5[%dma_wait3A, %dma_wait3A_138] : memref<100000x32xf32, #tpu.memory_space<hbm>> -> memref<1x32xf32, #tpu.memory_space<hbm>>
      %dma_wait3A_140 = tpu.memref_squeeze %dma_wait3A_139 : memref<1x32xf32, #tpu.memory_space<hbm>> -> memref<32xf32, #tpu.memory_space<hbm>>
      tpu.wait_dma2 semaphore(%arg21 : memref<!tpu.dma_semaphore, #tpu.memory_space<semaphore_mem>>) src(%dma_wait3A_140 : memref<32xf32, #tpu.memory_space<hbm>>) dst(%dma_wait3A_137 : memref<32xf32, #tpu.memory_space<vmem>>)
    }
    %scan3A_120 = arith.constant 128 : i32
    %scan3A_121 = arith.constant 0 : i32
    %scan3A_122 = arith.constant 0 : i32
    %scan3A_123 = arith.constant 8 : i32
    %scan3A_124 = arith.addi %scan3A_122, %scan3A_123 : i32
    %scan3A_125 = arith.constant 1 : i32
    scf.for %scan3A_127 = %scan3A_122 to %scan3A_124 step %scan3A_125  : i32 {
      %mul3A_128 = arith.constant 16 : i32
      %mul3A_129 = arith.muli %scan3A_127, %mul3A_128 : i32
      %add3A_130 = vector.broadcast %mul3A_129 : i32 to vector<16xi32>
      %add3A_131 = arith.addi %iota3A, %add3A_130 : vector<16xi32>
      %broadcast_in_dim3A = arith.constant 0.000000e+00 : f32
      %broadcast_in_dim3A_132 = vector.broadcast %broadcast_in_dim3A : f32 to vector<16xf32>
      %broadcast_in_dim3A_133 = arith.constant 0 : i32
      %broadcast_in_dim3A_134 = vector.broadcast %broadcast_in_dim3A_133 : i32 to vector<16xi32>
      %gather3A = tpu.vector_load_idx %arg12[%add3A_131, %broadcast_in_dim3A_134] : memref<128x32xf32, #tpu.memory_space<vmem>>[vector<16xi32>, vector<16xi32>], vector<16xf32>,
      %gather3A_135 = tpu.vector_load_idx %arg14[%add3A_131, %broadcast_in_dim3A_134] : memref<128x32xf32, #tpu.memory_space<vmem>>[vector<16xi32>, vector<16xi32>], vector<16xf32>,
      %slice3A = vector.extract_strided_slice %get3A_5 {offsets = [0], sizes = [1], strides = [1]} : vector<16xf32> to vector<1xf32>
      %squeeze3A = vector.extract %slice3A[0] : f32 from vector<1xf32>
      %mul3A_136 = arith.mulf %gather3A, %gather3A_135 : vector<16xf32>
      %broadcast_in_dim3A_137 = vector.broadcast %squeeze3A : f32 to vector<16xf32>
      %mul3A_138 = arith.mulf %mul3A_136, %broadcast_in_dim3A_137 : vector<16xf32>
      %add3A_139 = arith.addf %broadcast_in_dim3A_132, %mul3A_138 : vector<16xf32>
      %broadcast_in_dim3A_140 = arith.constant 1 : i32
      %broadcast_in_dim3A_141 = vector.broadcast %broadcast_in_dim3A_140 : i32 to vector<16xi32>
      %gather3A_142 = tpu.vector_load_idx %arg12[%add3A_131, %broadcast_in_dim3A_141] : memref<128x32xf32, #tpu.memory_space<vmem>>[vector<16xi32>, vector<16xi32>], vector<16xf32>,
      %gather3A_143 = tpu.vector_load_idx %arg14[%add3A_131, %broadcast_in_dim3A_141] : memref<128x32xf32, #tpu.memory_space<vmem>>[vector<16xi32>, vector<16xi32>], vector<16xf32>,
      %slice3A_144 = vector.extract_strided_slice %get3A_5 {offsets = [1], sizes = [1], strides = [1]} : vector<16xf32> to vector<1xf32>
      %squeeze3A_145 = vector.extract %slice3A_144[0] : f32 from vector<1xf32>
      %mul3A_146 = arith.mulf %gather3A_142, %gather3A_143 : vector<16xf32>
      %broadcast_in_dim3A_147 = vector.broadcast %squeeze3A_145 : f32 to vector<16xf32>
      %mul3A_148 = arith.mulf %mul3A_146, %broadcast_in_dim3A_147 : vector<16xf32>
      %add3A_149 = arith.addf %add3A_139, %mul3A_148 : vector<16xf32>
      %broadcast_in_dim3A_150 = arith.constant 2 : i32
      %broadcast_in_dim3A_151 = vector.broadcast %broadcast_in_dim3A_150 : i32 to vector<16xi32>
      %gather3A_152 = tpu.vector_load_idx %arg12[%add3A_131, %broadcast_in_dim3A_151] : memref<128x32xf32, #tpu.memory_space<vmem>>[vector<16xi32>, vector<16xi32>], vector<16xf32>,
      %gather3A_153 = tpu.vector_load_idx %arg14[%add3A_131, %broadcast_in_dim3A_151] : memref<128x32xf32, #tpu.memory_space<vmem>>[vector<16xi32>, vector<16xi32>], vector<16xf32>,
      %slice3A_154 = vector.extract_strided_slice %get3A_5 {offsets = [2], sizes = [1], strides = [1]} : vector<16xf32> to vector<1xf32>
      %squeeze3A_155 = vector.extract %slice3A_154[0] : f32 from vector<1xf32>
      %mul3A_156 = arith.mulf %gather3A_152, %gather3A_153 : vector<16xf32>
      %broadcast_in_dim3A_157 = vector.broadcast %squeeze3A_155 : f32 to vector<16xf32>
      %mul3A_158 = arith.mulf %mul3A_156, %broadcast_in_dim3A_157 : vector<16xf32>
      %add3A_159 = arith.addf %add3A_149, %mul3A_158 : vector<16xf32>
      %broadcast_in_dim3A_160 = arith.constant 3 : i32
      %broadcast_in_dim3A_161 = vector.broadcast %broadcast_in_dim3A_160 : i32 to vector<16xi32>
      %gather3A_162 = tpu.vector_load_idx %arg12[%add3A_131, %broadcast_in_dim3A_161] : memref<128x32xf32, #tpu.memory_space<vmem>>[vector<16xi32>, vector<16xi32>], vector<16xf32>,
      %gather3A_163 = tpu.vector_load_idx %arg14[%add3A_131, %broadcast_in_dim3A_161] : memref<128x32xf32, #tpu.memory_space<vmem>>[vector<16xi32>, vector<16xi32>], vector<16xf32>,
      %slice3A_164 = vector.extract_strided_slice %get3A_5 {offsets = [3], sizes = [1], strides = [1]} : vector<16xf32> to vector<1xf32>
      %squeeze3A_165 = vector.extract %slice3A_164[0] : f32 from vector<1xf32>
      %mul3A_166 = arith.mulf %gather3A_162, %gather3A_163 : vector<16xf32>
      %broadcast_in_dim3A_167 = vector.broadcast %squeeze3A_165 : f32 to vector<16xf32>
      %mul3A_168 = arith.mulf %mul3A_166, %broadcast_in_dim3A_167 : vector<16xf32>
      %add3A_169 = arith.addf %add3A_159, %mul3A_168 : vector<16xf32>
      %broadcast_in_dim3A_170 = arith.constant 4 : i32
      %broadcast_in_dim3A_171 = vector.broadcast %broadcast_in_dim3A_170 : i32 to vector<16xi32>
      %gather3A_172 = tpu.vector_load_idx %arg12[%add3A_131, %broadcast_in_dim3A_171] : memref<128x32xf32, #tpu.memory_space<vmem>>[vector<16xi32>, vector<16xi32>], vector<16xf32>,
      %gather3A_173 = tpu.vector_load_idx %arg14[%add3A_131, %broadcast_in_dim3A_171] : memref<128x32xf32, #tpu.memory_space<vmem>>[vector<16xi32>, vector<16xi32>], vector<16xf32>,
      %slice3A_174 = vector.extract_strided_slice %get3A_5 {offsets = [4], sizes = [1], strides = [1]} : vector<16xf32> to vector<1xf32>
      %squeeze3A_175 = vector.extract %slice3A_174[0] : f32 from vector<1xf32>
      %mul3A_176 = arith.mulf %gather3A_172, %gather3A_173 : vector<16xf32>
      %broadcast_in_dim3A_177 = vector.broadcast %squeeze3A_175 : f32 to vector<16xf32>
      %mul3A_178 = arith.mulf %mul3A_176, %broadcast_in_dim3A_177 : vector<16xf32>
      %add3A_179 = arith.addf %add3A_169, %mul3A_178 : vector<16xf32>
      %broadcast_in_dim3A_180 = arith.constant 5 : i32
      %broadcast_in_dim3A_181 = vector.broadcast %broadcast_in_dim3A_180 : i32 to vector<16xi32>
      %gather3A_182 = tpu.vector_load_idx %arg12[%add3A_131, %broadcast_in_dim3A_181] : memref<128x32xf32, #tpu.memory_space<vmem>>[vector<16xi32>, vector<16xi32>], vector<16xf32>,
      %gather3A_183 = tpu.vector_load_idx %arg14[%add3A_131, %broadcast_in_dim3A_181] : memref<128x32xf32, #tpu.memory_space<vmem>>[vector<16xi32>, vector<16xi32>], vector<16xf32>,
      %slice3A_184 = vector.extract_strided_slice %get3A_5 {offsets = [5], sizes = [1], strides = [1]} : vector<16xf32> to vector<1xf32>
      %squeeze3A_185 = vector.extract %slice3A_184[0] : f32 from vector<1xf32>
      %mul3A_186 = arith.mulf %gather3A_182, %gather3A_183 : vector<16xf32>
      %broadcast_in_dim3A_187 = vector.broadcast %squeeze3A_185 : f32 to vector<16xf32>
      %mul3A_188 = arith.mulf %mul3A_186, %broadcast_in_dim3A_187 : vector<16xf32>
      %add3A_189 = arith.addf %add3A_179, %mul3A_188 : vector<16xf32>
      %broadcast_in_dim3A_190 = arith.constant 6 : i32
      %broadcast_in_dim3A_191 = vector.broadcast %broadcast_in_dim3A_190 : i32 to vector<16xi32>
      %gather3A_192 = tpu.vector_load_idx %arg12[%add3A_131, %broadcast_in_dim3A_191] : memref<128x32xf32, #tpu.memory_space<vmem>>[vector<16xi32>, vector<16xi32>], vector<16xf32>,
      %gather3A_193 = tpu.vector_load_idx %arg14[%add3A_131, %broadcast_in_dim3A_191] : memref<128x32xf32, #tpu.memory_space<vmem>>[vector<16xi32>, vector<16xi32>], vector<16xf32>,
      %slice3A_194 = vector.extract_strided_slice %get3A_5 {offsets = [6], sizes = [1], strides = [1]} : vector<16xf32> to vector<1xf32>
      %squeeze3A_195 = vector.extract %slice3A_194[0] : f32 from vector<1xf32>
      %mul3A_196 = arith.mulf %gather3A_192, %gather3A_193 : vector<16xf32>
      %broadcast_in_dim3A_197 = vector.broadcast %squeeze3A_195 : f32 to vector<16xf32>
      %mul3A_198 = arith.mulf %mul3A_196, %broadcast_in_dim3A_197 : vector<16xf32>
      %add3A_199 = arith.addf %add3A_189, %mul3A_198 : vector<16xf32>
      %broadcast_in_dim3A_200 = arith.constant 7 : i32
      %broadcast_in_dim3A_201 = vector.broadcast %broadcast_in_dim3A_200 : i32 to vector<16xi32>
      %gather3A_202 = tpu.vector_load_idx %arg12[%add3A_131, %broadcast_in_dim3A_201] : memref<128x32xf32, #tpu.memory_space<vmem>>[vector<16xi32>, vector<16xi32>], vector<16xf32>,
      %gather3A_203 = tpu.vector_load_idx %arg14[%add3A_131, %broadcast_in_dim3A_201] : memref<128x32xf32, #tpu.memory_space<vmem>>[vector<16xi32>, vector<16xi32>], vector<16xf32>,
      %slice3A_204 = vector.extract_strided_slice %get3A_5 {offsets = [7], sizes = [1], strides = [1]} : vector<16xf32> to vector<1xf32>
      %squeeze3A_205 = vector.extract %slice3A_204[0] : f32 from vector<1xf32>
      %mul3A_206 = arith.mulf %gather3A_202, %gather3A_203 : vector<16xf32>
      %broadcast_in_dim3A_207 = vector.broadcast %squeeze3A_205 : f32 to vector<16xf32>
      %mul3A_208 = arith.mulf %mul3A_206, %broadcast_in_dim3A_207 : vector<16xf32>
      %add3A_209 = arith.addf %add3A_199, %mul3A_208 : vector<16xf32>
      %broadcast_in_dim3A_210 = arith.constant 8 : i32
      %broadcast_in_dim3A_211 = vector.broadcast %broadcast_in_dim3A_210 : i32 to vector<16xi32>
      %gather3A_212 = tpu.vector_load_idx %arg12[%add3A_131, %broadcast_in_dim3A_211] : memref<128x32xf32, #tpu.memory_space<vmem>>[vector<16xi32>, vector<16xi32>], vector<16xf32>,
      %gather3A_213 = tpu.vector_load_idx %arg14[%add3A_131, %broadcast_in_dim3A_211] : memref<128x32xf32, #tpu.memory_space<vmem>>[vector<16xi32>, vector<16xi32>], vector<16xf32>,
      %slice3A_214 = vector.extract_strided_slice %get3A_5 {offsets = [8], sizes = [1], strides = [1]} : vector<16xf32> to vector<1xf32>
      %squeeze3A_215 = vector.extract %slice3A_214[0] : f32 from vector<1xf32>
      %mul3A_216 = arith.mulf %gather3A_212, %gather3A_213 : vector<16xf32>
      %broadcast_in_dim3A_217 = vector.broadcast %squeeze3A_215 : f32 to vector<16xf32>
      %mul3A_218 = arith.mulf %mul3A_216, %broadcast_in_dim3A_217 : vector<16xf32>
      %add3A_219 = arith.addf %add3A_209, %mul3A_218 : vector<16xf32>
      %broadcast_in_dim3A_220 = arith.constant 9 : i32
      %broadcast_in_dim3A_221 = vector.broadcast %broadcast_in_dim3A_220 : i32 to vector<16xi32>
      %gather3A_222 = tpu.vector_load_idx %arg12[%add3A_131, %broadcast_in_dim3A_221] : memref<128x32xf32, #tpu.memory_space<vmem>>[vector<16xi32>, vector<16xi32>], vector<16xf32>,
      %gather3A_223 = tpu.vector_load_idx %arg14[%add3A_131, %broadcast_in_dim3A_221] : memref<128x32xf32, #tpu.memory_space<vmem>>[vector<16xi32>, vector<16xi32>], vector<16xf32>,
      %slice3A_224 = vector.extract_strided_slice %get3A_5 {offsets = [9], sizes = [1], strides = [1]} : vector<16xf32> to vector<1xf32>
      %squeeze3A_225 = vector.extract %slice3A_224[0] : f32 from vector<1xf32>
      %mul3A_226 = arith.mulf %gather3A_222, %gather3A_223 : vector<16xf32>
      %broadcast_in_dim3A_227 = vector.broadcast %squeeze3A_225 : f32 to vector<16xf32>
      %mul3A_228 = arith.mulf %mul3A_226, %broadcast_in_dim3A_227 : vector<16xf32>
      %add3A_229 = arith.addf %add3A_219, %mul3A_228 : vector<16xf32>
      %broadcast_in_dim3A_230 = arith.constant 10 : i32
      %broadcast_in_dim3A_231 = vector.broadcast %broadcast_in_dim3A_230 : i32 to vector<16xi32>
      %gather3A_232 = tpu.vector_load_idx %arg12[%add3A_131, %broadcast_in_dim3A_231] : memref<128x32xf32, #tpu.memory_space<vmem>>[vector<16xi32>, vector<16xi32>], vector<16xf32>,
      %gather3A_233 = tpu.vector_load_idx %arg14[%add3A_131, %broadcast_in_dim3A_231] : memref<128x32xf32, #tpu.memory_space<vmem>>[vector<16xi32>, vector<16xi32>], vector<16xf32>,
      %slice3A_234 = vector.extract_strided_slice %get3A_5 {offsets = [10], sizes = [1], strides = [1]} : vector<16xf32> to vector<1xf32>
      %squeeze3A_235 = vector.extract %slice3A_234[0] : f32 from vector<1xf32>
      %mul3A_236 = arith.mulf %gather3A_232, %gather3A_233 : vector<16xf32>
      %broadcast_in_dim3A_237 = vector.broadcast %squeeze3A_235 : f32 to vector<16xf32>
      %mul3A_238 = arith.mulf %mul3A_236, %broadcast_in_dim3A_237 : vector<16xf32>
      %add3A_239 = arith.addf %add3A_229, %mul3A_238 : vector<16xf32>
      %broadcast_in_dim3A_240 = arith.constant 11 : i32
      %broadcast_in_dim3A_241 = vector.broadcast %broadcast_in_dim3A_240 : i32 to vector<16xi32>
      %gather3A_242 = tpu.vector_load_idx %arg12[%add3A_131, %broadcast_in_dim3A_241] : memref<128x32xf32, #tpu.memory_space<vmem>>[vector<16xi32>, vector<16xi32>], vector<16xf32>,
      %gather3A_243 = tpu.vector_load_idx %arg14[%add3A_131, %broadcast_in_dim3A_241] : memref<128x32xf32, #tpu.memory_space<vmem>>[vector<16xi32>, vector<16xi32>], vector<16xf32>,
      %slice3A_244 = vector.extract_strided_slice %get3A_5 {offsets = [11], sizes = [1], strides = [1]} : vector<16xf32> to vector<1xf32>
      %squeeze3A_245 = vector.extract %slice3A_244[0] : f32 from vector<1xf32>
      %mul3A_246 = arith.mulf %gather3A_242, %gather3A_243 : vector<16xf32>
      %broadcast_in_dim3A_247 = vector.broadcast %squeeze3A_245 : f32 to vector<16xf32>
      %mul3A_248 = arith.mulf %mul3A_246, %broadcast_in_dim3A_247 : vector<16xf32>
      %add3A_249 = arith.addf %add3A_239, %mul3A_248 : vector<16xf32>
      %broadcast_in_dim3A_250 = arith.constant 12 : i32
      %broadcast_in_dim3A_251 = vector.broadcast %broadcast_in_dim3A_250 : i32 to vector<16xi32>
      %gather3A_252 = tpu.vector_load_idx %arg12[%add3A_131, %broadcast_in_dim3A_251] : memref<128x32xf32, #tpu.memory_space<vmem>>[vector<16xi32>, vector<16xi32>], vector<16xf32>,
      %gather3A_253 = tpu.vector_load_idx %arg14[%add3A_131, %broadcast_in_dim3A_251] : memref<128x32xf32, #tpu.memory_space<vmem>>[vector<16xi32>, vector<16xi32>], vector<16xf32>,
      %slice3A_254 = vector.extract_strided_slice %get3A_5 {offsets = [12], sizes = [1], strides = [1]} : vector<16xf32> to vector<1xf32>
      %squeeze3A_255 = vector.extract %slice3A_254[0] : f32 from vector<1xf32>
      %mul3A_256 = arith.mulf %gather3A_252, %gather3A_253 : vector<16xf32>
      %broadcast_in_dim3A_257 = vector.broadcast %squeeze3A_255 : f32 to vector<16xf32>
      %mul3A_258 = arith.mulf %mul3A_256, %broadcast_in_dim3A_257 : vector<16xf32>
      %add3A_259 = arith.addf %add3A_249, %mul3A_258 : vector<16xf32>
      %broadcast_in_dim3A_260 = arith.constant 13 : i32
      %broadcast_in_dim3A_261 = vector.broadcast %broadcast_in_dim3A_260 : i32 to vector<16xi32>
      %gather3A_262 = tpu.vector_load_idx %arg12[%add3A_131, %broadcast_in_dim3A_261] : memref<128x32xf32, #tpu.memory_space<vmem>>[vector<16xi32>, vector<16xi32>], vector<16xf32>,
      %gather3A_263 = tpu.vector_load_idx %arg14[%add3A_131, %broadcast_in_dim3A_261] : memref<128x32xf32, #tpu.memory_space<vmem>>[vector<16xi32>, vector<16xi32>], vector<16xf32>,
      %slice3A_264 = vector.extract_strided_slice %get3A_5 {offsets = [13], sizes = [1], strides = [1]} : vector<16xf32> to vector<1xf32>
      %squeeze3A_265 = vector.extract %slice3A_264[0] : f32 from vector<1xf32>
      %mul3A_266 = arith.mulf %gather3A_262, %gather3A_263 : vector<16xf32>
      %broadcast_in_dim3A_267 = vector.broadcast %squeeze3A_265 : f32 to vector<16xf32>
      %mul3A_268 = arith.mulf %mul3A_266, %broadcast_in_dim3A_267 : vector<16xf32>
      %add3A_269 = arith.addf %add3A_259, %mul3A_268 : vector<16xf32>
      %broadcast_in_dim3A_270 = arith.constant 14 : i32
      %broadcast_in_dim3A_271 = vector.broadcast %broadcast_in_dim3A_270 : i32 to vector<16xi32>
      %gather3A_272 = tpu.vector_load_idx %arg12[%add3A_131, %broadcast_in_dim3A_271] : memref<128x32xf32, #tpu.memory_space<vmem>>[vector<16xi32>, vector<16xi32>], vector<16xf32>,
      %gather3A_273 = tpu.vector_load_idx %arg14[%add3A_131, %broadcast_in_dim3A_271] : memref<128x32xf32, #tpu.memory_space<vmem>>[vector<16xi32>, vector<16xi32>], vector<16xf32>,
      %slice3A_274 = vector.extract_strided_slice %get3A_5 {offsets = [14], sizes = [1], strides = [1]} : vector<16xf32> to vector<1xf32>
      %squeeze3A_275 = vector.extract %slice3A_274[0] : f32 from vector<1xf32>
      %mul3A_276 = arith.mulf %gather3A_272, %gather3A_273 : vector<16xf32>
      %broadcast_in_dim3A_277 = vector.broadcast %squeeze3A_275 : f32 to vector<16xf32>
      %mul3A_278 = arith.mulf %mul3A_276, %broadcast_in_dim3A_277 : vector<16xf32>
      %add3A_279 = arith.addf %add3A_269, %mul3A_278 : vector<16xf32>
      %broadcast_in_dim3A_280 = arith.constant 15 : i32
      %broadcast_in_dim3A_281 = vector.broadcast %broadcast_in_dim3A_280 : i32 to vector<16xi32>
      %gather3A_282 = tpu.vector_load_idx %arg12[%add3A_131, %broadcast_in_dim3A_281] : memref<128x32xf32, #tpu.memory_space<vmem>>[vector<16xi32>, vector<16xi32>], vector<16xf32>,
      %gather3A_283 = tpu.vector_load_idx %arg14[%add3A_131, %broadcast_in_dim3A_281] : memref<128x32xf32, #tpu.memory_space<vmem>>[vector<16xi32>, vector<16xi32>], vector<16xf32>,
      %slice3A_284 = vector.extract_strided_slice %get3A_5 {offsets = [15], sizes = [1], strides = [1]} : vector<16xf32> to vector<1xf32>
      %squeeze3A_285 = vector.extract %slice3A_284[0] : f32 from vector<1xf32>
      %mul3A_286 = arith.mulf %gather3A_282, %gather3A_283 : vector<16xf32>
      %broadcast_in_dim3A_287 = vector.broadcast %squeeze3A_285 : f32 to vector<16xf32>
      %mul3A_288 = arith.mulf %mul3A_286, %broadcast_in_dim3A_287 : vector<16xf32>
      %add3A_289 = arith.addf %add3A_279, %mul3A_288 : vector<16xf32>
      %broadcast_in_dim3A_290 = arith.constant 16 : i32
      %broadcast_in_dim3A_291 = vector.broadcast %broadcast_in_dim3A_290 : i32 to vector<16xi32>
      %gather3A_292 = tpu.vector_load_idx %arg12[%add3A_131, %broadcast_in_dim3A_291] : memref<128x32xf32, #tpu.memory_space<vmem>>[vector<16xi32>, vector<16xi32>], vector<16xf32>,
      %gather3A_293 = tpu.vector_load_idx %arg14[%add3A_131, %broadcast_in_dim3A_291] : memref<128x32xf32, #tpu.memory_space<vmem>>[vector<16xi32>, vector<16xi32>], vector<16xf32>,
      %slice3A_294 = vector.extract_strided_slice %get3A_7 {offsets = [0], sizes = [1], strides = [1]} : vector<16xf32> to vector<1xf32>
      %squeeze3A_295 = vector.extract %slice3A_294[0] : f32 from vector<1xf32>
      %mul3A_296 = arith.mulf %gather3A_292, %gather3A_293 : vector<16xf32>
      %broadcast_in_dim3A_297 = vector.broadcast %squeeze3A_295 : f32 to vector<16xf32>
      %mul3A_298 = arith.mulf %mul3A_296, %broadcast_in_dim3A_297 : vector<16xf32>
      %add3A_299 = arith.addf %add3A_289, %mul3A_298 : vector<16xf32>
      %broadcast_in_dim3A_300 = arith.constant 17 : i32
      %broadcast_in_dim3A_301 = vector.broadcast %broadcast_in_dim3A_300 : i32 to vector<16xi32>
      %gather3A_302 = tpu.vector_load_idx %arg12[%add3A_131, %broadcast_in_dim3A_301] : memref<128x32xf32, #tpu.memory_space<vmem>>[vector<16xi32>, vector<16xi32>], vector<16xf32>,
      %gather3A_303 = tpu.vector_load_idx %arg14[%add3A_131, %broadcast_in_dim3A_301] : memref<128x32xf32, #tpu.memory_space<vmem>>[vector<16xi32>, vector<16xi32>], vector<16xf32>,
      %slice3A_304 = vector.extract_strided_slice %get3A_7 {offsets = [1], sizes = [1], strides = [1]} : vector<16xf32> to vector<1xf32>
      %squeeze3A_305 = vector.extract %slice3A_304[0] : f32 from vector<1xf32>
      %mul3A_306 = arith.mulf %gather3A_302, %gather3A_303 : vector<16xf32>
      %broadcast_in_dim3A_307 = vector.broadcast %squeeze3A_305 : f32 to vector<16xf32>
      %mul3A_308 = arith.mulf %mul3A_306, %broadcast_in_dim3A_307 : vector<16xf32>
      %add3A_309 = arith.addf %add3A_299, %mul3A_308 : vector<16xf32>
      %broadcast_in_dim3A_310 = arith.constant 18 : i32
      %broadcast_in_dim3A_311 = vector.broadcast %broadcast_in_dim3A_310 : i32 to vector<16xi32>
      %gather3A_312 = tpu.vector_load_idx %arg12[%add3A_131, %broadcast_in_dim3A_311] : memref<128x32xf32, #tpu.memory_space<vmem>>[vector<16xi32>, vector<16xi32>], vector<16xf32>,
      %gather3A_313 = tpu.vector_load_idx %arg14[%add3A_131, %broadcast_in_dim3A_311] : memref<128x32xf32, #tpu.memory_space<vmem>>[vector<16xi32>, vector<16xi32>], vector<16xf32>,
      %slice3A_314 = vector.extract_strided_slice %get3A_7 {offsets = [2], sizes = [1], strides = [1]} : vector<16xf32> to vector<1xf32>
      %squeeze3A_315 = vector.extract %slice3A_314[0] : f32 from vector<1xf32>
      %mul3A_316 = arith.mulf %gather3A_312, %gather3A_313 : vector<16xf32>
      %broadcast_in_dim3A_317 = vector.broadcast %squeeze3A_315 : f32 to vector<16xf32>
      %mul3A_318 = arith.mulf %mul3A_316, %broadcast_in_dim3A_317 : vector<16xf32>
      %add3A_319 = arith.addf %add3A_309, %mul3A_318 : vector<16xf32>
      %broadcast_in_dim3A_320 = arith.constant 19 : i32
      %broadcast_in_dim3A_321 = vector.broadcast %broadcast_in_dim3A_320 : i32 to vector<16xi32>
      %gather3A_322 = tpu.vector_load_idx %arg12[%add3A_131, %broadcast_in_dim3A_321] : memref<128x32xf32, #tpu.memory_space<vmem>>[vector<16xi32>, vector<16xi32>], vector<16xf32>,
      %gather3A_323 = tpu.vector_load_idx %arg14[%add3A_131, %broadcast_in_dim3A_321] : memref<128x32xf32, #tpu.memory_space<vmem>>[vector<16xi32>, vector<16xi32>], vector<16xf32>,
      %slice3A_324 = vector.extract_strided_slice %get3A_7 {offsets = [3], sizes = [1], strides = [1]} : vector<16xf32> to vector<1xf32>
      %squeeze3A_325 = vector.extract %slice3A_324[0] : f32 from vector<1xf32>
      %mul3A_326 = arith.mulf %gather3A_322, %gather3A_323 : vector<16xf32>
      %broadcast_in_dim3A_327 = vector.broadcast %squeeze3A_325 : f32 to vector<16xf32>
      %mul3A_328 = arith.mulf %mul3A_326, %broadcast_in_dim3A_327 : vector<16xf32>
      %add3A_329 = arith.addf %add3A_319, %mul3A_328 : vector<16xf32>
      %broadcast_in_dim3A_330 = arith.constant 20 : i32
      %broadcast_in_dim3A_331 = vector.broadcast %broadcast_in_dim3A_330 : i32 to vector<16xi32>
      %gather3A_332 = tpu.vector_load_idx %arg12[%add3A_131, %broadcast_in_dim3A_331] : memref<128x32xf32, #tpu.memory_space<vmem>>[vector<16xi32>, vector<16xi32>], vector<16xf32>,
      %gather3A_333 = tpu.vector_load_idx %arg14[%add3A_131, %broadcast_in_dim3A_331] : memref<128x32xf32, #tpu.memory_space<vmem>>[vector<16xi32>, vector<16xi32>], vector<16xf32>,
      %slice3A_334 = vector.extract_strided_slice %get3A_7 {offsets = [4], sizes = [1], strides = [1]} : vector<16xf32> to vector<1xf32>
      %squeeze3A_335 = vector.extract %slice3A_334[0] : f32 from vector<1xf32>
      %mul3A_336 = arith.mulf %gather3A_332, %gather3A_333 : vector<16xf32>
      %broadcast_in_dim3A_337 = vector.broadcast %squeeze3A_335 : f32 to vector<16xf32>
      %mul3A_338 = arith.mulf %mul3A_336, %broadcast_in_dim3A_337 : vector<16xf32>
      %add3A_339 = arith.addf %add3A_329, %mul3A_338 : vector<16xf32>
      %broadcast_in_dim3A_340 = arith.constant 21 : i32
      %broadcast_in_dim3A_341 = vector.broadcast %broadcast_in_dim3A_340 : i32 to vector<16xi32>
      %gather3A_342 = tpu.vector_load_idx %arg12[%add3A_131, %broadcast_in_dim3A_341] : memref<128x32xf32, #tpu.memory_space<vmem>>[vector<16xi32>, vector<16xi32>], vector<16xf32>,
      %gather3A_343 = tpu.vector_load_idx %arg14[%add3A_131, %broadcast_in_dim3A_341] : memref<128x32xf32, #tpu.memory_space<vmem>>[vector<16xi32>, vector<16xi32>], vector<16xf32>,
      %slice3A_344 = vector.extract_strided_slice %get3A_7 {offsets = [5], sizes = [1], strides = [1]} : vector<16xf32> to vector<1xf32>
      %squeeze3A_345 = vector.extract %slice3A_344[0] : f32 from vector<1xf32>
      %mul3A_346 = arith.mulf %gather3A_342, %gather3A_343 : vector<16xf32>
      %broadcast_in_dim3A_347 = vector.broadcast %squeeze3A_345 : f32 to vector<16xf32>
      %mul3A_348 = arith.mulf %mul3A_346, %broadcast_in_dim3A_347 : vector<16xf32>
      %add3A_349 = arith.addf %add3A_339, %mul3A_348 : vector<16xf32>
      %broadcast_in_dim3A_350 = arith.constant 22 : i32
      %broadcast_in_dim3A_351 = vector.broadcast %broadcast_in_dim3A_350 : i32 to vector<16xi32>
      %gather3A_352 = tpu.vector_load_idx %arg12[%add3A_131, %broadcast_in_dim3A_351] : memref<128x32xf32, #tpu.memory_space<vmem>>[vector<16xi32>, vector<16xi32>], vector<16xf32>,
      %gather3A_353 = tpu.vector_load_idx %arg14[%add3A_131, %broadcast_in_dim3A_351] : memref<128x32xf32, #tpu.memory_space<vmem>>[vector<16xi32>, vector<16xi32>], vector<16xf32>,
      %slice3A_354 = vector.extract_strided_slice %get3A_7 {offsets = [6], sizes = [1], strides = [1]} : vector<16xf32> to vector<1xf32>
      %squeeze3A_355 = vector.extract %slice3A_354[0] : f32 from vector<1xf32>
      %mul3A_356 = arith.mulf %gather3A_352, %gather3A_353 : vector<16xf32>
      %broadcast_in_dim3A_357 = vector.broadcast %squeeze3A_355 : f32 to vector<16xf32>
      %mul3A_358 = arith.mulf %mul3A_356, %broadcast_in_dim3A_357 : vector<16xf32>
      %add3A_359 = arith.addf %add3A_349, %mul3A_358 : vector<16xf32>
      %broadcast_in_dim3A_360 = arith.constant 23 : i32
      %broadcast_in_dim3A_361 = vector.broadcast %broadcast_in_dim3A_360 : i32 to vector<16xi32>
      %gather3A_362 = tpu.vector_load_idx %arg12[%add3A_131, %broadcast_in_dim3A_361] : memref<128x32xf32, #tpu.memory_space<vmem>>[vector<16xi32>, vector<16xi32>], vector<16xf32>,
      %gather3A_363 = tpu.vector_load_idx %arg14[%add3A_131, %broadcast_in_dim3A_361] : memref<128x32xf32, #tpu.memory_space<vmem>>[vector<16xi32>, vector<16xi32>], vector<16xf32>,
      %slice3A_364 = vector.extract_strided_slice %get3A_7 {offsets = [7], sizes = [1], strides = [1]} : vector<16xf32> to vector<1xf32>
      %squeeze3A_365 = vector.extract %slice3A_364[0] : f32 from vector<1xf32>
      %mul3A_366 = arith.mulf %gather3A_362, %gather3A_363 : vector<16xf32>
      %broadcast_in_dim3A_367 = vector.broadcast %squeeze3A_365 : f32 to vector<16xf32>
      %mul3A_368 = arith.mulf %mul3A_366, %broadcast_in_dim3A_367 : vector<16xf32>
      %add3A_369 = arith.addf %add3A_359, %mul3A_368 : vector<16xf32>
      %broadcast_in_dim3A_370 = arith.constant 24 : i32
      %broadcast_in_dim3A_371 = vector.broadcast %broadcast_in_dim3A_370 : i32 to vector<16xi32>
      %gather3A_372 = tpu.vector_load_idx %arg12[%add3A_131, %broadcast_in_dim3A_371] : memref<128x32xf32, #tpu.memory_space<vmem>>[vector<16xi32>, vector<16xi32>], vector<16xf32>,
      %gather3A_373 = tpu.vector_load_idx %arg14[%add3A_131, %broadcast_in_dim3A_371] : memref<128x32xf32, #tpu.memory_space<vmem>>[vector<16xi32>, vector<16xi32>], vector<16xf32>,
      %slice3A_374 = vector.extract_strided_slice %get3A_7 {offsets = [8], sizes = [1], strides = [1]} : vector<16xf32> to vector<1xf32>
      %squeeze3A_375 = vector.extract %slice3A_374[0] : f32 from vector<1xf32>
      %mul3A_376 = arith.mulf %gather3A_372, %gather3A_373 : vector<16xf32>
      %broadcast_in_dim3A_377 = vector.broadcast %squeeze3A_375 : f32 to vector<16xf32>
      %mul3A_378 = arith.mulf %mul3A_376, %broadcast_in_dim3A_377 : vector<16xf32>
      %add3A_379 = arith.addf %add3A_369, %mul3A_378 : vector<16xf32>
      %broadcast_in_dim3A_380 = arith.constant 25 : i32
      %broadcast_in_dim3A_381 = vector.broadcast %broadcast_in_dim3A_380 : i32 to vector<16xi32>
      %gather3A_382 = tpu.vector_load_idx %arg12[%add3A_131, %broadcast_in_dim3A_381] : memref<128x32xf32, #tpu.memory_space<vmem>>[vector<16xi32>, vector<16xi32>], vector<16xf32>,
      %gather3A_383 = tpu.vector_load_idx %arg14[%add3A_131, %broadcast_in_dim3A_381] : memref<128x32xf32, #tpu.memory_space<vmem>>[vector<16xi32>, vector<16xi32>], vector<16xf32>,
      %slice3A_384 = vector.extract_strided_slice %get3A_7 {offsets = [9], sizes = [1], strides = [1]} : vector<16xf32> to vector<1xf32>
      %squeeze3A_385 = vector.extract %slice3A_384[0] : f32 from vector<1xf32>
      %mul3A_386 = arith.mulf %gather3A_382, %gather3A_383 : vector<16xf32>
      %broadcast_in_dim3A_387 = vector.broadcast %squeeze3A_385 : f32 to vector<16xf32>
      %mul3A_388 = arith.mulf %mul3A_386, %broadcast_in_dim3A_387 : vector<16xf32>
      %add3A_389 = arith.addf %add3A_379, %mul3A_388 : vector<16xf32>
      %broadcast_in_dim3A_390 = arith.constant 26 : i32
      %broadcast_in_dim3A_391 = vector.broadcast %broadcast_in_dim3A_390 : i32 to vector<16xi32>
      %gather3A_392 = tpu.vector_load_idx %arg12[%add3A_131, %broadcast_in_dim3A_391] : memref<128x32xf32, #tpu.memory_space<vmem>>[vector<16xi32>, vector<16xi32>], vector<16xf32>,
      %gather3A_393 = tpu.vector_load_idx %arg14[%add3A_131, %broadcast_in_dim3A_391] : memref<128x32xf32, #tpu.memory_space<vmem>>[vector<16xi32>, vector<16xi32>], vector<16xf32>,
      %slice3A_394 = vector.extract_strided_slice %get3A_7 {offsets = [10], sizes = [1], strides = [1]} : vector<16xf32> to vector<1xf32>
      %squeeze3A_395 = vector.extract %slice3A_394[0] : f32 from vector<1xf32>
      %mul3A_396 = arith.mulf %gather3A_392, %gather3A_393 : vector<16xf32>
      %broadcast_in_dim3A_397 = vector.broadcast %squeeze3A_395 : f32 to vector<16xf32>
      %mul3A_398 = arith.mulf %mul3A_396, %broadcast_in_dim3A_397 : vector<16xf32>
      %add3A_399 = arith.addf %add3A_389, %mul3A_398 : vector<16xf32>
      %broadcast_in_dim3A_400 = arith.constant 27 : i32
      %broadcast_in_dim3A_401 = vector.broadcast %broadcast_in_dim3A_400 : i32 to vector<16xi32>
      %gather3A_402 = tpu.vector_load_idx %arg12[%add3A_131, %broadcast_in_dim3A_401] : memref<128x32xf32, #tpu.memory_space<vmem>>[vector<16xi32>, vector<16xi32>], vector<16xf32>,
      %gather3A_403 = tpu.vector_load_idx %arg14[%add3A_131, %broadcast_in_dim3A_401] : memref<128x32xf32, #tpu.memory_space<vmem>>[vector<16xi32>, vector<16xi32>], vector<16xf32>,
      %slice3A_404 = vector.extract_strided_slice %get3A_7 {offsets = [11], sizes = [1], strides = [1]} : vector<16xf32> to vector<1xf32>
      %squeeze3A_405 = vector.extract %slice3A_404[0] : f32 from vector<1xf32>
      %mul3A_406 = arith.mulf %gather3A_402, %gather3A_403 : vector<16xf32>
      %broadcast_in_dim3A_407 = vector.broadcast %squeeze3A_405 : f32 to vector<16xf32>
      %mul3A_408 = arith.mulf %mul3A_406, %broadcast_in_dim3A_407 : vector<16xf32>
      %add3A_409 = arith.addf %add3A_399, %mul3A_408 : vector<16xf32>
      %broadcast_in_dim3A_410 = arith.constant 28 : i32
      %broadcast_in_dim3A_411 = vector.broadcast %broadcast_in_dim3A_410 : i32 to vector<16xi32>
      %gather3A_412 = tpu.vector_load_idx %arg12[%add3A_131, %broadcast_in_dim3A_411] : memref<128x32xf32, #tpu.memory_space<vmem>>[vector<16xi32>, vector<16xi32>], vector<16xf32>,
      %gather3A_413 = tpu.vector_load_idx %arg14[%add3A_131, %broadcast_in_dim3A_411] : memref<128x32xf32, #tpu.memory_space<vmem>>[vector<16xi32>, vector<16xi32>], vector<16xf32>,
      %slice3A_414 = vector.extract_strided_slice %get3A_7 {offsets = [12], sizes = [1], strides = [1]} : vector<16xf32> to vector<1xf32>
      %squeeze3A_415 = vector.extract %slice3A_414[0] : f32 from vector<1xf32>
      %mul3A_416 = arith.mulf %gather3A_412, %gather3A_413 : vector<16xf32>
      %broadcast_in_dim3A_417 = vector.broadcast %squeeze3A_415 : f32 to vector<16xf32>
      %mul3A_418 = arith.mulf %mul3A_416, %broadcast_in_dim3A_417 : vector<16xf32>
      %add3A_419 = arith.addf %add3A_409, %mul3A_418 : vector<16xf32>
      %broadcast_in_dim3A_420 = arith.constant 29 : i32
      %broadcast_in_dim3A_421 = vector.broadcast %broadcast_in_dim3A_420 : i32 to vector<16xi32>
      %gather3A_422 = tpu.vector_load_idx %arg12[%add3A_131, %broadcast_in_dim3A_421] : memref<128x32xf32, #tpu.memory_space<vmem>>[vector<16xi32>, vector<16xi32>], vector<16xf32>,
      %gather3A_423 = tpu.vector_load_idx %arg14[%add3A_131, %broadcast_in_dim3A_421] : memref<128x32xf32, #tpu.memory_space<vmem>>[vector<16xi32>, vector<16xi32>], vector<16xf32>,
      %slice3A_424 = vector.extract_strided_slice %get3A_7 {offsets = [13], sizes = [1], strides = [1]} : vector<16xf32> to vector<1xf32>
      %squeeze3A_425 = vector.extract %slice3A_424[0] : f32 from vector<1xf32>
      %mul3A_426 = arith.mulf %gather3A_422, %gather3A_423 : vector<16xf32>
      %broadcast_in_dim3A_427 = vector.broadcast %squeeze3A_425 : f32 to vector<16xf32>
      %mul3A_428 = arith.mulf %mul3A_426, %broadcast_in_dim3A_427 : vector<16xf32>
      %add3A_429 = arith.addf %add3A_419, %mul3A_428 : vector<16xf32>
      %broadcast_in_dim3A_430 = arith.constant 30 : i32
      %broadcast_in_dim3A_431 = vector.broadcast %broadcast_in_dim3A_430 : i32 to vector<16xi32>
      %gather3A_432 = tpu.vector_load_idx %arg12[%add3A_131, %broadcast_in_dim3A_431] : memref<128x32xf32, #tpu.memory_space<vmem>>[vector<16xi32>, vector<16xi32>], vector<16xf32>,
      %gather3A_433 = tpu.vector_load_idx %arg14[%add3A_131, %broadcast_in_dim3A_431] : memref<128x32xf32, #tpu.memory_space<vmem>>[vector<16xi32>, vector<16xi32>], vector<16xf32>,
      %slice3A_434 = vector.extract_strided_slice %get3A_7 {offsets = [14], sizes = [1], strides = [1]} : vector<16xf32> to vector<1xf32>
      %squeeze3A_435 = vector.extract %slice3A_434[0] : f32 from vector<1xf32>
      %mul3A_436 = arith.mulf %gather3A_432, %gather3A_433 : vector<16xf32>
      %broadcast_in_dim3A_437 = vector.broadcast %squeeze3A_435 : f32 to vector<16xf32>
      %mul3A_438 = arith.mulf %mul3A_436, %broadcast_in_dim3A_437 : vector<16xf32>
      %add3A_439 = arith.addf %add3A_429, %mul3A_438 : vector<16xf32>
      %broadcast_in_dim3A_440 = arith.constant 31 : i32
      %broadcast_in_dim3A_441 = vector.broadcast %broadcast_in_dim3A_440 : i32 to vector<16xi32>
      %gather3A_442 = tpu.vector_load_idx %arg12[%add3A_131, %broadcast_in_dim3A_441] : memref<128x32xf32, #tpu.memory_space<vmem>>[vector<16xi32>, vector<16xi32>], vector<16xf32>,
      %gather3A_443 = tpu.vector_load_idx %arg14[%add3A_131, %broadcast_in_dim3A_441] : memref<128x32xf32, #tpu.memory_space<vmem>>[vector<16xi32>, vector<16xi32>], vector<16xf32>,
      %slice3A_444 = vector.extract_strided_slice %get3A_7 {offsets = [15], sizes = [1], strides = [1]} : vector<16xf32> to vector<1xf32>
      %squeeze3A_445 = vector.extract %slice3A_444[0] : f32 from vector<1xf32>
      %mul3A_446 = arith.mulf %gather3A_442, %gather3A_443 : vector<16xf32>
      %broadcast_in_dim3A_447 = vector.broadcast %squeeze3A_445 : f32 to vector<16xf32>
      %mul3A_448 = arith.mulf %mul3A_446, %broadcast_in_dim3A_447 : vector<16xf32>
      %add3A_449 = arith.addf %add3A_439, %mul3A_448 : vector<16xf32>
      %add3A_450 = arith.addf %add3A_449, %get3A_3 : vector<16xf32>
      %neg3A = arith.constant 0.000000e+00 : f32
      %neg3A_451 = vector.broadcast %neg3A : f32 to vector<16xf32>
      %neg3A_452 = arith.subf %neg3A_451, %add3A_450 : vector<16xf32>
      %exp3A = math.exp %neg3A_452 : vector<16xf32>
      %add3A_453 = arith.constant 1.000000e+00 : f32
      %add3A_454 = vector.broadcast %add3A_453 : f32 to vector<16xf32>
      %add3A_455 = arith.addf %add3A_454, %exp3A : vector<16xf32>
      %div3A = arith.constant 5.000000e+00 : f32
      %div3A_456 = vector.broadcast %div3A : f32 to vector<16xf32>
      %div3A_457 = arith.divf %div3A_456, %add3A_455 : vector<16xf32>
      %add3A_458 = arith.constant 1.000000e+00 : f32
      %add3A_459 = vector.broadcast %add3A_458 : f32 to vector<16xf32>
      %add3A_460 = arith.addf %div3A_457, %add3A_459 : vector<16xf32>
      %mul3A_461 = arith.constant 16 : i32
      %mul3A_462 = arith.muli %scan3A_127, %mul3A_461 : i32
      %add3A_463 = arith.constant 384 : i32
      %add3A_464 = arith.addi %add3A_463, %mul3A_462 : i32
      %swap3A = arith.index_cast %add3A_464 : i32 to index
      %swap3A_465 = tpu.vector_load %arg17[%swap3A] {strides = array<i32>} : memref<512xf32, #tpu.memory_space<vmem>>, vector<16xf32>,
      tpu.vector_store %arg17[%swap3A], %add3A_460 {strides = array<i32>} : memref<512xf32, #tpu.memory_space<vmem>>, vector<16xf32>,
    }
    %scan3A_126 = arith.constant 8 : i32
    "tpu.region"() ({
      %run_scoped3A = tpu.sem_alloc : memref<!tpu.dma_semaphore, #tpu.memory_space<semaphore_mem>>
      %dma_start3A = tpu.memref_slice %arg8[%mul3A_2] : memref<16384xf32, #tpu.memory_space<hbm>> -> memref<512xf32, #tpu.memory_space<hbm>>
      %dma_start3A_127 = tpu.memref_slice %arg8[%mul3A_2] : memref<16384xf32, #tpu.memory_space<hbm>> -> memref<512xf32, #tpu.memory_space<hbm>>
      tpu.enqueue_dma source(%arg17 : memref<512xf32, #tpu.memory_space<vmem>>) target(%dma_start3A_127 : memref<512xf32, #tpu.memory_space<hbm>>) target_semaphore(%run_scoped3A : memref<!tpu.dma_semaphore, #tpu.memory_space<semaphore_mem>>)
      %dma_wait3A = tpu.memref_slice %arg8[%mul3A_2] : memref<16384xf32, #tpu.memory_space<hbm>> -> memref<512xf32, #tpu.memory_space<hbm>>
      %dma_wait3A_128 = tpu.memref_slice %arg8[%mul3A_2] : memref<16384xf32, #tpu.memory_space<hbm>> -> memref<512xf32, #tpu.memory_space<hbm>>
      tpu.wait_dma2 semaphore(%run_scoped3A : memref<!tpu.dma_semaphore, #tpu.memory_space<semaphore_mem>>) src(%arg17 : memref<512xf32, #tpu.memory_space<vmem>>) dst(%dma_wait3A_128 : memref<512xf32, #tpu.memory_space<hbm>>)
      tpu.yield
    }) : () -> ()
    return
  }
}

</mosaic_0001>

<sc_bundles>
// kernel: kernel.3.cloned.1.call-start
scs
__scs_entry_jumppad:
0x0: {  	(pc) =	sbr.rel $0x88, $3  }
0x1: {  	(tag) =	ssettag $0x0;
	lr =	simm.s32 $0x1  }
0x2: {  	[smem:$0x3F9B] =	sst lr;
	_ =	strace $0xD0000000  }
0x3: {  	_ = 	snop  }
0x4: {  	_ = 	snop  }
0x5: {  	_ = 	snop  }
0x6: {  	_ = 	snop  }
0x7: {  	_ = 	snop  }
__scs_overlays_trampoline_lowered:
0x8: {  	[smem:$0x3FAA] =	sst s0  }
0x9: {  	[smem:$0x3FAB] =	sst s1  }
0xa: {  	[smem:$0x3FAC] =	sst s2  }
0xb: {  	[smem:$0x3FAD] =	sst s3  }
0xc: {  	[smem:$0x3FAE] =	sst s4  }
0xd: {  	[smem:$0x3FAF] =	sst s5  }
0xe: {  	[smem:$0x3FB0] =	sst s6  }
0xf: {  	[smem:$0x3FB1] =	sst s7  }
0x10: {  	[smem:$0x3FB2] =	sst s8  }
0x11: {  	[smem:$0x3FB3] =	sst s9;
	s0 =	simm.s32 @!p0 $0x0  }
0x12: {  	s1 =	sld [smem:$0x3F99];
	s0 =	simm.s32 @p0 $0x1  }
0x13: {  	[smem:$0x3FB4] =	sst s0;
	s0 =	simm.s32 @!p1 $0x0  }
0x14: {  	s2 =	sld [smem:$0x3F98];
	s0 =	simm.s32 @p1 $0x1  }
0x15: {  	[smem:$0x3FB5] =	sst s0;
	s0 =	simm.s32 @!p2 $0x0  }
0x16: {  	s3 =	sld [smem:$0x3FDB];
	s0 =	simm.s32 @p2 $0x1  }
0x17: {  	s4 =	simm.s32 $0x1BF5;
	[smem:$0x3FB7] =	sst s0  }
0x18: {  	s0 =	sld [smem:$0x3F9A];
	_ =	swait.ge [sflag:s4], $0x0  }
0x19: {  	s7 =	sld [smem:$0x3F9B]  }
0x1a: {  	s8 =	sadd.s32 $0xFFFFE003, lr  }
0x1b: {  	s9 =	sadd.s32 $0xFFFFFEF7, lr;
	s5 =	simm.s32 $0xFFFFFFFF;
	p2 =	slt.u32 s8, $0xFFFFF086  }
0x1c: {  	p1 =	slt.u32 s9, $0xF7A;
	s5 =	simm.s32 @!p2 $0x0  }
0x1d: {  	s5 =	simm.s32 @p1 $0x1;
	p0 =	seq.s32 s7, s2  }
0x1e: {  	s7 =	smul.u32 @!p0 $0xF7A, s2;
	p2 =	seq.s32 @!p0 s5, $0x0  }
0x1f: {  	s9 =	smul.u32 $0xF7A, s1;
	s8 =	simm.s32 @!p0 $0x1BF5;
	p2 =	por !p2, p0  }
0x20: {  	[sflag:s8] =	ssyncset.s32 @!p0 $0xFFFFF086;
	s6 =	sadd.s32 @!p0 s3, s7;
	s7 =	simm.s32 @!p0 $0x108  }
0x21: {  	s3 =	sadd.s32 s3, s9;
	s6 =	sadd.s32 @!p0 $0x88, s6;
	s7 =	simm.s32 @p2 $0x1082  }
0x22: {  	[simem:s7], [sflag:s8] =	dma.local @!p0 [hbm:s6], $0xF7A  }
0x23: {  	s9 =	sor.u32 $0xD0000000, s2;
	s6 =	simm.s32 $0x108;
	_ =	swait.ge @!p0 [sflag:s8], $0x0  }
0x24: {  	s3 =	sadd.s32 $0x88, s3;
	s6 =	simm.s32 @!p1 $0x1082;
	[sflag:s4] =	ssyncset.s32 $0xFFFFF086  }
0x25: {  	[simem:s6], [sflag:s4] =	dma.local [hbm:s3], $0xF7A  }
0x26: {  	[smem:$0x3F9B] =	sst s1;
	(tag) =	ssettag s2;
	_ =	strace s9  }
0x27: {  	s1 =	sld [smem:$0x3FAB]  }
0x28: {  	s2 =	sld [smem:$0x3FAC]  }
0x29: {  	s4 =	sld [smem:$0x3FAE]  }
0x2a: {  	p0 =	seq.s32 s5, $0x0;
	s5 =	sld [smem:$0x3FAF]  }
0x2b: {  	s6 =	sld [smem:$0x3FB0]  }
0x2c: {  	s7 =	sld [smem:$0x3FB1]  }
0x2d: {  	s3 =	simm.s32 $0x108;
	s8 =	sld [smem:$0x3FB2]  }
0x2e: {  	s3 =	simm.s32 @!p0 $0x1082;
	s9 =	sld [smem:$0x3FB3]  }
0x2f: {  	lr =	sadd.s32 s0, s3;
	s0 =	sld [smem:$0x3FAA]  }
0x30: {  	s3 =	sld [smem:$0x3FAD]  }
0x31: {  	[smem:$0x3FB6] =	sst s10  }
0x32: {  	s10 =	sld [smem:$0x3FB4];
	_ =	sdelay $0x3  }
0x33: {  	p0 =	seq.s32 s10, $0x1;
	s10 =	sld [smem:$0x3FB6];
	_ =	sdelay $0x3  }
0x34: {  	[smem:$0x3FB6] =	sst s10  }
0x35: {  	s10 =	sld [smem:$0x3FB5];
	_ =	sdelay $0x3  }
0x36: {  	p1 =	seq.s32 s10, $0x1;
	s10 =	sld [smem:$0x3FB6];
	_ =	sdelay $0x3  }
0x37: {  	[smem:$0x3FB6] =	sst s10  }
0x38: {  	s10 =	sld [smem:$0x3FB7]  }
0x39: {  	_ = 	snop;
	(pc) =	sbr.ind lr, $3  }
0x3a: {  	_ = 	snop  }
0x3b: {  	_ = 	snop  }
0x3c: {  	p2 =	seq.s32 s10, $0x1;
	s10 =	sld [smem:$0x3FB6]  }
0x3d: {  	_ =	shalt  }
0x3e: {  	_ =	shalt  }
0x3f: {  	_ =	shalt  }
0x40: {  	_ =	shalt  }
0x41: {  	_ =	shalt  }
0x42: {  	_ =	shalt  }
0x43: {  	_ =	shalt  }
0x44: {  	_ =	shalt  }
0x45: {  	_ =	shalt  }
0x46: {  	_ =	shalt  }
0x47: {  	_ =	shalt  }
0x48: {  	_ =	shalt  }
0x49: {  	_ =	shalt  }
0x4a: {  	_ =	shalt  }
0x4b: {  	_ =	shalt  }
0x4c: {  	_ =	shalt  }
0x4d: {  	_ =	shalt  }
0x4e: {  	_ =	shalt  }
0x4f: {  	_ =	shalt  }
0x50: {  	_ =	shalt  }
0x51: {  	_ =	shalt  }
0x52: {  	_ =	shalt  }
0x53: {  	_ =	shalt  }
0x54: {  	_ =	shalt  }
0x55: {  	_ =	shalt  }
0x56: {  	_ =	shalt  }
0x57: {  	_ =	shalt  }
0x58: {  	_ =	shalt  }
0x59: {  	_ =	shalt  }
0x5a: {  	_ =	shalt  }
0x5b: {  	_ =	shalt  }
0x5c: {  	_ =	shalt  }
0x5d: {  	_ =	shalt  }
0x5e: {  	_ =	shalt  }
0x5f: {  	_ =	shalt  }
0x60: {  	_ =	shalt  }
0x61: {  	_ =	shalt  }
0x62: {  	_ =	shalt  }
0x63: {  	_ =	shalt  }
0x64: {  	_ =	shalt  }
0x65: {  	_ =	shalt  }
0x66: {  	_ =	shalt  }
0x67: {  	_ =	shalt  }
0x68: {  	_ =	shalt  }
0x69: {  	_ =	shalt  }
0x6a: {  	_ =	shalt  }
0x6b: {  	_ =	shalt  }
0x6c: {  	_ =	shalt  }
0x6d: {  	_ =	shalt  }
0x6e: {  	_ =	shalt  }
0x6f: {  	_ =	shalt  }
0x70: {  	_ =	shalt  }
0x71: {  	_ =	shalt  }
0x72: {  	_ =	shalt  }
0x73: {  	_ =	shalt  }
0x74: {  	_ =	shalt  }
0x75: {  	_ =	shalt  }
0x76: {  	_ =	shalt  }
0x77: {  	_ =	shalt  }
0x78: {  	_ =	shalt  }
0x79: {  	_ =	shalt  }
0x7a: {  	_ =	shalt  }
0x7b: {  	_ =	shalt  }
0x7c: {  	_ =	shalt  }
0x7d: {  	_ =	shalt  }
0x7e: {  	_ =	shalt  }
0x7f: {  	_ =	shalt  }
0x80: {  	_ =	shalt  }
0x81: {  	_ =	shalt  }
0x82: {  	_ =	shalt  }
0x83: {  	_ =	shalt  }
0x84: {  	_ =	shalt  }
0x85: {  	_ =	shalt  }
0x86: {  	_ =	shalt  }
0x87: {  	_ =	shalt  }
.Lfunc_end0:
.L_simem_size_0:
called_computation_lowered:
.L_overlay_start_0:
0x88: {  	s2 =	sld [smem:$0x3FD9]  }
0x89: {  	s3 =	sld [smem:$0x3FFE];
	_ =	sdelay $0x1  }
0x8a: {  	s1 =	srdreg.scid  }
0x8b: {  	s0 =	sand.u32 $0x1, s1  }
0x8c: {  	s17 =	sshll.u32 s0, $0xA;
	s2 =	sadd.s32 s3, s2  }
0x8d: {  	s2 =	sadd.s32 s2, s17  }
0x8e: {  	[smem:$0x3FC2] =	sst s2  }
0x8f: {  	_ = 	snop  }
0x90: {  	s2 =	sld [smem:$0x3FC9]  }
0x91: {  	s18 =	sld [smem:$0x3FC8]  }
0x92: {  	s4 =	sld [smem:$0x3FC5]  }
0x93: {  	s5 =	sld [smem:$0x3FD0];
	(tm) =	ssettm $0x1  }
0x94: {  	s6 =	sld [smem:$0x3FFB];
	_ =	sdelay $0x3  }
0x95: {  	_ =	strace s6  }
0x96: {  	s6 =	sld [smem:$0x3FFC];
	_ =	sdelay $0x3  }
0x97: {  	_ =	strace s6  }
0x98: {  	s6 =	sld [smem:$0x3FFD];
	_ =	sdelay $0x3  }
0x99: {  	_ =	strace s6  }
0x9a: {  	_ =	strace $0x8FFFFFFF  }
0x9b: {  	s19 =	sld [smem:$0x3FDB];
	_ =	sdelay $0x1  }
0x9c: {  	s7 =	simm.s32 $_scs_section_size  }
0x9d: {  	s8 =	simm.s32 $_size__tile_overlayer_lowered;
	s9 =	simm.s32 $_tile_overlayer_lowered  }
0x9e: {  	s22 =	simm.s32 $0x1BFF;
	s21 =	sshll.u32 s9, $0x1;
	s6 =	sadd.s32 s7, s19  }
0x9f: {  	s10 =	simm.s32 $0x0;
	s20 =	sshll.u32 s8, $0x1;
	s8 =	sadd.s32 s21, s6  }
0xa0: {  	[timem:s10], [sflag:s22] =	dma.local [hbm:s8], s20  }
0xa1: {  	_ =	swait.ge [sflag:s22], s20  }
0xa2: {  	s7 =	ssub.s32 $0x0, s20;
	[sflag:s22] =	ssyncset.done $0x0  }
0xa3: {  	[sflag:s22] =	ssyncadd.s32 s7;
	_ =	sdelay $0x1  }
0xa4: {  	s23 =	simm.s32 $0x1B8B  }
0xa5: {  	_ =	swait.ge [sflag:s23], $0x1  }
0xa6: {  	[sflag:s23] =	ssyncset.done $0x0  }
0xa7: {  	s25 =	simm.s32 $0x1B8E;
	s24 =	sld [smem:$0x3FFE];
	[sflag:s23] =	ssyncadd.s32 $0xFFFFFFFF  }
0xa8: {  	s26 =	simm.s32 $execute0_lowered;
	[smem:$0x3FD2] =	sst s25  }
0xa9: {  	s8 =	sshll.u32 s26, $0x1;
	_ =	strace $0x80000046;
	[dreg:$0x1] =	wrdreg $0xFFFFFFFF  }
0xaa: {  	s28 =	simm.s32 $_size_execute0_lowered;
	s6 =	sadd.s32 s6, s8;
	[dreg:$0x0] =	wrdreg $0x0  }
0xab: {  	s8 =	sshll.u32 s28, $0x1;
	[dreg:$0x2] =	wrdreg s6  }
0xac: {  	[dreg:$0x3] =	wrdreg s8  }
0xad: {  	[dreg:$0x4] =	wrdreg $0xC0  }
0xae: {  	_ =	task [dreg:s10], $0x5FFFF  }
0xaf: {  	[dreg:$0x1] =	wrdreg $0xFFFFFFFF  }
0xb0: {  	[dreg:$0x0] =	wrdreg $0x60  }
0xb1: {  	[dreg:$0x2] =	wrdreg s2  }
0xb2: {  	[dreg:$0x3] =	wrdreg s18  }
0xb3: {  	[dreg:$0x4] =	wrdreg s24  }
0xb4: {  	[dreg:$0x5] =	wrdreg s4  }
0xb5: {  	[dreg:$0x6] =	wrdreg s5  }
0xb6: {  	[dreg:$0x7] =	wrdreg $0x9  }
0xb7: {  	_ =	task.clear_ibuf [dreg:s10], $0x8FFFF;
	_ =	strace $0x90000046  }
0xb8: {  	s29 =	simm.s32 $0x9;
	_ =	strace $0x80000048  }
0xb9: {  	_ =	swait.ge [sflag:s29], $0x1  }
0xba: {  	[sflag:s29] =	ssyncadd.s32 $0xFFFFFFFF  }
0xbb: {  	_ =	strace $0x90000048  }
0xbc: {  	_ =	sfence  }
0xbd: {  	s30 =	sld [smem:$0x0];
	_ =	sdelay $0x2  }
0xbe: {  	s31 =	sshll.u32 s1, $0xD;
	s1 =	sshrl.u32 s1, $0x2  }
0xbf: {  	s3 =	sand.u32 $0x4000, s31;
	s1 =	sadd.s32 s1, s30  }
0xc0: {  	s0 =	sor.u32 s3, s0;
	s1 =	sshll.u32 s1, $0x11  }
0xc1: {  	s0 =	sor.u32 s1, s0  }
0xc2: {  	s0 =	sadd.s32 $0x8F2B, s0  }
0xc3: {  	[sflag:s0] =	ssyncadd.remote.s32 $0x1  }
0xc4: {  	_ =	sfence.sel $0xFFFF  }
0xc5: {  	[dreg:$0x0] =	wrdreg $0xFFFFFFFF;
	(pc) =	sbr.abs _section_cstart, $3  }
0xc6: {  	[dreg:$0x1] =	wrdreg $0xFFFFFFFF  }
0xc7: {  	_ =	task.clear_ibuf [dreg:s10], $0x2FFFF;
	_ =	strace $0x9FFFFFFF  }
0xc8: {  	(tm) =	ssettm $0x7FFFFFFF  }
0xc9: {  	_ =	shalt  }
tec
execute0_lowered:
.L_overlay_start_1:
0x0: {  	(tag) =	ssettag $0x1  }
0x1: {  	s7 =	rddreg [dreg:$0x0]  }
0x2: {  	s8 =	rddreg [dreg:$0x1]  }
0x3: {  	s6 =	rddreg [dreg:$0x2]  }
0x4: {  	s1 =	rddreg [dreg:$0x3]  }
0x5: {  	s9 =	rddreg [dreg:$0x4]  }
0x6: {  	s2 =	simm.s32 $0x0;
	s3 =	srdreg.scid;
	s14 =	simm.s32 $0x10580  }
0x7: {  	s15 =	simm.s32 $0x1;
	s16 =	simm.s32 $0x3;
	s17 =	simm.s32 $0x8500  }
0x8: {  	s18 =	simm.s32 $0x2;
	s19 =	simm.s32 $0x4;
	s20 =	simm.s32 $0xC500  }
0x9: {  	s21 =	simm.s32 $0x500;
	s22 =	simm.s32 $0x4500;
	s23 =	simm.s32 $0x10600  }
0xa: {  	s24 =	simm.s32 $0x0;
	[smem:$0x7FF] =	sst s2;
	s4 =	sadd.s32 $0x186E00, s6  }
0xb: {  	s10 =	sand.u32 $0x1, s3;
	s5 =	sadd.s32 $0x400, s6;
	s3 =	stileid.u32  }
0xc: {  	s6 =	sadd.s32 $0x10C9200, s6;
	_ =	strace $0x80000047;
	s11 =	ssub.s32 $0x2, s10  }
0xd: {  	s13 =	sshll.u32 s3, $0x7;
	s10 =	sshll.u32 s10, $0x6;
	s12 =	sshrl.u32 s11, $0x1  }
0xe: {  	v0 =	vlaneseq.u32;
	s10 =	sor.u32 s10, s13;
	s13 =	simm.s32 $0x10500;
	s11 =	ssub.s32 s11, s12  }
0xf: {  	v0 =	vmul.u32 $0x80, v0;
	s7 =	sadd.s32 s7, s10;
	s8 =	sadd.s32 s8, s10;
	s9 =	sadd.s32 s9, s10  }
0x10: {  	s12 =	simm.s32 $0x280;
	s10 =	smax.u32 s11, $0x1;
	s11 =	simm.s32 $0x5  }
.LBB2_1:
0x11: {  	[tilespmem:s2], [sflag:$0x5] =	stream.linear.gather [hbm4b:s7+s2], $0x200, $0x38;
	[tilespmem:$0x10800] =	vst v63  }
0x12: {  	_ =	swait.ge [sflag:s11], $0x200  }
0x13: {  	[sflag:s11] =	ssyncset.done $0x0  }
0x14: {  	[sflag:s11] =	ssyncadd.s32 $0xFFFFFE00  }
0x15: {  	[tilespmem:s12], [sflag:$0x5] =	stream.linear.gather [hbm4b:s8+s2], $0x200, $0x38;
	[tilespmem:$0x10800] =	vst v63  }
0x16: {  	_ =	swait.ge [sflag:s11], $0x200  }
0x17: {  	[sflag:s11] =	ssyncset.done $0x0  }
0x18: {  	[sflag:s11] =	ssyncadd.s32 $0xFFFFFE00  }
0x19: {  	[tilespmem:s13], [sflag:$0x5] =	stream.linear.gather [hbm4b:s1+s2], $0x80, $0x38;
	[tilespmem:$0x10800] =	vst v63  }
0x1a: {  	_ =	swait.ge [sflag:s11], $0x80  }
0x1b: {  	[sflag:s11] =	ssyncset.done $0x0  }
0x1c: {  	[sflag:s11] =	ssyncadd.s32 $0xFFFFFF80  }
0x1d: {  	[tilespmem:s14], [sflag:$0x5] =	stream.linear.gather [hbm4b:s6+s2], $0x80, $0x38;
	[tilespmem:$0x10800] =	vst v63  }
0x1e: {  	_ =	swait.ge [sflag:s11], $0x80  }
0x1f: {  	[sflag:s11] =	ssyncset.done $0x0  }
0x20: {  	s25 =	simm.s32 $0x0;
	[sflag:s11] =	ssyncadd.s32 $0xFFFFFF80  }
0x21: {  	v1 =	vld [tilespmem:s25+$0x0];
	_ =	sdelay $0x4  }
0x22: {  	(v2sf) =	vpush v1, $0x0;
	_ =	sdelay $0xe  }
0x23: {  	s30 =	spop (v2sf)  }
0x24: {  	s25 =	sshll.u32 s30, $0x4  }
0x25: {  	v3 =	vld [tilespmem:$0x10500];
	s25 =	sand.u32 $0x1FFFFFF0, s25  }
0x26: {  	s31 =	simm.s32 $0x1;
	v2 =	vld [tilespmem:$0x10510];
	s25 =	sadd.s32 s4, s25  }
0x27: {  	v1 =	vld [tilespmem:$0x10580];
	[tilespmem:s21], [sflag:$0x1] =	stream.linear.gather [hbm4b:s25+s2], $0x80, $0x38  }
0x28: {  	s28 =	simm.s32 $0x8;
	s26 =	simm.s32 $0x500;
	v4 =	vld [tilespmem:s31+$0x0]  }
.LBB2_2:
0x29: {  	p0 =	sne.s32 s28, $0x1FC;
	_ =	sdelay $0x3  }
0x2a: {  	(v2sf) =	vpush v4, $0x0;
	_ =	sdelay $0xe  }
0x2b: {  	s25 =	spop (v2sf)  }
.Ltmp0:
0x2c: {  	s25 =	sshll.u32 s25, $0x4;
	(pc) =	sbr.rel @p0 .LBB2_2-.Ltmp0, $4  }
0x2d: {  	s26 =	sadd.s32 $0x80, s26;
	s25 =	sand.u32 $0x1FFFFFF0, s25  }
0x2e: {  	s29 =	sshra.s32 s28, $0x2;
	s30 =	sadd.s32 s4, s25;
	s25 =	simm.s32 $0x0  }
0x2f: {  	[tilespmem:s26], [sflag:$0x1] =	stream.linear.gather [hbm4b:s30+s25], $0x80, $0x38;
	[tilespmem:$0x10800] =	vst v63  }
0x30: {  	s28 =	sadd.s32 $0x4, s28;
	v4 =	vld [tilespmem:s29+$0x0]  }
0x31: {  	_ =	sdelay $0x3  }
0x32: {  	(v2sf) =	vpush v4, $0x0;
	_ =	sdelay $0xe  }
0x33: {  	s28 =	spop (v2sf)  }
0x34: {  	p1 =	por $0x1, $0x1;
	s28 =	sshll.u32 s28, $0x4  }
.Ltmp1:
0x35: {  	s28 =	sand.u32 $0x1FFFFFF0, s28;
	(pc) =	sbr.rel @!p1 .LBB2_4-.Ltmp1, $4  }
0x36: {  	s26 =	sadd.s32 $0x80, s26;
	s28 =	sadd.s32 s4, s28  }
0x37: {  	[tilespmem:s26], [sflag:$0x1] =	stream.linear.gather [hbm4b:s28+s25], $0x80, $0x38;
	[tilespmem:$0x10800] =	vst v63  }
0x38: {  	s26 =	simm.s32 $0x0  }
0x39: {  	p0 =	por $0x0, $0x0;
	s28 =	simm.s32 $0x8500;
	v4 =	vld [tilespmem:s26+$0x280]  }
0x3a: {  	_ =	sdelay $0x3  }
0x3b: {  	(v2sf) =	vpush v4, $0x0;
	_ =	sdelay $0xe  }
0x3c: {  	s29 =	spop (v2sf)  }
0x3d: {  	p3 =	por $0x1, $0x1;
	s29 =	sshll.u32 s29, $0x4  }
.Ltmp2:
0x3e: {  	s29 =	sand.u32 $0x1FFFFFF0, s29;
	(pc) =	sbr.rel @!p3 .LBB2_6-.Ltmp2, $4  }
0x3f: {  	s29 =	sadd.s32 s5, s29  }
0x40: {  	[tilespmem:s28], [sflag:$0x3] =	stream.linear.gather [hbm4b:s29+s25], $0x80, $0x38;
	[tilespmem:$0x10800] =	vst v63  }
0x41: {  	s29 =	simm.s32 $0x1  }
0x42: {  	s30 =	simm.s32 $0x8;
	p2 =	por $0x1, $0x1;
	v4 =	vld [tilespmem:s29+$0x280];
	s29 =	simm.s32 $0x8500  }
.LBB2_7:
0x43: {  	p3 =	sne.s32 s30, $0x1FC;
	_ =	sdelay $0x3  }
0x44: {  	(v2sf) =	vpush v4, $0x0;
	_ =	sdelay $0xe  }
0x45: {  	s31 =	spop (v2sf)  }
.Ltmp3:
0x46: {  	s31 =	sshll.u32 s31, $0x4;
	(pc) =	sbr.rel @p3 .LBB2_7-.Ltmp3, $4  }
0x47: {  	s31 =	sand.u32 $0x1FFFFFF0, s31  }
0x48: {  	s0 =	sshra.s32 s30, $0x2;
	s29 =	sadd.s32 $0x80, s29;
	s31 =	sadd.s32 s5, s31  }
0x49: {  	[tilespmem:s29], [sflag:$0x3] =	stream.linear.gather [hbm4b:s31+s25], $0x80, $0x38;
	[tilespmem:$0x10800] =	vst v63  }
0x4a: {  	s30 =	sadd.s32 $0x4, s30;
	v4 =	vld [tilespmem:s0+$0x280]  }
.LBB2_8:
0x4b: {  	_ =	sdelay $0x3  }
0x4c: {  	(v2sf) =	vpush v4, $0x0;
	_ =	sdelay $0xe  }
0x4d: {  	s0 =	spop (v2sf)  }
.Ltmp4:
0x4e: {  	s0 =	sshll.u32 s0, $0x4;
	(pc) =	sbr.rel @!p1 .LBB2_9-.Ltmp4, $4  }
0x4f: {  	s29 =	sadd.s32 @p2 $0x80, s29;
	s0 =	sand.u32 $0x1FFFFFF0, s0  }
0x50: {  	s28 =	smov.u32 @p2 s29;
	s0 =	sadd.s32 s5, s0  }
0x51: {  	[tilespmem:s28], [sflag:$0x3] =	stream.linear.gather [hbm4b:s0+s25], $0x80, $0x38;
	[tilespmem:$0x10800] =	vst v63  }
0x52: {  	s25 =	simm.s32 $0x4500;
	v4 =	vld [tilespmem:s26+$0x80]  }
0x53: {  	_ =	sdelay $0x3  }
0x54: {  	(v2sf) =	vpush v4, $0x0;
	_ =	sdelay $0xe  }
0x55: {  	p1 =	por $0x1, $0x1;
	s0 =	spop (v2sf)  }
.Ltmp5:
0x56: {  	s0 =	sshll.u32 s0, $0x4;
	(pc) =	sbr.rel @!p1 .LBB2_11-.Ltmp5, $4  }
0x57: {  	s0 =	sand.u32 $0x1FFFFFF0, s0  }
0x58: {  	s28 =	simm.s32 $0x0;
	s31 =	simm.s32 $0x1;
	s0 =	sadd.s32 s4, s0  }
0x59: {  	[tilespmem:s25], [sflag:$0x2] =	stream.linear.gather [hbm4b:s0+s28], $0x80, $0x38;
	[tilespmem:$0x10800] =	vst v63  }
0x5a: {  	s29 =	simm.s32 $0x8;
	p0 =	por $0x1, $0x1;
	s26 =	simm.s32 $0x4500;
	v4 =	vld [tilespmem:s31+$0x80]  }
.LBB2_12:
0x5b: {  	p1 =	sne.s32 s29, $0x1FC;
	_ =	sdelay $0x3  }
0x5c: {  	(v2sf) =	vpush v4, $0x0;
	_ =	sdelay $0xe  }
0x5d: {  	s0 =	spop (v2sf)  }
.Ltmp6:
0x5e: {  	s0 =	sshll.u32 s0, $0x4;
	(pc) =	sbr.rel @p1 .LBB2_12-.Ltmp6, $4  }
0x5f: {  	s26 =	sadd.s32 $0x80, s26;
	s0 =	sand.u32 $0x1FFFFFF0, s0  }
0x60: {  	s30 =	sshra.s32 s29, $0x2;
	s0 =	sadd.s32 s4, s0  }
0x61: {  	[tilespmem:s26], [sflag:$0x2] =	stream.linear.gather [hbm4b:s0+s28], $0x80, $0x38;
	[tilespmem:$0x10800] =	vst v63  }
0x62: {  	s29 =	sadd.s32 $0x4, s29;
	v4 =	vld [tilespmem:s30+$0x80]  }
.LBB2_13:
0x63: {  	_ =	sdelay $0x3  }
0x64: {  	(v2sf) =	vpush v4, $0x0;
	_ =	sdelay $0xe  }
0x65: {  	p1 =	por $0x1, $0x1;
	s0 =	spop (v2sf)  }
.Ltmp7:
0x66: {  	s0 =	sshll.u32 s0, $0x4;
	(pc) =	sbr.rel @!p1 .LBB2_14-.Ltmp7, $4  }
0x67: {  	s26 =	sadd.s32 @p0 $0x80, s26;
	s28 =	simm.s32 $0x0;
	s0 =	sand.u32 $0x1FFFFFF0, s0  }
0x68: {  	s31 =	simm.s32 $0x0;
	s25 =	smov.u32 @p0 s26;
	s0 =	sadd.s32 s4, s0  }
0x69: {  	[tilespmem:s25], [sflag:$0x2] =	stream.linear.gather [hbm4b:s0+s28], $0x80, $0x38;
	[tilespmem:$0x10800] =	vst v63  }
0x6a: {  	p0 =	por $0x0, $0x0;
	s25 =	simm.s32 $0xC500;
	v4 =	vld [tilespmem:s31+$0x300]  }
0x6b: {  	_ =	sdelay $0x3  }
0x6c: {  	(v2sf) =	vpush v4, $0x0;
	_ =	sdelay $0xe  }
0x6d: {  	p1 =	por $0x1, $0x1;
	s0 =	spop (v2sf)  }
.Ltmp8:
0x6e: {  	s0 =	sshll.u32 s0, $0x4;
	(pc) =	sbr.rel @!p1 .LBB2_16-.Ltmp8, $4  }
0x6f: {  	s0 =	sand.u32 $0x1FFFFFF0, s0  }
0x70: {  	s31 =	simm.s32 $0x1;
	s0 =	sadd.s32 s5, s0  }
0x71: {  	[tilespmem:s25], [sflag:$0x4] =	stream.linear.gather [hbm4b:s0+s2], $0x80, $0x38;
	[tilespmem:$0x10800] =	vst v63  }
0x72: {  	s28 =	simm.s32 $0x8;
	p0 =	por $0x1, $0x1;
	s26 =	simm.s32 $0xC500;
	v4 =	vld [tilespmem:s31+$0x300]  }
.LBB2_17:
0x73: {  	p1 =	sne.s32 s28, $0x1FC;
	_ =	sdelay $0x3  }
0x74: {  	(v2sf) =	vpush v4, $0x0;
	_ =	sdelay $0xe  }
0x75: {  	s0 =	spop (v2sf)  }
.Ltmp9:
0x76: {  	s0 =	sshll.u32 s0, $0x4;
	(pc) =	sbr.rel @p1 .LBB2_17-.Ltmp9, $4  }
0x77: {  	s0 =	sand.u32 $0x1FFFFFF0, s0  }
0x78: {  	s29 =	sshra.s32 s28, $0x2;
	s26 =	sadd.s32 $0x80, s26;
	s0 =	sadd.s32 s5, s0  }
0x79: {  	[tilespmem:s26], [sflag:$0x4] =	stream.linear.gather [hbm4b:s0+s2], $0x80, $0x38;
	[tilespmem:$0x10800] =	vst v63  }
0x7a: {  	s28 =	sadd.s32 $0x4, s28;
	v4 =	vld [tilespmem:s29+$0x300]  }
.LBB2_18:
0x7b: {  	_ =	sdelay $0x3  }
0x7c: {  	(v2sf) =	vpush v4, $0x0;
	_ =	sdelay $0xe  }
0x7d: {  	s26 =	sadd.s32 @p0 $0x80, s26;
	s0 =	spop (v2sf)  }
0x7e: {  	s25 =	smov.u32 @p0 s26;
	p0 =	por $0x0, $0x0;
	s0 =	sshll.u32 s0, $0x4  }
.Ltmp10:
0x7f: {  	s0 =	sand.u32 $0x1FFFFFF0, s0;
	(pc) =	sbr.rel @p0 .LBB2_20-.Ltmp10, $4  }
0x80: {  	s0 =	sadd.s32 s5, s0  }
0x81: {  	[tilespmem:s25], [sflag:$0x4] =	stream.linear.gather [hbm4b:s0+s2], $0x80, $0x38;
	[tilespmem:$0x10800] =	vst v63  }
0x82: {  	_ =	swait.ge [sflag:s15], $0x80  }
0x83: {  	s25 =	simm.s32 $0x7F;
	[sflag:s15] =	ssyncset.done $0x0  }
.LBB2_19:
0x84: {  	p1 =	seq.s32 s25, $0x1;
	s25 =	sadd.s32 $0xFFFFFFFF, s25;
	[sflag:s15] =	ssyncadd.s32 $0xFFFFFF80  }
.Ltmp11:
0x85: {  	(pc) =	sbr.rel @!p1 .LBB2_19-.Ltmp11, $3  }
0x86: {  	_ =	sdelay $0x1  }
0x87: {  	_ =	swait.ge [sflag:s15], $0x80  }
0x88: {  	[sflag:s15] =	ssyncset.done $0x0  }
.LBB2_20:
.Ltmp12:
0x89: {  	(pc) =	sbr.rel @p0 .LBB2_22-.Ltmp12, $4  }
0x8a: {  	_ = 	snop  }
0x8b: {  	[sflag:s15] =	ssyncadd.s32 $0xFFFFFF80  }
0x8c: {  	_ =	swait.ge [sflag:s16], $0x80  }
0x8d: {  	s25 =	simm.s32 $0x7F;
	[sflag:s16] =	ssyncset.done $0x0  }
.LBB2_21:
0x8e: {  	p0 =	seq.s32 s25, $0x1;
	s25 =	sadd.s32 $0xFFFFFFFF, s25;
	[sflag:s16] =	ssyncadd.s32 $0xFFFFFF80  }
.Ltmp13:
0x8f: {  	(pc) =	sbr.rel @!p0 .LBB2_21-.Ltmp13, $3  }
0x90: {  	_ =	sdelay $0x1  }
0x91: {  	_ =	swait.ge [sflag:s16], $0x80  }
0x92: {  	[sflag:s16] =	ssyncset.done $0x0  }
.LBB2_22:
0x93: {  	s26 =	simm.s32 $0x0  }
0x94: {  	v34 =	vmov s26  }
0x95: {  	v34 =	vshll.u32 v34, $0x7  }
0x96: {  	v34 =	vor.u32 v0, v34;
	_ =	sdelay $0x1  }
0x97: {  	v35 =	vor.u32 $0x1, v34;
	_ =	sdelay $0x1  }
0x98: {  	[sflag:s16] =	ssyncadd.s32 $0xFFFFFF80;
	v36 =	vor.u32 $0x2, v34  }
0x99: {  	s26 =	simm.s32 $0x500;
	v37 =	vld.idx.msk [tilespmem:v34+s17+$0x0], $0xffff  }
0x9a: {  	v39 =	vor.u32 $0x3, v34;
	v38 =	vld.idx.msk [tilespmem:v34+s26+$0x0], $0xffff  }
0x9b: {  	v40 =	vld.idx.msk [tilespmem:v35+s26+$0x0], $0xffff  }
0x9c: {  	v41 =	vor.u32 $0x4, v34;
	v35 =	vld.idx.msk [tilespmem:v35+s17+$0x0], $0xffff  }
0x9d: {  	v42 =	vld.idx.msk [tilespmem:v36+s26+$0x0], $0xffff  }
0x9e: {  	v43 =	vor.u32 $0x5, v34;
	v36 =	vld.idx.msk [tilespmem:v36+s17+$0x0], $0xffff  }
0x9f: {  	v33 =	vbroadcast v3, $0x0;
	v44 =	vld.idx.msk [tilespmem:v39+s26+$0x0], $0xffff;
	v37 =	vmul.f32 v37, v38  }
0xa0: {  	v32 =	vbroadcast v3, $0x1;
	v58 =	vor.u32 $0x6, v34;
	v57 =	vld.idx.msk [tilespmem:v39+s17+$0x0], $0xffff  }
0xa1: {  	v45 =	vld.idx.msk [tilespmem:v41+s26+$0x0], $0xffff;
	v35 =	vmul.f32 v35, v40;
	v37 =	vmul.f32 v37, v33  }
0xa2: {  	v31 =	vbroadcast v3, $0x2;
	v60 =	vor.u32 $0x7, v34;
	v59 =	vld.idx.msk [tilespmem:v41+s17+$0x0], $0xffff  }
0xa3: {  	v46 =	vld.idx.msk [tilespmem:v43+s26+$0x0], $0xffff;
	v36 =	vmul.f32 v36, v42;
	v35 =	vmul.f32 v35, v32;
	v37 =	vadd.f32 $0.0e+00, v37  }
0xa4: {  	v30 =	vbroadcast v3, $0x3;
	v61 =	vor.u32 $0x8, v34;
	v43 =	vld.idx.msk [tilespmem:v43+s17+$0x0], $0xffff  }
0xa5: {  	v47 =	vld.idx.msk [tilespmem:v58+s26+$0x0], $0xffff;
	v62 =	vmul.f32 v57, v44;
	v36 =	vmul.f32 v36, v31;
	v35 =	vadd.f32 v35, v37  }
0xa6: {  	v29 =	vbroadcast v3, $0x4;
	v63 =	vor.u32 $0x9, v34;
	v39 =	vld.idx.msk [tilespmem:v58+s17+$0x0], $0xffff  }
0xa7: {  	v48 =	vld.idx.msk [tilespmem:v60+s26+$0x0], $0xffff;
	v50 =	vmul.f32 v59, v45;
	v49 =	vmul.f32 v62, v30;
	v35 =	vadd.f32 v36, v35  }
0xa8: {  	v28 =	vbroadcast v3, $0x5;
	v51 =	vor.u32 $0xA, v34;
	v41 =	vld.idx.msk [tilespmem:v60+s17+$0x0], $0xffff  }
0xa9: {  	v52 =	vld.idx.msk [tilespmem:v61+s26+$0x0], $0xffff;
	v54 =	vmul.f32 v43, v46;
	v53 =	vmul.f32 v50, v29;
	v35 =	vadd.f32 v49, v35  }
0xaa: {  	v27 =	vbroadcast v3, $0x6;
	v55 =	vor.u32 $0xB, v34;
	v42 =	vld.idx.msk [tilespmem:v61+s17+$0x0], $0xffff  }
0xab: {  	v56 =	vld.idx.msk [tilespmem:v63+s26+$0x0], $0xffff;
	v58 =	vmul.f32 v39, v47;
	v57 =	vmul.f32 v54, v28;
	v35 =	vadd.f32 v53, v35  }
0xac: {  	v26 =	vbroadcast v3, $0x7;
	v38 =	vld.idx.msk [tilespmem:v63+s17+$0x0], $0xffff;
	v59 =	vor.u32 $0xC, v34  }
0xad: {  	v60 =	vld.idx.msk [tilespmem:v51+s26+$0x0], $0xffff;
	v61 =	vmul.f32 v58, v27;
	v62 =	vmul.f32 v41, v48;
	v35 =	vadd.f32 v57, v35  }
0xae: {  	v25 =	vbroadcast v3, $0x8;
	v63 =	vor.u32 $0xD, v34;
	v40 =	vld.idx.msk [tilespmem:v51+s17+$0x0], $0xffff  }
0xaf: {  	v43 =	vld.idx.msk [tilespmem:v55+s17+$0x0], $0xffff;
	v50 =	vmul.f32 v42, v52;
	v49 =	vmul.f32 v62, v26;
	v35 =	vadd.f32 v61, v35  }
0xb0: {  	v24 =	vbroadcast v3, $0x9;
	v51 =	vor.u32 $0xE, v34;
	v48 =	vld.idx.msk [tilespmem:v55+s26+$0x0], $0xffff  }
0xb1: {  	v54 =	vmul.f32 v38, v56;
	v52 =	vld.idx.msk [tilespmem:v59+s26+$0x0], $0xffff;
	v53 =	vmul.f32 v50, v25;
	v35 =	vadd.f32 v49, v35  }
0xb2: {  	v23 =	vbroadcast v3, $0xA;
	v55 =	vor.u32 $0xF, v34;
	v39 =	vld.idx.msk [tilespmem:v59+s17+$0x0], $0xffff  }
0xb3: {  	v56 =	vld.idx.msk [tilespmem:v63+s26+$0x0], $0xffff;
	v58 =	vmul.f32 v40, v60;
	v57 =	vmul.f32 v54, v24;
	v35 =	vadd.f32 v53, v35  }
0xb4: {  	v22 =	vbroadcast v3, $0xB;
	v41 =	vld.idx.msk [tilespmem:v63+s17+$0x0], $0xffff;
	v59 =	vor.u32 $0x10, v34  }
0xb5: {  	v60 =	vld.idx.msk [tilespmem:v51+s26+$0x0], $0xffff;
	v62 =	vmul.f32 v43, v48;
	v61 =	vmul.f32 v58, v23;
	v35 =	vadd.f32 v57, v35  }
0xb6: {  	v21 =	vbroadcast v3, $0xC;
	v63 =	vor.u32 $0x11, v34;
	v42 =	vld.idx.msk [tilespmem:v51+s17+$0x0], $0xffff  }
0xb7: {  	v38 =	vld.idx.msk [tilespmem:v55+s17+$0x0], $0xffff;
	v50 =	vmul.f32 v39, v52;
	v49 =	vmul.f32 v62, v22;
	v35 =	vadd.f32 v61, v35  }
0xb8: {  	v20 =	vbroadcast v3, $0xD;
	v51 =	vor.u32 $0x12, v34;
	v48 =	vld.idx.msk [tilespmem:v55+s26+$0x0], $0xffff  }
0xb9: {  	v40 =	vld.idx.msk [tilespmem:v59+s17+$0x0], $0xffff;
	v54 =	vmul.f32 v41, v56;
	v53 =	vmul.f32 v50, v21;
	v35 =	vadd.f32 v49, v35  }
0xba: {  	v19 =	vbroadcast v3, $0xE;
	v55 =	vor.u32 $0x13, v34;
	v52 =	vld.idx.msk [tilespmem:v59+s26+$0x0], $0xffff  }
0xbb: {  	v43 =	vld.idx.msk [tilespmem:v63+s17+$0x0], $0xffff;
	v58 =	vmul.f32 v42, v60;
	v57 =	vmul.f32 v54, v20;
	v35 =	vadd.f32 v53, v35  }
0xbc: {  	v18 =	vbroadcast v3, $0xF;
	v59 =	vor.u32 $0x14, v34;
	v56 =	vld.idx.msk [tilespmem:v63+s26+$0x0], $0xffff  }
0xbd: {  	v39 =	vld.idx.msk [tilespmem:v51+s17+$0x0], $0xffff;
	v62 =	vmul.f32 v38, v48;
	v61 =	vmul.f32 v58, v19;
	v35 =	vadd.f32 v57, v35  }
0xbe: {  	v17 =	vbroadcast v2, $0x0;
	v63 =	vor.u32 $0x15, v34;
	v60 =	vld.idx.msk [tilespmem:v51+s26+$0x0], $0xffff  }
0xbf: {  	v41 =	vld.idx.msk [tilespmem:v55+s17+$0x0], $0xffff;
	v50 =	vmul.f32 v40, v52;
	v49 =	vmul.f32 v62, v18;
	v35 =	vadd.f32 v61, v35  }
0xc0: {  	v16 =	vbroadcast v2, $0x1;
	v51 =	vor.u32 $0x16, v34;
	v48 =	vld.idx.msk [tilespmem:v55+s26+$0x0], $0xffff  }
0xc1: {  	v42 =	vld.idx.msk [tilespmem:v59+s17+$0x0], $0xffff;
	v54 =	vmul.f32 v43, v56;
	v53 =	vmul.f32 v50, v17;
	v35 =	vadd.f32 v49, v35  }
0xc2: {  	v15 =	vbroadcast v2, $0x2;
	v55 =	vor.u32 $0x17, v34;
	v52 =	vld.idx.msk [tilespmem:v59+s26+$0x0], $0xffff  }
0xc3: {  	v38 =	vld.idx.msk [tilespmem:v63+s17+$0x0], $0xffff;
	v58 =	vmul.f32 v39, v60;
	v57 =	vmul.f32 v54, v16;
	v35 =	vadd.f32 v53, v35  }
0xc4: {  	v14 =	vbroadcast v2, $0x3;
	v59 =	vor.u32 $0x18, v34;
	v56 =	vld.idx.msk [tilespmem:v63+s26+$0x0], $0xffff  }
0xc5: {  	v40 =	vld.idx.msk [tilespmem:v51+s17+$0x0], $0xffff;
	v62 =	vmul.f32 v41, v48;
	v61 =	vmul.f32 v58, v15;
	v35 =	vadd.f32 v57, v35  }
0xc6: {  	v13 =	vbroadcast v2, $0x4;
	v63 =	vor.u32 $0x19, v34;
	v60 =	vld.idx.msk [tilespmem:v51+s26+$0x0], $0xffff  }
0xc7: {  	v43 =	vld.idx.msk [tilespmem:v55+s17+$0x0], $0xffff;
	v50 =	vmul.f32 v42, v52;
	v49 =	vmul.f32 v62, v14;
	v35 =	vadd.f32 v61, v35  }
0xc8: {  	v12 =	vbroadcast v2, $0x5;
	v51 =	vor.u32 $0x1A, v34;
	v48 =	vld.idx.msk [tilespmem:v55+s26+$0x0], $0xffff  }
0xc9: {  	v39 =	vld.idx.msk [tilespmem:v59+s17+$0x0], $0xffff;
	v54 =	vmul.f32 v38, v56;
	v53 =	vmul.f32 v50, v13;
	v35 =	vadd.f32 v49, v35  }
0xca: {  	v11 =	vbroadcast v2, $0x6;
	v55 =	vor.u32 $0x1B, v34;
	v52 =	vld.idx.msk [tilespmem:v59+s26+$0x0], $0xffff  }
0xcb: {  	v41 =	vld.idx.msk [tilespmem:v63+s17+$0x0], $0xffff;
	v58 =	vmul.f32 v40, v60;
	v57 =	vmul.f32 v54, v12;
	v35 =	vadd.f32 v53, v35  }
0xcc: {  	v10 =	vbroadcast v2, $0x7;
	v59 =	vor.u32 $0x1C, v34;
	v56 =	vld.idx.msk [tilespmem:v63+s26+$0x0], $0xffff  }
0xcd: {  	v42 =	vld.idx.msk [tilespmem:v51+s17+$0x0], $0xffff;
	v62 =	vmul.f32 v43, v48;
	v61 =	vmul.f32 v58, v11;
	v35 =	vadd.f32 v57, v35  }
0xce: {  	v9 =	vbroadcast v2, $0x8;
	v63 =	vor.u32 $0x1D, v34;
	v60 =	vld.idx.msk [tilespmem:v51+s26+$0x0], $0xffff  }
0xcf: {  	v38 =	vld.idx.msk [tilespmem:v55+s17+$0x0], $0xffff;
	v50 =	vmul.f32 v39, v52;
	v49 =	vmul.f32 v62, v10;
	v35 =	vadd.f32 v61, v35  }
0xd0: {  	v8 =	vbroadcast v2, $0x9;
	v51 =	vor.u32 $0x1E, v34;
	v48 =	vld.idx.msk [tilespmem:v55+s26+$0x0], $0xffff  }
0xd1: {  	v40 =	vld.idx.msk [tilespmem:v59+s17+$0x0], $0xffff;
	v54 =	vmul.f32 v41, v56;
	v53 =	vmul.f32 v50, v9;
	v35 =	vadd.f32 v49, v35  }
0xd2: {  	v7 =	vbroadcast v2, $0xA;
	v34 =	vor.u32 $0x1F, v34;
	v52 =	vld.idx.msk [tilespmem:v59+s26+$0x0], $0xffff  }
0xd3: {  	v55 =	vld.idx.msk [tilespmem:v63+s26+$0x0], $0xffff;
	v56 =	vmul.f32 v54, v8;
	v57 =	vmul.f32 v42, v60;
	v35 =	vadd.f32 v53, v35  }
0xd4: {  	v6 =	vbroadcast v2, $0xB;
	v58 =	vld.idx.msk [tilespmem:v63+s17+$0x0], $0xffff  }
0xd5: {  	v59 =	vld.idx.msk [tilespmem:v51+s26+$0x0], $0xffff;
	v60 =	vmul.f32 v57, v7;
	v61 =	vmul.f32 v38, v48;
	v35 =	vadd.f32 v56, v35  }
0xd6: {  	v5 =	vbroadcast v2, $0xC;
	v62 =	vld.idx.msk [tilespmem:v51+s17+$0x0], $0xffff  }
0xd7: {  	v63 =	vld.idx.msk [tilespmem:v34+s26+$0x0], $0xffff;
	v45 =	vmul.f32 v40, v52;
	v44 =	vmul.f32 v61, v6;
	v35 =	vadd.f32 v60, v35  }
0xd8: {  	v4 =	vbroadcast v2, $0xD;
	v34 =	vld.idx.msk [tilespmem:v34+s17+$0x0], $0xffff  }
0xd9: {  	v46 =	vmul.f32 v45, v5;
	v47 =	vmul.f32 v58, v55;
	v35 =	vadd.f32 v44, v35  }
0xda: {  	v3 =	vbroadcast v2, $0xE  }
0xdb: {  	v48 =	vmul.f32 v47, v4;
	v49 =	vmul.f32 v62, v59;
	v35 =	vadd.f32 v46, v35  }
0xdc: {  	v2 =	vbroadcast v2, $0xF  }
0xdd: {  	v34 =	vmul.f32 v34, v63;
	v50 =	vmul.f32 v49, v3;
	v35 =	vadd.f32 v48, v35;
	_ =	sdelay $0x1  }
0xde: {  	v34 =	vmul.f32 v34, v2;
	v35 =	vadd.f32 v50, v35;
	_ =	sdelay $0x1  }
0xdf: {  	v34 =	vadd.f32 v34, v35;
	_ =	sdelay $0x1  }
0xe0: {  	v34 =	vadd.f32 v34, v1;
	_ =	sdelay $0x1  }
0xe1: {  	v34 =	vsub.f32 $0.0e+00, v34;
	_ =	sdelay $0x1  }
0xe2: {  	v34 =	vmul.f32 $1.442695020e+00, v34;
	_ =	sdelay $0x1  }
0xe3: {  	(erf) = vpow2.f32 v34;
	_ =	sdelay $0x8  }
0xe4: {  	v34 =	vpop (erf)  }
0xe5: {  	v34 =	vadd.f32 $1.000000000e+00, v34;
	_ =	sdelay $0x1  }
0xe6: {  	(erf) = vrcp.f32 v34;
	_ =	sdelay $0x6  }
0xe7: {  	s0 =	simm.s32 $0x10  }
0xe8: {  	v51 =	vmov s0  }
0xe9: {  	v34 =	vshll.u32 v51, $0x7;
	v52 =	vpop (erf)  }
0xea: {  	v34 =	vor.u32 v0, v34;
	v35 =	vmul.f32 $5.000000000e+00, v52;
	_ =	sdelay $0x1  }
0xeb: {  	v53 =	vor.u32 $0x1, v34;
	v35 =	vadd.f32 $1.000000000e+00, v35  }
0xec: {  	s25 =	simm.s32 $0x10600  }
0xed: {  	v54 =	vor.u32 $0x2, v34;
	[tilespmem:s25+$0x0] =	vst v35  }
0xee: {  	v35 =	vld.idx.msk [tilespmem:v34+s17+$0x0], $0xffff  }
0xef: {  	v56 =	vor.u32 $0x3, v34;
	v55 =	vld.idx.msk [tilespmem:v34+s26+$0x0], $0xffff  }
0xf0: {  	v57 =	vld.idx.msk [tilespmem:v53+s26+$0x0], $0xffff  }
0xf1: {  	v58 =	vor.u32 $0x4, v34;
	v36 =	vld.idx.msk [tilespmem:v53+s17+$0x0], $0xffff  }
0xf2: {  	v59 =	vld.idx.msk [tilespmem:v54+s26+$0x0], $0xffff  }
0xf3: {  	v60 =	vor.u32 $0x5, v34;
	v37 =	vld.idx.msk [tilespmem:v54+s17+$0x0], $0xffff  }
0xf4: {  	v61 =	vld.idx.msk [tilespmem:v56+s26+$0x0], $0xffff;
	v35 =	vmul.f32 v35, v55  }
0xf5: {  	v63 =	vor.u32 $0x6, v34;
	v62 =	vld.idx.msk [tilespmem:v56+s17+$0x0], $0xffff  }
0xf6: {  	v48 =	vld.idx.msk [tilespmem:v58+s26+$0x0], $0xffff;
	v36 =	vmul.f32 v36, v57;
	v35 =	vmul.f32 v35, v33  }
0xf7: {  	v50 =	vor.u32 $0x7, v34;
	v49 =	vld.idx.msk [tilespmem:v58+s17+$0x0], $0xffff  }
0xf8: {  	v51 =	vld.idx.msk [tilespmem:v60+s26+$0x0], $0xffff;
	v37 =	vmul.f32 v37, v59;
	v36 =	vmul.f32 v36, v32;
	v35 =	vadd.f32 $0.0e+00, v35  }
0xf9: {  	v52 =	vor.u32 $0x8, v34;
	v43 =	vld.idx.msk [tilespmem:v60+s17+$0x0], $0xffff  }
0xfa: {  	v53 =	vld.idx.msk [tilespmem:v63+s26+$0x0], $0xffff;
	v55 =	vmul.f32 v62, v61;
	v54 =	vmul.f32 v37, v31;
	v35 =	vadd.f32 v36, v35  }
0xfb: {  	v56 =	vor.u32 $0x9, v34;
	v39 =	vld.idx.msk [tilespmem:v63+s17+$0x0], $0xffff  }
0xfc: {  	v41 =	vld.idx.msk [tilespmem:v50+s17+$0x0], $0xffff;
	v59 =	vmul.f32 v49, v48;
	v58 =	vmul.f32 v55, v30;
	v35 =	vadd.f32 v54, v35  }
0xfd: {  	v60 =	vor.u32 $0xA, v34;
	v57 =	vld.idx.msk [tilespmem:v50+s26+$0x0], $0xffff  }
0xfe: {  	v42 =	vld.idx.msk [tilespmem:v52+s17+$0x0], $0xffff;
	v63 =	vmul.f32 v43, v51;
	v62 =	vmul.f32 v59, v29;
	v35 =	vadd.f32 v58, v35  }
0xff: {  	v61 =	vld.idx.msk [tilespmem:v52+s26+$0x0], $0xffff;
	v48 =	vor.u32 $0xB, v34  }
0x100: {  	v49 =	vld.idx.msk [tilespmem:v56+s26+$0x0], $0xffff;
	v51 =	vmul.f32 v39, v53;
	v50 =	vmul.f32 v63, v28;
	v35 =	vadd.f32 v62, v35  }
0x101: {  	v52 =	vor.u32 $0xC, v34;
	v38 =	vld.idx.msk [tilespmem:v56+s17+$0x0], $0xffff  }
0x102: {  	v53 =	vld.idx.msk [tilespmem:v60+s26+$0x0], $0xffff;
	v55 =	vmul.f32 v41, v57;
	v54 =	vmul.f32 v51, v27;
	v35 =	vadd.f32 v50, v35  }
0x103: {  	v56 =	vor.u32 $0xD, v34;
	v40 =	vld.idx.msk [tilespmem:v60+s17+$0x0], $0xffff  }
0x104: {  	v57 =	vld.idx.msk [tilespmem:v48+s26+$0x0], $0xffff;
	v59 =	vmul.f32 v42, v61;
	v58 =	vmul.f32 v55, v26;
	v35 =	vadd.f32 v54, v35  }
0x105: {  	v60 =	vor.u32 $0xE, v34;
	v43 =	vld.idx.msk [tilespmem:v48+s17+$0x0], $0xffff  }
0x106: {  	v61 =	vld.idx.msk [tilespmem:v52+s26+$0x0], $0xffff;
	v63 =	vmul.f32 v38, v49;
	v62 =	vmul.f32 v59, v25;
	v35 =	vadd.f32 v58, v35  }
0x107: {  	v48 =	vor.u32 $0xF, v34;
	v39 =	vld.idx.msk [tilespmem:v52+s17+$0x0], $0xffff  }
0x108: {  	v49 =	vld.idx.msk [tilespmem:v56+s26+$0x0], $0xffff;
	v51 =	vmul.f32 v40, v53;
	v50 =	vmul.f32 v63, v24;
	v35 =	vadd.f32 v62, v35  }
0x109: {  	v52 =	vor.u32 $0x10, v34;
	v41 =	vld.idx.msk [tilespmem:v56+s17+$0x0], $0xffff  }
0x10a: {  	v42 =	vld.idx.msk [tilespmem:v60+s17+$0x0], $0xffff;
	v55 =	vmul.f32 v43, v57;
	v54 =	vmul.f32 v51, v23;
	v35 =	vadd.f32 v50, v35  }
0x10b: {  	v56 =	vor.u32 $0x11, v34;
	v53 =	vld.idx.msk [tilespmem:v60+s26+$0x0], $0xffff  }
0x10c: {  	v57 =	vld.idx.msk [tilespmem:v48+s26+$0x0], $0xffff;
	v59 =	vmul.f32 v39, v61;
	v58 =	vmul.f32 v55, v22;
	v35 =	vadd.f32 v54, v35  }
0x10d: {  	v60 =	vor.u32 $0x12, v34;
	v38 =	vld.idx.msk [tilespmem:v48+s17+$0x0], $0xffff  }
0x10e: {  	v40 =	vld.idx.msk [tilespmem:v52+s17+$0x0], $0xffff;
	v63 =	vmul.f32 v41, v49;
	v62 =	vmul.f32 v59, v21;
	v35 =	vadd.f32 v58, v35  }
0x10f: {  	v48 =	vor.u32 $0x13, v34;
	v61 =	vld.idx.msk [tilespmem:v52+s26+$0x0], $0xffff  }
0x110: {  	v43 =	vld.idx.msk [tilespmem:v56+s17+$0x0], $0xffff;
	v51 =	vmul.f32 v42, v53;
	v50 =	vmul.f32 v63, v20;
	v35 =	vadd.f32 v62, v35  }
0x111: {  	v52 =	vor.u32 $0x14, v34;
	v49 =	vld.idx.msk [tilespmem:v56+s26+$0x0], $0xffff  }
0x112: {  	v39 =	vld.idx.msk [tilespmem:v60+s17+$0x0], $0xffff;
	v55 =	vmul.f32 v38, v57;
	v54 =	vmul.f32 v51, v19;
	v35 =	vadd.f32 v50, v35  }
0x113: {  	v56 =	vor.u32 $0x15, v34;
	v53 =	vld.idx.msk [tilespmem:v60+s26+$0x0], $0xffff  }
0x114: {  	v41 =	vld.idx.msk [tilespmem:v48+s17+$0x0], $0xffff;
	v59 =	vmul.f32 v40, v61;
	v58 =	vmul.f32 v55, v18;
	v35 =	vadd.f32 v54, v35  }
0x115: {  	v60 =	vor.u32 $0x16, v34;
	v57 =	vld.idx.msk [tilespmem:v48+s26+$0x0], $0xffff  }
0x116: {  	v42 =	vld.idx.msk [tilespmem:v52+s17+$0x0], $0xffff;
	v63 =	vmul.f32 v43, v49;
	v62 =	vmul.f32 v59, v17;
	v35 =	vadd.f32 v58, v35  }
0x117: {  	v48 =	vor.u32 $0x17, v34;
	v61 =	vld.idx.msk [tilespmem:v52+s26+$0x0], $0xffff  }
0x118: {  	v38 =	vld.idx.msk [tilespmem:v56+s17+$0x0], $0xffff;
	v51 =	vmul.f32 v39, v53;
	v50 =	vmul.f32 v63, v16;
	v35 =	vadd.f32 v62, v35  }
0x119: {  	v52 =	vor.u32 $0x18, v34;
	v49 =	vld.idx.msk [tilespmem:v56+s26+$0x0], $0xffff  }
0x11a: {  	v40 =	vld.idx.msk [tilespmem:v60+s17+$0x0], $0xffff;
	v55 =	vmul.f32 v41, v57;
	v54 =	vmul.f32 v51, v15;
	v35 =	vadd.f32 v50, v35  }
0x11b: {  	v56 =	vor.u32 $0x19, v34;
	v53 =	vld.idx.msk [tilespmem:v60+s26+$0x0], $0xffff  }
0x11c: {  	v43 =	vld.idx.msk [tilespmem:v48+s17+$0x0], $0xffff;
	v59 =	vmul.f32 v42, v61;
	v58 =	vmul.f32 v55, v14;
	v35 =	vadd.f32 v54, v35  }
0x11d: {  	v60 =	vor.u32 $0x1A, v34;
	v57 =	vld.idx.msk [tilespmem:v48+s26+$0x0], $0xffff  }
0x11e: {  	v39 =	vld.idx.msk [tilespmem:v52+s17+$0x0], $0xffff;
	v63 =	vmul.f32 v38, v49;
	v62 =	vmul.f32 v59, v13;
	v35 =	vadd.f32 v58, v35  }
0x11f: {  	v48 =	vor.u32 $0x1B, v34;
	v61 =	vld.idx.msk [tilespmem:v52+s26+$0x0], $0xffff  }
0x120: {  	v41 =	vld.idx.msk [tilespmem:v56+s17+$0x0], $0xffff;
	v51 =	vmul.f32 v40, v53;
	v50 =	vmul.f32 v63, v12;
	v35 =	vadd.f32 v62, v35  }
0x121: {  	v52 =	vor.u32 $0x1C, v34;
	v49 =	vld.idx.msk [tilespmem:v56+s26+$0x0], $0xffff  }
0x122: {  	v42 =	vld.idx.msk [tilespmem:v60+s17+$0x0], $0xffff;
	v55 =	vmul.f32 v43, v57;
	v54 =	vmul.f32 v51, v11;
	v35 =	vadd.f32 v50, v35  }
0x123: {  	v56 =	vor.u32 $0x1D, v34;
	v53 =	vld.idx.msk [tilespmem:v60+s26+$0x0], $0xffff  }
0x124: {  	v38 =	vld.idx.msk [tilespmem:v48+s17+$0x0], $0xffff;
	v59 =	vmul.f32 v39, v61;
	v58 =	vmul.f32 v55, v10;
	v35 =	vadd.f32 v54, v35  }
0x125: {  	v60 =	vor.u32 $0x1E, v34;
	v57 =	vld.idx.msk [tilespmem:v48+s26+$0x0], $0xffff  }
0x126: {  	v40 =	vld.idx.msk [tilespmem:v52+s17+$0x0], $0xffff;
	v63 =	vmul.f32 v41, v49;
	v62 =	vmul.f32 v59, v9;
	v35 =	vadd.f32 v58, v35  }
0x127: {  	v34 =	vor.u32 $0x1F, v34;
	v61 =	vld.idx.msk [tilespmem:v52+s26+$0x0], $0xffff  }
0x128: {  	v46 =	vld.idx.msk [tilespmem:v56+s26+$0x0], $0xffff;
	v49 =	vmul.f32 v42, v53;
	v48 =	vmul.f32 v63, v8;
	v35 =	vadd.f32 v62, v35  }
0x129: {  	v50 =	vld.idx.msk [tilespmem:v56+s17+$0x0], $0xffff  }
0x12a: {  	v53 =	vmul.f32 v38, v57;
	v51 =	vld.idx.msk [tilespmem:v60+s26+$0x0], $0xffff;
	v52 =	vmul.f32 v49, v7;
	v35 =	vadd.f32 v48, v35  }
0x12b: {  	v54 =	vld.idx.msk [tilespmem:v60+s17+$0x0], $0xffff  }
0x12c: {  	v57 =	vmul.f32 v40, v61;
	v55 =	vld.idx.msk [tilespmem:v34+s26+$0x0], $0xffff;
	v56 =	vmul.f32 v53, v6;
	v35 =	vadd.f32 v52, v35  }
0x12d: {  	v34 =	vld.idx.msk [tilespmem:v34+s17+$0x0], $0xffff  }
0x12e: {  	v58 =	vmul.f32 v57, v5;
	v59 =	vmul.f32 v50, v46;
	v35 =	vadd.f32 v56, v35;
	_ =	sdelay $0x1  }
0x12f: {  	v60 =	vmul.f32 v59, v4;
	v61 =	vmul.f32 v54, v51;
	v35 =	vadd.f32 v58, v35;
	_ =	sdelay $0x1  }
0x130: {  	v34 =	vmul.f32 v34, v55;
	v62 =	vmul.f32 v61, v3;
	v35 =	vadd.f32 v60, v35;
	_ =	sdelay $0x1  }
0x131: {  	v34 =	vmul.f32 v34, v2;
	v35 =	vadd.f32 v62, v35;
	_ =	sdelay $0x1  }
0x132: {  	v34 =	vadd.f32 v34, v35;
	_ =	sdelay $0x1  }
0x133: {  	v34 =	vadd.f32 v34, v1;
	_ =	sdelay $0x1  }
0x134: {  	v34 =	vsub.f32 $0.0e+00, v34;
	_ =	sdelay $0x1  }
0x135: {  	v34 =	vmul.f32 $1.442695020e+00, v34;
	_ =	sdelay $0x1  }
0x136: {  	(erf) = vpow2.f32 v34;
	_ =	sdelay $0x8  }
0x137: {  	v34 =	vpop (erf)  }
0x138: {  	v34 =	vadd.f32 $1.000000000e+00, v34;
	_ =	sdelay $0x1  }
0x139: {  	(erf) = vrcp.f32 v34;
	_ =	sdelay $0x6  }
0x13a: {  	s31 =	simm.s32 $0x20  }
0x13b: {  	v63 =	vmov s31  }
0x13c: {  	s28 =	simm.s32 $0x30;
	v34 =	vshll.u32 v63, $0x7;
	v35 =	vpop (erf)  }
.LBB2_23:
0x13d: {  	p0 =	sne.s32 s28, $0x70;
	v34 =	vor.u32 v0, v34;
	v35 =	vmul.f32 $5.000000000e+00, v35;
	_ =	sdelay $0x1  }
0x13e: {  	v36 =	vor.u32 $0x1, v34;
	v35 =	vadd.f32 $1.000000000e+00, v35  }
0x13f: {  	s25 =	sadd.s32 $0x10, s25  }
0x140: {  	v37 =	vor.u32 $0x2, v34;
	[tilespmem:s25+$0x0] =	vst v35  }
0x141: {  	v35 =	vld.idx.msk [tilespmem:v34+s17+$0x0], $0xffff  }
0x142: {  	v39 =	vor.u32 $0x3, v34;
	v38 =	vld.idx.msk [tilespmem:v34+s26+$0x0], $0xffff  }
0x143: {  	v40 =	vld.idx.msk [tilespmem:v36+s26+$0x0], $0xffff  }
0x144: {  	v41 =	vor.u32 $0x4, v34;
	v36 =	vld.idx.msk [tilespmem:v36+s17+$0x0], $0xffff  }
0x145: {  	v42 =	vld.idx.msk [tilespmem:v37+s26+$0x0], $0xffff  }
0x146: {  	v43 =	vor.u32 $0x5, v34;
	v37 =	vld.idx.msk [tilespmem:v37+s17+$0x0], $0xffff  }
0x147: {  	v44 =	vld.idx.msk [tilespmem:v39+s26+$0x0], $0xffff  }
0x148: {  	v35 =	vmul.f32 v35, v38;
	v38 =	vld.idx.msk [tilespmem:v39+s17+$0x0], $0xffff;
	v39 =	vor.u32 $0x6, v34  }
0x149: {  	v45 =	vld.idx.msk [tilespmem:v41+s26+$0x0], $0xffff  }
0x14a: {  	v35 =	vmul.f32 v35, v33;
	v36 =	vmul.f32 v36, v40;
	v40 =	vld.idx.msk [tilespmem:v41+s17+$0x0], $0xffff;
	v41 =	vor.u32 $0x7, v34  }
0x14b: {  	v47 =	vor.u32 $0x8, v34;
	v46 =	vld.idx.msk [tilespmem:v43+s26+$0x0], $0xffff  }
0x14c: {  	v35 =	vadd.f32 $0.0e+00, v35;
	v36 =	vmul.f32 v36, v32;
	v37 =	vmul.f32 v37, v42;
	v42 =	vld.idx.msk [tilespmem:v43+s17+$0x0], $0xffff  }
0x14d: {  	v48 =	vor.u32 $0x9, v34;
	v43 =	vld.idx.msk [tilespmem:v39+s26+$0x0], $0xffff  }
0x14e: {  	v35 =	vadd.f32 v36, v35;
	v36 =	vmul.f32 v37, v31;
	v37 =	vmul.f32 v38, v44;
	v38 =	vld.idx.msk [tilespmem:v39+s17+$0x0], $0xffff  }
0x14f: {  	v44 =	vor.u32 $0xA, v34;
	v39 =	vld.idx.msk [tilespmem:v41+s26+$0x0], $0xffff  }
0x150: {  	v35 =	vadd.f32 v36, v35;
	v36 =	vmul.f32 v37, v30;
	v37 =	vmul.f32 v40, v45;
	v40 =	vld.idx.msk [tilespmem:v41+s17+$0x0], $0xffff  }
0x151: {  	v45 =	vor.u32 $0xB, v34;
	v41 =	vld.idx.msk [tilespmem:v47+s26+$0x0], $0xffff  }
0x152: {  	v35 =	vadd.f32 v36, v35;
	v36 =	vmul.f32 v37, v29;
	v37 =	vmul.f32 v42, v46;
	v42 =	vld.idx.msk [tilespmem:v47+s17+$0x0], $0xffff  }
0x153: {  	v47 =	vor.u32 $0xC, v34;
	v46 =	vld.idx.msk [tilespmem:v48+s26+$0x0], $0xffff  }
0x154: {  	v35 =	vadd.f32 v36, v35;
	v36 =	vmul.f32 v37, v28;
	v37 =	vmul.f32 v38, v43;
	v38 =	vld.idx.msk [tilespmem:v48+s17+$0x0], $0xffff  }
0x155: {  	v48 =	vor.u32 $0xD, v34;
	v43 =	vld.idx.msk [tilespmem:v44+s26+$0x0], $0xffff  }
0x156: {  	v35 =	vadd.f32 v36, v35;
	v36 =	vmul.f32 v37, v27;
	v37 =	vmul.f32 v40, v39;
	v39 =	vld.idx.msk [tilespmem:v44+s17+$0x0], $0xffff  }
0x157: {  	v44 =	vor.u32 $0xE, v34;
	v40 =	vld.idx.msk [tilespmem:v45+s26+$0x0], $0xffff  }
0x158: {  	v35 =	vadd.f32 v36, v35;
	v36 =	vmul.f32 v37, v26;
	v37 =	vmul.f32 v42, v41;
	v41 =	vld.idx.msk [tilespmem:v45+s17+$0x0], $0xffff  }
0x159: {  	v45 =	vor.u32 $0xF, v34;
	v42 =	vld.idx.msk [tilespmem:v47+s26+$0x0], $0xffff  }
0x15a: {  	v35 =	vadd.f32 v36, v35;
	v36 =	vmul.f32 v37, v25;
	v37 =	vmul.f32 v38, v46;
	v38 =	vld.idx.msk [tilespmem:v47+s17+$0x0], $0xffff  }
0x15b: {  	v47 =	vor.u32 $0x10, v34;
	v46 =	vld.idx.msk [tilespmem:v48+s26+$0x0], $0xffff  }
0x15c: {  	v35 =	vadd.f32 v36, v35;
	v36 =	vmul.f32 v37, v24;
	v37 =	vmul.f32 v39, v43;
	v39 =	vld.idx.msk [tilespmem:v48+s17+$0x0], $0xffff  }
0x15d: {  	v48 =	vor.u32 $0x11, v34;
	v43 =	vld.idx.msk [tilespmem:v44+s26+$0x0], $0xffff  }
0x15e: {  	v35 =	vadd.f32 v36, v35;
	v36 =	vmul.f32 v37, v23;
	v37 =	vmul.f32 v41, v40;
	v40 =	vld.idx.msk [tilespmem:v44+s17+$0x0], $0xffff  }
0x15f: {  	v44 =	vor.u32 $0x12, v34;
	v41 =	vld.idx.msk [tilespmem:v45+s26+$0x0], $0xffff  }
0x160: {  	v35 =	vadd.f32 v36, v35;
	v36 =	vmul.f32 v37, v22;
	v37 =	vmul.f32 v38, v42;
	v38 =	vld.idx.msk [tilespmem:v45+s17+$0x0], $0xffff  }
0x161: {  	v45 =	vor.u32 $0x13, v34;
	v42 =	vld.idx.msk [tilespmem:v47+s26+$0x0], $0xffff  }
0x162: {  	v35 =	vadd.f32 v36, v35;
	v36 =	vmul.f32 v37, v21;
	v37 =	vmul.f32 v39, v46;
	v39 =	vld.idx.msk [tilespmem:v47+s17+$0x0], $0xffff  }
0x163: {  	v47 =	vor.u32 $0x14, v34;
	v46 =	vld.idx.msk [tilespmem:v48+s26+$0x0], $0xffff  }
0x164: {  	v35 =	vadd.f32 v36, v35;
	v36 =	vmul.f32 v37, v20;
	v37 =	vmul.f32 v40, v43;
	v40 =	vld.idx.msk [tilespmem:v48+s17+$0x0], $0xffff  }
0x165: {  	v48 =	vor.u32 $0x15, v34;
	v43 =	vld.idx.msk [tilespmem:v44+s26+$0x0], $0xffff  }
0x166: {  	v35 =	vadd.f32 v36, v35;
	v36 =	vmul.f32 v37, v19;
	v37 =	vmul.f32 v38, v41;
	v38 =	vld.idx.msk [tilespmem:v44+s17+$0x0], $0xffff  }
0x167: {  	v44 =	vor.u32 $0x16, v34;
	v41 =	vld.idx.msk [tilespmem:v45+s26+$0x0], $0xffff  }
0x168: {  	v35 =	vadd.f32 v36, v35;
	v36 =	vmul.f32 v37, v18;
	v37 =	vmul.f32 v39, v42;
	v39 =	vld.idx.msk [tilespmem:v45+s17+$0x0], $0xffff  }
0x169: {  	v45 =	vor.u32 $0x17, v34;
	v42 =	vld.idx.msk [tilespmem:v47+s26+$0x0], $0xffff  }
0x16a: {  	v35 =	vadd.f32 v36, v35;
	v36 =	vmul.f32 v37, v17;
	v37 =	vmul.f32 v40, v46;
	v40 =	vld.idx.msk [tilespmem:v47+s17+$0x0], $0xffff  }
0x16b: {  	v47 =	vor.u32 $0x18, v34;
	v46 =	vld.idx.msk [tilespmem:v48+s26+$0x0], $0xffff  }
0x16c: {  	v35 =	vadd.f32 v36, v35;
	v36 =	vmul.f32 v37, v16;
	v37 =	vmul.f32 v38, v43;
	v38 =	vld.idx.msk [tilespmem:v48+s17+$0x0], $0xffff  }
0x16d: {  	v48 =	vor.u32 $0x19, v34;
	v43 =	vld.idx.msk [tilespmem:v44+s26+$0x0], $0xffff  }
0x16e: {  	v35 =	vadd.f32 v36, v35;
	v36 =	vmul.f32 v37, v15;
	v37 =	vmul.f32 v39, v41;
	v39 =	vld.idx.msk [tilespmem:v44+s17+$0x0], $0xffff  }
0x16f: {  	v44 =	vor.u32 $0x1A, v34;
	v41 =	vld.idx.msk [tilespmem:v45+s26+$0x0], $0xffff  }
0x170: {  	v35 =	vadd.f32 v36, v35;
	v36 =	vmul.f32 v37, v14;
	v37 =	vmul.f32 v40, v42;
	v40 =	vld.idx.msk [tilespmem:v45+s17+$0x0], $0xffff  }
0x171: {  	v45 =	vor.u32 $0x1B, v34;
	v42 =	vld.idx.msk [tilespmem:v47+s26+$0x0], $0xffff  }
0x172: {  	v35 =	vadd.f32 v36, v35;
	v36 =	vmul.f32 v37, v13;
	v37 =	vmul.f32 v38, v46;
	v38 =	vld.idx.msk [tilespmem:v47+s17+$0x0], $0xffff  }
0x173: {  	v47 =	vor.u32 $0x1C, v34;
	v46 =	vld.idx.msk [tilespmem:v48+s26+$0x0], $0xffff  }
0x174: {  	v35 =	vadd.f32 v36, v35;
	v36 =	vmul.f32 v37, v12;
	v37 =	vmul.f32 v39, v43;
	v39 =	vld.idx.msk [tilespmem:v48+s17+$0x0], $0xffff  }
0x175: {  	v48 =	vor.u32 $0x1D, v34;
	v43 =	vld.idx.msk [tilespmem:v44+s26+$0x0], $0xffff  }
0x176: {  	v35 =	vadd.f32 v36, v35;
	v36 =	vmul.f32 v37, v11;
	v37 =	vmul.f32 v40, v41;
	v40 =	vld.idx.msk [tilespmem:v44+s17+$0x0], $0xffff  }
0x177: {  	v44 =	vor.u32 $0x1E, v34;
	v41 =	vld.idx.msk [tilespmem:v45+s26+$0x0], $0xffff  }
0x178: {  	v35 =	vadd.f32 v36, v35;
	v36 =	vmul.f32 v37, v10;
	v37 =	vmul.f32 v38, v42;
	v38 =	vld.idx.msk [tilespmem:v45+s17+$0x0], $0xffff  }
0x179: {  	v34 =	vor.u32 $0x1F, v34;
	v42 =	vld.idx.msk [tilespmem:v47+s26+$0x0], $0xffff  }
0x17a: {  	v35 =	vadd.f32 v36, v35;
	v36 =	vmul.f32 v37, v9;
	v37 =	vmul.f32 v39, v46;
	v39 =	vld.idx.msk [tilespmem:v47+s17+$0x0], $0xffff  }
0x17b: {  	v45 =	vld.idx.msk [tilespmem:v48+s26+$0x0], $0xffff  }
0x17c: {  	v35 =	vadd.f32 v36, v35;
	v36 =	vmul.f32 v37, v8;
	v37 =	vmul.f32 v40, v43;
	v40 =	vld.idx.msk [tilespmem:v48+s17+$0x0], $0xffff  }
0x17d: {  	v43 =	vld.idx.msk [tilespmem:v44+s26+$0x0], $0xffff  }
0x17e: {  	v35 =	vadd.f32 v36, v35;
	v36 =	vmul.f32 v37, v7;
	v37 =	vmul.f32 v38, v41;
	v38 =	vld.idx.msk [tilespmem:v44+s17+$0x0], $0xffff  }
0x17f: {  	v41 =	vld.idx.msk [tilespmem:v34+s26+$0x0], $0xffff  }
0x180: {  	v35 =	vadd.f32 v36, v35;
	v36 =	vmul.f32 v37, v6;
	v37 =	vmul.f32 v39, v42;
	v34 =	vld.idx.msk [tilespmem:v34+s17+$0x0], $0xffff;
	_ =	sdelay $0x1  }
0x181: {  	v35 =	vadd.f32 v36, v35;
	v36 =	vmul.f32 v37, v5;
	v37 =	vmul.f32 v40, v45;
	_ =	sdelay $0x1  }
0x182: {  	v35 =	vadd.f32 v36, v35;
	v36 =	vmul.f32 v37, v4;
	v37 =	vmul.f32 v38, v43;
	_ =	sdelay $0x1  }
0x183: {  	v35 =	vadd.f32 v36, v35;
	v36 =	vmul.f32 v37, v3;
	v34 =	vmul.f32 v34, v41;
	_ =	sdelay $0x1  }
0x184: {  	v35 =	vadd.f32 v36, v35;
	v34 =	vmul.f32 v34, v2;
	_ =	sdelay $0x1  }
0x185: {  	v34 =	vadd.f32 v34, v35;
	_ =	sdelay $0x1  }
0x186: {  	v34 =	vadd.f32 v34, v1;
	_ =	sdelay $0x1  }
0x187: {  	v34 =	vsub.f32 $0.0e+00, v34;
	_ =	sdelay $0x1  }
0x188: {  	v34 =	vmul.f32 $1.442695020e+00, v34;
	_ =	sdelay $0x1  }
0x189: {  	(erf) = vpow2.f32 v34;
	_ =	sdelay $0x8  }
0x18a: {  	v34 =	vpop (erf)  }
0x18b: {  	v34 =	vadd.f32 $1.000000000e+00, v34;
	_ =	sdelay $0x1  }
0x18c: {  	(erf) = vrcp.f32 v34;
	_ =	sdelay $0x4  }
.Ltmp14:
0x18d: {  	(pc) =	sbr.rel @p0 .LBB2_23-.Ltmp14, $3  }
0x18e: {  	_ =	sdelay $0x1  }
0x18f: {  	v34 =	vmov s28  }
0x190: {  	s28 =	sadd.s32 $0x10, s28;
	v34 =	vshll.u32 v34, $0x7;
	v35 =	vpop (erf)  }
0x191: {  	v34 =	vor.u32 v0, v34;
	v35 =	vmul.f32 $5.000000000e+00, v35;
	_ =	sdelay $0x1  }
0x192: {  	v36 =	vor.u32 $0x1, v34;
	v35 =	vadd.f32 $1.000000000e+00, v35  }
0x193: {  	s26 =	sadd.s32 $0x10, s25  }
0x194: {  	v37 =	vor.u32 $0x2, v34;
	[tilespmem:s26+$0x0] =	vst v35  }
0x195: {  	s25 =	simm.s32 $0x500;
	v35 =	vld.idx.msk [tilespmem:v34+s17+$0x0], $0xffff  }
0x196: {  	v39 =	vor.u32 $0x3, v34;
	v38 =	vld.idx.msk [tilespmem:v34+s25+$0x0], $0xffff  }
0x197: {  	v40 =	vld.idx.msk [tilespmem:v36+s25+$0x0], $0xffff  }
0x198: {  	v41 =	vor.u32 $0x4, v34;
	v36 =	vld.idx.msk [tilespmem:v36+s17+$0x0], $0xffff  }
0x199: {  	v42 =	vld.idx.msk [tilespmem:v37+s25+$0x0], $0xffff  }
0x19a: {  	v43 =	vor.u32 $0x5, v34;
	v37 =	vld.idx.msk [tilespmem:v37+s17+$0x0], $0xffff  }
0x19b: {  	v44 =	vld.idx.msk [tilespmem:v39+s25+$0x0], $0xffff;
	v35 =	vmul.f32 v35, v38  }
0x19c: {  	v51 =	vor.u32 $0x6, v34;
	v50 =	vld.idx.msk [tilespmem:v39+s17+$0x0], $0xffff  }
0x19d: {  	v45 =	vld.idx.msk [tilespmem:v41+s25+$0x0], $0xffff;
	v36 =	vmul.f32 v36, v40;
	v35 =	vmul.f32 v35, v33  }
0x19e: {  	v53 =	vor.u32 $0x7, v34;
	v52 =	vld.idx.msk [tilespmem:v41+s17+$0x0], $0xffff  }
0x19f: {  	v46 =	vld.idx.msk [tilespmem:v43+s25+$0x0], $0xffff;
	v37 =	vmul.f32 v37, v42;
	v36 =	vmul.f32 v36, v32;
	v35 =	vadd.f32 $0.0e+00, v35  }
0x1a0: {  	v54 =	vor.u32 $0x8, v34;
	v43 =	vld.idx.msk [tilespmem:v43+s17+$0x0], $0xffff  }
0x1a1: {  	v47 =	vld.idx.msk [tilespmem:v51+s25+$0x0], $0xffff;
	v56 =	vmul.f32 v50, v44;
	v55 =	vmul.f32 v37, v31;
	v35 =	vadd.f32 v36, v35  }
0x1a2: {  	v57 =	vor.u32 $0x9, v34;
	v39 =	vld.idx.msk [tilespmem:v51+s17+$0x0], $0xffff  }
0x1a3: {  	v58 =	vld.idx.msk [tilespmem:v53+s25+$0x0], $0xffff;
	v60 =	vmul.f32 v52, v45;
	v59 =	vmul.f32 v56, v30;
	v35 =	vadd.f32 v55, v35  }
0x1a4: {  	v61 =	vor.u32 $0xA, v34;
	v41 =	vld.idx.msk [tilespmem:v53+s17+$0x0], $0xffff  }
0x1a5: {  	v62 =	vld.idx.msk [tilespmem:v54+s25+$0x0], $0xffff;
	v48 =	vmul.f32 v43, v46;
	v63 =	vmul.f32 v60, v29;
	v35 =	vadd.f32 v59, v35  }
0x1a6: {  	v49 =	vor.u32 $0xB, v34;
	v42 =	vld.idx.msk [tilespmem:v54+s17+$0x0], $0xffff  }
0x1a7: {  	v38 =	vld.idx.msk [tilespmem:v57+s17+$0x0], $0xffff;
	v52 =	vmul.f32 v39, v47;
	v51 =	vmul.f32 v48, v28;
	v35 =	vadd.f32 v63, v35  }
0x1a8: {  	v53 =	vor.u32 $0xC, v34;
	v50 =	vld.idx.msk [tilespmem:v57+s25+$0x0], $0xffff  }
0x1a9: {  	v54 =	vld.idx.msk [tilespmem:v61+s25+$0x0], $0xffff;
	v56 =	vmul.f32 v41, v58;
	v55 =	vmul.f32 v52, v27;
	v35 =	vadd.f32 v51, v35  }
0x1aa: {  	v57 =	vor.u32 $0xD, v34;
	v40 =	vld.idx.msk [tilespmem:v61+s17+$0x0], $0xffff  }
0x1ab: {  	v43 =	vld.idx.msk [tilespmem:v49+s17+$0x0], $0xffff;
	v60 =	vmul.f32 v42, v62;
	v59 =	vmul.f32 v56, v26;
	v35 =	vadd.f32 v55, v35  }
0x1ac: {  	v61 =	vor.u32 $0xE, v34;
	v58 =	vld.idx.msk [tilespmem:v49+s25+$0x0], $0xffff  }
0x1ad: {  	v39 =	vld.idx.msk [tilespmem:v53+s17+$0x0], $0xffff;
	v48 =	vmul.f32 v38, v50;
	v63 =	vmul.f32 v60, v25;
	v35 =	vadd.f32 v59, v35  }
0x1ae: {  	v49 =	vor.u32 $0xF, v34;
	v62 =	vld.idx.msk [tilespmem:v53+s25+$0x0], $0xffff  }
0x1af: {  	v50 =	vld.idx.msk [tilespmem:v57+s25+$0x0], $0xffff;
	v52 =	vmul.f32 v40, v54;
	v51 =	vmul.f32 v48, v24;
	v35 =	vadd.f32 v63, v35  }
0x1b0: {  	v53 =	vor.u32 $0x10, v34;
	v41 =	vld.idx.msk [tilespmem:v57+s17+$0x0], $0xffff  }
0x1b1: {  	v42 =	vld.idx.msk [tilespmem:v61+s17+$0x0], $0xffff;
	v56 =	vmul.f32 v43, v58;
	v55 =	vmul.f32 v52, v23;
	v35 =	vadd.f32 v51, v35  }
0x1b2: {  	v57 =	vor.u32 $0x11, v34;
	v54 =	vld.idx.msk [tilespmem:v61+s25+$0x0], $0xffff  }
0x1b3: {  	v38 =	vld.idx.msk [tilespmem:v49+s17+$0x0], $0xffff;
	v60 =	vmul.f32 v39, v62;
	v59 =	vmul.f32 v56, v22;
	v35 =	vadd.f32 v55, v35  }
0x1b4: {  	v61 =	vor.u32 $0x12, v34;
	v58 =	vld.idx.msk [tilespmem:v49+s25+$0x0], $0xffff  }
0x1b5: {  	v40 =	vld.idx.msk [tilespmem:v53+s17+$0x0], $0xffff;
	v48 =	vmul.f32 v41, v50;
	v63 =	vmul.f32 v60, v21;
	v35 =	vadd.f32 v59, v35  }
0x1b6: {  	v49 =	vor.u32 $0x13, v34;
	v62 =	vld.idx.msk [tilespmem:v53+s25+$0x0], $0xffff  }
0x1b7: {  	v43 =	vld.idx.msk [tilespmem:v57+s17+$0x0], $0xffff;
	v52 =	vmul.f32 v42, v54;
	v51 =	vmul.f32 v48, v20;
	v35 =	vadd.f32 v63, v35  }
0x1b8: {  	v53 =	vor.u32 $0x14, v34;
	v50 =	vld.idx.msk [tilespmem:v57+s25+$0x0], $0xffff  }
0x1b9: {  	v39 =	vld.idx.msk [tilespmem:v61+s17+$0x0], $0xffff;
	v56 =	vmul.f32 v38, v58;
	v55 =	vmul.f32 v52, v19;
	v35 =	vadd.f32 v51, v35  }
0x1ba: {  	v57 =	vor.u32 $0x15, v34;
	v54 =	vld.idx.msk [tilespmem:v61+s25+$0x0], $0xffff  }
0x1bb: {  	v41 =	vld.idx.msk [tilespmem:v49+s17+$0x0], $0xffff;
	v60 =	vmul.f32 v40, v62;
	v59 =	vmul.f32 v56, v18;
	v35 =	vadd.f32 v55, v35  }
0x1bc: {  	v61 =	vor.u32 $0x16, v34;
	v58 =	vld.idx.msk [tilespmem:v49+s25+$0x0], $0xffff  }
0x1bd: {  	v42 =	vld.idx.msk [tilespmem:v53+s17+$0x0], $0xffff;
	v48 =	vmul.f32 v43, v50;
	v63 =	vmul.f32 v60, v17;
	v35 =	vadd.f32 v59, v35  }
0x1be: {  	v49 =	vor.u32 $0x17, v34;
	v62 =	vld.idx.msk [tilespmem:v53+s25+$0x0], $0xffff  }
0x1bf: {  	v38 =	vld.idx.msk [tilespmem:v57+s17+$0x0], $0xffff;
	v52 =	vmul.f32 v39, v54;
	v51 =	vmul.f32 v48, v16;
	v35 =	vadd.f32 v63, v35  }
0x1c0: {  	v53 =	vor.u32 $0x18, v34;
	v50 =	vld.idx.msk [tilespmem:v57+s25+$0x0], $0xffff  }
0x1c1: {  	v40 =	vld.idx.msk [tilespmem:v61+s17+$0x0], $0xffff;
	v56 =	vmul.f32 v41, v58;
	v55 =	vmul.f32 v52, v15;
	v35 =	vadd.f32 v51, v35  }
0x1c2: {  	v57 =	vor.u32 $0x19, v34;
	v54 =	vld.idx.msk [tilespmem:v61+s25+$0x0], $0xffff  }
0x1c3: {  	v43 =	vld.idx.msk [tilespmem:v49+s17+$0x0], $0xffff;
	v60 =	vmul.f32 v42, v62;
	v59 =	vmul.f32 v56, v14;
	v35 =	vadd.f32 v55, v35  }
0x1c4: {  	v61 =	vor.u32 $0x1A, v34;
	v58 =	vld.idx.msk [tilespmem:v49+s25+$0x0], $0xffff  }
0x1c5: {  	v39 =	vld.idx.msk [tilespmem:v53+s17+$0x0], $0xffff;
	v48 =	vmul.f32 v38, v50;
	v63 =	vmul.f32 v60, v13;
	v35 =	vadd.f32 v59, v35  }
0x1c6: {  	v49 =	vor.u32 $0x1B, v34;
	v62 =	vld.idx.msk [tilespmem:v53+s25+$0x0], $0xffff  }
0x1c7: {  	v41 =	vld.idx.msk [tilespmem:v57+s17+$0x0], $0xffff;
	v52 =	vmul.f32 v40, v54;
	v51 =	vmul.f32 v48, v12;
	v35 =	vadd.f32 v63, v35  }
0x1c8: {  	v53 =	vor.u32 $0x1C, v34;
	v50 =	vld.idx.msk [tilespmem:v57+s25+$0x0], $0xffff  }
0x1c9: {  	v42 =	vld.idx.msk [tilespmem:v61+s17+$0x0], $0xffff;
	v56 =	vmul.f32 v43, v58;
	v55 =	vmul.f32 v52, v11;
	v35 =	vadd.f32 v51, v35  }
0x1ca: {  	v57 =	vor.u32 $0x1D, v34;
	v54 =	vld.idx.msk [tilespmem:v61+s25+$0x0], $0xffff  }
0x1cb: {  	v38 =	vld.idx.msk [tilespmem:v49+s17+$0x0], $0xffff;
	v60 =	vmul.f32 v39, v62;
	v59 =	vmul.f32 v56, v10;
	v35 =	vadd.f32 v55, v35  }
0x1cc: {  	v61 =	vor.u32 $0x1E, v34;
	v58 =	vld.idx.msk [tilespmem:v49+s25+$0x0], $0xffff  }
0x1cd: {  	v40 =	vld.idx.msk [tilespmem:v53+s17+$0x0], $0xffff;
	v46 =	vmul.f32 v41, v50;
	v63 =	vmul.f32 v60, v9;
	v35 =	vadd.f32 v59, v35  }
0x1ce: {  	v34 =	vor.u32 $0x1F, v34;
	v62 =	vld.idx.msk [tilespmem:v53+s25+$0x0], $0xffff  }
0x1cf: {  	v49 =	vmul.f32 v46, v8;
	v50 =	vmul.f32 v42, v54;
	v48 =	vld.idx.msk [tilespmem:v57+s25+$0x0], $0xffff;
	v35 =	vadd.f32 v63, v35  }
0x1d0: {  	v51 =	vld.idx.msk [tilespmem:v57+s17+$0x0], $0xffff  }
0x1d1: {  	v53 =	vmul.f32 v50, v7;
	v54 =	vmul.f32 v38, v58;
	v52 =	vld.idx.msk [tilespmem:v61+s25+$0x0], $0xffff;
	v35 =	vadd.f32 v49, v35  }
0x1d2: {  	v55 =	vld.idx.msk [tilespmem:v61+s17+$0x0], $0xffff  }
0x1d3: {  	v58 =	vmul.f32 v40, v62;
	v56 =	vld.idx.msk [tilespmem:v34+s25+$0x0], $0xffff;
	v57 =	vmul.f32 v54, v6;
	v35 =	vadd.f32 v53, v35  }
0x1d4: {  	v34 =	vld.idx.msk [tilespmem:v34+s17+$0x0], $0xffff  }
0x1d5: {  	v59 =	vmul.f32 v58, v5;
	v60 =	vmul.f32 v51, v48;
	v35 =	vadd.f32 v57, v35;
	_ =	sdelay $0x1  }
0x1d6: {  	v61 =	vmul.f32 v60, v4;
	v62 =	vmul.f32 v55, v52;
	v35 =	vadd.f32 v59, v35;
	_ =	sdelay $0x1  }
0x1d7: {  	v34 =	vmul.f32 v34, v56;
	v63 =	vmul.f32 v62, v3;
	v35 =	vadd.f32 v61, v35;
	_ =	sdelay $0x1  }
0x1d8: {  	v34 =	vmul.f32 v34, v2;
	v35 =	vadd.f32 v63, v35;
	_ =	sdelay $0x1  }
0x1d9: {  	v34 =	vadd.f32 v34, v35;
	_ =	sdelay $0x1  }
0x1da: {  	v34 =	vadd.f32 v34, v1;
	_ =	sdelay $0x1  }
0x1db: {  	v34 =	vsub.f32 $0.0e+00, v34;
	_ =	sdelay $0x1  }
0x1dc: {  	v34 =	vmul.f32 $1.442695020e+00, v34;
	_ =	sdelay $0x1  }
0x1dd: {  	(erf) = vpow2.f32 v34;
	_ =	sdelay $0x8  }
0x1de: {  	v34 =	vpop (erf)  }
0x1df: {  	v34 =	vadd.f32 $1.000000000e+00, v34;
	_ =	sdelay $0x1  }
0x1e0: {  	(erf) = vrcp.f32 v34;
	_ =	sdelay $0x8  }
0x1e1: {  	v34 =	vpop (erf)  }
0x1e2: {  	v34 =	vmul.f32 $5.000000000e+00, v34;
	_ =	sdelay $0x1  }
0x1e3: {  	v34 =	vadd.f32 $1.000000000e+00, v34  }
0x1e4: {  	s0 =	sadd.s32 $0x10, s26  }
0x1e5: {  	s29 =	simm.s32 $0x0;
	[tilespmem:s0+$0x0] =	vst v34  }
0x1e6: {  	v34 =	vld [tilespmem:s29+$0x100];
	_ =	sdelay $0x4  }
0x1e7: {  	(v2sf) =	vpush v34, $0x0;
	_ =	sdelay $0xe  }
0x1e8: {  	s30 =	spop (v2sf)  }
0x1e9: {  	s0 =	sshll.u32 s30, $0x4  }
0x1ea: {  	s0 =	sand.u32 $0x1FFFFFF0, s0  }
0x1eb: {  	s31 =	simm.s32 $0x1;
	s26 =	simm.s32 $0x0;
	s0 =	sadd.s32 s4, s0  }
0x1ec: {  	[tilespmem:s25], [sflag:$0x1] =	stream.linear.gather [hbm4b:s0+s26], $0x80, $0x38;
	[tilespmem:$0x10800] =	vst v63  }
0x1ed: {  	s28 =	simm.s32 $0x8;
	v34 =	vld [tilespmem:s31+$0x100]  }
.LBB2_25:
0x1ee: {  	p0 =	sne.s32 s28, $0x1FC;
	_ =	sdelay $0x3  }
0x1ef: {  	(v2sf) =	vpush v34, $0x0;
	_ =	sdelay $0xe  }
0x1f0: {  	s0 =	spop (v2sf)  }
.Ltmp15:
0x1f1: {  	s0 =	sshll.u32 s0, $0x4;
	(pc) =	sbr.rel @p0 .LBB2_25-.Ltmp15, $4  }
0x1f2: {  	s25 =	sadd.s32 $0x80, s25;
	s0 =	sand.u32 $0x1FFFFFF0, s0  }
0x1f3: {  	s29 =	sshra.s32 s28, $0x2;
	s0 =	sadd.s32 s4, s0  }
0x1f4: {  	[tilespmem:s25], [sflag:$0x1] =	stream.linear.gather [hbm4b:s0+s26], $0x80, $0x38;
	[tilespmem:$0x10800] =	vst v63  }
0x1f5: {  	s28 =	sadd.s32 $0x4, s28;
	v34 =	vld [tilespmem:s29+$0x100]  }
0x1f6: {  	_ =	sdelay $0x3  }
0x1f7: {  	(v2sf) =	vpush v34, $0x0;
	_ =	sdelay $0xe  }
0x1f8: {  	p1 =	por $0x1, $0x1;
	s0 =	spop (v2sf)  }
.Ltmp16:
0x1f9: {  	s0 =	sshll.u32 s0, $0x4;
	(pc) =	sbr.rel @!p1 .LBB2_27-.Ltmp16, $4  }
0x1fa: {  	s25 =	sadd.s32 $0x80, s25;
	s0 =	sand.u32 $0x1FFFFFF0, s0  }
0x1fb: {  	s26 =	simm.s32 $0x0;
	s31 =	simm.s32 $0x0;
	s0 =	sadd.s32 s4, s0  }
0x1fc: {  	[tilespmem:s25], [sflag:$0x1] =	stream.linear.gather [hbm4b:s0+s26], $0x80, $0x38;
	[tilespmem:$0x10800] =	vst v63  }
0x1fd: {  	p0 =	por $0x0, $0x0;
	s25 =	simm.s32 $0x8500;
	v34 =	vld [tilespmem:s31+$0x380]  }
0x1fe: {  	_ =	sdelay $0x3  }
0x1ff: {  	(v2sf) =	vpush v34, $0x0;
	_ =	sdelay $0xe  }
0x200: {  	p1 =	por $0x1, $0x1;
	s0 =	spop (v2sf)  }
.Ltmp17:
0x201: {  	s0 =	sshll.u32 s0, $0x4;
	(pc) =	sbr.rel @!p1 .LBB2_29-.Ltmp17, $4  }
0x202: {  	s0 =	sand.u32 $0x1FFFFFF0, s0  }
0x203: {  	s31 =	simm.s32 $0x1;
	s0 =	sadd.s32 s5, s0  }
0x204: {  	[tilespmem:s25], [sflag:$0x3] =	stream.linear.gather [hbm4b:s0+s2], $0x80, $0x38;
	[tilespmem:$0x10800] =	vst v63  }
0x205: {  	s28 =	simm.s32 $0x8;
	p0 =	por $0x1, $0x1;
	s26 =	simm.s32 $0x8500;
	v34 =	vld [tilespmem:s31+$0x380]  }
.LBB2_30:
0x206: {  	p1 =	sne.s32 s28, $0x1FC;
	_ =	sdelay $0x3  }
0x207: {  	(v2sf) =	vpush v34, $0x0;
	_ =	sdelay $0xe  }
0x208: {  	s0 =	spop (v2sf)  }
.Ltmp18:
0x209: {  	s0 =	sshll.u32 s0, $0x4;
	(pc) =	sbr.rel @p1 .LBB2_30-.Ltmp18, $4  }
0x20a: {  	s0 =	sand.u32 $0x1FFFFFF0, s0  }
0x20b: {  	s29 =	sshra.s32 s28, $0x2;
	s26 =	sadd.s32 $0x80, s26;
	s0 =	sadd.s32 s5, s0  }
0x20c: {  	[tilespmem:s26], [sflag:$0x3] =	stream.linear.gather [hbm4b:s0+s2], $0x80, $0x38;
	[tilespmem:$0x10800] =	vst v63  }
0x20d: {  	s28 =	sadd.s32 $0x4, s28;
	v34 =	vld [tilespmem:s29+$0x380]  }
.LBB2_31:
0x20e: {  	_ =	sdelay $0x3  }
0x20f: {  	(v2sf) =	vpush v34, $0x0;
	_ =	sdelay $0xe  }
0x210: {  	s26 =	sadd.s32 @p0 $0x80, s26;
	s0 =	spop (v2sf)  }
0x211: {  	s25 =	smov.u32 @p0 s26;
	p0 =	por $0x1, $0x1;
	s0 =	sshll.u32 s0, $0x4  }
.Ltmp19:
0x212: {  	s0 =	sand.u32 $0x1FFFFFF0, s0;
	(pc) =	sbr.rel @!p0 .LBB2_33-.Ltmp19, $4  }
0x213: {  	s0 =	sadd.s32 s5, s0  }
0x214: {  	[tilespmem:s25], [sflag:$0x3] =	stream.linear.gather [hbm4b:s0+s2], $0x80, $0x38;
	[tilespmem:$0x10800] =	vst v63  }
0x215: {  	_ =	swait.ge [sflag:s18], $0x80  }
0x216: {  	s26 =	simm.s32 $0x7F;
	s25 =	simm.s32 $0x80;
	[sflag:s18] =	ssyncset.done $0x0  }
.LBB2_32:
0x217: {  	p0 =	sne.s32 s26, $0x1;
	s26 =	sadd.s32 $0xFFFFFFFF, s26;
	[sflag:s18] =	ssyncadd.s32 $0xFFFFFF80  }
.Ltmp20:
0x218: {  	(pc) =	sbr.rel @p0 .LBB2_32-.Ltmp20, $3  }
0x219: {  	_ =	sdelay $0x1  }
0x21a: {  	_ =	swait.ge [sflag:s18], $0x80  }
0x21b: {  	[sflag:s18] =	ssyncset.done $0x0  }
.LBB2_33:
0x21c: {  	[sflag:s18] =	ssyncadd.s32 $0xFFFFFF80  }
.LBB2_34:
0x21d: {  	p0 =	sne.s32 s25, $0x1  }
.Ltmp21:
0x21e: {  	_ = 	snop;
	(pc) =	sbr.rel @p0 .LBB2_34-.Ltmp21, $4  }
0x21f: {  	_ = 	snop  }
0x220: {  	_ =	swait.ge [sflag:s19], $0x80  }
0x221: {  	[sflag:s19] =	ssyncset.done $0x0  }
0x222: {  	s25 =	sadd.s32 $0xFFFFFFFF, s25;
	[sflag:s19] =	ssyncadd.s32 $0xFFFFFF80  }
0x223: {  	s0 =	simm.s32 $0x0  }
0x224: {  	v34 =	vmov s0  }
0x225: {  	v34 =	vshll.u32 v34, $0x7  }
0x226: {  	v34 =	vor.u32 v0, v34;
	_ =	sdelay $0x1  }
0x227: {  	v35 =	vor.u32 $0x1, v34;
	_ =	sdelay $0x1  }
0x228: {  	v36 =	vor.u32 $0x2, v34  }
0x229: {  	s25 =	simm.s32 $0x4500;
	v37 =	vld.idx.msk [tilespmem:v34+s20+$0x0], $0xffff  }
0x22a: {  	v39 =	vor.u32 $0x3, v34;
	v38 =	vld.idx.msk [tilespmem:v34+s25+$0x0], $0xffff  }
0x22b: {  	v40 =	vld.idx.msk [tilespmem:v35+s25+$0x0], $0xffff  }
0x22c: {  	v41 =	vor.u32 $0x4, v34;
	v35 =	vld.idx.msk [tilespmem:v35+s20+$0x0], $0xffff  }
0x22d: {  	v42 =	vld.idx.msk [tilespmem:v36+s25+$0x0], $0xffff  }
0x22e: {  	v43 =	vor.u32 $0x5, v34;
	v36 =	vld.idx.msk [tilespmem:v36+s20+$0x0], $0xffff  }
0x22f: {  	v44 =	vld.idx.msk [tilespmem:v39+s25+$0x0], $0xffff;
	v37 =	vmul.f32 v37, v38  }
0x230: {  	v58 =	vor.u32 $0x6, v34;
	v57 =	vld.idx.msk [tilespmem:v39+s20+$0x0], $0xffff  }
0x231: {  	v45 =	vld.idx.msk [tilespmem:v41+s25+$0x0], $0xffff;
	v35 =	vmul.f32 v35, v40;
	v37 =	vmul.f32 v37, v33  }
0x232: {  	v60 =	vor.u32 $0x7, v34;
	v59 =	vld.idx.msk [tilespmem:v41+s20+$0x0], $0xffff  }
0x233: {  	v46 =	vld.idx.msk [tilespmem:v43+s25+$0x0], $0xffff;
	v36 =	vmul.f32 v36, v42;
	v35 =	vmul.f32 v35, v32;
	v37 =	vadd.f32 $0.0e+00, v37  }
0x234: {  	v61 =	vor.u32 $0x8, v34;
	v43 =	vld.idx.msk [tilespmem:v43+s20+$0x0], $0xffff  }
0x235: {  	v47 =	vld.idx.msk [tilespmem:v58+s25+$0x0], $0xffff;
	v62 =	vmul.f32 v57, v44;
	v36 =	vmul.f32 v36, v31;
	v35 =	vadd.f32 v35, v37  }
0x236: {  	v63 =	vor.u32 $0x9, v34;
	v39 =	vld.idx.msk [tilespmem:v58+s20+$0x0], $0xffff  }
0x237: {  	v48 =	vld.idx.msk [tilespmem:v60+s25+$0x0], $0xffff;
	v50 =	vmul.f32 v59, v45;
	v49 =	vmul.f32 v62, v30;
	v35 =	vadd.f32 v36, v35  }
0x238: {  	v51 =	vor.u32 $0xA, v34;
	v41 =	vld.idx.msk [tilespmem:v60+s20+$0x0], $0xffff  }
0x239: {  	v52 =	vld.idx.msk [tilespmem:v61+s25+$0x0], $0xffff;
	v54 =	vmul.f32 v43, v46;
	v53 =	vmul.f32 v50, v29;
	v35 =	vadd.f32 v49, v35  }
0x23a: {  	v55 =	vor.u32 $0xB, v34;
	v42 =	vld.idx.msk [tilespmem:v61+s20+$0x0], $0xffff  }
0x23b: {  	v56 =	vld.idx.msk [tilespmem:v63+s25+$0x0], $0xffff;
	v58 =	vmul.f32 v39, v47;
	v57 =	vmul.f32 v54, v28;
	v35 =	vadd.f32 v53, v35  }
0x23c: {  	v38 =	vld.idx.msk [tilespmem:v63+s20+$0x0], $0xffff;
	v59 =	vor.u32 $0xC, v34  }
0x23d: {  	v60 =	vld.idx.msk [tilespmem:v51+s25+$0x0], $0xffff;
	v61 =	vmul.f32 v58, v27;
	v62 =	vmul.f32 v41, v48;
	v35 =	vadd.f32 v57, v35  }
0x23e: {  	v63 =	vor.u32 $0xD, v34;
	v40 =	vld.idx.msk [tilespmem:v51+s20+$0x0], $0xffff  }
0x23f: {  	v43 =	vld.idx.msk [tilespmem:v55+s20+$0x0], $0xffff;
	v50 =	vmul.f32 v42, v52;
	v49 =	vmul.f32 v62, v26;
	v35 =	vadd.f32 v61, v35  }
0x240: {  	v51 =	vor.u32 $0xE, v34;
	v48 =	vld.idx.msk [tilespmem:v55+s25+$0x0], $0xffff  }
0x241: {  	v54 =	vmul.f32 v38, v56;
	v52 =	vld.idx.msk [tilespmem:v59+s25+$0x0], $0xffff;
	v53 =	vmul.f32 v50, v25;
	v35 =	vadd.f32 v49, v35  }
0x242: {  	v55 =	vor.u32 $0xF, v34;
	v39 =	vld.idx.msk [tilespmem:v59+s20+$0x0], $0xffff  }
0x243: {  	v56 =	vld.idx.msk [tilespmem:v63+s25+$0x0], $0xffff;
	v58 =	vmul.f32 v40, v60;
	v57 =	vmul.f32 v54, v24;
	v35 =	vadd.f32 v53, v35  }
0x244: {  	v41 =	vld.idx.msk [tilespmem:v63+s20+$0x0], $0xffff;
	v59 =	vor.u32 $0x10, v34  }
0x245: {  	v60 =	vld.idx.msk [tilespmem:v51+s25+$0x0], $0xffff;
	v62 =	vmul.f32 v43, v48;
	v61 =	vmul.f32 v58, v23;
	v35 =	vadd.f32 v57, v35  }
0x246: {  	v63 =	vor.u32 $0x11, v34;
	v42 =	vld.idx.msk [tilespmem:v51+s20+$0x0], $0xffff  }
0x247: {  	v38 =	vld.idx.msk [tilespmem:v55+s20+$0x0], $0xffff;
	v50 =	vmul.f32 v39, v52;
	v49 =	vmul.f32 v62, v22;
	v35 =	vadd.f32 v61, v35  }
0x248: {  	v51 =	vor.u32 $0x12, v34;
	v48 =	vld.idx.msk [tilespmem:v55+s25+$0x0], $0xffff  }
0x249: {  	v40 =	vld.idx.msk [tilespmem:v59+s20+$0x0], $0xffff;
	v54 =	vmul.f32 v41, v56;
	v53 =	vmul.f32 v50, v21;
	v35 =	vadd.f32 v49, v35  }
0x24a: {  	v55 =	vor.u32 $0x13, v34;
	v52 =	vld.idx.msk [tilespmem:v59+s25+$0x0], $0xffff  }
0x24b: {  	v43 =	vld.idx.msk [tilespmem:v63+s20+$0x0], $0xffff;
	v58 =	vmul.f32 v42, v60;
	v57 =	vmul.f32 v54, v20;
	v35 =	vadd.f32 v53, v35  }
0x24c: {  	v59 =	vor.u32 $0x14, v34;
	v56 =	vld.idx.msk [tilespmem:v63+s25+$0x0], $0xffff  }
0x24d: {  	v39 =	vld.idx.msk [tilespmem:v51+s20+$0x0], $0xffff;
	v62 =	vmul.f32 v38, v48;
	v61 =	vmul.f32 v58, v19;
	v35 =	vadd.f32 v57, v35  }
0x24e: {  	v63 =	vor.u32 $0x15, v34;
	v60 =	vld.idx.msk [tilespmem:v51+s25+$0x0], $0xffff  }
0x24f: {  	v41 =	vld.idx.msk [tilespmem:v55+s20+$0x0], $0xffff;
	v50 =	vmul.f32 v40, v52;
	v49 =	vmul.f32 v62, v18;
	v35 =	vadd.f32 v61, v35  }
0x250: {  	v51 =	vor.u32 $0x16, v34;
	v48 =	vld.idx.msk [tilespmem:v55+s25+$0x0], $0xffff  }
0x251: {  	v42 =	vld.idx.msk [tilespmem:v59+s20+$0x0], $0xffff;
	v54 =	vmul.f32 v43, v56;
	v53 =	vmul.f32 v50, v17;
	v35 =	vadd.f32 v49, v35  }
0x252: {  	v55 =	vor.u32 $0x17, v34;
	v52 =	vld.idx.msk [tilespmem:v59+s25+$0x0], $0xffff  }
0x253: {  	v38 =	vld.idx.msk [tilespmem:v63+s20+$0x0], $0xffff;
	v58 =	vmul.f32 v39, v60;
	v57 =	vmul.f32 v54, v16;
	v35 =	vadd.f32 v53, v35  }
0x254: {  	v59 =	vor.u32 $0x18, v34;
	v56 =	vld.idx.msk [tilespmem:v63+s25+$0x0], $0xffff  }
0x255: {  	v40 =	vld.idx.msk [tilespmem:v51+s20+$0x0], $0xffff;
	v62 =	vmul.f32 v41, v48;
	v61 =	vmul.f32 v58, v15;
	v35 =	vadd.f32 v57, v35  }
0x256: {  	v63 =	vor.u32 $0x19, v34;
	v60 =	vld.idx.msk [tilespmem:v51+s25+$0x0], $0xffff  }
0x257: {  	v43 =	vld.idx.msk [tilespmem:v55+s20+$0x0], $0xffff;
	v50 =	vmul.f32 v42, v52;
	v49 =	vmul.f32 v62, v14;
	v35 =	vadd.f32 v61, v35  }
0x258: {  	v51 =	vor.u32 $0x1A, v34;
	v48 =	vld.idx.msk [tilespmem:v55+s25+$0x0], $0xffff  }
0x259: {  	v39 =	vld.idx.msk [tilespmem:v59+s20+$0x0], $0xffff;
	v54 =	vmul.f32 v38, v56;
	v53 =	vmul.f32 v50, v13;
	v35 =	vadd.f32 v49, v35  }
0x25a: {  	v55 =	vor.u32 $0x1B, v34;
	v52 =	vld.idx.msk [tilespmem:v59+s25+$0x0], $0xffff  }
0x25b: {  	v41 =	vld.idx.msk [tilespmem:v63+s20+$0x0], $0xffff;
	v58 =	vmul.f32 v40, v60;
	v57 =	vmul.f32 v54, v12;
	v35 =	vadd.f32 v53, v35  }
0x25c: {  	v59 =	vor.u32 $0x1C, v34;
	v56 =	vld.idx.msk [tilespmem:v63+s25+$0x0], $0xffff  }
0x25d: {  	v42 =	vld.idx.msk [tilespmem:v51+s20+$0x0], $0xffff;
	v62 =	vmul.f32 v43, v48;
	v61 =	vmul.f32 v58, v11;
	v35 =	vadd.f32 v57, v35  }
0x25e: {  	v63 =	vor.u32 $0x1D, v34;
	v60 =	vld.idx.msk [tilespmem:v51+s25+$0x0], $0xffff  }
0x25f: {  	v38 =	vld.idx.msk [tilespmem:v55+s20+$0x0], $0xffff;
	v50 =	vmul.f32 v39, v52;
	v49 =	vmul.f32 v62, v10;
	v35 =	vadd.f32 v61, v35  }
0x260: {  	v51 =	vor.u32 $0x1E, v34;
	v48 =	vld.idx.msk [tilespmem:v55+s25+$0x0], $0xffff  }
0x261: {  	v40 =	vld.idx.msk [tilespmem:v59+s20+$0x0], $0xffff;
	v54 =	vmul.f32 v41, v56;
	v53 =	vmul.f32 v50, v9;
	v35 =	vadd.f32 v49, v35  }
0x262: {  	v34 =	vor.u32 $0x1F, v34;
	v52 =	vld.idx.msk [tilespmem:v59+s25+$0x0], $0xffff  }
0x263: {  	v55 =	vld.idx.msk [tilespmem:v63+s25+$0x0], $0xffff;
	v56 =	vmul.f32 v54, v8;
	v57 =	vmul.f32 v42, v60;
	v35 =	vadd.f32 v53, v35  }
0x264: {  	v58 =	vld.idx.msk [tilespmem:v63+s20+$0x0], $0xffff  }
0x265: {  	v59 =	vld.idx.msk [tilespmem:v51+s25+$0x0], $0xffff;
	v60 =	vmul.f32 v57, v7;
	v61 =	vmul.f32 v38, v48;
	v35 =	vadd.f32 v56, v35  }
0x266: {  	v62 =	vld.idx.msk [tilespmem:v51+s20+$0x0], $0xffff  }
0x267: {  	v63 =	vld.idx.msk [tilespmem:v34+s25+$0x0], $0xffff;
	v45 =	vmul.f32 v40, v52;
	v44 =	vmul.f32 v61, v6;
	v35 =	vadd.f32 v60, v35  }
0x268: {  	v34 =	vld.idx.msk [tilespmem:v34+s20+$0x0], $0xffff  }
0x269: {  	v46 =	vmul.f32 v45, v5;
	v47 =	vmul.f32 v58, v55;
	v35 =	vadd.f32 v44, v35;
	_ =	sdelay $0x1  }
0x26a: {  	v48 =	vmul.f32 v47, v4;
	v49 =	vmul.f32 v62, v59;
	v35 =	vadd.f32 v46, v35;
	_ =	sdelay $0x1  }
0x26b: {  	v34 =	vmul.f32 v34, v63;
	v50 =	vmul.f32 v49, v3;
	v35 =	vadd.f32 v48, v35;
	_ =	sdelay $0x1  }
0x26c: {  	v34 =	vmul.f32 v34, v2;
	v35 =	vadd.f32 v50, v35;
	_ =	sdelay $0x1  }
0x26d: {  	v34 =	vadd.f32 v34, v35;
	_ =	sdelay $0x1  }
0x26e: {  	v34 =	vadd.f32 v34, v1;
	_ =	sdelay $0x1  }
0x26f: {  	v34 =	vsub.f32 $0.0e+00, v34;
	_ =	sdelay $0x1  }
0x270: {  	v34 =	vmul.f32 $1.442695020e+00, v34;
	_ =	sdelay $0x1  }
0x271: {  	(erf) = vpow2.f32 v34;
	_ =	sdelay $0x8  }
0x272: {  	v34 =	vpop (erf)  }
0x273: {  	v34 =	vadd.f32 $1.000000000e+00, v34;
	_ =	sdelay $0x1  }
0x274: {  	(erf) = vrcp.f32 v34;
	_ =	sdelay $0x6  }
0x275: {  	s30 =	simm.s32 $0x10  }
0x276: {  	v51 =	vmov s30  }
0x277: {  	v34 =	vshll.u32 v51, $0x7;
	v52 =	vpop (erf)  }
0x278: {  	v34 =	vor.u32 v0, v34;
	v35 =	vmul.f32 $5.000000000e+00, v52;
	_ =	sdelay $0x1  }
0x279: {  	v53 =	vor.u32 $0x1, v34;
	v35 =	vadd.f32 $1.000000000e+00, v35  }
0x27a: {  	s26 =	simm.s32 $0x10680  }
0x27b: {  	v54 =	vor.u32 $0x2, v34;
	[tilespmem:s26+$0x0] =	vst v35  }
0x27c: {  	v35 =	vld.idx.msk [tilespmem:v34+s20+$0x0], $0xffff  }
0x27d: {  	v56 =	vor.u32 $0x3, v34;
	v55 =	vld.idx.msk [tilespmem:v34+s25+$0x0], $0xffff  }
0x27e: {  	v57 =	vld.idx.msk [tilespmem:v53+s25+$0x0], $0xffff  }
0x27f: {  	v58 =	vor.u32 $0x4, v34;
	v36 =	vld.idx.msk [tilespmem:v53+s20+$0x0], $0xffff  }
0x280: {  	v59 =	vld.idx.msk [tilespmem:v54+s25+$0x0], $0xffff  }
0x281: {  	v60 =	vor.u32 $0x5, v34;
	v37 =	vld.idx.msk [tilespmem:v54+s20+$0x0], $0xffff  }
0x282: {  	v61 =	vld.idx.msk [tilespmem:v56+s25+$0x0], $0xffff;
	v35 =	vmul.f32 v35, v55  }
0x283: {  	v63 =	vor.u32 $0x6, v34;
	v62 =	vld.idx.msk [tilespmem:v56+s20+$0x0], $0xffff  }
0x284: {  	v48 =	vld.idx.msk [tilespmem:v58+s25+$0x0], $0xffff;
	v36 =	vmul.f32 v36, v57;
	v35 =	vmul.f32 v35, v33  }
0x285: {  	v50 =	vor.u32 $0x7, v34;
	v49 =	vld.idx.msk [tilespmem:v58+s20+$0x0], $0xffff  }
0x286: {  	v51 =	vld.idx.msk [tilespmem:v60+s25+$0x0], $0xffff;
	v37 =	vmul.f32 v37, v59;
	v36 =	vmul.f32 v36, v32;
	v35 =	vadd.f32 $0.0e+00, v35  }
0x287: {  	v52 =	vor.u32 $0x8, v34;
	v43 =	vld.idx.msk [tilespmem:v60+s20+$0x0], $0xffff  }
0x288: {  	v53 =	vld.idx.msk [tilespmem:v63+s25+$0x0], $0xffff;
	v55 =	vmul.f32 v62, v61;
	v54 =	vmul.f32 v37, v31;
	v35 =	vadd.f32 v36, v35  }
0x289: {  	v56 =	vor.u32 $0x9, v34;
	v39 =	vld.idx.msk [tilespmem:v63+s20+$0x0], $0xffff  }
0x28a: {  	v41 =	vld.idx.msk [tilespmem:v50+s20+$0x0], $0xffff;
	v59 =	vmul.f32 v49, v48;
	v58 =	vmul.f32 v55, v30;
	v35 =	vadd.f32 v54, v35  }
0x28b: {  	v60 =	vor.u32 $0xA, v34;
	v57 =	vld.idx.msk [tilespmem:v50+s25+$0x0], $0xffff  }
0x28c: {  	v42 =	vld.idx.msk [tilespmem:v52+s20+$0x0], $0xffff;
	v63 =	vmul.f32 v43, v51;
	v62 =	vmul.f32 v59, v29;
	v35 =	vadd.f32 v58, v35  }
0x28d: {  	v61 =	vld.idx.msk [tilespmem:v52+s25+$0x0], $0xffff;
	v48 =	vor.u32 $0xB, v34  }
0x28e: {  	v49 =	vld.idx.msk [tilespmem:v56+s25+$0x0], $0xffff;
	v51 =	vmul.f32 v39, v53;
	v50 =	vmul.f32 v63, v28;
	v35 =	vadd.f32 v62, v35  }
0x28f: {  	v52 =	vor.u32 $0xC, v34;
	v38 =	vld.idx.msk [tilespmem:v56+s20+$0x0], $0xffff  }
0x290: {  	v53 =	vld.idx.msk [tilespmem:v60+s25+$0x0], $0xffff;
	v55 =	vmul.f32 v41, v57;
	v54 =	vmul.f32 v51, v27;
	v35 =	vadd.f32 v50, v35  }
0x291: {  	v56 =	vor.u32 $0xD, v34;
	v40 =	vld.idx.msk [tilespmem:v60+s20+$0x0], $0xffff  }
0x292: {  	v57 =	vld.idx.msk [tilespmem:v48+s25+$0x0], $0xffff;
	v59 =	vmul.f32 v42, v61;
	v58 =	vmul.f32 v55, v26;
	v35 =	vadd.f32 v54, v35  }
0x293: {  	v60 =	vor.u32 $0xE, v34;
	v43 =	vld.idx.msk [tilespmem:v48+s20+$0x0], $0xffff  }
0x294: {  	v61 =	vld.idx.msk [tilespmem:v52+s25+$0x0], $0xffff;
	v63 =	vmul.f32 v38, v49;
	v62 =	vmul.f32 v59, v25;
	v35 =	vadd.f32 v58, v35  }
0x295: {  	v48 =	vor.u32 $0xF, v34;
	v39 =	vld.idx.msk [tilespmem:v52+s20+$0x0], $0xffff  }
0x296: {  	v49 =	vld.idx.msk [tilespmem:v56+s25+$0x0], $0xffff;
	v51 =	vmul.f32 v40, v53;
	v50 =	vmul.f32 v63, v24;
	v35 =	vadd.f32 v62, v35  }
0x297: {  	v52 =	vor.u32 $0x10, v34;
	v41 =	vld.idx.msk [tilespmem:v56+s20+$0x0], $0xffff  }
0x298: {  	v42 =	vld.idx.msk [tilespmem:v60+s20+$0x0], $0xffff;
	v55 =	vmul.f32 v43, v57;
	v54 =	vmul.f32 v51, v23;
	v35 =	vadd.f32 v50, v35  }
0x299: {  	v56 =	vor.u32 $0x11, v34;
	v53 =	vld.idx.msk [tilespmem:v60+s25+$0x0], $0xffff  }
0x29a: {  	v57 =	vld.idx.msk [tilespmem:v48+s25+$0x0], $0xffff;
	v59 =	vmul.f32 v39, v61;
	v58 =	vmul.f32 v55, v22;
	v35 =	vadd.f32 v54, v35  }
0x29b: {  	v60 =	vor.u32 $0x12, v34;
	v38 =	vld.idx.msk [tilespmem:v48+s20+$0x0], $0xffff  }
0x29c: {  	v40 =	vld.idx.msk [tilespmem:v52+s20+$0x0], $0xffff;
	v63 =	vmul.f32 v41, v49;
	v62 =	vmul.f32 v59, v21;
	v35 =	vadd.f32 v58, v35  }
0x29d: {  	v48 =	vor.u32 $0x13, v34;
	v61 =	vld.idx.msk [tilespmem:v52+s25+$0x0], $0xffff  }
0x29e: {  	v43 =	vld.idx.msk [tilespmem:v56+s20+$0x0], $0xffff;
	v51 =	vmul.f32 v42, v53;
	v50 =	vmul.f32 v63, v20;
	v35 =	vadd.f32 v62, v35  }
0x29f: {  	v52 =	vor.u32 $0x14, v34;
	v49 =	vld.idx.msk [tilespmem:v56+s25+$0x0], $0xffff  }
0x2a0: {  	v39 =	vld.idx.msk [tilespmem:v60+s20+$0x0], $0xffff;
	v55 =	vmul.f32 v38, v57;
	v54 =	vmul.f32 v51, v19;
	v35 =	vadd.f32 v50, v35  }
0x2a1: {  	v56 =	vor.u32 $0x15, v34;
	v53 =	vld.idx.msk [tilespmem:v60+s25+$0x0], $0xffff  }
0x2a2: {  	v41 =	vld.idx.msk [tilespmem:v48+s20+$0x0], $0xffff;
	v59 =	vmul.f32 v40, v61;
	v58 =	vmul.f32 v55, v18;
	v35 =	vadd.f32 v54, v35  }
0x2a3: {  	v60 =	vor.u32 $0x16, v34;
	v57 =	vld.idx.msk [tilespmem:v48+s25+$0x0], $0xffff  }
0x2a4: {  	v42 =	vld.idx.msk [tilespmem:v52+s20+$0x0], $0xffff;
	v63 =	vmul.f32 v43, v49;
	v62 =	vmul.f32 v59, v17;
	v35 =	vadd.f32 v58, v35  }
0x2a5: {  	v48 =	vor.u32 $0x17, v34;
	v61 =	vld.idx.msk [tilespmem:v52+s25+$0x0], $0xffff  }
0x2a6: {  	v38 =	vld.idx.msk [tilespmem:v56+s20+$0x0], $0xffff;
	v51 =	vmul.f32 v39, v53;
	v50 =	vmul.f32 v63, v16;
	v35 =	vadd.f32 v62, v35  }
0x2a7: {  	v52 =	vor.u32 $0x18, v34;
	v49 =	vld.idx.msk [tilespmem:v56+s25+$0x0], $0xffff  }
0x2a8: {  	v40 =	vld.idx.msk [tilespmem:v60+s20+$0x0], $0xffff;
	v55 =	vmul.f32 v41, v57;
	v54 =	vmul.f32 v51, v15;
	v35 =	vadd.f32 v50, v35  }
0x2a9: {  	v56 =	vor.u32 $0x19, v34;
	v53 =	vld.idx.msk [tilespmem:v60+s25+$0x0], $0xffff  }
0x2aa: {  	v43 =	vld.idx.msk [tilespmem:v48+s20+$0x0], $0xffff;
	v59 =	vmul.f32 v42, v61;
	v58 =	vmul.f32 v55, v14;
	v35 =	vadd.f32 v54, v35  }
0x2ab: {  	v60 =	vor.u32 $0x1A, v34;
	v57 =	vld.idx.msk [tilespmem:v48+s25+$0x0], $0xffff  }
0x2ac: {  	v39 =	vld.idx.msk [tilespmem:v52+s20+$0x0], $0xffff;
	v63 =	vmul.f32 v38, v49;
	v62 =	vmul.f32 v59, v13;
	v35 =	vadd.f32 v58, v35  }
0x2ad: {  	v48 =	vor.u32 $0x1B, v34;
	v61 =	vld.idx.msk [tilespmem:v52+s25+$0x0], $0xffff  }
0x2ae: {  	v41 =	vld.idx.msk [tilespmem:v56+s20+$0x0], $0xffff;
	v51 =	vmul.f32 v40, v53;
	v50 =	vmul.f32 v63, v12;
	v35 =	vadd.f32 v62, v35  }
0x2af: {  	v52 =	vor.u32 $0x1C, v34;
	v49 =	vld.idx.msk [tilespmem:v56+s25+$0x0], $0xffff  }
0x2b0: {  	v42 =	vld.idx.msk [tilespmem:v60+s20+$0x0], $0xffff;
	v55 =	vmul.f32 v43, v57;
	v54 =	vmul.f32 v51, v11;
	v35 =	vadd.f32 v50, v35  }
0x2b1: {  	v56 =	vor.u32 $0x1D, v34;
	v53 =	vld.idx.msk [tilespmem:v60+s25+$0x0], $0xffff  }
0x2b2: {  	v38 =	vld.idx.msk [tilespmem:v48+s20+$0x0], $0xffff;
	v59 =	vmul.f32 v39, v61;
	v58 =	vmul.f32 v55, v10;
	v35 =	vadd.f32 v54, v35  }
0x2b3: {  	v60 =	vor.u32 $0x1E, v34;
	v57 =	vld.idx.msk [tilespmem:v48+s25+$0x0], $0xffff  }
0x2b4: {  	v40 =	vld.idx.msk [tilespmem:v52+s20+$0x0], $0xffff;
	v63 =	vmul.f32 v41, v49;
	v62 =	vmul.f32 v59, v9;
	v35 =	vadd.f32 v58, v35  }
0x2b5: {  	v34 =	vor.u32 $0x1F, v34;
	v61 =	vld.idx.msk [tilespmem:v52+s25+$0x0], $0xffff  }
0x2b6: {  	v46 =	vld.idx.msk [tilespmem:v56+s25+$0x0], $0xffff;
	v49 =	vmul.f32 v42, v53;
	v48 =	vmul.f32 v63, v8;
	v35 =	vadd.f32 v62, v35  }
0x2b7: {  	v50 =	vld.idx.msk [tilespmem:v56+s20+$0x0], $0xffff  }
0x2b8: {  	v53 =	vmul.f32 v38, v57;
	v51 =	vld.idx.msk [tilespmem:v60+s25+$0x0], $0xffff;
	v52 =	vmul.f32 v49, v7;
	v35 =	vadd.f32 v48, v35  }
0x2b9: {  	v54 =	vld.idx.msk [tilespmem:v60+s20+$0x0], $0xffff  }
0x2ba: {  	v57 =	vmul.f32 v40, v61;
	v55 =	vld.idx.msk [tilespmem:v34+s25+$0x0], $0xffff;
	v56 =	vmul.f32 v53, v6;
	v35 =	vadd.f32 v52, v35  }
0x2bb: {  	v34 =	vld.idx.msk [tilespmem:v34+s20+$0x0], $0xffff  }
0x2bc: {  	v58 =	vmul.f32 v57, v5;
	v59 =	vmul.f32 v50, v46;
	v35 =	vadd.f32 v56, v35;
	_ =	sdelay $0x1  }
0x2bd: {  	v60 =	vmul.f32 v59, v4;
	v61 =	vmul.f32 v54, v51;
	v35 =	vadd.f32 v58, v35;
	_ =	sdelay $0x1  }
0x2be: {  	v34 =	vmul.f32 v34, v55;
	v62 =	vmul.f32 v61, v3;
	v35 =	vadd.f32 v60, v35;
	_ =	sdelay $0x1  }
0x2bf: {  	v34 =	vmul.f32 v34, v2;
	v35 =	vadd.f32 v62, v35;
	_ =	sdelay $0x1  }
0x2c0: {  	v34 =	vadd.f32 v34, v35;
	_ =	sdelay $0x1  }
0x2c1: {  	v34 =	vadd.f32 v34, v1;
	_ =	sdelay $0x1  }
0x2c2: {  	v34 =	vsub.f32 $0.0e+00, v34;
	_ =	sdelay $0x1  }
0x2c3: {  	v34 =	vmul.f32 $1.442695020e+00, v34;
	_ =	sdelay $0x1  }
0x2c4: {  	(erf) = vpow2.f32 v34;
	_ =	sdelay $0x8  }
0x2c5: {  	v34 =	vpop (erf)  }
0x2c6: {  	v34 =	vadd.f32 $1.000000000e+00, v34;
	_ =	sdelay $0x1  }
0x2c7: {  	(erf) = vrcp.f32 v34;
	_ =	sdelay $0x6  }
0x2c8: {  	s31 =	simm.s32 $0x20  }
0x2c9: {  	v63 =	vmov s31  }
0x2ca: {  	s28 =	simm.s32 $0x30;
	v34 =	vshll.u32 v63, $0x7;
	v35 =	vpop (erf)  }
.LBB2_36:
0x2cb: {  	p0 =	sne.s32 s28, $0x70;
	v34 =	vor.u32 v0, v34;
	v35 =	vmul.f32 $5.000000000e+00, v35;
	_ =	sdelay $0x1  }
0x2cc: {  	v36 =	vor.u32 $0x1, v34;
	v35 =	vadd.f32 $1.000000000e+00, v35  }
0x2cd: {  	s26 =	sadd.s32 $0x10, s26  }
0x2ce: {  	v37 =	vor.u32 $0x2, v34;
	[tilespmem:s26+$0x0] =	vst v35  }
0x2cf: {  	v35 =	vld.idx.msk [tilespmem:v34+s20+$0x0], $0xffff  }
0x2d0: {  	v39 =	vor.u32 $0x3, v34;
	v38 =	vld.idx.msk [tilespmem:v34+s25+$0x0], $0xffff  }
0x2d1: {  	v40 =	vld.idx.msk [tilespmem:v36+s25+$0x0], $0xffff  }
0x2d2: {  	v41 =	vor.u32 $0x4, v34;
	v36 =	vld.idx.msk [tilespmem:v36+s20+$0x0], $0xffff  }
0x2d3: {  	v42 =	vld.idx.msk [tilespmem:v37+s25+$0x0], $0xffff  }
0x2d4: {  	v43 =	vor.u32 $0x5, v34;
	v37 =	vld.idx.msk [tilespmem:v37+s20+$0x0], $0xffff  }
0x2d5: {  	v44 =	vld.idx.msk [tilespmem:v39+s25+$0x0], $0xffff  }
0x2d6: {  	v35 =	vmul.f32 v35, v38;
	v38 =	vld.idx.msk [tilespmem:v39+s20+$0x0], $0xffff;
	v39 =	vor.u32 $0x6, v34  }
0x2d7: {  	v45 =	vld.idx.msk [tilespmem:v41+s25+$0x0], $0xffff  }
0x2d8: {  	v35 =	vmul.f32 v35, v33;
	v36 =	vmul.f32 v36, v40;
	v40 =	vld.idx.msk [tilespmem:v41+s20+$0x0], $0xffff;
	v41 =	vor.u32 $0x7, v34  }
0x2d9: {  	v47 =	vor.u32 $0x8, v34;
	v46 =	vld.idx.msk [tilespmem:v43+s25+$0x0], $0xffff  }
0x2da: {  	v35 =	vadd.f32 $0.0e+00, v35;
	v36 =	vmul.f32 v36, v32;
	v37 =	vmul.f32 v37, v42;
	v42 =	vld.idx.msk [tilespmem:v43+s20+$0x0], $0xffff  }
0x2db: {  	v48 =	vor.u32 $0x9, v34;
	v43 =	vld.idx.msk [tilespmem:v39+s25+$0x0], $0xffff  }
0x2dc: {  	v35 =	vadd.f32 v36, v35;
	v36 =	vmul.f32 v37, v31;
	v37 =	vmul.f32 v38, v44;
	v38 =	vld.idx.msk [tilespmem:v39+s20+$0x0], $0xffff  }
0x2dd: {  	v44 =	vor.u32 $0xA, v34;
	v39 =	vld.idx.msk [tilespmem:v41+s25+$0x0], $0xffff  }
0x2de: {  	v35 =	vadd.f32 v36, v35;
	v36 =	vmul.f32 v37, v30;
	v37 =	vmul.f32 v40, v45;
	v40 =	vld.idx.msk [tilespmem:v41+s20+$0x0], $0xffff  }
0x2df: {  	v45 =	vor.u32 $0xB, v34;
	v41 =	vld.idx.msk [tilespmem:v47+s25+$0x0], $0xffff  }
0x2e0: {  	v35 =	vadd.f32 v36, v35;
	v36 =	vmul.f32 v37, v29;
	v37 =	vmul.f32 v42, v46;
	v42 =	vld.idx.msk [tilespmem:v47+s20+$0x0], $0xffff  }
0x2e1: {  	v47 =	vor.u32 $0xC, v34;
	v46 =	vld.idx.msk [tilespmem:v48+s25+$0x0], $0xffff  }
0x2e2: {  	v35 =	vadd.f32 v36, v35;
	v36 =	vmul.f32 v37, v28;
	v37 =	vmul.f32 v38, v43;
	v38 =	vld.idx.msk [tilespmem:v48+s20+$0x0], $0xffff  }
0x2e3: {  	v48 =	vor.u32 $0xD, v34;
	v43 =	vld.idx.msk [tilespmem:v44+s25+$0x0], $0xffff  }
0x2e4: {  	v35 =	vadd.f32 v36, v35;
	v36 =	vmul.f32 v37, v27;
	v37 =	vmul.f32 v40, v39;
	v39 =	vld.idx.msk [tilespmem:v44+s20+$0x0], $0xffff  }
0x2e5: {  	v44 =	vor.u32 $0xE, v34;
	v40 =	vld.idx.msk [tilespmem:v45+s25+$0x0], $0xffff  }
0x2e6: {  	v35 =	vadd.f32 v36, v35;
	v36 =	vmul.f32 v37, v26;
	v37 =	vmul.f32 v42, v41;
	v41 =	vld.idx.msk [tilespmem:v45+s20+$0x0], $0xffff  }
0x2e7: {  	v45 =	vor.u32 $0xF, v34;
	v42 =	vld.idx.msk [tilespmem:v47+s25+$0x0], $0xffff  }
0x2e8: {  	v35 =	vadd.f32 v36, v35;
	v36 =	vmul.f32 v37, v25;
	v37 =	vmul.f32 v38, v46;
	v38 =	vld.idx.msk [tilespmem:v47+s20+$0x0], $0xffff  }
0x2e9: {  	v47 =	vor.u32 $0x10, v34;
	v46 =	vld.idx.msk [tilespmem:v48+s25+$0x0], $0xffff  }
0x2ea: {  	v35 =	vadd.f32 v36, v35;
	v36 =	vmul.f32 v37, v24;
	v37 =	vmul.f32 v39, v43;
	v39 =	vld.idx.msk [tilespmem:v48+s20+$0x0], $0xffff  }
0x2eb: {  	v48 =	vor.u32 $0x11, v34;
	v43 =	vld.idx.msk [tilespmem:v44+s25+$0x0], $0xffff  }
0x2ec: {  	v35 =	vadd.f32 v36, v35;
	v36 =	vmul.f32 v37, v23;
	v37 =	vmul.f32 v41, v40;
	v40 =	vld.idx.msk [tilespmem:v44+s20+$0x0], $0xffff  }
0x2ed: {  	v44 =	vor.u32 $0x12, v34;
	v41 =	vld.idx.msk [tilespmem:v45+s25+$0x0], $0xffff  }
0x2ee: {  	v35 =	vadd.f32 v36, v35;
	v36 =	vmul.f32 v37, v22;
	v37 =	vmul.f32 v38, v42;
	v38 =	vld.idx.msk [tilespmem:v45+s20+$0x0], $0xffff  }
0x2ef: {  	v45 =	vor.u32 $0x13, v34;
	v42 =	vld.idx.msk [tilespmem:v47+s25+$0x0], $0xffff  }
0x2f0: {  	v35 =	vadd.f32 v36, v35;
	v36 =	vmul.f32 v37, v21;
	v37 =	vmul.f32 v39, v46;
	v39 =	vld.idx.msk [tilespmem:v47+s20+$0x0], $0xffff  }
0x2f1: {  	v47 =	vor.u32 $0x14, v34;
	v46 =	vld.idx.msk [tilespmem:v48+s25+$0x0], $0xffff  }
0x2f2: {  	v35 =	vadd.f32 v36, v35;
	v36 =	vmul.f32 v37, v20;
	v37 =	vmul.f32 v40, v43;
	v40 =	vld.idx.msk [tilespmem:v48+s20+$0x0], $0xffff  }
0x2f3: {  	v48 =	vor.u32 $0x15, v34;
	v43 =	vld.idx.msk [tilespmem:v44+s25+$0x0], $0xffff  }
0x2f4: {  	v35 =	vadd.f32 v36, v35;
	v36 =	vmul.f32 v37, v19;
	v37 =	vmul.f32 v38, v41;
	v38 =	vld.idx.msk [tilespmem:v44+s20+$0x0], $0xffff  }
0x2f5: {  	v44 =	vor.u32 $0x16, v34;
	v41 =	vld.idx.msk [tilespmem:v45+s25+$0x0], $0xffff  }
0x2f6: {  	v35 =	vadd.f32 v36, v35;
	v36 =	vmul.f32 v37, v18;
	v37 =	vmul.f32 v39, v42;
	v39 =	vld.idx.msk [tilespmem:v45+s20+$0x0], $0xffff  }
0x2f7: {  	v45 =	vor.u32 $0x17, v34;
	v42 =	vld.idx.msk [tilespmem:v47+s25+$0x0], $0xffff  }
0x2f8: {  	v35 =	vadd.f32 v36, v35;
	v36 =	vmul.f32 v37, v17;
	v37 =	vmul.f32 v40, v46;
	v40 =	vld.idx.msk [tilespmem:v47+s20+$0x0], $0xffff  }
0x2f9: {  	v47 =	vor.u32 $0x18, v34;
	v46 =	vld.idx.msk [tilespmem:v48+s25+$0x0], $0xffff  }
0x2fa: {  	v35 =	vadd.f32 v36, v35;
	v36 =	vmul.f32 v37, v16;
	v37 =	vmul.f32 v38, v43;
	v38 =	vld.idx.msk [tilespmem:v48+s20+$0x0], $0xffff  }
0x2fb: {  	v48 =	vor.u32 $0x19, v34;
	v43 =	vld.idx.msk [tilespmem:v44+s25+$0x0], $0xffff  }
0x2fc: {  	v35 =	vadd.f32 v36, v35;
	v36 =	vmul.f32 v37, v15;
	v37 =	vmul.f32 v39, v41;
	v39 =	vld.idx.msk [tilespmem:v44+s20+$0x0], $0xffff  }
0x2fd: {  	v44 =	vor.u32 $0x1A, v34;
	v41 =	vld.idx.msk [tilespmem:v45+s25+$0x0], $0xffff  }
0x2fe: {  	v35 =	vadd.f32 v36, v35;
	v36 =	vmul.f32 v37, v14;
	v37 =	vmul.f32 v40, v42;
	v40 =	vld.idx.msk [tilespmem:v45+s20+$0x0], $0xffff  }
0x2ff: {  	v45 =	vor.u32 $0x1B, v34;
	v42 =	vld.idx.msk [tilespmem:v47+s25+$0x0], $0xffff  }
0x300: {  	v35 =	vadd.f32 v36, v35;
	v36 =	vmul.f32 v37, v13;
	v37 =	vmul.f32 v38, v46;
	v38 =	vld.idx.msk [tilespmem:v47+s20+$0x0], $0xffff  }
0x301: {  	v47 =	vor.u32 $0x1C, v34;
	v46 =	vld.idx.msk [tilespmem:v48+s25+$0x0], $0xffff  }
0x302: {  	v35 =	vadd.f32 v36, v35;
	v36 =	vmul.f32 v37, v12;
	v37 =	vmul.f32 v39, v43;
	v39 =	vld.idx.msk [tilespmem:v48+s20+$0x0], $0xffff  }
0x303: {  	v48 =	vor.u32 $0x1D, v34;
	v43 =	vld.idx.msk [tilespmem:v44+s25+$0x0], $0xffff  }
0x304: {  	v35 =	vadd.f32 v36, v35;
	v36 =	vmul.f32 v37, v11;
	v37 =	vmul.f32 v40, v41;
	v40 =	vld.idx.msk [tilespmem:v44+s20+$0x0], $0xffff  }
0x305: {  	v44 =	vor.u32 $0x1E, v34;
	v41 =	vld.idx.msk [tilespmem:v45+s25+$0x0], $0xffff  }
0x306: {  	v35 =	vadd.f32 v36, v35;
	v36 =	vmul.f32 v37, v10;
	v37 =	vmul.f32 v38, v42;
	v38 =	vld.idx.msk [tilespmem:v45+s20+$0x0], $0xffff  }
0x307: {  	v34 =	vor.u32 $0x1F, v34;
	v42 =	vld.idx.msk [tilespmem:v47+s25+$0x0], $0xffff  }
0x308: {  	v35 =	vadd.f32 v36, v35;
	v36 =	vmul.f32 v37, v9;
	v37 =	vmul.f32 v39, v46;
	v39 =	vld.idx.msk [tilespmem:v47+s20+$0x0], $0xffff  }
0x309: {  	v45 =	vld.idx.msk [tilespmem:v48+s25+$0x0], $0xffff  }
0x30a: {  	v35 =	vadd.f32 v36, v35;
	v36 =	vmul.f32 v37, v8;
	v37 =	vmul.f32 v40, v43;
	v40 =	vld.idx.msk [tilespmem:v48+s20+$0x0], $0xffff  }
0x30b: {  	v43 =	vld.idx.msk [tilespmem:v44+s25+$0x0], $0xffff  }
0x30c: {  	v35 =	vadd.f32 v36, v35;
	v36 =	vmul.f32 v37, v7;
	v37 =	vmul.f32 v38, v41;
	v38 =	vld.idx.msk [tilespmem:v44+s20+$0x0], $0xffff  }
0x30d: {  	v41 =	vld.idx.msk [tilespmem:v34+s25+$0x0], $0xffff  }
0x30e: {  	v35 =	vadd.f32 v36, v35;
	v36 =	vmul.f32 v37, v6;
	v37 =	vmul.f32 v39, v42;
	v34 =	vld.idx.msk [tilespmem:v34+s20+$0x0], $0xffff;
	_ =	sdelay $0x1  }
0x30f: {  	v35 =	vadd.f32 v36, v35;
	v36 =	vmul.f32 v37, v5;
	v37 =	vmul.f32 v40, v45;
	_ =	sdelay $0x1  }
0x310: {  	v35 =	vadd.f32 v36, v35;
	v36 =	vmul.f32 v37, v4;
	v37 =	vmul.f32 v38, v43;
	_ =	sdelay $0x1  }
0x311: {  	v35 =	vadd.f32 v36, v35;
	v36 =	vmul.f32 v37, v3;
	v34 =	vmul.f32 v34, v41;
	_ =	sdelay $0x1  }
0x312: {  	v35 =	vadd.f32 v36, v35;
	v34 =	vmul.f32 v34, v2;
	_ =	sdelay $0x1  }
0x313: {  	v34 =	vadd.f32 v34, v35;
	_ =	sdelay $0x1  }
0x314: {  	v34 =	vadd.f32 v34, v1;
	_ =	sdelay $0x1  }
0x315: {  	v34 =	vsub.f32 $0.0e+00, v34;
	_ =	sdelay $0x1  }
0x316: {  	v34 =	vmul.f32 $1.442695020e+00, v34;
	_ =	sdelay $0x1  }
0x317: {  	(erf) = vpow2.f32 v34;
	_ =	sdelay $0x8  }
0x318: {  	v34 =	vpop (erf)  }
0x319: {  	v34 =	vadd.f32 $1.000000000e+00, v34;
	_ =	sdelay $0x1  }
0x31a: {  	(erf) = vrcp.f32 v34;
	_ =	sdelay $0x4  }
.Ltmp22:
0x31b: {  	(pc) =	sbr.rel @p0 .LBB2_36-.Ltmp22, $3  }
0x31c: {  	_ =	sdelay $0x1  }
0x31d: {  	v34 =	vmov s28  }
0x31e: {  	s28 =	sadd.s32 $0x10, s28;
	v34 =	vshll.u32 v34, $0x7;
	v35 =	vpop (erf)  }
0x31f: {  	v34 =	vor.u32 v0, v34;
	v35 =	vmul.f32 $5.000000000e+00, v35;
	_ =	sdelay $0x1  }
0x320: {  	v36 =	vor.u32 $0x1, v34;
	v35 =	vadd.f32 $1.000000000e+00, v35  }
0x321: {  	s26 =	sadd.s32 $0x10, s26  }
0x322: {  	v37 =	vor.u32 $0x2, v34;
	[tilespmem:s26+$0x0] =	vst v35  }
0x323: {  	s25 =	simm.s32 $0x4500;
	v35 =	vld.idx.msk [tilespmem:v34+s20+$0x0], $0xffff  }
0x324: {  	v39 =	vor.u32 $0x3, v34;
	v38 =	vld.idx.msk [tilespmem:v34+s25+$0x0], $0xffff  }
0x325: {  	v40 =	vld.idx.msk [tilespmem:v36+s25+$0x0], $0xffff  }
0x326: {  	v41 =	vor.u32 $0x4, v34;
	v36 =	vld.idx.msk [tilespmem:v36+s20+$0x0], $0xffff  }
0x327: {  	v42 =	vld.idx.msk [tilespmem:v37+s25+$0x0], $0xffff  }
0x328: {  	v43 =	vor.u32 $0x5, v34;
	v37 =	vld.idx.msk [tilespmem:v37+s20+$0x0], $0xffff  }
0x329: {  	v44 =	vld.idx.msk [tilespmem:v39+s25+$0x0], $0xffff;
	v35 =	vmul.f32 v35, v38  }
0x32a: {  	v51 =	vor.u32 $0x6, v34;
	v50 =	vld.idx.msk [tilespmem:v39+s20+$0x0], $0xffff  }
0x32b: {  	v45 =	vld.idx.msk [tilespmem:v41+s25+$0x0], $0xffff;
	v36 =	vmul.f32 v36, v40;
	v35 =	vmul.f32 v35, v33  }
0x32c: {  	v53 =	vor.u32 $0x7, v34;
	v52 =	vld.idx.msk [tilespmem:v41+s20+$0x0], $0xffff  }
0x32d: {  	v46 =	vld.idx.msk [tilespmem:v43+s25+$0x0], $0xffff;
	v37 =	vmul.f32 v37, v42;
	v36 =	vmul.f32 v36, v32;
	v35 =	vadd.f32 $0.0e+00, v35  }
0x32e: {  	v54 =	vor.u32 $0x8, v34;
	v43 =	vld.idx.msk [tilespmem:v43+s20+$0x0], $0xffff  }
0x32f: {  	v47 =	vld.idx.msk [tilespmem:v51+s25+$0x0], $0xffff;
	v56 =	vmul.f32 v50, v44;
	v55 =	vmul.f32 v37, v31;
	v35 =	vadd.f32 v36, v35  }
0x330: {  	v57 =	vor.u32 $0x9, v34;
	v39 =	vld.idx.msk [tilespmem:v51+s20+$0x0], $0xffff  }
0x331: {  	v58 =	vld.idx.msk [tilespmem:v53+s25+$0x0], $0xffff;
	v60 =	vmul.f32 v52, v45;
	v59 =	vmul.f32 v56, v30;
	v35 =	vadd.f32 v55, v35  }
0x332: {  	v61 =	vor.u32 $0xA, v34;
	v41 =	vld.idx.msk [tilespmem:v53+s20+$0x0], $0xffff  }
0x333: {  	v62 =	vld.idx.msk [tilespmem:v54+s25+$0x0], $0xffff;
	v48 =	vmul.f32 v43, v46;
	v63 =	vmul.f32 v60, v29;
	v35 =	vadd.f32 v59, v35  }
0x334: {  	v49 =	vor.u32 $0xB, v34;
	v42 =	vld.idx.msk [tilespmem:v54+s20+$0x0], $0xffff  }
0x335: {  	v38 =	vld.idx.msk [tilespmem:v57+s20+$0x0], $0xffff;
	v52 =	vmul.f32 v39, v47;
	v51 =	vmul.f32 v48, v28;
	v35 =	vadd.f32 v63, v35  }
0x336: {  	v53 =	vor.u32 $0xC, v34;
	v50 =	vld.idx.msk [tilespmem:v57+s25+$0x0], $0xffff  }
0x337: {  	v54 =	vld.idx.msk [tilespmem:v61+s25+$0x0], $0xffff;
	v56 =	vmul.f32 v41, v58;
	v55 =	vmul.f32 v52, v27;
	v35 =	vadd.f32 v51, v35  }
0x338: {  	v57 =	vor.u32 $0xD, v34;
	v40 =	vld.idx.msk [tilespmem:v61+s20+$0x0], $0xffff  }
0x339: {  	v43 =	vld.idx.msk [tilespmem:v49+s20+$0x0], $0xffff;
	v60 =	vmul.f32 v42, v62;
	v59 =	vmul.f32 v56, v26;
	v35 =	vadd.f32 v55, v35  }
0x33a: {  	v61 =	vor.u32 $0xE, v34;
	v58 =	vld.idx.msk [tilespmem:v49+s25+$0x0], $0xffff  }
0x33b: {  	v39 =	vld.idx.msk [tilespmem:v53+s20+$0x0], $0xffff;
	v48 =	vmul.f32 v38, v50;
	v63 =	vmul.f32 v60, v25;
	v35 =	vadd.f32 v59, v35  }
0x33c: {  	v49 =	vor.u32 $0xF, v34;
	v62 =	vld.idx.msk [tilespmem:v53+s25+$0x0], $0xffff  }
0x33d: {  	v50 =	vld.idx.msk [tilespmem:v57+s25+$0x0], $0xffff;
	v52 =	vmul.f32 v40, v54;
	v51 =	vmul.f32 v48, v24;
	v35 =	vadd.f32 v63, v35  }
0x33e: {  	v53 =	vor.u32 $0x10, v34;
	v41 =	vld.idx.msk [tilespmem:v57+s20+$0x0], $0xffff  }
0x33f: {  	v42 =	vld.idx.msk [tilespmem:v61+s20+$0x0], $0xffff;
	v56 =	vmul.f32 v43, v58;
	v55 =	vmul.f32 v52, v23;
	v35 =	vadd.f32 v51, v35  }
0x340: {  	v57 =	vor.u32 $0x11, v34;
	v54 =	vld.idx.msk [tilespmem:v61+s25+$0x0], $0xffff  }
0x341: {  	v38 =	vld.idx.msk [tilespmem:v49+s20+$0x0], $0xffff;
	v60 =	vmul.f32 v39, v62;
	v59 =	vmul.f32 v56, v22;
	v35 =	vadd.f32 v55, v35  }
0x342: {  	v61 =	vor.u32 $0x12, v34;
	v58 =	vld.idx.msk [tilespmem:v49+s25+$0x0], $0xffff  }
0x343: {  	v40 =	vld.idx.msk [tilespmem:v53+s20+$0x0], $0xffff;
	v48 =	vmul.f32 v41, v50;
	v63 =	vmul.f32 v60, v21;
	v35 =	vadd.f32 v59, v35  }
0x344: {  	v49 =	vor.u32 $0x13, v34;
	v62 =	vld.idx.msk [tilespmem:v53+s25+$0x0], $0xffff  }
0x345: {  	v43 =	vld.idx.msk [tilespmem:v57+s20+$0x0], $0xffff;
	v52 =	vmul.f32 v42, v54;
	v51 =	vmul.f32 v48, v20;
	v35 =	vadd.f32 v63, v35  }
0x346: {  	v53 =	vor.u32 $0x14, v34;
	v50 =	vld.idx.msk [tilespmem:v57+s25+$0x0], $0xffff  }
0x347: {  	v39 =	vld.idx.msk [tilespmem:v61+s20+$0x0], $0xffff;
	v56 =	vmul.f32 v38, v58;
	v55 =	vmul.f32 v52, v19;
	v35 =	vadd.f32 v51, v35  }
0x348: {  	v57 =	vor.u32 $0x15, v34;
	v54 =	vld.idx.msk [tilespmem:v61+s25+$0x0], $0xffff  }
0x349: {  	v41 =	vld.idx.msk [tilespmem:v49+s20+$0x0], $0xffff;
	v60 =	vmul.f32 v40, v62;
	v59 =	vmul.f32 v56, v18;
	v35 =	vadd.f32 v55, v35  }
0x34a: {  	v61 =	vor.u32 $0x16, v34;
	v58 =	vld.idx.msk [tilespmem:v49+s25+$0x0], $0xffff  }
0x34b: {  	v42 =	vld.idx.msk [tilespmem:v53+s20+$0x0], $0xffff;
	v48 =	vmul.f32 v43, v50;
	v63 =	vmul.f32 v60, v17;
	v35 =	vadd.f32 v59, v35  }
0x34c: {  	v49 =	vor.u32 $0x17, v34;
	v62 =	vld.idx.msk [tilespmem:v53+s25+$0x0], $0xffff  }
0x34d: {  	v38 =	vld.idx.msk [tilespmem:v57+s20+$0x0], $0xffff;
	v52 =	vmul.f32 v39, v54;
	v51 =	vmul.f32 v48, v16;
	v35 =	vadd.f32 v63, v35  }
0x34e: {  	v53 =	vor.u32 $0x18, v34;
	v50 =	vld.idx.msk [tilespmem:v57+s25+$0x0], $0xffff  }
0x34f: {  	v40 =	vld.idx.msk [tilespmem:v61+s20+$0x0], $0xffff;
	v56 =	vmul.f32 v41, v58;
	v55 =	vmul.f32 v52, v15;
	v35 =	vadd.f32 v51, v35  }
0x350: {  	v57 =	vor.u32 $0x19, v34;
	v54 =	vld.idx.msk [tilespmem:v61+s25+$0x0], $0xffff  }
0x351: {  	v43 =	vld.idx.msk [tilespmem:v49+s20+$0x0], $0xffff;
	v60 =	vmul.f32 v42, v62;
	v59 =	vmul.f32 v56, v14;
	v35 =	vadd.f32 v55, v35  }
0x352: {  	v61 =	vor.u32 $0x1A, v34;
	v58 =	vld.idx.msk [tilespmem:v49+s25+$0x0], $0xffff  }
0x353: {  	v39 =	vld.idx.msk [tilespmem:v53+s20+$0x0], $0xffff;
	v48 =	vmul.f32 v38, v50;
	v63 =	vmul.f32 v60, v13;
	v35 =	vadd.f32 v59, v35  }
0x354: {  	v49 =	vor.u32 $0x1B, v34;
	v62 =	vld.idx.msk [tilespmem:v53+s25+$0x0], $0xffff  }
0x355: {  	v41 =	vld.idx.msk [tilespmem:v57+s20+$0x0], $0xffff;
	v52 =	vmul.f32 v40, v54;
	v51 =	vmul.f32 v48, v12;
	v35 =	vadd.f32 v63, v35  }
0x356: {  	v53 =	vor.u32 $0x1C, v34;
	v50 =	vld.idx.msk [tilespmem:v57+s25+$0x0], $0xffff  }
0x357: {  	v42 =	vld.idx.msk [tilespmem:v61+s20+$0x0], $0xffff;
	v56 =	vmul.f32 v43, v58;
	v55 =	vmul.f32 v52, v11;
	v35 =	vadd.f32 v51, v35  }
0x358: {  	v57 =	vor.u32 $0x1D, v34;
	v54 =	vld.idx.msk [tilespmem:v61+s25+$0x0], $0xffff  }
0x359: {  	v38 =	vld.idx.msk [tilespmem:v49+s20+$0x0], $0xffff;
	v60 =	vmul.f32 v39, v62;
	v59 =	vmul.f32 v56, v10;
	v35 =	vadd.f32 v55, v35  }
0x35a: {  	v61 =	vor.u32 $0x1E, v34;
	v58 =	vld.idx.msk [tilespmem:v49+s25+$0x0], $0xffff  }
0x35b: {  	v40 =	vld.idx.msk [tilespmem:v53+s20+$0x0], $0xffff;
	v46 =	vmul.f32 v41, v50;
	v63 =	vmul.f32 v60, v9;
	v35 =	vadd.f32 v59, v35  }
0x35c: {  	v34 =	vor.u32 $0x1F, v34;
	v62 =	vld.idx.msk [tilespmem:v53+s25+$0x0], $0xffff  }
0x35d: {  	v49 =	vmul.f32 v46, v8;
	v50 =	vmul.f32 v42, v54;
	v48 =	vld.idx.msk [tilespmem:v57+s25+$0x0], $0xffff;
	v35 =	vadd.f32 v63, v35  }
0x35e: {  	v51 =	vld.idx.msk [tilespmem:v57+s20+$0x0], $0xffff  }
0x35f: {  	v53 =	vmul.f32 v50, v7;
	v54 =	vmul.f32 v38, v58;
	v52 =	vld.idx.msk [tilespmem:v61+s25+$0x0], $0xffff;
	v35 =	vadd.f32 v49, v35  }
0x360: {  	v55 =	vld.idx.msk [tilespmem:v61+s20+$0x0], $0xffff  }
0x361: {  	v58 =	vmul.f32 v40, v62;
	v56 =	vld.idx.msk [tilespmem:v34+s25+$0x0], $0xffff;
	v57 =	vmul.f32 v54, v6;
	v35 =	vadd.f32 v53, v35  }
0x362: {  	v34 =	vld.idx.msk [tilespmem:v34+s20+$0x0], $0xffff  }
0x363: {  	v59 =	vmul.f32 v58, v5;
	v60 =	vmul.f32 v51, v48;
	v35 =	vadd.f32 v57, v35;
	_ =	sdelay $0x1  }
0x364: {  	v61 =	vmul.f32 v60, v4;
	v62 =	vmul.f32 v55, v52;
	v35 =	vadd.f32 v59, v35;
	_ =	sdelay $0x1  }
0x365: {  	v34 =	vmul.f32 v34, v56;
	v63 =	vmul.f32 v62, v3;
	v35 =	vadd.f32 v61, v35;
	_ =	sdelay $0x1  }
0x366: {  	v34 =	vmul.f32 v34, v2;
	v35 =	vadd.f32 v63, v35;
	_ =	sdelay $0x1  }
0x367: {  	v34 =	vadd.f32 v34, v35;
	_ =	sdelay $0x1  }
0x368: {  	v34 =	vadd.f32 v34, v1;
	_ =	sdelay $0x1  }
0x369: {  	v34 =	vsub.f32 $0.0e+00, v34;
	_ =	sdelay $0x1  }
0x36a: {  	v34 =	vmul.f32 $1.442695020e+00, v34;
	_ =	sdelay $0x1  }
0x36b: {  	(erf) = vpow2.f32 v34;
	_ =	sdelay $0x8  }
0x36c: {  	v34 =	vpop (erf)  }
0x36d: {  	v34 =	vadd.f32 $1.000000000e+00, v34;
	_ =	sdelay $0x1  }
0x36e: {  	(erf) = vrcp.f32 v34;
	_ =	sdelay $0x8  }
0x36f: {  	v34 =	vpop (erf)  }
0x370: {  	v34 =	vmul.f32 $5.000000000e+00, v34;
	_ =	sdelay $0x1  }
0x371: {  	v34 =	vadd.f32 $1.000000000e+00, v34  }
0x372: {  	s0 =	sadd.s32 $0x10, s26  }
0x373: {  	s29 =	simm.s32 $0x0;
	[tilespmem:s0+$0x0] =	vst v34  }
0x374: {  	v34 =	vld [tilespmem:s29+$0x180];
	_ =	sdelay $0x4  }
0x375: {  	(v2sf) =	vpush v34, $0x0;
	_ =	sdelay $0xe  }
0x376: {  	s30 =	spop (v2sf)  }
0x377: {  	s0 =	sshll.u32 s30, $0x4  }
0x378: {  	s0 =	sand.u32 $0x1FFFFFF0, s0  }
0x379: {  	s31 =	simm.s32 $0x1;
	s26 =	simm.s32 $0x0;
	s0 =	sadd.s32 s4, s0  }
0x37a: {  	[tilespmem:s25], [sflag:$0x2] =	stream.linear.gather [hbm4b:s0+s26], $0x80, $0x38;
	[tilespmem:$0x10800] =	vst v63  }
0x37b: {  	s28 =	simm.s32 $0x8;
	v34 =	vld [tilespmem:s31+$0x180]  }
.LBB2_38:
0x37c: {  	p0 =	sne.s32 s28, $0x1FC;
	_ =	sdelay $0x3  }
0x37d: {  	(v2sf) =	vpush v34, $0x0;
	_ =	sdelay $0xe  }
0x37e: {  	s0 =	spop (v2sf)  }
.Ltmp23:
0x37f: {  	s0 =	sshll.u32 s0, $0x4;
	(pc) =	sbr.rel @p0 .LBB2_38-.Ltmp23, $4  }
0x380: {  	s25 =	sadd.s32 $0x80, s25;
	s0 =	sand.u32 $0x1FFFFFF0, s0  }
0x381: {  	s29 =	sshra.s32 s28, $0x2;
	s0 =	sadd.s32 s4, s0  }
0x382: {  	[tilespmem:s25], [sflag:$0x2] =	stream.linear.gather [hbm4b:s0+s26], $0x80, $0x38;
	[tilespmem:$0x10800] =	vst v63  }
0x383: {  	s28 =	sadd.s32 $0x4, s28;
	v34 =	vld [tilespmem:s29+$0x180]  }
0x384: {  	_ =	sdelay $0x3  }
0x385: {  	(v2sf) =	vpush v34, $0x0;
	_ =	sdelay $0xe  }
0x386: {  	p1 =	por $0x1, $0x1;
	s0 =	spop (v2sf)  }
.Ltmp24:
0x387: {  	s0 =	sshll.u32 s0, $0x4;
	(pc) =	sbr.rel @!p1 .LBB2_40-.Ltmp24, $4  }
0x388: {  	s25 =	sadd.s32 $0x80, s25;
	s0 =	sand.u32 $0x1FFFFFF0, s0  }
0x389: {  	s26 =	simm.s32 $0x0;
	s31 =	simm.s32 $0x0;
	s0 =	sadd.s32 s4, s0  }
0x38a: {  	[tilespmem:s25], [sflag:$0x2] =	stream.linear.gather [hbm4b:s0+s26], $0x80, $0x38;
	[tilespmem:$0x10800] =	vst v63  }
0x38b: {  	p0 =	por $0x0, $0x0;
	s25 =	simm.s32 $0xC500;
	v34 =	vld [tilespmem:s31+$0x400]  }
0x38c: {  	_ =	sdelay $0x3  }
0x38d: {  	(v2sf) =	vpush v34, $0x0;
	_ =	sdelay $0xe  }
0x38e: {  	p1 =	por $0x1, $0x1;
	s0 =	spop (v2sf)  }
.Ltmp25:
0x38f: {  	s0 =	sshll.u32 s0, $0x4;
	(pc) =	sbr.rel @!p1 .LBB2_42-.Ltmp25, $4  }
0x390: {  	s0 =	sand.u32 $0x1FFFFFF0, s0  }
0x391: {  	s31 =	simm.s32 $0x1;
	s0 =	sadd.s32 s5, s0  }
0x392: {  	[tilespmem:s25], [sflag:$0x4] =	stream.linear.gather [hbm4b:s0+s2], $0x80, $0x38;
	[tilespmem:$0x10800] =	vst v63  }
0x393: {  	s28 =	simm.s32 $0x8;
	p0 =	por $0x1, $0x1;
	s26 =	simm.s32 $0xC500;
	v34 =	vld [tilespmem:s31+$0x400]  }
.LBB2_43:
0x394: {  	p1 =	sne.s32 s28, $0x1FC;
	_ =	sdelay $0x3  }
0x395: {  	(v2sf) =	vpush v34, $0x0;
	_ =	sdelay $0xe  }
0x396: {  	s0 =	spop (v2sf)  }
.Ltmp26:
0x397: {  	s0 =	sshll.u32 s0, $0x4;
	(pc) =	sbr.rel @p1 .LBB2_43-.Ltmp26, $4  }
0x398: {  	s0 =	sand.u32 $0x1FFFFFF0, s0  }
0x399: {  	s29 =	sshra.s32 s28, $0x2;
	s26 =	sadd.s32 $0x80, s26;
	s0 =	sadd.s32 s5, s0  }
0x39a: {  	[tilespmem:s26], [sflag:$0x4] =	stream.linear.gather [hbm4b:s0+s2], $0x80, $0x38;
	[tilespmem:$0x10800] =	vst v63  }
0x39b: {  	s28 =	sadd.s32 $0x4, s28;
	v34 =	vld [tilespmem:s29+$0x400]  }
.LBB2_44:
0x39c: {  	_ =	sdelay $0x3  }
0x39d: {  	(v2sf) =	vpush v34, $0x0;
	_ =	sdelay $0xe  }
0x39e: {  	s26 =	sadd.s32 @p0 $0x80, s26;
	s0 =	spop (v2sf)  }
0x39f: {  	s25 =	smov.u32 @p0 s26;
	p0 =	por $0x1, $0x1;
	s0 =	sshll.u32 s0, $0x4  }
.Ltmp27:
0x3a0: {  	s0 =	sand.u32 $0x1FFFFFF0, s0;
	(pc) =	sbr.rel @!p0 .LBB2_46-.Ltmp27, $4  }
0x3a1: {  	s0 =	sadd.s32 s5, s0  }
0x3a2: {  	[tilespmem:s25], [sflag:$0x4] =	stream.linear.gather [hbm4b:s0+s2], $0x80, $0x38;
	[tilespmem:$0x10800] =	vst v63  }
0x3a3: {  	_ =	swait.ge [sflag:s15], $0x80  }
0x3a4: {  	s26 =	simm.s32 $0x7F;
	s25 =	simm.s32 $0x80;
	[sflag:s15] =	ssyncset.done $0x0  }
.LBB2_45:
0x3a5: {  	p0 =	sne.s32 s26, $0x1;
	s26 =	sadd.s32 $0xFFFFFFFF, s26;
	[sflag:s15] =	ssyncadd.s32 $0xFFFFFF80  }
.Ltmp28:
0x3a6: {  	(pc) =	sbr.rel @p0 .LBB2_45-.Ltmp28, $3  }
0x3a7: {  	_ =	sdelay $0x1  }
0x3a8: {  	_ =	swait.ge [sflag:s15], $0x80  }
0x3a9: {  	[sflag:s15] =	ssyncset.done $0x0  }
.LBB2_46:
0x3aa: {  	[sflag:s15] =	ssyncadd.s32 $0xFFFFFF80  }
.LBB2_47:
0x3ab: {  	p0 =	sne.s32 s25, $0x1  }
.Ltmp29:
0x3ac: {  	_ = 	snop;
	(pc) =	sbr.rel @p0 .LBB2_47-.Ltmp29, $4  }
0x3ad: {  	_ = 	snop  }
0x3ae: {  	_ =	swait.ge [sflag:s16], $0x80  }
0x3af: {  	[sflag:s16] =	ssyncset.done $0x0  }
0x3b0: {  	s25 =	sadd.s32 $0xFFFFFFFF, s25;
	[sflag:s16] =	ssyncadd.s32 $0xFFFFFF80  }
0x3b1: {  	s0 =	simm.s32 $0x0  }
0x3b2: {  	v34 =	vmov s0  }
0x3b3: {  	v34 =	vshll.u32 v34, $0x7  }
0x3b4: {  	v34 =	vor.u32 v0, v34;
	_ =	sdelay $0x1  }
0x3b5: {  	v35 =	vor.u32 $0x1, v34;
	_ =	sdelay $0x1  }
0x3b6: {  	v36 =	vor.u32 $0x2, v34  }
0x3b7: {  	v37 =	vld.idx.msk [tilespmem:v34+s17+$0x0], $0xffff  }
0x3b8: {  	v39 =	vor.u32 $0x3, v34;
	v38 =	vld.idx.msk [tilespmem:v34+s21+$0x0], $0xffff  }
0x3b9: {  	v40 =	vld.idx.msk [tilespmem:v35+s21+$0x0], $0xffff  }
0x3ba: {  	v41 =	vor.u32 $0x4, v34;
	v35 =	vld.idx.msk [tilespmem:v35+s17+$0x0], $0xffff  }
0x3bb: {  	v42 =	vld.idx.msk [tilespmem:v36+s21+$0x0], $0xffff  }
0x3bc: {  	v43 =	vor.u32 $0x5, v34;
	v36 =	vld.idx.msk [tilespmem:v36+s17+$0x0], $0xffff  }
0x3bd: {  	v44 =	vld.idx.msk [tilespmem:v39+s21+$0x0], $0xffff;
	v37 =	vmul.f32 v37, v38  }
0x3be: {  	v58 =	vor.u32 $0x6, v34;
	v57 =	vld.idx.msk [tilespmem:v39+s17+$0x0], $0xffff  }
0x3bf: {  	v45 =	vld.idx.msk [tilespmem:v41+s21+$0x0], $0xffff;
	v35 =	vmul.f32 v35, v40;
	v37 =	vmul.f32 v37, v33  }
0x3c0: {  	v60 =	vor.u32 $0x7, v34;
	v59 =	vld.idx.msk [tilespmem:v41+s17+$0x0], $0xffff  }
0x3c1: {  	v46 =	vld.idx.msk [tilespmem:v43+s21+$0x0], $0xffff;
	v36 =	vmul.f32 v36, v42;
	v35 =	vmul.f32 v35, v32;
	v37 =	vadd.f32 $0.0e+00, v37  }
0x3c2: {  	v61 =	vor.u32 $0x8, v34;
	v43 =	vld.idx.msk [tilespmem:v43+s17+$0x0], $0xffff  }
0x3c3: {  	v47 =	vld.idx.msk [tilespmem:v58+s21+$0x0], $0xffff;
	v62 =	vmul.f32 v57, v44;
	v36 =	vmul.f32 v36, v31;
	v35 =	vadd.f32 v35, v37  }
0x3c4: {  	v63 =	vor.u32 $0x9, v34;
	v39 =	vld.idx.msk [tilespmem:v58+s17+$0x0], $0xffff  }
0x3c5: {  	v48 =	vld.idx.msk [tilespmem:v60+s21+$0x0], $0xffff;
	v50 =	vmul.f32 v59, v45;
	v49 =	vmul.f32 v62, v30;
	v35 =	vadd.f32 v36, v35  }
0x3c6: {  	v51 =	vor.u32 $0xA, v34;
	v41 =	vld.idx.msk [tilespmem:v60+s17+$0x0], $0xffff  }
0x3c7: {  	v52 =	vld.idx.msk [tilespmem:v61+s21+$0x0], $0xffff;
	v54 =	vmul.f32 v43, v46;
	v53 =	vmul.f32 v50, v29;
	v35 =	vadd.f32 v49, v35  }
0x3c8: {  	v55 =	vor.u32 $0xB, v34;
	v42 =	vld.idx.msk [tilespmem:v61+s17+$0x0], $0xffff  }
0x3c9: {  	v56 =	vld.idx.msk [tilespmem:v63+s21+$0x0], $0xffff;
	v58 =	vmul.f32 v39, v47;
	v57 =	vmul.f32 v54, v28;
	v35 =	vadd.f32 v53, v35  }
0x3ca: {  	v38 =	vld.idx.msk [tilespmem:v63+s17+$0x0], $0xffff;
	v59 =	vor.u32 $0xC, v34  }
0x3cb: {  	v60 =	vld.idx.msk [tilespmem:v51+s21+$0x0], $0xffff;
	v61 =	vmul.f32 v58, v27;
	v62 =	vmul.f32 v41, v48;
	v35 =	vadd.f32 v57, v35  }
0x3cc: {  	v63 =	vor.u32 $0xD, v34;
	v40 =	vld.idx.msk [tilespmem:v51+s17+$0x0], $0xffff  }
0x3cd: {  	v43 =	vld.idx.msk [tilespmem:v55+s17+$0x0], $0xffff;
	v50 =	vmul.f32 v42, v52;
	v49 =	vmul.f32 v62, v26;
	v35 =	vadd.f32 v61, v35  }
0x3ce: {  	v51 =	vor.u32 $0xE, v34;
	v48 =	vld.idx.msk [tilespmem:v55+s21+$0x0], $0xffff  }
0x3cf: {  	v54 =	vmul.f32 v38, v56;
	v52 =	vld.idx.msk [tilespmem:v59+s21+$0x0], $0xffff;
	v53 =	vmul.f32 v50, v25;
	v35 =	vadd.f32 v49, v35  }
0x3d0: {  	v55 =	vor.u32 $0xF, v34;
	v39 =	vld.idx.msk [tilespmem:v59+s17+$0x0], $0xffff  }
0x3d1: {  	v56 =	vld.idx.msk [tilespmem:v63+s21+$0x0], $0xffff;
	v58 =	vmul.f32 v40, v60;
	v57 =	vmul.f32 v54, v24;
	v35 =	vadd.f32 v53, v35  }
0x3d2: {  	v41 =	vld.idx.msk [tilespmem:v63+s17+$0x0], $0xffff;
	v59 =	vor.u32 $0x10, v34  }
0x3d3: {  	v60 =	vld.idx.msk [tilespmem:v51+s21+$0x0], $0xffff;
	v62 =	vmul.f32 v43, v48;
	v61 =	vmul.f32 v58, v23;
	v35 =	vadd.f32 v57, v35  }
0x3d4: {  	v63 =	vor.u32 $0x11, v34;
	v42 =	vld.idx.msk [tilespmem:v51+s17+$0x0], $0xffff  }
0x3d5: {  	v38 =	vld.idx.msk [tilespmem:v55+s17+$0x0], $0xffff;
	v50 =	vmul.f32 v39, v52;
	v49 =	vmul.f32 v62, v22;
	v35 =	vadd.f32 v61, v35  }
0x3d6: {  	v51 =	vor.u32 $0x12, v34;
	v48 =	vld.idx.msk [tilespmem:v55+s21+$0x0], $0xffff  }
0x3d7: {  	v40 =	vld.idx.msk [tilespmem:v59+s17+$0x0], $0xffff;
	v54 =	vmul.f32 v41, v56;
	v53 =	vmul.f32 v50, v21;
	v35 =	vadd.f32 v49, v35  }
0x3d8: {  	v55 =	vor.u32 $0x13, v34;
	v52 =	vld.idx.msk [tilespmem:v59+s21+$0x0], $0xffff  }
0x3d9: {  	v43 =	vld.idx.msk [tilespmem:v63+s17+$0x0], $0xffff;
	v58 =	vmul.f32 v42, v60;
	v57 =	vmul.f32 v54, v20;
	v35 =	vadd.f32 v53, v35  }
0x3da: {  	v59 =	vor.u32 $0x14, v34;
	v56 =	vld.idx.msk [tilespmem:v63+s21+$0x0], $0xffff  }
0x3db: {  	v39 =	vld.idx.msk [tilespmem:v51+s17+$0x0], $0xffff;
	v62 =	vmul.f32 v38, v48;
	v61 =	vmul.f32 v58, v19;
	v35 =	vadd.f32 v57, v35  }
0x3dc: {  	v63 =	vor.u32 $0x15, v34;
	v60 =	vld.idx.msk [tilespmem:v51+s21+$0x0], $0xffff  }
0x3dd: {  	v41 =	vld.idx.msk [tilespmem:v55+s17+$0x0], $0xffff;
	v50 =	vmul.f32 v40, v52;
	v49 =	vmul.f32 v62, v18;
	v35 =	vadd.f32 v61, v35  }
0x3de: {  	v51 =	vor.u32 $0x16, v34;
	v48 =	vld.idx.msk [tilespmem:v55+s21+$0x0], $0xffff  }
0x3df: {  	v42 =	vld.idx.msk [tilespmem:v59+s17+$0x0], $0xffff;
	v54 =	vmul.f32 v43, v56;
	v53 =	vmul.f32 v50, v17;
	v35 =	vadd.f32 v49, v35  }
0x3e0: {  	v55 =	vor.u32 $0x17, v34;
	v52 =	vld.idx.msk [tilespmem:v59+s21+$0x0], $0xffff  }
0x3e1: {  	v38 =	vld.idx.msk [tilespmem:v63+s17+$0x0], $0xffff;
	v58 =	vmul.f32 v39, v60;
	v57 =	vmul.f32 v54, v16;
	v35 =	vadd.f32 v53, v35  }
0x3e2: {  	v59 =	vor.u32 $0x18, v34;
	v56 =	vld.idx.msk [tilespmem:v63+s21+$0x0], $0xffff  }
0x3e3: {  	v40 =	vld.idx.msk [tilespmem:v51+s17+$0x0], $0xffff;
	v62 =	vmul.f32 v41, v48;
	v61 =	vmul.f32 v58, v15;
	v35 =	vadd.f32 v57, v35  }
0x3e4: {  	v63 =	vor.u32 $0x19, v34;
	v60 =	vld.idx.msk [tilespmem:v51+s21+$0x0], $0xffff  }
0x3e5: {  	v43 =	vld.idx.msk [tilespmem:v55+s17+$0x0], $0xffff;
	v50 =	vmul.f32 v42, v52;
	v49 =	vmul.f32 v62, v14;
	v35 =	vadd.f32 v61, v35  }
0x3e6: {  	v51 =	vor.u32 $0x1A, v34;
	v48 =	vld.idx.msk [tilespmem:v55+s21+$0x0], $0xffff  }
0x3e7: {  	v39 =	vld.idx.msk [tilespmem:v59+s17+$0x0], $0xffff;
	v54 =	vmul.f32 v38, v56;
	v53 =	vmul.f32 v50, v13;
	v35 =	vadd.f32 v49, v35  }
0x3e8: {  	v55 =	vor.u32 $0x1B, v34;
	v52 =	vld.idx.msk [tilespmem:v59+s21+$0x0], $0xffff  }
0x3e9: {  	v41 =	vld.idx.msk [tilespmem:v63+s17+$0x0], $0xffff;
	v58 =	vmul.f32 v40, v60;
	v57 =	vmul.f32 v54, v12;
	v35 =	vadd.f32 v53, v35  }
0x3ea: {  	v59 =	vor.u32 $0x1C, v34;
	v56 =	vld.idx.msk [tilespmem:v63+s21+$0x0], $0xffff  }
0x3eb: {  	v42 =	vld.idx.msk [tilespmem:v51+s17+$0x0], $0xffff;
	v62 =	vmul.f32 v43, v48;
	v61 =	vmul.f32 v58, v11;
	v35 =	vadd.f32 v57, v35  }
0x3ec: {  	v63 =	vor.u32 $0x1D, v34;
	v60 =	vld.idx.msk [tilespmem:v51+s21+$0x0], $0xffff  }
0x3ed: {  	v38 =	vld.idx.msk [tilespmem:v55+s17+$0x0], $0xffff;
	v50 =	vmul.f32 v39, v52;
	v49 =	vmul.f32 v62, v10;
	v35 =	vadd.f32 v61, v35  }
0x3ee: {  	v51 =	vor.u32 $0x1E, v34;
	v48 =	vld.idx.msk [tilespmem:v55+s21+$0x0], $0xffff  }
0x3ef: {  	v40 =	vld.idx.msk [tilespmem:v59+s17+$0x0], $0xffff;
	v54 =	vmul.f32 v41, v56;
	v53 =	vmul.f32 v50, v9;
	v35 =	vadd.f32 v49, v35  }
0x3f0: {  	v34 =	vor.u32 $0x1F, v34;
	v52 =	vld.idx.msk [tilespmem:v59+s21+$0x0], $0xffff  }
0x3f1: {  	v55 =	vld.idx.msk [tilespmem:v63+s21+$0x0], $0xffff;
	v56 =	vmul.f32 v54, v8;
	v57 =	vmul.f32 v42, v60;
	v35 =	vadd.f32 v53, v35  }
0x3f2: {  	v58 =	vld.idx.msk [tilespmem:v63+s17+$0x0], $0xffff  }
0x3f3: {  	v59 =	vld.idx.msk [tilespmem:v51+s21+$0x0], $0xffff;
	v60 =	vmul.f32 v57, v7;
	v61 =	vmul.f32 v38, v48;
	v35 =	vadd.f32 v56, v35  }
0x3f4: {  	v62 =	vld.idx.msk [tilespmem:v51+s17+$0x0], $0xffff  }
0x3f5: {  	v63 =	vld.idx.msk [tilespmem:v34+s21+$0x0], $0xffff;
	v45 =	vmul.f32 v40, v52;
	v44 =	vmul.f32 v61, v6;
	v35 =	vadd.f32 v60, v35  }
0x3f6: {  	v34 =	vld.idx.msk [tilespmem:v34+s17+$0x0], $0xffff  }
0x3f7: {  	v46 =	vmul.f32 v45, v5;
	v47 =	vmul.f32 v58, v55;
	v35 =	vadd.f32 v44, v35;
	_ =	sdelay $0x1  }
0x3f8: {  	v48 =	vmul.f32 v47, v4;
	v49 =	vmul.f32 v62, v59;
	v35 =	vadd.f32 v46, v35;
	_ =	sdelay $0x1  }
0x3f9: {  	v34 =	vmul.f32 v34, v63;
	v50 =	vmul.f32 v49, v3;
	v35 =	vadd.f32 v48, v35;
	_ =	sdelay $0x1  }
0x3fa: {  	v34 =	vmul.f32 v34, v2;
	v35 =	vadd.f32 v50, v35;
	_ =	sdelay $0x1  }
0x3fb: {  	v34 =	vadd.f32 v34, v35;
	_ =	sdelay $0x1  }
0x3fc: {  	v34 =	vadd.f32 v34, v1;
	_ =	sdelay $0x1  }
0x3fd: {  	v34 =	vsub.f32 $0.0e+00, v34;
	_ =	sdelay $0x1  }
0x3fe: {  	v34 =	vmul.f32 $1.442695020e+00, v34;
	_ =	sdelay $0x1  }
0x3ff: {  	(erf) = vpow2.f32 v34;
	_ =	sdelay $0x8  }
0x400: {  	v34 =	vpop (erf)  }
0x401: {  	v34 =	vadd.f32 $1.000000000e+00, v34;
	_ =	sdelay $0x1  }
0x402: {  	(erf) = vrcp.f32 v34;
	_ =	sdelay $0x6  }
0x403: {  	s30 =	simm.s32 $0x10  }
0x404: {  	v51 =	vmov s30  }
0x405: {  	v34 =	vshll.u32 v51, $0x7;
	v52 =	vpop (erf)  }
0x406: {  	v34 =	vor.u32 v0, v34;
	v35 =	vmul.f32 $5.000000000e+00, v52;
	_ =	sdelay $0x1  }
0x407: {  	v53 =	vor.u32 $0x1, v34;
	v35 =	vadd.f32 $1.000000000e+00, v35  }
0x408: {  	s25 =	simm.s32 $0x10700  }
0x409: {  	v54 =	vor.u32 $0x2, v34;
	[tilespmem:s25+$0x0] =	vst v35  }
0x40a: {  	v35 =	vld.idx.msk [tilespmem:v34+s17+$0x0], $0xffff  }
0x40b: {  	v56 =	vor.u32 $0x3, v34;
	v55 =	vld.idx.msk [tilespmem:v34+s21+$0x0], $0xffff  }
0x40c: {  	v57 =	vld.idx.msk [tilespmem:v53+s21+$0x0], $0xffff  }
0x40d: {  	v58 =	vor.u32 $0x4, v34;
	v36 =	vld.idx.msk [tilespmem:v53+s17+$0x0], $0xffff  }
0x40e: {  	v59 =	vld.idx.msk [tilespmem:v54+s21+$0x0], $0xffff  }
0x40f: {  	v60 =	vor.u32 $0x5, v34;
	v37 =	vld.idx.msk [tilespmem:v54+s17+$0x0], $0xffff  }
0x410: {  	v61 =	vld.idx.msk [tilespmem:v56+s21+$0x0], $0xffff;
	v35 =	vmul.f32 v35, v55  }
0x411: {  	v63 =	vor.u32 $0x6, v34;
	v62 =	vld.idx.msk [tilespmem:v56+s17+$0x0], $0xffff  }
0x412: {  	v48 =	vld.idx.msk [tilespmem:v58+s21+$0x0], $0xffff;
	v36 =	vmul.f32 v36, v57;
	v35 =	vmul.f32 v35, v33  }
0x413: {  	v50 =	vor.u32 $0x7, v34;
	v49 =	vld.idx.msk [tilespmem:v58+s17+$0x0], $0xffff  }
0x414: {  	v51 =	vld.idx.msk [tilespmem:v60+s21+$0x0], $0xffff;
	v37 =	vmul.f32 v37, v59;
	v36 =	vmul.f32 v36, v32;
	v35 =	vadd.f32 $0.0e+00, v35  }
0x415: {  	v52 =	vor.u32 $0x8, v34;
	v43 =	vld.idx.msk [tilespmem:v60+s17+$0x0], $0xffff  }
0x416: {  	v53 =	vld.idx.msk [tilespmem:v63+s21+$0x0], $0xffff;
	v55 =	vmul.f32 v62, v61;
	v54 =	vmul.f32 v37, v31;
	v35 =	vadd.f32 v36, v35  }
0x417: {  	v56 =	vor.u32 $0x9, v34;
	v39 =	vld.idx.msk [tilespmem:v63+s17+$0x0], $0xffff  }
0x418: {  	v41 =	vld.idx.msk [tilespmem:v50+s17+$0x0], $0xffff;
	v59 =	vmul.f32 v49, v48;
	v58 =	vmul.f32 v55, v30;
	v35 =	vadd.f32 v54, v35  }
0x419: {  	v60 =	vor.u32 $0xA, v34;
	v57 =	vld.idx.msk [tilespmem:v50+s21+$0x0], $0xffff  }
0x41a: {  	v42 =	vld.idx.msk [tilespmem:v52+s17+$0x0], $0xffff;
	v63 =	vmul.f32 v43, v51;
	v62 =	vmul.f32 v59, v29;
	v35 =	vadd.f32 v58, v35  }
0x41b: {  	v61 =	vld.idx.msk [tilespmem:v52+s21+$0x0], $0xffff;
	v48 =	vor.u32 $0xB, v34  }
0x41c: {  	v49 =	vld.idx.msk [tilespmem:v56+s21+$0x0], $0xffff;
	v51 =	vmul.f32 v39, v53;
	v50 =	vmul.f32 v63, v28;
	v35 =	vadd.f32 v62, v35  }
0x41d: {  	v52 =	vor.u32 $0xC, v34;
	v38 =	vld.idx.msk [tilespmem:v56+s17+$0x0], $0xffff  }
0x41e: {  	v53 =	vld.idx.msk [tilespmem:v60+s21+$0x0], $0xffff;
	v55 =	vmul.f32 v41, v57;
	v54 =	vmul.f32 v51, v27;
	v35 =	vadd.f32 v50, v35  }
0x41f: {  	v56 =	vor.u32 $0xD, v34;
	v40 =	vld.idx.msk [tilespmem:v60+s17+$0x0], $0xffff  }
0x420: {  	v57 =	vld.idx.msk [tilespmem:v48+s21+$0x0], $0xffff;
	v59 =	vmul.f32 v42, v61;
	v58 =	vmul.f32 v55, v26;
	v35 =	vadd.f32 v54, v35  }
0x421: {  	v60 =	vor.u32 $0xE, v34;
	v43 =	vld.idx.msk [tilespmem:v48+s17+$0x0], $0xffff  }
0x422: {  	v61 =	vld.idx.msk [tilespmem:v52+s21+$0x0], $0xffff;
	v63 =	vmul.f32 v38, v49;
	v62 =	vmul.f32 v59, v25;
	v35 =	vadd.f32 v58, v35  }
0x423: {  	v48 =	vor.u32 $0xF, v34;
	v39 =	vld.idx.msk [tilespmem:v52+s17+$0x0], $0xffff  }
0x424: {  	v49 =	vld.idx.msk [tilespmem:v56+s21+$0x0], $0xffff;
	v51 =	vmul.f32 v40, v53;
	v50 =	vmul.f32 v63, v24;
	v35 =	vadd.f32 v62, v35  }
0x425: {  	v52 =	vor.u32 $0x10, v34;
	v41 =	vld.idx.msk [tilespmem:v56+s17+$0x0], $0xffff  }
0x426: {  	v42 =	vld.idx.msk [tilespmem:v60+s17+$0x0], $0xffff;
	v55 =	vmul.f32 v43, v57;
	v54 =	vmul.f32 v51, v23;
	v35 =	vadd.f32 v50, v35  }
0x427: {  	v56 =	vor.u32 $0x11, v34;
	v53 =	vld.idx.msk [tilespmem:v60+s21+$0x0], $0xffff  }
0x428: {  	v57 =	vld.idx.msk [tilespmem:v48+s21+$0x0], $0xffff;
	v59 =	vmul.f32 v39, v61;
	v58 =	vmul.f32 v55, v22;
	v35 =	vadd.f32 v54, v35  }
0x429: {  	v60 =	vor.u32 $0x12, v34;
	v38 =	vld.idx.msk [tilespmem:v48+s17+$0x0], $0xffff  }
0x42a: {  	v40 =	vld.idx.msk [tilespmem:v52+s17+$0x0], $0xffff;
	v63 =	vmul.f32 v41, v49;
	v62 =	vmul.f32 v59, v21;
	v35 =	vadd.f32 v58, v35  }
0x42b: {  	v48 =	vor.u32 $0x13, v34;
	v61 =	vld.idx.msk [tilespmem:v52+s21+$0x0], $0xffff  }
0x42c: {  	v43 =	vld.idx.msk [tilespmem:v56+s17+$0x0], $0xffff;
	v51 =	vmul.f32 v42, v53;
	v50 =	vmul.f32 v63, v20;
	v35 =	vadd.f32 v62, v35  }
0x42d: {  	v52 =	vor.u32 $0x14, v34;
	v49 =	vld.idx.msk [tilespmem:v56+s21+$0x0], $0xffff  }
0x42e: {  	v39 =	vld.idx.msk [tilespmem:v60+s17+$0x0], $0xffff;
	v55 =	vmul.f32 v38, v57;
	v54 =	vmul.f32 v51, v19;
	v35 =	vadd.f32 v50, v35  }
0x42f: {  	v56 =	vor.u32 $0x15, v34;
	v53 =	vld.idx.msk [tilespmem:v60+s21+$0x0], $0xffff  }
0x430: {  	v41 =	vld.idx.msk [tilespmem:v48+s17+$0x0], $0xffff;
	v59 =	vmul.f32 v40, v61;
	v58 =	vmul.f32 v55, v18;
	v35 =	vadd.f32 v54, v35  }
0x431: {  	v60 =	vor.u32 $0x16, v34;
	v57 =	vld.idx.msk [tilespmem:v48+s21+$0x0], $0xffff  }
0x432: {  	v42 =	vld.idx.msk [tilespmem:v52+s17+$0x0], $0xffff;
	v63 =	vmul.f32 v43, v49;
	v62 =	vmul.f32 v59, v17;
	v35 =	vadd.f32 v58, v35  }
0x433: {  	v48 =	vor.u32 $0x17, v34;
	v61 =	vld.idx.msk [tilespmem:v52+s21+$0x0], $0xffff  }
0x434: {  	v38 =	vld.idx.msk [tilespmem:v56+s17+$0x0], $0xffff;
	v51 =	vmul.f32 v39, v53;
	v50 =	vmul.f32 v63, v16;
	v35 =	vadd.f32 v62, v35  }
0x435: {  	v52 =	vor.u32 $0x18, v34;
	v49 =	vld.idx.msk [tilespmem:v56+s21+$0x0], $0xffff  }
0x436: {  	v40 =	vld.idx.msk [tilespmem:v60+s17+$0x0], $0xffff;
	v55 =	vmul.f32 v41, v57;
	v54 =	vmul.f32 v51, v15;
	v35 =	vadd.f32 v50, v35  }
0x437: {  	v56 =	vor.u32 $0x19, v34;
	v53 =	vld.idx.msk [tilespmem:v60+s21+$0x0], $0xffff  }
0x438: {  	v43 =	vld.idx.msk [tilespmem:v48+s17+$0x0], $0xffff;
	v59 =	vmul.f32 v42, v61;
	v58 =	vmul.f32 v55, v14;
	v35 =	vadd.f32 v54, v35  }
0x439: {  	v60 =	vor.u32 $0x1A, v34;
	v57 =	vld.idx.msk [tilespmem:v48+s21+$0x0], $0xffff  }
0x43a: {  	v39 =	vld.idx.msk [tilespmem:v52+s17+$0x0], $0xffff;
	v63 =	vmul.f32 v38, v49;
	v62 =	vmul.f32 v59, v13;
	v35 =	vadd.f32 v58, v35  }
0x43b: {  	v48 =	vor.u32 $0x1B, v34;
	v61 =	vld.idx.msk [tilespmem:v52+s21+$0x0], $0xffff  }
0x43c: {  	v41 =	vld.idx.msk [tilespmem:v56+s17+$0x0], $0xffff;
	v51 =	vmul.f32 v40, v53;
	v50 =	vmul.f32 v63, v12;
	v35 =	vadd.f32 v62, v35  }
0x43d: {  	v52 =	vor.u32 $0x1C, v34;
	v49 =	vld.idx.msk [tilespmem:v56+s21+$0x0], $0xffff  }
0x43e: {  	v42 =	vld.idx.msk [tilespmem:v60+s17+$0x0], $0xffff;
	v55 =	vmul.f32 v43, v57;
	v54 =	vmul.f32 v51, v11;
	v35 =	vadd.f32 v50, v35  }
0x43f: {  	v56 =	vor.u32 $0x1D, v34;
	v53 =	vld.idx.msk [tilespmem:v60+s21+$0x0], $0xffff  }
0x440: {  	v38 =	vld.idx.msk [tilespmem:v48+s17+$0x0], $0xffff;
	v59 =	vmul.f32 v39, v61;
	v58 =	vmul.f32 v55, v10;
	v35 =	vadd.f32 v54, v35  }
0x441: {  	v60 =	vor.u32 $0x1E, v34;
	v57 =	vld.idx.msk [tilespmem:v48+s21+$0x0], $0xffff  }
0x442: {  	v40 =	vld.idx.msk [tilespmem:v52+s17+$0x0], $0xffff;
	v63 =	vmul.f32 v41, v49;
	v62 =	vmul.f32 v59, v9;
	v35 =	vadd.f32 v58, v35  }
0x443: {  	v34 =	vor.u32 $0x1F, v34;
	v61 =	vld.idx.msk [tilespmem:v52+s21+$0x0], $0xffff  }
0x444: {  	v46 =	vld.idx.msk [tilespmem:v56+s21+$0x0], $0xffff;
	v49 =	vmul.f32 v42, v53;
	v48 =	vmul.f32 v63, v8;
	v35 =	vadd.f32 v62, v35  }
0x445: {  	v50 =	vld.idx.msk [tilespmem:v56+s17+$0x0], $0xffff  }
0x446: {  	v53 =	vmul.f32 v38, v57;
	v51 =	vld.idx.msk [tilespmem:v60+s21+$0x0], $0xffff;
	v52 =	vmul.f32 v49, v7;
	v35 =	vadd.f32 v48, v35  }
0x447: {  	v54 =	vld.idx.msk [tilespmem:v60+s17+$0x0], $0xffff  }
0x448: {  	v57 =	vmul.f32 v40, v61;
	v55 =	vld.idx.msk [tilespmem:v34+s21+$0x0], $0xffff;
	v56 =	vmul.f32 v53, v6;
	v35 =	vadd.f32 v52, v35  }
0x449: {  	v34 =	vld.idx.msk [tilespmem:v34+s17+$0x0], $0xffff  }
0x44a: {  	v58 =	vmul.f32 v57, v5;
	v59 =	vmul.f32 v50, v46;
	v35 =	vadd.f32 v56, v35;
	_ =	sdelay $0x1  }
0x44b: {  	v60 =	vmul.f32 v59, v4;
	v61 =	vmul.f32 v54, v51;
	v35 =	vadd.f32 v58, v35;
	_ =	sdelay $0x1  }
0x44c: {  	v34 =	vmul.f32 v34, v55;
	v62 =	vmul.f32 v61, v3;
	v35 =	vadd.f32 v60, v35;
	_ =	sdelay $0x1  }
0x44d: {  	v34 =	vmul.f32 v34, v2;
	v35 =	vadd.f32 v62, v35;
	_ =	sdelay $0x1  }
0x44e: {  	v34 =	vadd.f32 v34, v35;
	_ =	sdelay $0x1  }
0x44f: {  	v34 =	vadd.f32 v34, v1;
	_ =	sdelay $0x1  }
0x450: {  	v34 =	vsub.f32 $0.0e+00, v34;
	_ =	sdelay $0x1  }
0x451: {  	v34 =	vmul.f32 $1.442695020e+00, v34;
	_ =	sdelay $0x1  }
0x452: {  	(erf) = vpow2.f32 v34;
	_ =	sdelay $0x8  }
0x453: {  	v34 =	vpop (erf)  }
0x454: {  	v34 =	vadd.f32 $1.000000000e+00, v34;
	_ =	sdelay $0x1  }
0x455: {  	(erf) = vrcp.f32 v34;
	_ =	sdelay $0x6  }
0x456: {  	s31 =	simm.s32 $0x20  }
0x457: {  	v63 =	vmov s31  }
0x458: {  	s26 =	simm.s32 $0x30;
	v34 =	vshll.u32 v63, $0x7;
	v35 =	vpop (erf)  }
.LBB2_49:
0x459: {  	p0 =	sne.s32 s26, $0x70;
	v34 =	vor.u32 v0, v34;
	v35 =	vmul.f32 $5.000000000e+00, v35;
	_ =	sdelay $0x1  }
0x45a: {  	v36 =	vor.u32 $0x1, v34;
	v35 =	vadd.f32 $1.000000000e+00, v35  }
0x45b: {  	s25 =	sadd.s32 $0x10, s25  }
0x45c: {  	v37 =	vor.u32 $0x2, v34;
	[tilespmem:s25+$0x0] =	vst v35  }
0x45d: {  	v35 =	vld.idx.msk [tilespmem:v34+s17+$0x0], $0xffff  }
0x45e: {  	v39 =	vor.u32 $0x3, v34;
	v38 =	vld.idx.msk [tilespmem:v34+s21+$0x0], $0xffff  }
0x45f: {  	v40 =	vld.idx.msk [tilespmem:v36+s21+$0x0], $0xffff  }
0x460: {  	v41 =	vor.u32 $0x4, v34;
	v36 =	vld.idx.msk [tilespmem:v36+s17+$0x0], $0xffff  }
0x461: {  	v42 =	vld.idx.msk [tilespmem:v37+s21+$0x0], $0xffff  }
0x462: {  	v43 =	vor.u32 $0x5, v34;
	v37 =	vld.idx.msk [tilespmem:v37+s17+$0x0], $0xffff  }
0x463: {  	v44 =	vld.idx.msk [tilespmem:v39+s21+$0x0], $0xffff  }
0x464: {  	v35 =	vmul.f32 v35, v38;
	v38 =	vld.idx.msk [tilespmem:v39+s17+$0x0], $0xffff;
	v39 =	vor.u32 $0x6, v34  }
0x465: {  	v45 =	vld.idx.msk [tilespmem:v41+s21+$0x0], $0xffff  }
0x466: {  	v35 =	vmul.f32 v35, v33;
	v36 =	vmul.f32 v36, v40;
	v40 =	vld.idx.msk [tilespmem:v41+s17+$0x0], $0xffff;
	v41 =	vor.u32 $0x7, v34  }
0x467: {  	v47 =	vor.u32 $0x8, v34;
	v46 =	vld.idx.msk [tilespmem:v43+s21+$0x0], $0xffff  }
0x468: {  	v35 =	vadd.f32 $0.0e+00, v35;
	v36 =	vmul.f32 v36, v32;
	v37 =	vmul.f32 v37, v42;
	v42 =	vld.idx.msk [tilespmem:v43+s17+$0x0], $0xffff  }
0x469: {  	v48 =	vor.u32 $0x9, v34;
	v43 =	vld.idx.msk [tilespmem:v39+s21+$0x0], $0xffff  }
0x46a: {  	v35 =	vadd.f32 v36, v35;
	v36 =	vmul.f32 v37, v31;
	v37 =	vmul.f32 v38, v44;
	v38 =	vld.idx.msk [tilespmem:v39+s17+$0x0], $0xffff  }
0x46b: {  	v44 =	vor.u32 $0xA, v34;
	v39 =	vld.idx.msk [tilespmem:v41+s21+$0x0], $0xffff  }
0x46c: {  	v35 =	vadd.f32 v36, v35;
	v36 =	vmul.f32 v37, v30;
	v37 =	vmul.f32 v40, v45;
	v40 =	vld.idx.msk [tilespmem:v41+s17+$0x0], $0xffff  }
0x46d: {  	v45 =	vor.u32 $0xB, v34;
	v41 =	vld.idx.msk [tilespmem:v47+s21+$0x0], $0xffff  }
0x46e: {  	v35 =	vadd.f32 v36, v35;
	v36 =	vmul.f32 v37, v29;
	v37 =	vmul.f32 v42, v46;
	v42 =	vld.idx.msk [tilespmem:v47+s17+$0x0], $0xffff  }
0x46f: {  	v47 =	vor.u32 $0xC, v34;
	v46 =	vld.idx.msk [tilespmem:v48+s21+$0x0], $0xffff  }
0x470: {  	v35 =	vadd.f32 v36, v35;
	v36 =	vmul.f32 v37, v28;
	v37 =	vmul.f32 v38, v43;
	v38 =	vld.idx.msk [tilespmem:v48+s17+$0x0], $0xffff  }
0x471: {  	v48 =	vor.u32 $0xD, v34;
	v43 =	vld.idx.msk [tilespmem:v44+s21+$0x0], $0xffff  }
0x472: {  	v35 =	vadd.f32 v36, v35;
	v36 =	vmul.f32 v37, v27;
	v37 =	vmul.f32 v40, v39;
	v39 =	vld.idx.msk [tilespmem:v44+s17+$0x0], $0xffff  }
0x473: {  	v44 =	vor.u32 $0xE, v34;
	v40 =	vld.idx.msk [tilespmem:v45+s21+$0x0], $0xffff  }
0x474: {  	v35 =	vadd.f32 v36, v35;
	v36 =	vmul.f32 v37, v26;
	v37 =	vmul.f32 v42, v41;
	v41 =	vld.idx.msk [tilespmem:v45+s17+$0x0], $0xffff  }
0x475: {  	v45 =	vor.u32 $0xF, v34;
	v42 =	vld.idx.msk [tilespmem:v47+s21+$0x0], $0xffff  }
0x476: {  	v35 =	vadd.f32 v36, v35;
	v36 =	vmul.f32 v37, v25;
	v37 =	vmul.f32 v38, v46;
	v38 =	vld.idx.msk [tilespmem:v47+s17+$0x0], $0xffff  }
0x477: {  	v47 =	vor.u32 $0x10, v34;
	v46 =	vld.idx.msk [tilespmem:v48+s21+$0x0], $0xffff  }
0x478: {  	v35 =	vadd.f32 v36, v35;
	v36 =	vmul.f32 v37, v24;
	v37 =	vmul.f32 v39, v43;
	v39 =	vld.idx.msk [tilespmem:v48+s17+$0x0], $0xffff  }
0x479: {  	v48 =	vor.u32 $0x11, v34;
	v43 =	vld.idx.msk [tilespmem:v44+s21+$0x0], $0xffff  }
0x47a: {  	v35 =	vadd.f32 v36, v35;
	v36 =	vmul.f32 v37, v23;
	v37 =	vmul.f32 v41, v40;
	v40 =	vld.idx.msk [tilespmem:v44+s17+$0x0], $0xffff  }
0x47b: {  	v44 =	vor.u32 $0x12, v34;
	v41 =	vld.idx.msk [tilespmem:v45+s21+$0x0], $0xffff  }
0x47c: {  	v35 =	vadd.f32 v36, v35;
	v36 =	vmul.f32 v37, v22;
	v37 =	vmul.f32 v38, v42;
	v38 =	vld.idx.msk [tilespmem:v45+s17+$0x0], $0xffff  }
0x47d: {  	v45 =	vor.u32 $0x13, v34;
	v42 =	vld.idx.msk [tilespmem:v47+s21+$0x0], $0xffff  }
0x47e: {  	v35 =	vadd.f32 v36, v35;
	v36 =	vmul.f32 v37, v21;
	v37 =	vmul.f32 v39, v46;
	v39 =	vld.idx.msk [tilespmem:v47+s17+$0x0], $0xffff  }
0x47f: {  	v47 =	vor.u32 $0x14, v34;
	v46 =	vld.idx.msk [tilespmem:v48+s21+$0x0], $0xffff  }
0x480: {  	v35 =	vadd.f32 v36, v35;
	v36 =	vmul.f32 v37, v20;
	v37 =	vmul.f32 v40, v43;
	v40 =	vld.idx.msk [tilespmem:v48+s17+$0x0], $0xffff  }
0x481: {  	v48 =	vor.u32 $0x15, v34;
	v43 =	vld.idx.msk [tilespmem:v44+s21+$0x0], $0xffff  }
0x482: {  	v35 =	vadd.f32 v36, v35;
	v36 =	vmul.f32 v37, v19;
	v37 =	vmul.f32 v38, v41;
	v38 =	vld.idx.msk [tilespmem:v44+s17+$0x0], $0xffff  }
0x483: {  	v44 =	vor.u32 $0x16, v34;
	v41 =	vld.idx.msk [tilespmem:v45+s21+$0x0], $0xffff  }
0x484: {  	v35 =	vadd.f32 v36, v35;
	v36 =	vmul.f32 v37, v18;
	v37 =	vmul.f32 v39, v42;
	v39 =	vld.idx.msk [tilespmem:v45+s17+$0x0], $0xffff  }
0x485: {  	v45 =	vor.u32 $0x17, v34;
	v42 =	vld.idx.msk [tilespmem:v47+s21+$0x0], $0xffff  }
0x486: {  	v35 =	vadd.f32 v36, v35;
	v36 =	vmul.f32 v37, v17;
	v37 =	vmul.f32 v40, v46;
	v40 =	vld.idx.msk [tilespmem:v47+s17+$0x0], $0xffff  }
0x487: {  	v47 =	vor.u32 $0x18, v34;
	v46 =	vld.idx.msk [tilespmem:v48+s21+$0x0], $0xffff  }
0x488: {  	v35 =	vadd.f32 v36, v35;
	v36 =	vmul.f32 v37, v16;
	v37 =	vmul.f32 v38, v43;
	v38 =	vld.idx.msk [tilespmem:v48+s17+$0x0], $0xffff  }
0x489: {  	v48 =	vor.u32 $0x19, v34;
	v43 =	vld.idx.msk [tilespmem:v44+s21+$0x0], $0xffff  }
0x48a: {  	v35 =	vadd.f32 v36, v35;
	v36 =	vmul.f32 v37, v15;
	v37 =	vmul.f32 v39, v41;
	v39 =	vld.idx.msk [tilespmem:v44+s17+$0x0], $0xffff  }
0x48b: {  	v44 =	vor.u32 $0x1A, v34;
	v41 =	vld.idx.msk [tilespmem:v45+s21+$0x0], $0xffff  }
0x48c: {  	v35 =	vadd.f32 v36, v35;
	v36 =	vmul.f32 v37, v14;
	v37 =	vmul.f32 v40, v42;
	v40 =	vld.idx.msk [tilespmem:v45+s17+$0x0], $0xffff  }
0x48d: {  	v45 =	vor.u32 $0x1B, v34;
	v42 =	vld.idx.msk [tilespmem:v47+s21+$0x0], $0xffff  }
0x48e: {  	v35 =	vadd.f32 v36, v35;
	v36 =	vmul.f32 v37, v13;
	v37 =	vmul.f32 v38, v46;
	v38 =	vld.idx.msk [tilespmem:v47+s17+$0x0], $0xffff  }
0x48f: {  	v47 =	vor.u32 $0x1C, v34;
	v46 =	vld.idx.msk [tilespmem:v48+s21+$0x0], $0xffff  }
0x490: {  	v35 =	vadd.f32 v36, v35;
	v36 =	vmul.f32 v37, v12;
	v37 =	vmul.f32 v39, v43;
	v39 =	vld.idx.msk [tilespmem:v48+s17+$0x0], $0xffff  }
0x491: {  	v48 =	vor.u32 $0x1D, v34;
	v43 =	vld.idx.msk [tilespmem:v44+s21+$0x0], $0xffff  }
0x492: {  	v35 =	vadd.f32 v36, v35;
	v36 =	vmul.f32 v37, v11;
	v37 =	vmul.f32 v40, v41;
	v40 =	vld.idx.msk [tilespmem:v44+s17+$0x0], $0xffff  }
0x493: {  	v44 =	vor.u32 $0x1E, v34;
	v41 =	vld.idx.msk [tilespmem:v45+s21+$0x0], $0xffff  }
0x494: {  	v35 =	vadd.f32 v36, v35;
	v36 =	vmul.f32 v37, v10;
	v37 =	vmul.f32 v38, v42;
	v38 =	vld.idx.msk [tilespmem:v45+s17+$0x0], $0xffff  }
0x495: {  	v34 =	vor.u32 $0x1F, v34;
	v42 =	vld.idx.msk [tilespmem:v47+s21+$0x0], $0xffff  }
0x496: {  	v35 =	vadd.f32 v36, v35;
	v36 =	vmul.f32 v37, v9;
	v37 =	vmul.f32 v39, v46;
	v39 =	vld.idx.msk [tilespmem:v47+s17+$0x0], $0xffff  }
0x497: {  	v45 =	vld.idx.msk [tilespmem:v48+s21+$0x0], $0xffff  }
0x498: {  	v35 =	vadd.f32 v36, v35;
	v36 =	vmul.f32 v37, v8;
	v37 =	vmul.f32 v40, v43;
	v40 =	vld.idx.msk [tilespmem:v48+s17+$0x0], $0xffff  }
0x499: {  	v43 =	vld.idx.msk [tilespmem:v44+s21+$0x0], $0xffff  }
0x49a: {  	v35 =	vadd.f32 v36, v35;
	v36 =	vmul.f32 v37, v7;
	v37 =	vmul.f32 v38, v41;
	v38 =	vld.idx.msk [tilespmem:v44+s17+$0x0], $0xffff  }
0x49b: {  	v41 =	vld.idx.msk [tilespmem:v34+s21+$0x0], $0xffff  }
0x49c: {  	v35 =	vadd.f32 v36, v35;
	v36 =	vmul.f32 v37, v6;
	v37 =	vmul.f32 v39, v42;
	v34 =	vld.idx.msk [tilespmem:v34+s17+$0x0], $0xffff;
	_ =	sdelay $0x1  }
0x49d: {  	v35 =	vadd.f32 v36, v35;
	v36 =	vmul.f32 v37, v5;
	v37 =	vmul.f32 v40, v45;
	_ =	sdelay $0x1  }
0x49e: {  	v35 =	vadd.f32 v36, v35;
	v36 =	vmul.f32 v37, v4;
	v37 =	vmul.f32 v38, v43;
	_ =	sdelay $0x1  }
0x49f: {  	v35 =	vadd.f32 v36, v35;
	v36 =	vmul.f32 v37, v3;
	v34 =	vmul.f32 v34, v41;
	_ =	sdelay $0x1  }
0x4a0: {  	v35 =	vadd.f32 v36, v35;
	v34 =	vmul.f32 v34, v2;
	_ =	sdelay $0x1  }
0x4a1: {  	v34 =	vadd.f32 v34, v35;
	_ =	sdelay $0x1  }
0x4a2: {  	v34 =	vadd.f32 v34, v1;
	_ =	sdelay $0x1  }
0x4a3: {  	v34 =	vsub.f32 $0.0e+00, v34;
	_ =	sdelay $0x1  }
0x4a4: {  	v34 =	vmul.f32 $1.442695020e+00, v34;
	_ =	sdelay $0x1  }
0x4a5: {  	(erf) = vpow2.f32 v34;
	_ =	sdelay $0x8  }
0x4a6: {  	v34 =	vpop (erf)  }
0x4a7: {  	v34 =	vadd.f32 $1.000000000e+00, v34;
	_ =	sdelay $0x1  }
0x4a8: {  	(erf) = vrcp.f32 v34;
	_ =	sdelay $0x4  }
.Ltmp30:
0x4a9: {  	(pc) =	sbr.rel @p0 .LBB2_49-.Ltmp30, $3  }
0x4aa: {  	_ =	sdelay $0x1  }
0x4ab: {  	v34 =	vmov s26  }
0x4ac: {  	s26 =	sadd.s32 $0x10, s26;
	v34 =	vshll.u32 v34, $0x7;
	v35 =	vpop (erf)  }
0x4ad: {  	v34 =	vor.u32 v0, v34;
	v35 =	vmul.f32 $5.000000000e+00, v35;
	_ =	sdelay $0x1  }
0x4ae: {  	v36 =	vor.u32 $0x1, v34;
	v35 =	vadd.f32 $1.000000000e+00, v35  }
0x4af: {  	s25 =	sadd.s32 $0x10, s25  }
0x4b0: {  	v37 =	vor.u32 $0x2, v34;
	[tilespmem:s25+$0x0] =	vst v35  }
0x4b1: {  	v35 =	vld.idx.msk [tilespmem:v34+s17+$0x0], $0xffff  }
0x4b2: {  	v39 =	vor.u32 $0x3, v34;
	v38 =	vld.idx.msk [tilespmem:v34+s21+$0x0], $0xffff  }
0x4b3: {  	v40 =	vld.idx.msk [tilespmem:v36+s21+$0x0], $0xffff  }
0x4b4: {  	v41 =	vor.u32 $0x4, v34;
	v36 =	vld.idx.msk [tilespmem:v36+s17+$0x0], $0xffff  }
0x4b5: {  	v42 =	vld.idx.msk [tilespmem:v37+s21+$0x0], $0xffff  }
0x4b6: {  	v43 =	vor.u32 $0x5, v34;
	v37 =	vld.idx.msk [tilespmem:v37+s17+$0x0], $0xffff  }
0x4b7: {  	v44 =	vld.idx.msk [tilespmem:v39+s21+$0x0], $0xffff;
	v35 =	vmul.f32 v35, v38  }
0x4b8: {  	v51 =	vor.u32 $0x6, v34;
	v50 =	vld.idx.msk [tilespmem:v39+s17+$0x0], $0xffff  }
0x4b9: {  	v45 =	vld.idx.msk [tilespmem:v41+s21+$0x0], $0xffff;
	v36 =	vmul.f32 v36, v40;
	v35 =	vmul.f32 v35, v33  }
0x4ba: {  	v53 =	vor.u32 $0x7, v34;
	v52 =	vld.idx.msk [tilespmem:v41+s17+$0x0], $0xffff  }
0x4bb: {  	v46 =	vld.idx.msk [tilespmem:v43+s21+$0x0], $0xffff;
	v37 =	vmul.f32 v37, v42;
	v36 =	vmul.f32 v36, v32;
	v35 =	vadd.f32 $0.0e+00, v35  }
0x4bc: {  	v54 =	vor.u32 $0x8, v34;
	v43 =	vld.idx.msk [tilespmem:v43+s17+$0x0], $0xffff  }
0x4bd: {  	v47 =	vld.idx.msk [tilespmem:v51+s21+$0x0], $0xffff;
	v56 =	vmul.f32 v50, v44;
	v55 =	vmul.f32 v37, v31;
	v35 =	vadd.f32 v36, v35  }
0x4be: {  	v57 =	vor.u32 $0x9, v34;
	v39 =	vld.idx.msk [tilespmem:v51+s17+$0x0], $0xffff  }
0x4bf: {  	v58 =	vld.idx.msk [tilespmem:v53+s21+$0x0], $0xffff;
	v60 =	vmul.f32 v52, v45;
	v59 =	vmul.f32 v56, v30;
	v35 =	vadd.f32 v55, v35  }
0x4c0: {  	v61 =	vor.u32 $0xA, v34;
	v41 =	vld.idx.msk [tilespmem:v53+s17+$0x0], $0xffff  }
0x4c1: {  	v62 =	vld.idx.msk [tilespmem:v54+s21+$0x0], $0xffff;
	v48 =	vmul.f32 v43, v46;
	v63 =	vmul.f32 v60, v29;
	v35 =	vadd.f32 v59, v35  }
0x4c2: {  	v49 =	vor.u32 $0xB, v34;
	v42 =	vld.idx.msk [tilespmem:v54+s17+$0x0], $0xffff  }
0x4c3: {  	v38 =	vld.idx.msk [tilespmem:v57+s17+$0x0], $0xffff;
	v52 =	vmul.f32 v39, v47;
	v51 =	vmul.f32 v48, v28;
	v35 =	vadd.f32 v63, v35  }
0x4c4: {  	v53 =	vor.u32 $0xC, v34;
	v50 =	vld.idx.msk [tilespmem:v57+s21+$0x0], $0xffff  }
0x4c5: {  	v54 =	vld.idx.msk [tilespmem:v61+s21+$0x0], $0xffff;
	v56 =	vmul.f32 v41, v58;
	v55 =	vmul.f32 v52, v27;
	v35 =	vadd.f32 v51, v35  }
0x4c6: {  	v57 =	vor.u32 $0xD, v34;
	v40 =	vld.idx.msk [tilespmem:v61+s17+$0x0], $0xffff  }
0x4c7: {  	v43 =	vld.idx.msk [tilespmem:v49+s17+$0x0], $0xffff;
	v60 =	vmul.f32 v42, v62;
	v59 =	vmul.f32 v56, v26;
	v35 =	vadd.f32 v55, v35  }
0x4c8: {  	v61 =	vor.u32 $0xE, v34;
	v58 =	vld.idx.msk [tilespmem:v49+s21+$0x0], $0xffff  }
0x4c9: {  	v39 =	vld.idx.msk [tilespmem:v53+s17+$0x0], $0xffff;
	v48 =	vmul.f32 v38, v50;
	v63 =	vmul.f32 v60, v25;
	v35 =	vadd.f32 v59, v35  }
0x4ca: {  	v49 =	vor.u32 $0xF, v34;
	v62 =	vld.idx.msk [tilespmem:v53+s21+$0x0], $0xffff  }
0x4cb: {  	v50 =	vld.idx.msk [tilespmem:v57+s21+$0x0], $0xffff;
	v52 =	vmul.f32 v40, v54;
	v51 =	vmul.f32 v48, v24;
	v35 =	vadd.f32 v63, v35  }
0x4cc: {  	v53 =	vor.u32 $0x10, v34;
	v41 =	vld.idx.msk [tilespmem:v57+s17+$0x0], $0xffff  }
0x4cd: {  	v42 =	vld.idx.msk [tilespmem:v61+s17+$0x0], $0xffff;
	v56 =	vmul.f32 v43, v58;
	v55 =	vmul.f32 v52, v23;
	v35 =	vadd.f32 v51, v35  }
0x4ce: {  	v57 =	vor.u32 $0x11, v34;
	v54 =	vld.idx.msk [tilespmem:v61+s21+$0x0], $0xffff  }
0x4cf: {  	v38 =	vld.idx.msk [tilespmem:v49+s17+$0x0], $0xffff;
	v60 =	vmul.f32 v39, v62;
	v59 =	vmul.f32 v56, v22;
	v35 =	vadd.f32 v55, v35  }
0x4d0: {  	v61 =	vor.u32 $0x12, v34;
	v58 =	vld.idx.msk [tilespmem:v49+s21+$0x0], $0xffff  }
0x4d1: {  	v40 =	vld.idx.msk [tilespmem:v53+s17+$0x0], $0xffff;
	v48 =	vmul.f32 v41, v50;
	v63 =	vmul.f32 v60, v21;
	v35 =	vadd.f32 v59, v35  }
0x4d2: {  	v49 =	vor.u32 $0x13, v34;
	v62 =	vld.idx.msk [tilespmem:v53+s21+$0x0], $0xffff  }
0x4d3: {  	v43 =	vld.idx.msk [tilespmem:v57+s17+$0x0], $0xffff;
	v52 =	vmul.f32 v42, v54;
	v51 =	vmul.f32 v48, v20;
	v35 =	vadd.f32 v63, v35  }
0x4d4: {  	v53 =	vor.u32 $0x14, v34;
	v50 =	vld.idx.msk [tilespmem:v57+s21+$0x0], $0xffff  }
0x4d5: {  	v39 =	vld.idx.msk [tilespmem:v61+s17+$0x0], $0xffff;
	v56 =	vmul.f32 v38, v58;
	v55 =	vmul.f32 v52, v19;
	v35 =	vadd.f32 v51, v35  }
0x4d6: {  	v57 =	vor.u32 $0x15, v34;
	v54 =	vld.idx.msk [tilespmem:v61+s21+$0x0], $0xffff  }
0x4d7: {  	v41 =	vld.idx.msk [tilespmem:v49+s17+$0x0], $0xffff;
	v60 =	vmul.f32 v40, v62;
	v59 =	vmul.f32 v56, v18;
	v35 =	vadd.f32 v55, v35  }
0x4d8: {  	v61 =	vor.u32 $0x16, v34;
	v58 =	vld.idx.msk [tilespmem:v49+s21+$0x0], $0xffff  }
0x4d9: {  	v42 =	vld.idx.msk [tilespmem:v53+s17+$0x0], $0xffff;
	v48 =	vmul.f32 v43, v50;
	v63 =	vmul.f32 v60, v17;
	v35 =	vadd.f32 v59, v35  }
0x4da: {  	v49 =	vor.u32 $0x17, v34;
	v62 =	vld.idx.msk [tilespmem:v53+s21+$0x0], $0xffff  }
0x4db: {  	v38 =	vld.idx.msk [tilespmem:v57+s17+$0x0], $0xffff;
	v52 =	vmul.f32 v39, v54;
	v51 =	vmul.f32 v48, v16;
	v35 =	vadd.f32 v63, v35  }
0x4dc: {  	v53 =	vor.u32 $0x18, v34;
	v50 =	vld.idx.msk [tilespmem:v57+s21+$0x0], $0xffff  }
0x4dd: {  	v40 =	vld.idx.msk [tilespmem:v61+s17+$0x0], $0xffff;
	v56 =	vmul.f32 v41, v58;
	v55 =	vmul.f32 v52, v15;
	v35 =	vadd.f32 v51, v35  }
0x4de: {  	v57 =	vor.u32 $0x19, v34;
	v54 =	vld.idx.msk [tilespmem:v61+s21+$0x0], $0xffff  }
0x4df: {  	v43 =	vld.idx.msk [tilespmem:v49+s17+$0x0], $0xffff;
	v60 =	vmul.f32 v42, v62;
	v59 =	vmul.f32 v56, v14;
	v35 =	vadd.f32 v55, v35  }
0x4e0: {  	v61 =	vor.u32 $0x1A, v34;
	v58 =	vld.idx.msk [tilespmem:v49+s21+$0x0], $0xffff  }
0x4e1: {  	v39 =	vld.idx.msk [tilespmem:v53+s17+$0x0], $0xffff;
	v48 =	vmul.f32 v38, v50;
	v63 =	vmul.f32 v60, v13;
	v35 =	vadd.f32 v59, v35  }
0x4e2: {  	v49 =	vor.u32 $0x1B, v34;
	v62 =	vld.idx.msk [tilespmem:v53+s21+$0x0], $0xffff  }
0x4e3: {  	v41 =	vld.idx.msk [tilespmem:v57+s17+$0x0], $0xffff;
	v52 =	vmul.f32 v40, v54;
	v51 =	vmul.f32 v48, v12;
	v35 =	vadd.f32 v63, v35  }
0x4e4: {  	v53 =	vor.u32 $0x1C, v34;
	v50 =	vld.idx.msk [tilespmem:v57+s21+$0x0], $0xffff  }
0x4e5: {  	v42 =	vld.idx.msk [tilespmem:v61+s17+$0x0], $0xffff;
	v56 =	vmul.f32 v43, v58;
	v55 =	vmul.f32 v52, v11;
	v35 =	vadd.f32 v51, v35  }
0x4e6: {  	v57 =	vor.u32 $0x1D, v34;
	v54 =	vld.idx.msk [tilespmem:v61+s21+$0x0], $0xffff  }
0x4e7: {  	v38 =	vld.idx.msk [tilespmem:v49+s17+$0x0], $0xffff;
	v60 =	vmul.f32 v39, v62;
	v59 =	vmul.f32 v56, v10;
	v35 =	vadd.f32 v55, v35  }
0x4e8: {  	v61 =	vor.u32 $0x1E, v34;
	v58 =	vld.idx.msk [tilespmem:v49+s21+$0x0], $0xffff  }
0x4e9: {  	v40 =	vld.idx.msk [tilespmem:v53+s17+$0x0], $0xffff;
	v46 =	vmul.f32 v41, v50;
	v63 =	vmul.f32 v60, v9;
	v35 =	vadd.f32 v59, v35  }
0x4ea: {  	v34 =	vor.u32 $0x1F, v34;
	v62 =	vld.idx.msk [tilespmem:v53+s21+$0x0], $0xffff  }
0x4eb: {  	v49 =	vmul.f32 v46, v8;
	v50 =	vmul.f32 v42, v54;
	v48 =	vld.idx.msk [tilespmem:v57+s21+$0x0], $0xffff;
	v35 =	vadd.f32 v63, v35  }
0x4ec: {  	v51 =	vld.idx.msk [tilespmem:v57+s17+$0x0], $0xffff  }
0x4ed: {  	v53 =	vmul.f32 v50, v7;
	v54 =	vmul.f32 v38, v58;
	v52 =	vld.idx.msk [tilespmem:v61+s21+$0x0], $0xffff;
	v35 =	vadd.f32 v49, v35  }
0x4ee: {  	v55 =	vld.idx.msk [tilespmem:v61+s17+$0x0], $0xffff  }
0x4ef: {  	v58 =	vmul.f32 v40, v62;
	v56 =	vld.idx.msk [tilespmem:v34+s21+$0x0], $0xffff;
	v57 =	vmul.f32 v54, v6;
	v35 =	vadd.f32 v53, v35  }
0x4f0: {  	v34 =	vld.idx.msk [tilespmem:v34+s17+$0x0], $0xffff  }
0x4f1: {  	v59 =	vmul.f32 v58, v5;
	v60 =	vmul.f32 v51, v48;
	v35 =	vadd.f32 v57, v35;
	_ =	sdelay $0x1  }
0x4f2: {  	v61 =	vmul.f32 v60, v4;
	v62 =	vmul.f32 v55, v52;
	v35 =	vadd.f32 v59, v35;
	_ =	sdelay $0x1  }
0x4f3: {  	v34 =	vmul.f32 v34, v56;
	v63 =	vmul.f32 v62, v3;
	v35 =	vadd.f32 v61, v35;
	_ =	sdelay $0x1  }
0x4f4: {  	v34 =	vmul.f32 v34, v2;
	v35 =	vadd.f32 v63, v35;
	_ =	sdelay $0x1  }
0x4f5: {  	v34 =	vadd.f32 v34, v35;
	_ =	sdelay $0x1  }
0x4f6: {  	v34 =	vadd.f32 v34, v1;
	_ =	sdelay $0x1  }
0x4f7: {  	v34 =	vsub.f32 $0.0e+00, v34;
	_ =	sdelay $0x1  }
0x4f8: {  	v34 =	vmul.f32 $1.442695020e+00, v34;
	_ =	sdelay $0x1  }
0x4f9: {  	(erf) = vpow2.f32 v34;
	_ =	sdelay $0x8  }
0x4fa: {  	v34 =	vpop (erf)  }
0x4fb: {  	v34 =	vadd.f32 $1.000000000e+00, v34;
	_ =	sdelay $0x1  }
0x4fc: {  	(erf) = vrcp.f32 v34;
	_ =	sdelay $0x8  }
0x4fd: {  	v34 =	vpop (erf)  }
0x4fe: {  	v34 =	vmul.f32 $5.000000000e+00, v34  }
0x4ff: {  	p0 =	por $0x1, $0x1  }
.Ltmp31:
0x500: {  	v34 =	vadd.f32 $1.000000000e+00, v34;
	(pc) =	sbr.rel @!p0 .LBB2_52-.Ltmp31, $4  }
0x501: {  	s0 =	sadd.s32 $0x10, s25  }
0x502: {  	[tilespmem:s0+$0x0] =	vst v34  }
0x503: {  	_ =	swait.ge [sflag:s18], $0x80  }
0x504: {  	s26 =	simm.s32 $0x7F;
	s25 =	simm.s32 $0x80;
	[sflag:s18] =	ssyncset.done $0x0  }
.LBB2_51:
0x505: {  	p0 =	sne.s32 s26, $0x1;
	s26 =	sadd.s32 $0xFFFFFFFF, s26;
	[sflag:s18] =	ssyncadd.s32 $0xFFFFFF80  }
.Ltmp32:
0x506: {  	(pc) =	sbr.rel @p0 .LBB2_51-.Ltmp32, $3  }
0x507: {  	_ =	sdelay $0x1  }
0x508: {  	_ =	swait.ge [sflag:s18], $0x80  }
0x509: {  	[sflag:s18] =	ssyncset.done $0x0  }
.LBB2_52:
0x50a: {  	[sflag:s18] =	ssyncadd.s32 $0xFFFFFF80  }
.LBB2_53:
0x50b: {  	p0 =	sne.s32 s25, $0x1  }
.Ltmp33:
0x50c: {  	_ = 	snop;
	(pc) =	sbr.rel @p0 .LBB2_53-.Ltmp33, $4  }
0x50d: {  	_ = 	snop  }
0x50e: {  	_ =	swait.ge [sflag:s19], $0x80  }
0x50f: {  	[sflag:s19] =	ssyncset.done $0x0  }
0x510: {  	s25 =	sadd.s32 $0xFFFFFFFF, s25;
	[sflag:s19] =	ssyncadd.s32 $0xFFFFFF80  }
0x511: {  	s0 =	simm.s32 $0x0  }
0x512: {  	v34 =	vmov s0  }
0x513: {  	v34 =	vshll.u32 v34, $0x7  }
0x514: {  	v34 =	vor.u32 v0, v34;
	_ =	sdelay $0x1  }
0x515: {  	v35 =	vor.u32 $0x1, v34;
	_ =	sdelay $0x1  }
0x516: {  	v36 =	vor.u32 $0x2, v34  }
0x517: {  	v37 =	vld.idx.msk [tilespmem:v34+s20+$0x0], $0xffff  }
0x518: {  	v39 =	vor.u32 $0x3, v34;
	v38 =	vld.idx.msk [tilespmem:v34+s22+$0x0], $0xffff  }
0x519: {  	v40 =	vld.idx.msk [tilespmem:v35+s22+$0x0], $0xffff  }
0x51a: {  	v41 =	vor.u32 $0x4, v34;
	v35 =	vld.idx.msk [tilespmem:v35+s20+$0x0], $0xffff  }
0x51b: {  	v42 =	vld.idx.msk [tilespmem:v36+s22+$0x0], $0xffff  }
0x51c: {  	v43 =	vor.u32 $0x5, v34;
	v36 =	vld.idx.msk [tilespmem:v36+s20+$0x0], $0xffff  }
0x51d: {  	v44 =	vld.idx.msk [tilespmem:v39+s22+$0x0], $0xffff;
	v37 =	vmul.f32 v37, v38  }
0x51e: {  	v58 =	vor.u32 $0x6, v34;
	v57 =	vld.idx.msk [tilespmem:v39+s20+$0x0], $0xffff  }
0x51f: {  	v45 =	vld.idx.msk [tilespmem:v41+s22+$0x0], $0xffff;
	v35 =	vmul.f32 v35, v40;
	v37 =	vmul.f32 v37, v33  }
0x520: {  	v60 =	vor.u32 $0x7, v34;
	v59 =	vld.idx.msk [tilespmem:v41+s20+$0x0], $0xffff  }
0x521: {  	v46 =	vld.idx.msk [tilespmem:v43+s22+$0x0], $0xffff;
	v36 =	vmul.f32 v36, v42;
	v35 =	vmul.f32 v35, v32;
	v37 =	vadd.f32 $0.0e+00, v37  }
0x522: {  	v61 =	vor.u32 $0x8, v34;
	v43 =	vld.idx.msk [tilespmem:v43+s20+$0x0], $0xffff  }
0x523: {  	v47 =	vld.idx.msk [tilespmem:v58+s22+$0x0], $0xffff;
	v62 =	vmul.f32 v57, v44;
	v36 =	vmul.f32 v36, v31;
	v35 =	vadd.f32 v35, v37  }
0x524: {  	v63 =	vor.u32 $0x9, v34;
	v39 =	vld.idx.msk [tilespmem:v58+s20+$0x0], $0xffff  }
0x525: {  	v48 =	vld.idx.msk [tilespmem:v60+s22+$0x0], $0xffff;
	v50 =	vmul.f32 v59, v45;
	v49 =	vmul.f32 v62, v30;
	v35 =	vadd.f32 v36, v35  }
0x526: {  	v51 =	vor.u32 $0xA, v34;
	v41 =	vld.idx.msk [tilespmem:v60+s20+$0x0], $0xffff  }
0x527: {  	v52 =	vld.idx.msk [tilespmem:v61+s22+$0x0], $0xffff;
	v54 =	vmul.f32 v43, v46;
	v53 =	vmul.f32 v50, v29;
	v35 =	vadd.f32 v49, v35  }
0x528: {  	v55 =	vor.u32 $0xB, v34;
	v42 =	vld.idx.msk [tilespmem:v61+s20+$0x0], $0xffff  }
0x529: {  	v56 =	vld.idx.msk [tilespmem:v63+s22+$0x0], $0xffff;
	v58 =	vmul.f32 v39, v47;
	v57 =	vmul.f32 v54, v28;
	v35 =	vadd.f32 v53, v35  }
0x52a: {  	v38 =	vld.idx.msk [tilespmem:v63+s20+$0x0], $0xffff;
	v59 =	vor.u32 $0xC, v34  }
0x52b: {  	v60 =	vld.idx.msk [tilespmem:v51+s22+$0x0], $0xffff;
	v61 =	vmul.f32 v58, v27;
	v62 =	vmul.f32 v41, v48;
	v35 =	vadd.f32 v57, v35  }
0x52c: {  	v63 =	vor.u32 $0xD, v34;
	v40 =	vld.idx.msk [tilespmem:v51+s20+$0x0], $0xffff  }
0x52d: {  	v43 =	vld.idx.msk [tilespmem:v55+s20+$0x0], $0xffff;
	v50 =	vmul.f32 v42, v52;
	v49 =	vmul.f32 v62, v26;
	v35 =	vadd.f32 v61, v35  }
0x52e: {  	v51 =	vor.u32 $0xE, v34;
	v48 =	vld.idx.msk [tilespmem:v55+s22+$0x0], $0xffff  }
0x52f: {  	v54 =	vmul.f32 v38, v56;
	v52 =	vld.idx.msk [tilespmem:v59+s22+$0x0], $0xffff;
	v53 =	vmul.f32 v50, v25;
	v35 =	vadd.f32 v49, v35  }
0x530: {  	v55 =	vor.u32 $0xF, v34;
	v39 =	vld.idx.msk [tilespmem:v59+s20+$0x0], $0xffff  }
0x531: {  	v56 =	vld.idx.msk [tilespmem:v63+s22+$0x0], $0xffff;
	v58 =	vmul.f32 v40, v60;
	v57 =	vmul.f32 v54, v24;
	v35 =	vadd.f32 v53, v35  }
0x532: {  	v41 =	vld.idx.msk [tilespmem:v63+s20+$0x0], $0xffff;
	v59 =	vor.u32 $0x10, v34  }
0x533: {  	v60 =	vld.idx.msk [tilespmem:v51+s22+$0x0], $0xffff;
	v62 =	vmul.f32 v43, v48;
	v61 =	vmul.f32 v58, v23;
	v35 =	vadd.f32 v57, v35  }
0x534: {  	v63 =	vor.u32 $0x11, v34;
	v42 =	vld.idx.msk [tilespmem:v51+s20+$0x0], $0xffff  }
0x535: {  	v38 =	vld.idx.msk [tilespmem:v55+s20+$0x0], $0xffff;
	v50 =	vmul.f32 v39, v52;
	v49 =	vmul.f32 v62, v22;
	v35 =	vadd.f32 v61, v35  }
0x536: {  	v51 =	vor.u32 $0x12, v34;
	v48 =	vld.idx.msk [tilespmem:v55+s22+$0x0], $0xffff  }
0x537: {  	v40 =	vld.idx.msk [tilespmem:v59+s20+$0x0], $0xffff;
	v54 =	vmul.f32 v41, v56;
	v53 =	vmul.f32 v50, v21;
	v35 =	vadd.f32 v49, v35  }
0x538: {  	v55 =	vor.u32 $0x13, v34;
	v52 =	vld.idx.msk [tilespmem:v59+s22+$0x0], $0xffff  }
0x539: {  	v43 =	vld.idx.msk [tilespmem:v63+s20+$0x0], $0xffff;
	v58 =	vmul.f32 v42, v60;
	v57 =	vmul.f32 v54, v20;
	v35 =	vadd.f32 v53, v35  }
0x53a: {  	v59 =	vor.u32 $0x14, v34;
	v56 =	vld.idx.msk [tilespmem:v63+s22+$0x0], $0xffff  }
0x53b: {  	v39 =	vld.idx.msk [tilespmem:v51+s20+$0x0], $0xffff;
	v62 =	vmul.f32 v38, v48;
	v61 =	vmul.f32 v58, v19;
	v35 =	vadd.f32 v57, v35  }
0x53c: {  	v63 =	vor.u32 $0x15, v34;
	v60 =	vld.idx.msk [tilespmem:v51+s22+$0x0], $0xffff  }
0x53d: {  	v41 =	vld.idx.msk [tilespmem:v55+s20+$0x0], $0xffff;
	v50 =	vmul.f32 v40, v52;
	v49 =	vmul.f32 v62, v18;
	v35 =	vadd.f32 v61, v35  }
0x53e: {  	v51 =	vor.u32 $0x16, v34;
	v48 =	vld.idx.msk [tilespmem:v55+s22+$0x0], $0xffff  }
0x53f: {  	v42 =	vld.idx.msk [tilespmem:v59+s20+$0x0], $0xffff;
	v54 =	vmul.f32 v43, v56;
	v53 =	vmul.f32 v50, v17;
	v35 =	vadd.f32 v49, v35  }
0x540: {  	v55 =	vor.u32 $0x17, v34;
	v52 =	vld.idx.msk [tilespmem:v59+s22+$0x0], $0xffff  }
0x541: {  	v38 =	vld.idx.msk [tilespmem:v63+s20+$0x0], $0xffff;
	v58 =	vmul.f32 v39, v60;
	v57 =	vmul.f32 v54, v16;
	v35 =	vadd.f32 v53, v35  }
0x542: {  	v59 =	vor.u32 $0x18, v34;
	v56 =	vld.idx.msk [tilespmem:v63+s22+$0x0], $0xffff  }
0x543: {  	v40 =	vld.idx.msk [tilespmem:v51+s20+$0x0], $0xffff;
	v62 =	vmul.f32 v41, v48;
	v61 =	vmul.f32 v58, v15;
	v35 =	vadd.f32 v57, v35  }
0x544: {  	v63 =	vor.u32 $0x19, v34;
	v60 =	vld.idx.msk [tilespmem:v51+s22+$0x0], $0xffff  }
0x545: {  	v43 =	vld.idx.msk [tilespmem:v55+s20+$0x0], $0xffff;
	v50 =	vmul.f32 v42, v52;
	v49 =	vmul.f32 v62, v14;
	v35 =	vadd.f32 v61, v35  }
0x546: {  	v51 =	vor.u32 $0x1A, v34;
	v48 =	vld.idx.msk [tilespmem:v55+s22+$0x0], $0xffff  }
0x547: {  	v39 =	vld.idx.msk [tilespmem:v59+s20+$0x0], $0xffff;
	v54 =	vmul.f32 v38, v56;
	v53 =	vmul.f32 v50, v13;
	v35 =	vadd.f32 v49, v35  }
0x548: {  	v55 =	vor.u32 $0x1B, v34;
	v52 =	vld.idx.msk [tilespmem:v59+s22+$0x0], $0xffff  }
0x549: {  	v41 =	vld.idx.msk [tilespmem:v63+s20+$0x0], $0xffff;
	v58 =	vmul.f32 v40, v60;
	v57 =	vmul.f32 v54, v12;
	v35 =	vadd.f32 v53, v35  }
0x54a: {  	v59 =	vor.u32 $0x1C, v34;
	v56 =	vld.idx.msk [tilespmem:v63+s22+$0x0], $0xffff  }
0x54b: {  	v42 =	vld.idx.msk [tilespmem:v51+s20+$0x0], $0xffff;
	v62 =	vmul.f32 v43, v48;
	v61 =	vmul.f32 v58, v11;
	v35 =	vadd.f32 v57, v35  }
0x54c: {  	v63 =	vor.u32 $0x1D, v34;
	v60 =	vld.idx.msk [tilespmem:v51+s22+$0x0], $0xffff  }
0x54d: {  	v38 =	vld.idx.msk [tilespmem:v55+s20+$0x0], $0xffff;
	v50 =	vmul.f32 v39, v52;
	v49 =	vmul.f32 v62, v10;
	v35 =	vadd.f32 v61, v35  }
0x54e: {  	v51 =	vor.u32 $0x1E, v34;
	v48 =	vld.idx.msk [tilespmem:v55+s22+$0x0], $0xffff  }
0x54f: {  	v40 =	vld.idx.msk [tilespmem:v59+s20+$0x0], $0xffff;
	v54 =	vmul.f32 v41, v56;
	v53 =	vmul.f32 v50, v9;
	v35 =	vadd.f32 v49, v35  }
0x550: {  	v34 =	vor.u32 $0x1F, v34;
	v52 =	vld.idx.msk [tilespmem:v59+s22+$0x0], $0xffff  }
0x551: {  	v55 =	vld.idx.msk [tilespmem:v63+s22+$0x0], $0xffff;
	v56 =	vmul.f32 v54, v8;
	v57 =	vmul.f32 v42, v60;
	v35 =	vadd.f32 v53, v35  }
0x552: {  	v58 =	vld.idx.msk [tilespmem:v63+s20+$0x0], $0xffff  }
0x553: {  	v59 =	vld.idx.msk [tilespmem:v51+s22+$0x0], $0xffff;
	v60 =	vmul.f32 v57, v7;
	v61 =	vmul.f32 v38, v48;
	v35 =	vadd.f32 v56, v35  }
0x554: {  	v62 =	vld.idx.msk [tilespmem:v51+s20+$0x0], $0xffff  }
0x555: {  	v63 =	vld.idx.msk [tilespmem:v34+s22+$0x0], $0xffff;
	v45 =	vmul.f32 v40, v52;
	v44 =	vmul.f32 v61, v6;
	v35 =	vadd.f32 v60, v35  }
0x556: {  	v34 =	vld.idx.msk [tilespmem:v34+s20+$0x0], $0xffff  }
0x557: {  	v46 =	vmul.f32 v45, v5;
	v47 =	vmul.f32 v58, v55;
	v35 =	vadd.f32 v44, v35;
	_ =	sdelay $0x1  }
0x558: {  	v48 =	vmul.f32 v47, v4;
	v49 =	vmul.f32 v62, v59;
	v35 =	vadd.f32 v46, v35;
	_ =	sdelay $0x1  }
0x559: {  	v34 =	vmul.f32 v34, v63;
	v50 =	vmul.f32 v49, v3;
	v35 =	vadd.f32 v48, v35;
	_ =	sdelay $0x1  }
0x55a: {  	v34 =	vmul.f32 v34, v2;
	v35 =	vadd.f32 v50, v35;
	_ =	sdelay $0x1  }
0x55b: {  	v34 =	vadd.f32 v34, v35;
	_ =	sdelay $0x1  }
0x55c: {  	v34 =	vadd.f32 v34, v1;
	_ =	sdelay $0x1  }
0x55d: {  	v34 =	vsub.f32 $0.0e+00, v34;
	_ =	sdelay $0x1  }
0x55e: {  	v34 =	vmul.f32 $1.442695020e+00, v34;
	_ =	sdelay $0x1  }
0x55f: {  	(erf) = vpow2.f32 v34;
	_ =	sdelay $0x8  }
0x560: {  	v34 =	vpop (erf)  }
0x561: {  	v34 =	vadd.f32 $1.000000000e+00, v34;
	_ =	sdelay $0x1  }
0x562: {  	(erf) = vrcp.f32 v34;
	_ =	sdelay $0x6  }
0x563: {  	s30 =	simm.s32 $0x10  }
0x564: {  	v51 =	vmov s30  }
0x565: {  	v34 =	vshll.u32 v51, $0x7;
	v52 =	vpop (erf)  }
0x566: {  	v34 =	vor.u32 v0, v34;
	v35 =	vmul.f32 $5.000000000e+00, v52;
	_ =	sdelay $0x1  }
0x567: {  	v53 =	vor.u32 $0x1, v34;
	v35 =	vadd.f32 $1.000000000e+00, v35  }
0x568: {  	s25 =	simm.s32 $0x10780  }
0x569: {  	v54 =	vor.u32 $0x2, v34;
	[tilespmem:s25+$0x0] =	vst v35  }
0x56a: {  	v35 =	vld.idx.msk [tilespmem:v34+s20+$0x0], $0xffff  }
0x56b: {  	v56 =	vor.u32 $0x3, v34;
	v55 =	vld.idx.msk [tilespmem:v34+s22+$0x0], $0xffff  }
0x56c: {  	v57 =	vld.idx.msk [tilespmem:v53+s22+$0x0], $0xffff  }
0x56d: {  	v58 =	vor.u32 $0x4, v34;
	v36 =	vld.idx.msk [tilespmem:v53+s20+$0x0], $0xffff  }
0x56e: {  	v59 =	vld.idx.msk [tilespmem:v54+s22+$0x0], $0xffff  }
0x56f: {  	v60 =	vor.u32 $0x5, v34;
	v37 =	vld.idx.msk [tilespmem:v54+s20+$0x0], $0xffff  }
0x570: {  	v61 =	vld.idx.msk [tilespmem:v56+s22+$0x0], $0xffff;
	v35 =	vmul.f32 v35, v55  }
0x571: {  	v63 =	vor.u32 $0x6, v34;
	v62 =	vld.idx.msk [tilespmem:v56+s20+$0x0], $0xffff  }
0x572: {  	v48 =	vld.idx.msk [tilespmem:v58+s22+$0x0], $0xffff;
	v36 =	vmul.f32 v36, v57;
	v35 =	vmul.f32 v35, v33  }
0x573: {  	v50 =	vor.u32 $0x7, v34;
	v49 =	vld.idx.msk [tilespmem:v58+s20+$0x0], $0xffff  }
0x574: {  	v51 =	vld.idx.msk [tilespmem:v60+s22+$0x0], $0xffff;
	v37 =	vmul.f32 v37, v59;
	v36 =	vmul.f32 v36, v32;
	v35 =	vadd.f32 $0.0e+00, v35  }
0x575: {  	v52 =	vor.u32 $0x8, v34;
	v43 =	vld.idx.msk [tilespmem:v60+s20+$0x0], $0xffff  }
0x576: {  	v53 =	vld.idx.msk [tilespmem:v63+s22+$0x0], $0xffff;
	v55 =	vmul.f32 v62, v61;
	v54 =	vmul.f32 v37, v31;
	v35 =	vadd.f32 v36, v35  }
0x577: {  	v56 =	vor.u32 $0x9, v34;
	v39 =	vld.idx.msk [tilespmem:v63+s20+$0x0], $0xffff  }
0x578: {  	v41 =	vld.idx.msk [tilespmem:v50+s20+$0x0], $0xffff;
	v59 =	vmul.f32 v49, v48;
	v58 =	vmul.f32 v55, v30;
	v35 =	vadd.f32 v54, v35  }
0x579: {  	v60 =	vor.u32 $0xA, v34;
	v57 =	vld.idx.msk [tilespmem:v50+s22+$0x0], $0xffff  }
0x57a: {  	v42 =	vld.idx.msk [tilespmem:v52+s20+$0x0], $0xffff;
	v63 =	vmul.f32 v43, v51;
	v62 =	vmul.f32 v59, v29;
	v35 =	vadd.f32 v58, v35  }
0x57b: {  	v61 =	vld.idx.msk [tilespmem:v52+s22+$0x0], $0xffff;
	v48 =	vor.u32 $0xB, v34  }
0x57c: {  	v49 =	vld.idx.msk [tilespmem:v56+s22+$0x0], $0xffff;
	v51 =	vmul.f32 v39, v53;
	v50 =	vmul.f32 v63, v28;
	v35 =	vadd.f32 v62, v35  }
0x57d: {  	v52 =	vor.u32 $0xC, v34;
	v38 =	vld.idx.msk [tilespmem:v56+s20+$0x0], $0xffff  }
0x57e: {  	v53 =	vld.idx.msk [tilespmem:v60+s22+$0x0], $0xffff;
	v55 =	vmul.f32 v41, v57;
	v54 =	vmul.f32 v51, v27;
	v35 =	vadd.f32 v50, v35  }
0x57f: {  	v56 =	vor.u32 $0xD, v34;
	v40 =	vld.idx.msk [tilespmem:v60+s20+$0x0], $0xffff  }
0x580: {  	v57 =	vld.idx.msk [tilespmem:v48+s22+$0x0], $0xffff;
	v59 =	vmul.f32 v42, v61;
	v58 =	vmul.f32 v55, v26;
	v35 =	vadd.f32 v54, v35  }
0x581: {  	v60 =	vor.u32 $0xE, v34;
	v43 =	vld.idx.msk [tilespmem:v48+s20+$0x0], $0xffff  }
0x582: {  	v61 =	vld.idx.msk [tilespmem:v52+s22+$0x0], $0xffff;
	v63 =	vmul.f32 v38, v49;
	v62 =	vmul.f32 v59, v25;
	v35 =	vadd.f32 v58, v35  }
0x583: {  	v48 =	vor.u32 $0xF, v34;
	v39 =	vld.idx.msk [tilespmem:v52+s20+$0x0], $0xffff  }
0x584: {  	v49 =	vld.idx.msk [tilespmem:v56+s22+$0x0], $0xffff;
	v51 =	vmul.f32 v40, v53;
	v50 =	vmul.f32 v63, v24;
	v35 =	vadd.f32 v62, v35  }
0x585: {  	v52 =	vor.u32 $0x10, v34;
	v41 =	vld.idx.msk [tilespmem:v56+s20+$0x0], $0xffff  }
0x586: {  	v42 =	vld.idx.msk [tilespmem:v60+s20+$0x0], $0xffff;
	v55 =	vmul.f32 v43, v57;
	v54 =	vmul.f32 v51, v23;
	v35 =	vadd.f32 v50, v35  }
0x587: {  	v56 =	vor.u32 $0x11, v34;
	v53 =	vld.idx.msk [tilespmem:v60+s22+$0x0], $0xffff  }
0x588: {  	v57 =	vld.idx.msk [tilespmem:v48+s22+$0x0], $0xffff;
	v59 =	vmul.f32 v39, v61;
	v58 =	vmul.f32 v55, v22;
	v35 =	vadd.f32 v54, v35  }
0x589: {  	v60 =	vor.u32 $0x12, v34;
	v38 =	vld.idx.msk [tilespmem:v48+s20+$0x0], $0xffff  }
0x58a: {  	v40 =	vld.idx.msk [tilespmem:v52+s20+$0x0], $0xffff;
	v63 =	vmul.f32 v41, v49;
	v62 =	vmul.f32 v59, v21;
	v35 =	vadd.f32 v58, v35  }
0x58b: {  	v48 =	vor.u32 $0x13, v34;
	v61 =	vld.idx.msk [tilespmem:v52+s22+$0x0], $0xffff  }
0x58c: {  	v43 =	vld.idx.msk [tilespmem:v56+s20+$0x0], $0xffff;
	v51 =	vmul.f32 v42, v53;
	v50 =	vmul.f32 v63, v20;
	v35 =	vadd.f32 v62, v35  }
0x58d: {  	v52 =	vor.u32 $0x14, v34;
	v49 =	vld.idx.msk [tilespmem:v56+s22+$0x0], $0xffff  }
0x58e: {  	v39 =	vld.idx.msk [tilespmem:v60+s20+$0x0], $0xffff;
	v55 =	vmul.f32 v38, v57;
	v54 =	vmul.f32 v51, v19;
	v35 =	vadd.f32 v50, v35  }
0x58f: {  	v56 =	vor.u32 $0x15, v34;
	v53 =	vld.idx.msk [tilespmem:v60+s22+$0x0], $0xffff  }
0x590: {  	v41 =	vld.idx.msk [tilespmem:v48+s20+$0x0], $0xffff;
	v59 =	vmul.f32 v40, v61;
	v58 =	vmul.f32 v55, v18;
	v35 =	vadd.f32 v54, v35  }
0x591: {  	v60 =	vor.u32 $0x16, v34;
	v57 =	vld.idx.msk [tilespmem:v48+s22+$0x0], $0xffff  }
0x592: {  	v42 =	vld.idx.msk [tilespmem:v52+s20+$0x0], $0xffff;
	v63 =	vmul.f32 v43, v49;
	v62 =	vmul.f32 v59, v17;
	v35 =	vadd.f32 v58, v35  }
0x593: {  	v48 =	vor.u32 $0x17, v34;
	v61 =	vld.idx.msk [tilespmem:v52+s22+$0x0], $0xffff  }
0x594: {  	v38 =	vld.idx.msk [tilespmem:v56+s20+$0x0], $0xffff;
	v51 =	vmul.f32 v39, v53;
	v50 =	vmul.f32 v63, v16;
	v35 =	vadd.f32 v62, v35  }
0x595: {  	v52 =	vor.u32 $0x18, v34;
	v49 =	vld.idx.msk [tilespmem:v56+s22+$0x0], $0xffff  }
0x596: {  	v40 =	vld.idx.msk [tilespmem:v60+s20+$0x0], $0xffff;
	v55 =	vmul.f32 v41, v57;
	v54 =	vmul.f32 v51, v15;
	v35 =	vadd.f32 v50, v35  }
0x597: {  	v56 =	vor.u32 $0x19, v34;
	v53 =	vld.idx.msk [tilespmem:v60+s22+$0x0], $0xffff  }
0x598: {  	v43 =	vld.idx.msk [tilespmem:v48+s20+$0x0], $0xffff;
	v59 =	vmul.f32 v42, v61;
	v58 =	vmul.f32 v55, v14;
	v35 =	vadd.f32 v54, v35  }
0x599: {  	v60 =	vor.u32 $0x1A, v34;
	v57 =	vld.idx.msk [tilespmem:v48+s22+$0x0], $0xffff  }
0x59a: {  	v39 =	vld.idx.msk [tilespmem:v52+s20+$0x0], $0xffff;
	v63 =	vmul.f32 v38, v49;
	v62 =	vmul.f32 v59, v13;
	v35 =	vadd.f32 v58, v35  }
0x59b: {  	v48 =	vor.u32 $0x1B, v34;
	v61 =	vld.idx.msk [tilespmem:v52+s22+$0x0], $0xffff  }
0x59c: {  	v41 =	vld.idx.msk [tilespmem:v56+s20+$0x0], $0xffff;
	v51 =	vmul.f32 v40, v53;
	v50 =	vmul.f32 v63, v12;
	v35 =	vadd.f32 v62, v35  }
0x59d: {  	v52 =	vor.u32 $0x1C, v34;
	v49 =	vld.idx.msk [tilespmem:v56+s22+$0x0], $0xffff  }
0x59e: {  	v42 =	vld.idx.msk [tilespmem:v60+s20+$0x0], $0xffff;
	v55 =	vmul.f32 v43, v57;
	v54 =	vmul.f32 v51, v11;
	v35 =	vadd.f32 v50, v35  }
0x59f: {  	v56 =	vor.u32 $0x1D, v34;
	v53 =	vld.idx.msk [tilespmem:v60+s22+$0x0], $0xffff  }
0x5a0: {  	v38 =	vld.idx.msk [tilespmem:v48+s20+$0x0], $0xffff;
	v59 =	vmul.f32 v39, v61;
	v58 =	vmul.f32 v55, v10;
	v35 =	vadd.f32 v54, v35  }
0x5a1: {  	v60 =	vor.u32 $0x1E, v34;
	v57 =	vld.idx.msk [tilespmem:v48+s22+$0x0], $0xffff  }
0x5a2: {  	v40 =	vld.idx.msk [tilespmem:v52+s20+$0x0], $0xffff;
	v63 =	vmul.f32 v41, v49;
	v62 =	vmul.f32 v59, v9;
	v35 =	vadd.f32 v58, v35  }
0x5a3: {  	v34 =	vor.u32 $0x1F, v34;
	v61 =	vld.idx.msk [tilespmem:v52+s22+$0x0], $0xffff  }
0x5a4: {  	v46 =	vld.idx.msk [tilespmem:v56+s22+$0x0], $0xffff;
	v49 =	vmul.f32 v42, v53;
	v48 =	vmul.f32 v63, v8;
	v35 =	vadd.f32 v62, v35  }
0x5a5: {  	v50 =	vld.idx.msk [tilespmem:v56+s20+$0x0], $0xffff  }
0x5a6: {  	v53 =	vmul.f32 v38, v57;
	v51 =	vld.idx.msk [tilespmem:v60+s22+$0x0], $0xffff;
	v52 =	vmul.f32 v49, v7;
	v35 =	vadd.f32 v48, v35  }
0x5a7: {  	v54 =	vld.idx.msk [tilespmem:v60+s20+$0x0], $0xffff  }
0x5a8: {  	v57 =	vmul.f32 v40, v61;
	v55 =	vld.idx.msk [tilespmem:v34+s22+$0x0], $0xffff;
	v56 =	vmul.f32 v53, v6;
	v35 =	vadd.f32 v52, v35  }
0x5a9: {  	v34 =	vld.idx.msk [tilespmem:v34+s20+$0x0], $0xffff  }
0x5aa: {  	v58 =	vmul.f32 v57, v5;
	v59 =	vmul.f32 v50, v46;
	v35 =	vadd.f32 v56, v35;
	_ =	sdelay $0x1  }
0x5ab: {  	v60 =	vmul.f32 v59, v4;
	v61 =	vmul.f32 v54, v51;
	v35 =	vadd.f32 v58, v35;
	_ =	sdelay $0x1  }
0x5ac: {  	v34 =	vmul.f32 v34, v55;
	v62 =	vmul.f32 v61, v3;
	v35 =	vadd.f32 v60, v35;
	_ =	sdelay $0x1  }
0x5ad: {  	v34 =	vmul.f32 v34, v2;
	v35 =	vadd.f32 v62, v35;
	_ =	sdelay $0x1  }
0x5ae: {  	v34 =	vadd.f32 v34, v35;
	_ =	sdelay $0x1  }
0x5af: {  	v34 =	vadd.f32 v34, v1;
	_ =	sdelay $0x1  }
0x5b0: {  	v34 =	vsub.f32 $0.0e+00, v34;
	_ =	sdelay $0x1  }
0x5b1: {  	v34 =	vmul.f32 $1.442695020e+00, v34;
	_ =	sdelay $0x1  }
0x5b2: {  	(erf) = vpow2.f32 v34;
	_ =	sdelay $0x8  }
0x5b3: {  	v34 =	vpop (erf)  }
0x5b4: {  	v34 =	vadd.f32 $1.000000000e+00, v34;
	_ =	sdelay $0x1  }
0x5b5: {  	(erf) = vrcp.f32 v34;
	_ =	sdelay $0x6  }
0x5b6: {  	s31 =	simm.s32 $0x20  }
0x5b7: {  	v63 =	vmov s31  }
0x5b8: {  	s26 =	simm.s32 $0x30;
	v34 =	vshll.u32 v63, $0x7;
	v35 =	vpop (erf)  }
.LBB2_55:
0x5b9: {  	p0 =	sne.s32 s26, $0x70;
	v34 =	vor.u32 v0, v34;
	v35 =	vmul.f32 $5.000000000e+00, v35;
	_ =	sdelay $0x1  }
0x5ba: {  	v36 =	vor.u32 $0x1, v34;
	v35 =	vadd.f32 $1.000000000e+00, v35  }
0x5bb: {  	s25 =	sadd.s32 $0x10, s25  }
0x5bc: {  	v37 =	vor.u32 $0x2, v34;
	[tilespmem:s25+$0x0] =	vst v35  }
0x5bd: {  	v35 =	vld.idx.msk [tilespmem:v34+s20+$0x0], $0xffff  }
0x5be: {  	v39 =	vor.u32 $0x3, v34;
	v38 =	vld.idx.msk [tilespmem:v34+s22+$0x0], $0xffff  }
0x5bf: {  	v40 =	vld.idx.msk [tilespmem:v36+s22+$0x0], $0xffff  }
0x5c0: {  	v41 =	vor.u32 $0x4, v34;
	v36 =	vld.idx.msk [tilespmem:v36+s20+$0x0], $0xffff  }
0x5c1: {  	v42 =	vld.idx.msk [tilespmem:v37+s22+$0x0], $0xffff  }
0x5c2: {  	v43 =	vor.u32 $0x5, v34;
	v37 =	vld.idx.msk [tilespmem:v37+s20+$0x0], $0xffff  }
0x5c3: {  	v44 =	vld.idx.msk [tilespmem:v39+s22+$0x0], $0xffff  }
0x5c4: {  	v35 =	vmul.f32 v35, v38;
	v38 =	vld.idx.msk [tilespmem:v39+s20+$0x0], $0xffff;
	v39 =	vor.u32 $0x6, v34  }
0x5c5: {  	v45 =	vld.idx.msk [tilespmem:v41+s22+$0x0], $0xffff  }
0x5c6: {  	v35 =	vmul.f32 v35, v33;
	v36 =	vmul.f32 v36, v40;
	v40 =	vld.idx.msk [tilespmem:v41+s20+$0x0], $0xffff;
	v41 =	vor.u32 $0x7, v34  }
0x5c7: {  	v47 =	vor.u32 $0x8, v34;
	v46 =	vld.idx.msk [tilespmem:v43+s22+$0x0], $0xffff  }
0x5c8: {  	v35 =	vadd.f32 $0.0e+00, v35;
	v36 =	vmul.f32 v36, v32;
	v37 =	vmul.f32 v37, v42;
	v42 =	vld.idx.msk [tilespmem:v43+s20+$0x0], $0xffff  }
0x5c9: {  	v48 =	vor.u32 $0x9, v34;
	v43 =	vld.idx.msk [tilespmem:v39+s22+$0x0], $0xffff  }
0x5ca: {  	v35 =	vadd.f32 v36, v35;
	v36 =	vmul.f32 v37, v31;
	v37 =	vmul.f32 v38, v44;
	v38 =	vld.idx.msk [tilespmem:v39+s20+$0x0], $0xffff  }
0x5cb: {  	v44 =	vor.u32 $0xA, v34;
	v39 =	vld.idx.msk [tilespmem:v41+s22+$0x0], $0xffff  }
0x5cc: {  	v35 =	vadd.f32 v36, v35;
	v36 =	vmul.f32 v37, v30;
	v37 =	vmul.f32 v40, v45;
	v40 =	vld.idx.msk [tilespmem:v41+s20+$0x0], $0xffff  }
0x5cd: {  	v45 =	vor.u32 $0xB, v34;
	v41 =	vld.idx.msk [tilespmem:v47+s22+$0x0], $0xffff  }
0x5ce: {  	v35 =	vadd.f32 v36, v35;
	v36 =	vmul.f32 v37, v29;
	v37 =	vmul.f32 v42, v46;
	v42 =	vld.idx.msk [tilespmem:v47+s20+$0x0], $0xffff  }
0x5cf: {  	v47 =	vor.u32 $0xC, v34;
	v46 =	vld.idx.msk [tilespmem:v48+s22+$0x0], $0xffff  }
0x5d0: {  	v35 =	vadd.f32 v36, v35;
	v36 =	vmul.f32 v37, v28;
	v37 =	vmul.f32 v38, v43;
	v38 =	vld.idx.msk [tilespmem:v48+s20+$0x0], $0xffff  }
0x5d1: {  	v48 =	vor.u32 $0xD, v34;
	v43 =	vld.idx.msk [tilespmem:v44+s22+$0x0], $0xffff  }
0x5d2: {  	v35 =	vadd.f32 v36, v35;
	v36 =	vmul.f32 v37, v27;
	v37 =	vmul.f32 v40, v39;
	v39 =	vld.idx.msk [tilespmem:v44+s20+$0x0], $0xffff  }
0x5d3: {  	v44 =	vor.u32 $0xE, v34;
	v40 =	vld.idx.msk [tilespmem:v45+s22+$0x0], $0xffff  }
0x5d4: {  	v35 =	vadd.f32 v36, v35;
	v36 =	vmul.f32 v37, v26;
	v37 =	vmul.f32 v42, v41;
	v41 =	vld.idx.msk [tilespmem:v45+s20+$0x0], $0xffff  }
0x5d5: {  	v45 =	vor.u32 $0xF, v34;
	v42 =	vld.idx.msk [tilespmem:v47+s22+$0x0], $0xffff  }
0x5d6: {  	v35 =	vadd.f32 v36, v35;
	v36 =	vmul.f32 v37, v25;
	v37 =	vmul.f32 v38, v46;
	v38 =	vld.idx.msk [tilespmem:v47+s20+$0x0], $0xffff  }
0x5d7: {  	v47 =	vor.u32 $0x10, v34;
	v46 =	vld.idx.msk [tilespmem:v48+s22+$0x0], $0xffff  }
0x5d8: {  	v35 =	vadd.f32 v36, v35;
	v36 =	vmul.f32 v37, v24;
	v37 =	vmul.f32 v39, v43;
	v39 =	vld.idx.msk [tilespmem:v48+s20+$0x0], $0xffff  }
0x5d9: {  	v48 =	vor.u32 $0x11, v34;
	v43 =	vld.idx.msk [tilespmem:v44+s22+$0x0], $0xffff  }
0x5da: {  	v35 =	vadd.f32 v36, v35;
	v36 =	vmul.f32 v37, v23;
	v37 =	vmul.f32 v41, v40;
	v40 =	vld.idx.msk [tilespmem:v44+s20+$0x0], $0xffff  }
0x5db: {  	v44 =	vor.u32 $0x12, v34;
	v41 =	vld.idx.msk [tilespmem:v45+s22+$0x0], $0xffff  }
0x5dc: {  	v35 =	vadd.f32 v36, v35;
	v36 =	vmul.f32 v37, v22;
	v37 =	vmul.f32 v38, v42;
	v38 =	vld.idx.msk [tilespmem:v45+s20+$0x0], $0xffff  }
0x5dd: {  	v45 =	vor.u32 $0x13, v34;
	v42 =	vld.idx.msk [tilespmem:v47+s22+$0x0], $0xffff  }
0x5de: {  	v35 =	vadd.f32 v36, v35;
	v36 =	vmul.f32 v37, v21;
	v37 =	vmul.f32 v39, v46;
	v39 =	vld.idx.msk [tilespmem:v47+s20+$0x0], $0xffff  }
0x5df: {  	v47 =	vor.u32 $0x14, v34;
	v46 =	vld.idx.msk [tilespmem:v48+s22+$0x0], $0xffff  }
0x5e0: {  	v35 =	vadd.f32 v36, v35;
	v36 =	vmul.f32 v37, v20;
	v37 =	vmul.f32 v40, v43;
	v40 =	vld.idx.msk [tilespmem:v48+s20+$0x0], $0xffff  }
0x5e1: {  	v48 =	vor.u32 $0x15, v34;
	v43 =	vld.idx.msk [tilespmem:v44+s22+$0x0], $0xffff  }
0x5e2: {  	v35 =	vadd.f32 v36, v35;
	v36 =	vmul.f32 v37, v19;
	v37 =	vmul.f32 v38, v41;
	v38 =	vld.idx.msk [tilespmem:v44+s20+$0x0], $0xffff  }
0x5e3: {  	v44 =	vor.u32 $0x16, v34;
	v41 =	vld.idx.msk [tilespmem:v45+s22+$0x0], $0xffff  }
0x5e4: {  	v35 =	vadd.f32 v36, v35;
	v36 =	vmul.f32 v37, v18;
	v37 =	vmul.f32 v39, v42;
	v39 =	vld.idx.msk [tilespmem:v45+s20+$0x0], $0xffff  }
0x5e5: {  	v45 =	vor.u32 $0x17, v34;
	v42 =	vld.idx.msk [tilespmem:v47+s22+$0x0], $0xffff  }
0x5e6: {  	v35 =	vadd.f32 v36, v35;
	v36 =	vmul.f32 v37, v17;
	v37 =	vmul.f32 v40, v46;
	v40 =	vld.idx.msk [tilespmem:v47+s20+$0x0], $0xffff  }
0x5e7: {  	v47 =	vor.u32 $0x18, v34;
	v46 =	vld.idx.msk [tilespmem:v48+s22+$0x0], $0xffff  }
0x5e8: {  	v35 =	vadd.f32 v36, v35;
	v36 =	vmul.f32 v37, v16;
	v37 =	vmul.f32 v38, v43;
	v38 =	vld.idx.msk [tilespmem:v48+s20+$0x0], $0xffff  }
0x5e9: {  	v48 =	vor.u32 $0x19, v34;
	v43 =	vld.idx.msk [tilespmem:v44+s22+$0x0], $0xffff  }
0x5ea: {  	v35 =	vadd.f32 v36, v35;
	v36 =	vmul.f32 v37, v15;
	v37 =	vmul.f32 v39, v41;
	v39 =	vld.idx.msk [tilespmem:v44+s20+$0x0], $0xffff  }
0x5eb: {  	v44 =	vor.u32 $0x1A, v34;
	v41 =	vld.idx.msk [tilespmem:v45+s22+$0x0], $0xffff  }
0x5ec: {  	v35 =	vadd.f32 v36, v35;
	v36 =	vmul.f32 v37, v14;
	v37 =	vmul.f32 v40, v42;
	v40 =	vld.idx.msk [tilespmem:v45+s20+$0x0], $0xffff  }
0x5ed: {  	v45 =	vor.u32 $0x1B, v34;
	v42 =	vld.idx.msk [tilespmem:v47+s22+$0x0], $0xffff  }
0x5ee: {  	v35 =	vadd.f32 v36, v35;
	v36 =	vmul.f32 v37, v13;
	v37 =	vmul.f32 v38, v46;
	v38 =	vld.idx.msk [tilespmem:v47+s20+$0x0], $0xffff  }
0x5ef: {  	v47 =	vor.u32 $0x1C, v34;
	v46 =	vld.idx.msk [tilespmem:v48+s22+$0x0], $0xffff  }
0x5f0: {  	v35 =	vadd.f32 v36, v35;
	v36 =	vmul.f32 v37, v12;
	v37 =	vmul.f32 v39, v43;
	v39 =	vld.idx.msk [tilespmem:v48+s20+$0x0], $0xffff  }
0x5f1: {  	v48 =	vor.u32 $0x1D, v34;
	v43 =	vld.idx.msk [tilespmem:v44+s22+$0x0], $0xffff  }
0x5f2: {  	v35 =	vadd.f32 v36, v35;
	v36 =	vmul.f32 v37, v11;
	v37 =	vmul.f32 v40, v41;
	v40 =	vld.idx.msk [tilespmem:v44+s20+$0x0], $0xffff  }
0x5f3: {  	v44 =	vor.u32 $0x1E, v34;
	v41 =	vld.idx.msk [tilespmem:v45+s22+$0x0], $0xffff  }
0x5f4: {  	v35 =	vadd.f32 v36, v35;
	v36 =	vmul.f32 v37, v10;
	v37 =	vmul.f32 v38, v42;
	v38 =	vld.idx.msk [tilespmem:v45+s20+$0x0], $0xffff  }
0x5f5: {  	v34 =	vor.u32 $0x1F, v34;
	v42 =	vld.idx.msk [tilespmem:v47+s22+$0x0], $0xffff  }
0x5f6: {  	v35 =	vadd.f32 v36, v35;
	v36 =	vmul.f32 v37, v9;
	v37 =	vmul.f32 v39, v46;
	v39 =	vld.idx.msk [tilespmem:v47+s20+$0x0], $0xffff  }
0x5f7: {  	v45 =	vld.idx.msk [tilespmem:v48+s22+$0x0], $0xffff  }
0x5f8: {  	v35 =	vadd.f32 v36, v35;
	v36 =	vmul.f32 v37, v8;
	v37 =	vmul.f32 v40, v43;
	v40 =	vld.idx.msk [tilespmem:v48+s20+$0x0], $0xffff  }
0x5f9: {  	v43 =	vld.idx.msk [tilespmem:v44+s22+$0x0], $0xffff  }
0x5fa: {  	v35 =	vadd.f32 v36, v35;
	v36 =	vmul.f32 v37, v7;
	v37 =	vmul.f32 v38, v41;
	v38 =	vld.idx.msk [tilespmem:v44+s20+$0x0], $0xffff  }
0x5fb: {  	v41 =	vld.idx.msk [tilespmem:v34+s22+$0x0], $0xffff  }
0x5fc: {  	v35 =	vadd.f32 v36, v35;
	v36 =	vmul.f32 v37, v6;
	v37 =	vmul.f32 v39, v42;
	v34 =	vld.idx.msk [tilespmem:v34+s20+$0x0], $0xffff;
	_ =	sdelay $0x1  }
0x5fd: {  	v35 =	vadd.f32 v36, v35;
	v36 =	vmul.f32 v37, v5;
	v37 =	vmul.f32 v40, v45;
	_ =	sdelay $0x1  }
0x5fe: {  	v35 =	vadd.f32 v36, v35;
	v36 =	vmul.f32 v37, v4;
	v37 =	vmul.f32 v38, v43;
	_ =	sdelay $0x1  }
0x5ff: {  	v35 =	vadd.f32 v36, v35;
	v36 =	vmul.f32 v37, v3;
	v34 =	vmul.f32 v34, v41;
	_ =	sdelay $0x1  }
0x600: {  	v35 =	vadd.f32 v36, v35;
	v34 =	vmul.f32 v34, v2;
	_ =	sdelay $0x1  }
0x601: {  	v34 =	vadd.f32 v34, v35;
	_ =	sdelay $0x1  }
0x602: {  	v34 =	vadd.f32 v34, v1;
	_ =	sdelay $0x1  }
0x603: {  	v34 =	vsub.f32 $0.0e+00, v34;
	_ =	sdelay $0x1  }
0x604: {  	v34 =	vmul.f32 $1.442695020e+00, v34;
	_ =	sdelay $0x1  }
0x605: {  	(erf) = vpow2.f32 v34;
	_ =	sdelay $0x8  }
0x606: {  	v34 =	vpop (erf)  }
0x607: {  	v34 =	vadd.f32 $1.000000000e+00, v34;
	_ =	sdelay $0x1  }
0x608: {  	(erf) = vrcp.f32 v34;
	_ =	sdelay $0x4  }
.Ltmp34:
0x609: {  	(pc) =	sbr.rel @p0 .LBB2_55-.Ltmp34, $3  }
0x60a: {  	_ =	sdelay $0x1  }
0x60b: {  	v34 =	vmov s26  }
0x60c: {  	s26 =	sadd.s32 $0x10, s26;
	v34 =	vshll.u32 v34, $0x7;
	v35 =	vpop (erf)  }
0x60d: {  	v34 =	vor.u32 v0, v34;
	v35 =	vmul.f32 $5.000000000e+00, v35;
	_ =	sdelay $0x1  }
0x60e: {  	v36 =	vor.u32 $0x1, v34;
	v35 =	vadd.f32 $1.000000000e+00, v35  }
0x60f: {  	s25 =	sadd.s32 $0x10, s25  }
0x610: {  	v37 =	vor.u32 $0x2, v34;
	[tilespmem:s25+$0x0] =	vst v35  }
0x611: {  	v35 =	vld.idx.msk [tilespmem:v34+s20+$0x0], $0xffff  }
0x612: {  	v39 =	vor.u32 $0x3, v34;
	v38 =	vld.idx.msk [tilespmem:v34+s22+$0x0], $0xffff  }
0x613: {  	v40 =	vld.idx.msk [tilespmem:v36+s22+$0x0], $0xffff  }
0x614: {  	v41 =	vor.u32 $0x4, v34;
	v36 =	vld.idx.msk [tilespmem:v36+s20+$0x0], $0xffff  }
0x615: {  	v42 =	vld.idx.msk [tilespmem:v37+s22+$0x0], $0xffff  }
0x616: {  	v43 =	vor.u32 $0x5, v34;
	v37 =	vld.idx.msk [tilespmem:v37+s20+$0x0], $0xffff  }
0x617: {  	v44 =	vld.idx.msk [tilespmem:v39+s22+$0x0], $0xffff;
	v35 =	vmul.f32 v35, v38  }
0x618: {  	v52 =	vor.u32 $0x6, v34;
	v51 =	vld.idx.msk [tilespmem:v39+s20+$0x0], $0xffff  }
0x619: {  	v45 =	vld.idx.msk [tilespmem:v41+s22+$0x0], $0xffff;
	v53 =	vmul.f32 v36, v40;
	v33 =	vmul.f32 v35, v33  }
0x61a: {  	v55 =	vor.u32 $0x7, v34;
	v54 =	vld.idx.msk [tilespmem:v41+s20+$0x0], $0xffff  }
0x61b: {  	v56 =	vld.idx.msk [tilespmem:v43+s22+$0x0], $0xffff;
	v57 =	vmul.f32 v37, v42;
	v32 =	vmul.f32 v53, v32;
	v33 =	vadd.f32 $0.0e+00, v33  }
0x61c: {  	v58 =	vor.u32 $0x8, v34;
	v59 =	vld.idx.msk [tilespmem:v43+s20+$0x0], $0xffff  }
0x61d: {  	v60 =	vld.idx.msk [tilespmem:v52+s22+$0x0], $0xffff;
	v61 =	vmul.f32 v51, v44;
	v31 =	vmul.f32 v57, v31;
	v32 =	vadd.f32 v32, v33  }
0x61e: {  	v62 =	vor.u32 $0x9, v34;
	v63 =	vld.idx.msk [tilespmem:v52+s20+$0x0], $0xffff  }
0x61f: {  	v47 =	vld.idx.msk [tilespmem:v55+s20+$0x0], $0xffff;
	v45 =	vmul.f32 v54, v45;
	v30 =	vmul.f32 v61, v30;
	v31 =	vadd.f32 v31, v32  }
0x620: {  	v46 =	vor.u32 $0xA, v34;
	v44 =	vld.idx.msk [tilespmem:v55+s22+$0x0], $0xffff  }
0x621: {  	v48 =	vld.idx.msk [tilespmem:v58+s22+$0x0], $0xffff;
	v49 =	vmul.f32 v59, v56;
	v29 =	vmul.f32 v45, v29;
	v30 =	vadd.f32 v30, v31  }
0x622: {  	v50 =	vor.u32 $0xB, v34;
	v37 =	vld.idx.msk [tilespmem:v58+s20+$0x0], $0xffff  }
0x623: {  	v51 =	vld.idx.msk [tilespmem:v62+s22+$0x0], $0xffff;
	v52 =	vmul.f32 v63, v60;
	v28 =	vmul.f32 v49, v28;
	v29 =	vadd.f32 v29, v30  }
0x624: {  	v35 =	vld.idx.msk [tilespmem:v62+s20+$0x0], $0xffff;
	v53 =	vor.u32 $0xC, v34  }
0x625: {  	v54 =	vld.idx.msk [tilespmem:v46+s22+$0x0], $0xffff;
	v27 =	vmul.f32 v52, v27;
	v55 =	vmul.f32 v47, v44;
	v28 =	vadd.f32 v28, v29  }
0x626: {  	v56 =	vor.u32 $0xD, v34;
	v33 =	vld.idx.msk [tilespmem:v46+s20+$0x0], $0xffff  }
0x627: {  	v57 =	vld.idx.msk [tilespmem:v50+s22+$0x0], $0xffff;
	v58 =	vmul.f32 v37, v48;
	v26 =	vmul.f32 v55, v26;
	v27 =	vadd.f32 v27, v28  }
0x628: {  	v59 =	vor.u32 $0xE, v34;
	v32 =	vld.idx.msk [tilespmem:v50+s20+$0x0], $0xffff  }
0x629: {  	v61 =	vmul.f32 v35, v51;
	v60 =	vld.idx.msk [tilespmem:v53+s22+$0x0], $0xffff;
	v25 =	vmul.f32 v58, v25;
	v26 =	vadd.f32 v26, v27  }
0x62a: {  	v62 =	vor.u32 $0xF, v34;
	v31 =	vld.idx.msk [tilespmem:v53+s20+$0x0], $0xffff  }
0x62b: {  	v63 =	vld.idx.msk [tilespmem:v56+s22+$0x0], $0xffff;
	v24 =	vmul.f32 v61, v24;
	v39 =	vmul.f32 v33, v54;
	v25 =	vadd.f32 v25, v26  }
0x62c: {  	v40 =	vor.u32 $0x10, v34;
	v30 =	vld.idx.msk [tilespmem:v56+s20+$0x0], $0xffff  }
0x62d: {  	v41 =	vld.idx.msk [tilespmem:v59+s22+$0x0], $0xffff;
	v23 =	vmul.f32 v39, v23;
	v42 =	vmul.f32 v32, v57;
	v24 =	vadd.f32 v24, v25  }
0x62e: {  	v43 =	vor.u32 $0x11, v34;
	v29 =	vld.idx.msk [tilespmem:v59+s20+$0x0], $0xffff  }
0x62f: {  	v44 =	vld.idx.msk [tilespmem:v62+s22+$0x0], $0xffff;
	v22 =	vmul.f32 v42, v22;
	v45 =	vmul.f32 v31, v60;
	v23 =	vadd.f32 v23, v24  }
0x630: {  	v46 =	vor.u32 $0x12, v34;
	v28 =	vld.idx.msk [tilespmem:v62+s20+$0x0], $0xffff  }
0x631: {  	v47 =	vld.idx.msk [tilespmem:v40+s22+$0x0], $0xffff;
	v21 =	vmul.f32 v45, v21;
	v48 =	vmul.f32 v30, v63;
	v22 =	vadd.f32 v22, v23  }
0x632: {  	v49 =	vor.u32 $0x13, v34;
	v27 =	vld.idx.msk [tilespmem:v40+s20+$0x0], $0xffff  }
0x633: {  	v50 =	vld.idx.msk [tilespmem:v43+s22+$0x0], $0xffff;
	v20 =	vmul.f32 v48, v20;
	v51 =	vmul.f32 v29, v41;
	v21 =	vadd.f32 v21, v22  }
0x634: {  	v52 =	vor.u32 $0x14, v34;
	v26 =	vld.idx.msk [tilespmem:v43+s20+$0x0], $0xffff  }
0x635: {  	v53 =	vld.idx.msk [tilespmem:v46+s22+$0x0], $0xffff;
	v19 =	vmul.f32 v51, v19;
	v54 =	vmul.f32 v28, v44;
	v20 =	vadd.f32 v20, v21  }
0x636: {  	v55 =	vor.u32 $0x15, v34;
	v25 =	vld.idx.msk [tilespmem:v46+s20+$0x0], $0xffff  }
0x637: {  	v56 =	vld.idx.msk [tilespmem:v49+s22+$0x0], $0xffff;
	v18 =	vmul.f32 v54, v18;
	v57 =	vmul.f32 v27, v47;
	v19 =	vadd.f32 v19, v20  }
0x638: {  	v58 =	vor.u32 $0x16, v34;
	v24 =	vld.idx.msk [tilespmem:v49+s20+$0x0], $0xffff  }
0x639: {  	v59 =	vld.idx.msk [tilespmem:v52+s22+$0x0], $0xffff;
	v17 =	vmul.f32 v57, v17;
	v60 =	vmul.f32 v26, v50;
	v18 =	vadd.f32 v18, v19  }
0x63a: {  	v61 =	vor.u32 $0x17, v34;
	v23 =	vld.idx.msk [tilespmem:v52+s20+$0x0], $0xffff  }
0x63b: {  	v62 =	vld.idx.msk [tilespmem:v55+s22+$0x0], $0xffff;
	v16 =	vmul.f32 v60, v16;
	v63 =	vmul.f32 v25, v53;
	v17 =	vadd.f32 v17, v18  }
0x63c: {  	v29 =	vor.u32 $0x18, v34;
	v22 =	vld.idx.msk [tilespmem:v55+s20+$0x0], $0xffff  }
0x63d: {  	v30 =	vld.idx.msk [tilespmem:v58+s22+$0x0], $0xffff;
	v15 =	vmul.f32 v63, v15;
	v31 =	vmul.f32 v24, v56;
	v16 =	vadd.f32 v16, v17  }
0x63e: {  	v32 =	vor.u32 $0x19, v34;
	v21 =	vld.idx.msk [tilespmem:v58+s20+$0x0], $0xffff  }
0x63f: {  	v33 =	vld.idx.msk [tilespmem:v61+s22+$0x0], $0xffff;
	v14 =	vmul.f32 v31, v14;
	v35 =	vmul.f32 v23, v59;
	v15 =	vadd.f32 v15, v16  }
0x640: {  	v36 =	vor.u32 $0x1A, v34;
	v20 =	vld.idx.msk [tilespmem:v61+s20+$0x0], $0xffff  }
0x641: {  	v37 =	vld.idx.msk [tilespmem:v29+s22+$0x0], $0xffff;
	v13 =	vmul.f32 v35, v13;
	v38 =	vmul.f32 v22, v62;
	v14 =	vadd.f32 v14, v15  }
0x642: {  	v39 =	vor.u32 $0x1B, v34;
	v19 =	vld.idx.msk [tilespmem:v29+s20+$0x0], $0xffff  }
0x643: {  	v40 =	vld.idx.msk [tilespmem:v32+s22+$0x0], $0xffff;
	v12 =	vmul.f32 v38, v12;
	v41 =	vmul.f32 v21, v30;
	v13 =	vadd.f32 v13, v14  }
0x644: {  	v42 =	vor.u32 $0x1C, v34;
	v18 =	vld.idx.msk [tilespmem:v32+s20+$0x0], $0xffff  }
0x645: {  	v43 =	vld.idx.msk [tilespmem:v36+s22+$0x0], $0xffff;
	v11 =	vmul.f32 v41, v11;
	v44 =	vmul.f32 v20, v33;
	v12 =	vadd.f32 v12, v13  }
0x646: {  	v45 =	vor.u32 $0x1D, v34;
	v17 =	vld.idx.msk [tilespmem:v36+s20+$0x0], $0xffff  }
0x647: {  	v46 =	vld.idx.msk [tilespmem:v39+s22+$0x0], $0xffff;
	v10 =	vmul.f32 v44, v10;
	v47 =	vmul.f32 v19, v37;
	v11 =	vadd.f32 v11, v12  }
0x648: {  	v48 =	vor.u32 $0x1E, v34;
	v16 =	vld.idx.msk [tilespmem:v39+s20+$0x0], $0xffff  }
0x649: {  	v49 =	vld.idx.msk [tilespmem:v42+s22+$0x0], $0xffff;
	v9 =	vmul.f32 v47, v9;
	v50 =	vmul.f32 v18, v40;
	v10 =	vadd.f32 v10, v11  }
0x64a: {  	v51 =	vor.u32 $0x1F, v34;
	v15 =	vld.idx.msk [tilespmem:v42+s20+$0x0], $0xffff  }
0x64b: {  	v54 =	vld.idx.msk [tilespmem:v45+s20+$0x0], $0xffff;
	v8 =	vmul.f32 v50, v8;
	v53 =	vmul.f32 v17, v43;
	v9 =	vadd.f32 v9, v10  }
0x64c: {  	v52 =	vld.idx.msk [tilespmem:v45+s22+$0x0], $0xffff  }
0x64d: {  	v57 =	vld.idx.msk [tilespmem:v48+s20+$0x0], $0xffff;
	v7 =	vmul.f32 v53, v7;
	v56 =	vmul.f32 v16, v46;
	v8 =	vadd.f32 v8, v9  }
0x64e: {  	v55 =	vld.idx.msk [tilespmem:v48+s22+$0x0], $0xffff  }
0x64f: {  	v60 =	vld.idx.msk [tilespmem:v51+s20+$0x0], $0xffff;
	v6 =	vmul.f32 v56, v6;
	v59 =	vmul.f32 v15, v49;
	v7 =	vadd.f32 v7, v8  }
0x650: {  	v58 =	vld.idx.msk [tilespmem:v51+s22+$0x0], $0xffff  }
0x651: {  	v61 =	vmul.f32 v54, v52;
	v5 =	vmul.f32 v59, v5;
	v6 =	vadd.f32 v6, v7;
	_ =	sdelay $0x1  }
0x652: {  	v62 =	vmul.f32 v57, v55;
	v4 =	vmul.f32 v61, v4;
	v5 =	vadd.f32 v5, v6;
	_ =	sdelay $0x1  }
0x653: {  	v3 =	vmul.f32 v62, v3;
	v63 =	vmul.f32 v60, v58;
	v4 =	vadd.f32 v4, v5;
	_ =	sdelay $0x1  }
0x654: {  	v2 =	vmul.f32 v63, v2;
	v3 =	vadd.f32 v3, v4;
	_ =	sdelay $0x1  }
0x655: {  	v2 =	vadd.f32 v2, v3;
	_ =	sdelay $0x1  }
0x656: {  	v1 =	vadd.f32 v2, v1;
	_ =	sdelay $0x1  }
0x657: {  	v1 =	vsub.f32 $0.0e+00, v1;
	_ =	sdelay $0x1  }
0x658: {  	v1 =	vmul.f32 $1.442695020e+00, v1;
	_ =	sdelay $0x1  }
0x659: {  	(erf) = vpow2.f32 v1;
	_ =	sdelay $0x8  }
0x65a: {  	v1 =	vpop (erf)  }
0x65b: {  	v1 =	vadd.f32 $1.000000000e+00, v1;
	_ =	sdelay $0x1  }
0x65c: {  	(erf) = vrcp.f32 v1;
	_ =	sdelay $0x8  }
0x65d: {  	v1 =	vpop (erf)  }
0x65e: {  	v1 =	vmul.f32 $5.000000000e+00, v1;
	_ =	sdelay $0x1  }
0x65f: {  	v1 =	vadd.f32 $1.000000000e+00, v1  }
0x660: {  	s24 =	sadd.s32 $0x1, s24;
	s0 =	sadd.s32 $0x10, s25  }
0x661: {  	p0 =	sne.s32 s24, s10;
	[tilespmem:s0+$0x0] =	vst v1  }
0x662: {  	[hbm4b:s9+s2] =	stream.linear.scatter [tilespmem:s23], [sflag:$0x5], $0x200, $0x38;
	[tilespmem:$0x10800] =	vst v63  }
.Ltmp35:
0x663: {  	_ = 	snop;
	(pc) =	sbr.rel @p0 .LBB2_1-.Ltmp35, $4  }
.Ltmp36:
0x664: {  	_ = 	snop;
	(pc) =	sbr.rel @!p0 .LBB2_57-.Ltmp36, $4  }
0x665: {  	_ =	swait.ge [sflag:s11], $0x200  }
0x666: {  	[sflag:s11] =	ssyncset.done $0x0  }
0x667: {  	[sflag:s11] =	ssyncadd.s32 $0xFFFFFE00  }
0x668: {  	_ = 	snop  }
.LBB2_4:
.Ltmp37:
0x669: {  	(pc) =	sbr.rel .LBB2_8-.Ltmp37, $2  }
0x66a: {  	_ =	sdelay $0x2  }
0x66b: {  	s29 =	simm.s32 $0x8500;
	p2 =	por $0x0, $0x0  }
.LBB2_9:
.Ltmp38:
0x66c: {  	(pc) =	sbr.rel .LBB2_13-.Ltmp38, $2  }
0x66d: {  	_ =	sdelay $0x2  }
0x66e: {  	s26 =	simm.s32 $0x4500  }
.LBB2_14:
.Ltmp39:
0x66f: {  	(pc) =	sbr.rel .LBB2_18-.Ltmp39, $2  }
0x670: {  	_ =	sdelay $0x2  }
0x671: {  	s26 =	simm.s32 $0xC500  }
.LBB2_27:
.Ltmp40:
0x672: {  	(pc) =	sbr.rel .LBB2_31-.Ltmp40, $2  }
0x673: {  	_ =	sdelay $0x2  }
0x674: {  	s26 =	simm.s32 $0x8500  }
.LBB2_40:
.Ltmp41:
0x675: {  	(pc) =	sbr.rel .LBB2_44-.Ltmp41, $2  }
0x676: {  	_ =	sdelay $0x2  }
0x677: {  	s26 =	simm.s32 $0xC500  }
.LBB2_6:
.Ltmp42:
0x678: {  	(pc) =	sbr.rel .LBB2_8-.Ltmp42, $2  }
0x679: {  	_ =	sdelay $0x2  }
0x67a: {  	s29 =	simm.s32 $0x8500  }
.LBB2_11:
.Ltmp43:
0x67b: {  	(pc) =	sbr.rel .LBB2_13-.Ltmp43, $2  }
0x67c: {  	_ =	sdelay $0x2  }
0x67d: {  	s26 =	simm.s32 $0x4500  }
.LBB2_16:
.Ltmp44:
0x67e: {  	(pc) =	sbr.rel .LBB2_18-.Ltmp44, $2  }
0x67f: {  	_ =	sdelay $0x2  }
0x680: {  	s26 =	simm.s32 $0xC500  }
.LBB2_29:
.Ltmp45:
0x681: {  	(pc) =	sbr.rel .LBB2_31-.Ltmp45, $2  }
0x682: {  	_ =	sdelay $0x2  }
0x683: {  	s26 =	simm.s32 $0x8500  }
.LBB2_42:
.Ltmp46:
0x684: {  	(pc) =	sbr.rel .LBB2_44-.Ltmp46, $2  }
0x685: {  	_ =	sdelay $0x2  }
0x686: {  	s26 =	simm.s32 $0xC500  }
.LBB2_57:
0x687: {  	_ =	sfence.sel $0x180000  }
0x688: {  	[bflag:$0x0] =	sbarrier.arrive $0xFFFF  }
0x689: {  	_ =	strace $0x90000047  }
0x68a: {  	[bflag:$0x2] =	sbarrier.arrive $0xFFFF  }
0x68b: {  	p0 =	sne.s32 s3, $0x0;
	s0 =	rddreg [dreg:$0x5]  }
0x68c: {  	s0 =	sadd.s32 @!p0 $0x100000, s0  }
0x68d: {  	[sflag:s0] =	ssyncadd.tile.s32 @!p0 $0x1;
	_ =	shalt  }
.Lfunc_end2:
_tile_overlayer_lowered:
.L_overlay_start_2:
0x68e: {  	(tag) =	ssettag $0x2  }
0x68f: {  	s0 =	rddreg [dreg:$0x0];
	s2 =	stileid.u32  }
0x690: {  	s1 =	rddreg [dreg:$0x1];
	p0 =	sne.s32 s2, $0x0  }
0x691: {  	s3 =	rddreg [dreg:$0x2];
	[bflag:$0x3] =	sbarrier.arrive $0xFFFF;
	s2 =	simm.s32 @!p0 $0x1C05  }
0x692: {  	[timem:s3], [sflag:s2] =	dma.local @!p0 [hbm:s0], s1  }
0x693: {  	s0 =	simm.s32 @!p0 $0x5  }
0x694: {  	_ =	swait.ge @!p0 [sflag:s0], s1  }
0x695: {  	s1 =	ssub.s32 @!p0 $0x0, s1;
	[sflag:s0] =	ssyncset.done @!p0 $0x0  }
0x696: {  	[sflag:s0] =	ssyncadd.s32 @!p0 s1  }
0x697: {  	[bflag:$0x3] =	sbarrier.arrive $0xFFFF  }
0x698: {  	_ =	shalt  }

</sc_bundles>
